<compile_context>
chip_gen: v7x
topology: tpu7x:2x2x1
jax: 0.10.2.dev20260603
libtpu: 0.0.44.dev20260713+nightly
codegen_flags: <defaults>
</compile_context>

<pallas_src>
import functools

import jax
import jax.numpy as jnp
from jax import lax
from jax.experimental import pallas as pl
from jax.experimental.pallas import tpu as pltpu
from jax.experimental.pallas import tpu_sc as plsc

_B, _N, _K = 2, 100000, 24
_EPS = 0.0001
_NP = 102400
_NT = _NP // 16
_NB = _NT // 128
_NBLK = _NP // 128
_GP = 25 * 128
_IP = 24 * 128
_RQ = _NT // 4


def _sc_body(gq, aq, nbq, wp, mp, parts, upart, ufin, vfin,
             tbl, gbufs, ibufs, wbuf, obuf, pbuf,
             gsem0, gsem1, isem0, isem1):
    c = lax.axis_index("c")
    s = lax.axis_index("s")
    node0 = s * _NT
    blk0 = s * _NB
    f32 = jnp.float32
    z16 = jnp.zeros((16,), f32)
    gsems = (gsem0, gsem1)
    isems = (isem0, isem1)

    def start_blk(coeff, bi, b):
        pltpu.async_copy(coeff.at[c, blk0 + bi], gbufs.at[b], gsems[b])
        pltpu.async_copy(nbq.at[c, blk0 + bi], ibufs.at[b], isems[b])

    def wait_blk(coeff, bi, b):
        pltpu.make_async_copy(coeff.at[c, blk0 + bi], gbufs.at[b],
                              gsems[b]).wait()
        pltpu.make_async_copy(nbq.at[c, blk0 + bi], ibufs.at[b],
                              isems[b]).wait()

    def pipeline(coeff, process, carry_init):
        start_blk(coeff, 0, 0)

        def body(t, carry):
            bi0 = 2 * t
            start_blk(coeff, bi0 + 1, 1)
            wait_blk(coeff, bi0, 0)
            carry = process(bi0, 0, carry)

            @pl.when(bi0 + 2 < _NB)
            def _():
                start_blk(coeff, bi0 + 2, 0)
            wait_blk(coeff, bi0 + 1, 1)
            carry = process(bi0 + 1, 1, carry)
            return carry
        return lax.fori_loop(0, _NB // 2, body, carry_init)

    pltpu.sync_copy(wp.at[c, pl.ds(node0, _NT)], wbuf)

    def zero_tbl(i, _):
        for l in range(8):
            tbl[pl.ds((i * 8 + l) * 16, 16)] = z16
        return 0
    lax.fori_loop(0, _NP // 128, zero_tbl, 0)

    def scat(bi, b, carry):
        boff = bi * 128
        for l in range(8):
            sl = pl.ds(l * 16, 16)
            wsl = pl.ds(boff + l * 16, 16)
            plsc.addupdate(tbl.at[pl.ds(node0 + boff + l * 16, 16)],
                           wbuf[wsl] * gbufs[b, sl])

        def row(j, _):
            ro = j * 128
            io = ro - 128
            for l in range(8):
                idx = ibufs[b, pl.ds(io + l * 16, 16)]
                val = (wbuf[pl.ds(boff + l * 16, 16)]
                       * gbufs[b, pl.ds(ro + l * 16, 16)])
                plsc.addupdate_scatter(tbl, [idx], val)
            return 0
        lax.fori_loop(1, 25, row, 0)
        return carry
    pipeline(gq, scat, 0)

    pltpu.sync_copy(tbl, upart.at[c, s])
    plsc.subcore_barrier()

    pltpu.sync_copy(upart.at[c, 0, pl.ds(node0, _NT)], obuf)

    def start_part(k, h, b):
        pltpu.async_copy(upart.at[c, k, pl.ds(node0 + h * _RQ, _RQ)],
                         gbufs.at[b, pl.ds(0, _RQ)], gsems[b])

    def wait_part(k, h, b):
        pltpu.make_async_copy(upart.at[c, k, pl.ds(node0 + h * _RQ, _RQ)],
                              gbufs.at[b, pl.ds(0, _RQ)], gsems[b]).wait()

    def red_pair(t, _):
        q0 = 2 * t
        q1 = q0 + 1
        q2 = q0 + 2
        q3 = q0 + 3

        wait_part(q0 // 4 + 1, q0 % 4, 0)

        def add0(i, _):
            for l in range(4):
                g = i * 4 + l
                osl = pl.ds((q0 % 4) * _RQ + g * 16, 16)
                obuf[osl] = obuf[osl] + gbufs[0, pl.ds(g * 16, 16)]
            return 0
        lax.fori_loop(0, _RQ // 64, add0, 0)

        @pl.when(q2 < 60)
        def _():
            start_part(q2 // 4 + 1, q2 % 4, 0)

        wait_part(q1 // 4 + 1, q1 % 4, 1)

        def add1(i, _):
            for l in range(4):
                g = i * 4 + l
                osl = pl.ds((q1 % 4) * _RQ + g * 16, 16)
                obuf[osl] = obuf[osl] + gbufs[1, pl.ds(g * 16, 16)]
            return 0
        lax.fori_loop(0, _RQ // 64, add1, 0)

        @pl.when(q3 < 60)
        def _():
            start_part(q3 // 4 + 1, q3 % 4, 1)
        return 0

    start_part(1, 0, 0)
    start_part(1, 1, 1)
    lax.fori_loop(0, 30, red_pair, 0)
    pltpu.sync_copy(obuf, ufin.at[c, pl.ds(node0, _NT)])
    plsc.subcore_barrier()

    pltpu.sync_copy(ufin.at[c], tbl)

    def gath(bi, b, carry):
        boff = bi * 128
        acc = []
        for l in range(8):
            sl = pl.ds(l * 16, 16)
            wsl = pl.ds(boff + l * 16, 16)
            acc.append(tbl[pl.ds(node0 + boff + l * 16, 16)] * gbufs[b, sl]
                       + _EPS * wbuf[wsl])

        def row(j, acc):
            ro = j * 128
            io = ro - 128
            out = []
            for l in range(8):
                idx = ibufs[b, pl.ds(io + l * 16, 16)]
                g = gbufs[b, pl.ds(ro + l * 16, 16)]
                out.append(acc[l] + plsc.load_gather(tbl, [idx]) * g)
            return tuple(out)
        acc = lax.fori_loop(1, 25, row, tuple(acc))
        for l in range(8):
            obuf[pl.ds(boff + l * 16, 16)] = acc[l]
        return carry
    pipeline(gq, gath, 0)
    pltpu.sync_copy(obuf, vfin.at[c, pl.ds(node0, _NT)])
    plsc.subcore_barrier()

    pltpu.sync_copy(vfin.at[c], tbl)

    def gath_a(bi, b, sabs):
        boff = bi * 128
        acc = []
        for l in range(8):
            sl = pl.ds(l * 16, 16)
            g = gbufs[b, sl]
            acc.append(tbl[pl.ds(node0 + boff + l * 16, 16)] * g)
            sabs = sabs + jnp.abs(g)

        def row(j, carry):
            acc, sa = carry
            ro = j * 128
            io = ro - 128
            out = []
            for l in range(8):
                idx = ibufs[b, pl.ds(io + l * 16, 16)]
                g = gbufs[b, pl.ds(ro + l * 16, 16)]
                out.append(acc[l] + plsc.load_gather(tbl, [idx]) * g)
                sa = sa + jnp.abs(g)
            return (tuple(out), sa)
        acc, sabs = lax.fori_loop(1, 25, row, (tuple(acc), sabs))
        for l in range(8):
            obuf[pl.ds(boff + l * 16, 16)] = acc[l]
        return sabs
    s_abs = pipeline(aq, gath_a, z16)

    pltpu.sync_copy(mp.at[c, pl.ds(node0, _NT // 2)],
                    gbufs.at[0, pl.ds(0, _NT // 2)])
    pltpu.sync_copy(mp.at[c, pl.ds(node0 + _NT // 2, _NT // 2)],
                    gbufs.at[1, pl.ds(0, _NT // 2)])

    def red0(i, carry):
        sy2, syw, sw2, sm = carry
        for l in range(8):
            g = i * 8 + l
            sl = pl.ds(g * 16, 16)
            m = gbufs[0, sl]
            my = m * obuf[sl]
            mw = m * wbuf[sl]
            sy2 = sy2 + my * my
            syw = syw + my * mw
            sw2 = sw2 + mw * mw
            sm = sm + m
        return (sy2, syw, sw2, sm)
    accr = lax.fori_loop(0, _NT // 256, red0, (z16, z16, z16, z16))

    def red1(i, carry):
        sy2, syw, sw2, sm = carry
        for l in range(8):
            g = i * 8 + l
            sl = pl.ds(g * 16, 16)
            osl = pl.ds(_NT // 2 + g * 16, 16)
            m = gbufs[1, sl]
            my = m * obuf[osl]
            mw = m * wbuf[osl]
            sy2 = sy2 + my * my
            syw = syw + my * mw
            sw2 = sw2 + mw * mw
            sm = sm + m
        return (sy2, syw, sw2, sm)
    sy2, syw, sw2, sm = lax.fori_loop(0, _NT // 256, red1, accr)

    pbuf[0, :] = sy2
    pbuf[1, :] = syw
    pbuf[2, :] = sw2
    pbuf[3, :] = sm
    pbuf[4, :] = s_abs
    pltpu.sync_copy(pbuf, parts.at[c, s])


_mesh = plsc.VectorSubcoreMesh(core_axis_name="c", subcore_axis_name="s",
                               num_cores=2, num_subcores=16)

_sc_call = functools.partial(
    pl.kernel,
    out_type=(
        jax.ShapeDtypeStruct((_B, 16, 5, 16), jnp.float32),
        jax.ShapeDtypeStruct((_B, 16, _NP), jnp.float32),
        jax.ShapeDtypeStruct((_B, _NP), jnp.float32),
        jax.ShapeDtypeStruct((_B, _NP), jnp.float32),
    ),
    mesh=_mesh,
    scratch_types=[
        pltpu.VMEM((_NP,), jnp.float32),
        pltpu.VMEM((2, _GP), jnp.float32),
        pltpu.VMEM((2, _IP), jnp.int32),
        pltpu.VMEM((_NT,), jnp.float32),
        pltpu.VMEM((_NT,), jnp.float32),
        pltpu.VMEM((5, 16), jnp.float32),
        pltpu.SemaphoreType.DMA,
        pltpu.SemaphoreType.DMA,
        pltpu.SemaphoreType.DMA,
        pltpu.SemaphoreType.DMA,
    ],
    compiler_params=pltpu.CompilerParams(use_tc_tiling_on_sc=False,
                                         needs_layout_passes=False),
)(_sc_body)


def kernel(G_coeffs, A_diag, A_off, neighbors, valid_mask):
    b, n, _ = G_coeffs.shape
    pad = _NP - n
    wn = jax.random.normal(jax.random.key(42), (b, n), dtype=jnp.float32)
    m = valid_mask[:, :, 0]
    w = wn * m

    def panels(x, width):
        xp = jnp.pad(x, ((0, 0), (0, pad), (0, 0)))
        return xp.reshape(b, _NBLK, 128, width).swapaxes(2, 3).reshape(
            b, _NBLK, width * 128)

    gq = panels(G_coeffs, 25)
    aq = panels(jnp.concatenate([A_diag, A_off], axis=2), 25)
    nbq = panels(neighbors.astype(jnp.int32), 24)
    wp = jnp.pad(w, ((0, 0), (0, pad)))
    mp = jnp.pad(m, ((0, 0), (0, pad)))
    parts, _, _, _ = _sc_call(gq, aq, nbq, wp, mp)
    tot = parts.sum(axis=(0, 1, 3))
    sy2, syw, sw2, sm, sabs = tot[0], tot[1], tot[2], tot[3], tot[4]
    norm_a = sabs / (sm * 25 + 1e-6)
    d = norm_a + 1e-8
    loss = (sy2 / (d * d) - 2.0 * syw / d + sw2) / (sm + 1e-6)
    return loss

# --- scband reference (transcript-rebuilt; emitter-appended) ---
"""Pipeline reference for scband-sailoss-10857677324423 (READ-ONLY COPY).

The authoritative reference and input builder live on the scoring server;
editing this copy changes nothing except your own understanding.
"""

import jax, jax.numpy as jnp
import numpy as np

B, N, K = 2, 100000, 24
EPSILON = 0.0001


def setup_inputs(seed: int = 0) -> dict:
    key = jax.random.key(seed)
    k1, k2, k3, k4 = jax.random.split(key, 4)
    G_coeffs = jax.random.normal(k1, (B, N, 25), dtype=jnp.float32)
    A_diag = jax.random.normal(k2, (B, N, 1), dtype=jnp.float32)
    A_off = jax.random.normal(k3, (B, N, 24), dtype=jnp.float32)
    neighbors = jax.random.randint(k4, (B, N, 24), 0, N)
    valid_mask = jnp.ones((B, N, 1), dtype=jnp.float32)
    return {"G_coeffs": G_coeffs, "A_diag": A_diag, "A_off": A_off,
            "neighbors": neighbors, "valid_mask": valid_mask}


def apply_G(x, coeffs, neighbors, n):
    # Gather (standard SpMV): y_i = G_ii * x_i + sum_j G_ij * x_{nbr(i,j)}
    b = x.shape[0]
    res = x * coeffs[:, :, 0:1]
    safe_nbrs = jnp.where(neighbors >= n, 0, neighbors)
    x_flat = x[:, :, 0]  # [B, N]
    x_nbrs = jnp.take_along_axis(x_flat, safe_nbrs.reshape(b, -1), axis=1).reshape(b, n, K)
    mask = (neighbors < n).astype(x.dtype)
    x_nbrs = x_nbrs * mask
    res = res + (x_nbrs * coeffs[:, :, 1:]).sum(axis=2, keepdims=True)
    return res


def apply_GT(x, coeffs, neighbors, n):
    # Scatter (transpose SpMV): y_{nbr(i,j)} += G_ij * x_i
    b = x.shape[0]
    res = x * coeffs[:, :, 0:1]
    vals = x * coeffs[:, :, 1:]  # [B, N, K]
    mask = neighbors < n
    safe_target = jnp.where(mask, neighbors, 0)
    vals = vals * mask.astype(x.dtype)  # masked contributions add zero
    batch_idx = jnp.arange(b).reshape(b, 1, 1) * n
    flat_target = (safe_target + batch_idx).reshape(-1)
    res_flat = res.reshape(-1)
    res_flat = res_flat.at[flat_target].add(vals.reshape(-1))
    return res_flat.reshape(b, n, 1)


def reference(G_coeffs, A_diag, A_off, neighbors, valid_mask):
    b, n, _ = G_coeffs.shape
    active_count = valid_mask.sum()
    norm_A = (jnp.abs(A_diag).sum() + jnp.abs(A_off).sum()) / (active_count * 25 + 1e-06)
    # single probe vector (num_probe_vectors=1), fixed key for determinism
    wn = jax.random.normal(jax.random.key(42), (b, n, 1), dtype=jnp.float32)
    w = wn * valid_mask
    u = apply_GT(w, G_coeffs, neighbors, n)
    v = apply_G(u, G_coeffs, neighbors, n) + EPSILON * w
    coeffs_A = jnp.concatenate([A_diag, A_off], axis=2)
    y = apply_G(v, coeffs_A, neighbors, n)
    z = y / (norm_A + 1e-08)
    diff = (z - w) * valid_mask
    loss = (diff ** 2).sum() / (valid_mask.sum() + 1e-06)
    return loss

if __name__ == "__main__":
    import jax
    _d = setup_inputs()
    print(jax.jit(kernel)(*tuple(_d.values())))

</pallas_src>

<mosaic_0001>
#map = affine_map<(d0, d1) -> (0, 0, 0)>
#map1 = affine_map<(d0, d1) -> (0, 0)>
#map2 = affine_map<(d0, d1) -> (0, 0, 0, 0)>
module attributes {stable_mosaic.version = 14 : i64} {
  func.func @_sc_body(%arg0: i32, %arg1: i32, %arg2: memref<2x800x3200xf32, #tpu.memory_space<hbm>>, %arg3: memref<2x800x3200xf32, #tpu.memory_space<hbm>>, %arg4: memref<2x800x3072xi32, #tpu.memory_space<hbm>>, %arg5: memref<2x102400xf32, #tpu.memory_space<hbm>>, %arg6: memref<2x102400xf32, #tpu.memory_space<hbm>>, %arg7: memref<2x16x5x16xf32, #tpu.memory_space<hbm>>, %arg8: memref<2x16x102400xf32, #tpu.memory_space<hbm>>, %arg9: memref<2x102400xf32, #tpu.memory_space<hbm>>, %arg10: memref<2x102400xf32, #tpu.memory_space<hbm>>, %arg11: memref<102400xf32, #tpu.memory_space<vmem>>, %arg12: memref<2x3200xf32, #tpu.memory_space<vmem>>, %arg13: memref<2x3072xi32, #tpu.memory_space<vmem>>, %arg14: memref<6400xf32, #tpu.memory_space<vmem>>, %arg15: memref<6400xf32, #tpu.memory_space<vmem>>, %arg16: memref<5x16xf32, #tpu.memory_space<vmem>>, %arg17: memref<!tpu.dma_semaphore, #tpu.memory_space<semaphore_mem>>, %arg18: memref<!tpu.dma_semaphore, #tpu.memory_space<semaphore_mem>>, %arg19: memref<!tpu.dma_semaphore, #tpu.memory_space<semaphore_mem>>, %arg20: memref<!tpu.dma_semaphore, #tpu.memory_space<semaphore_mem>>) attributes {dimension_semantics = [#tpu.dimension_semantics<core_parallel>, #tpu.dimension_semantics<subcore_parallel>], iteration_bounds = array<i64: 2, 16>, scalar_prefetch = 0 : i64, scratch_operands = 10 : i64, tpu.core_type = #tpu.core_type<sc_vector_subcore>, window_params = [{transform_indices = #map}, {transform_indices = #map}, {transform_indices = #map}, {transform_indices = #map1}, {transform_indices = #map1}, {transform_indices = #map2}, {transform_indices = #map}, {transform_indices = #map1}, {transform_indices = #map1}]} {
    %mul3A = arith.constant 6400 : i32
    %mul3A_0 = arith.muli %arg1, %mul3A : i32
    %mul3A_1 = arith.constant 50 : i32
    %mul3A_2 = arith.muli %arg1, %mul3A_1 : i32
    %broadcast_in_dim3A = arith.constant 0.000000e+00 : f32
    %broadcast_in_dim3A_3 = vector.broadcast %broadcast_in_dim3A : f32 to vector<16xf32>
    "tpu.region"() ({
      %run_scoped3A_188 = tpu.sem_alloc : memref<!tpu.dma_semaphore, #tpu.memory_space<semaphore_mem>>
      %dma_start3A_189 = tpu.memref_slice %arg5[%arg0, %mul3A_0] : memref<2x102400xf32, #tpu.memory_space<hbm>> -> memref<1x6400xf32, #tpu.memory_space<hbm>>
      %dma_start3A_190 = tpu.memref_squeeze %dma_start3A_189 : memref<1x6400xf32, #tpu.memory_space<hbm>> -> memref<6400xf32, #tpu.memory_space<hbm>>
      %dma_start3A_191 = tpu.memref_slice %arg5[%arg0, %mul3A_0] : memref<2x102400xf32, #tpu.memory_space<hbm>> -> memref<1x6400xf32, #tpu.memory_space<hbm>>
      %dma_start3A_192 = tpu.memref_squeeze %dma_start3A_191 : memref<1x6400xf32, #tpu.memory_space<hbm>> -> memref<6400xf32, #tpu.memory_space<hbm>>
      tpu.enqueue_dma source(%dma_start3A_192 : memref<6400xf32, #tpu.memory_space<hbm>>) target(%arg14 : memref<6400xf32, #tpu.memory_space<vmem>>) target_semaphore(%run_scoped3A_188 : memref<!tpu.dma_semaphore, #tpu.memory_space<semaphore_mem>>)
      %dma_wait3A = tpu.memref_slice %arg5[%arg0, %mul3A_0] : memref<2x102400xf32, #tpu.memory_space<hbm>> -> memref<1x6400xf32, #tpu.memory_space<hbm>>
      %dma_wait3A_193 = tpu.memref_squeeze %dma_wait3A : memref<1x6400xf32, #tpu.memory_space<hbm>> -> memref<6400xf32, #tpu.memory_space<hbm>>
      %dma_wait3A_194 = tpu.memref_slice %arg5[%arg0, %mul3A_0] : memref<2x102400xf32, #tpu.memory_space<hbm>> -> memref<1x6400xf32, #tpu.memory_space<hbm>>
      %dma_wait3A_195 = tpu.memref_squeeze %dma_wait3A_194 : memref<1x6400xf32, #tpu.memory_space<hbm>> -> memref<6400xf32, #tpu.memory_space<hbm>>
      tpu.wait_dma2 semaphore(%run_scoped3A_188 : memref<!tpu.dma_semaphore, #tpu.memory_space<semaphore_mem>>) src(%dma_wait3A_195 : memref<6400xf32, #tpu.memory_space<hbm>>) dst(%arg14 : memref<6400xf32, #tpu.memory_space<vmem>>)
      tpu.yield
    }) : () -> ()
    %scan3A = arith.constant 0 : i32
    %scan3A_4 = arith.constant 0 : i32
    %scan3A_5 = arith.constant 800 : i32
    %scan3A_6 = arith.addi %scan3A_4, %scan3A_5 : i32
    %scan3A_7 = arith.constant 1 : i32
    %scan3A_8 = scf.for %scan3A_188 = %scan3A_4 to %scan3A_6 step %scan3A_7 iter_args(%scan3A_189 = %scan3A) -> (i32)  : i32 {
      %mul3A_190 = arith.constant 8 : i32
      %mul3A_191 = arith.muli %scan3A_188, %mul3A_190 : i32
      %add3A_192 = arith.constant 0 : i32
      %add3A_193 = arith.addi %mul3A_191, %add3A_192 : i32
      %mul3A_194 = arith.constant 16 : i32
      %mul3A_195 = arith.muli %add3A_193, %mul3A_194 : i32
      %swap3A_196 = arith.index_cast %mul3A_195 : i32 to index
      %swap3A_197 = tpu.vector_load %arg11[%swap3A_196] {strides = array<i32>} : memref<102400xf32, #tpu.memory_space<vmem>>, vector<16xf32>,
      tpu.vector_store %arg11[%swap3A_196], %broadcast_in_dim3A_3 {strides = array<i32>} : memref<102400xf32, #tpu.memory_space<vmem>>, vector<16xf32>,
      %mul3A_198 = arith.constant 8 : i32
      %mul3A_199 = arith.muli %scan3A_188, %mul3A_198 : i32
      %add3A_200 = arith.constant 1 : i32
      %add3A_201 = arith.addi %mul3A_199, %add3A_200 : i32
      %mul3A_202 = arith.constant 16 : i32
      %mul3A_203 = arith.muli %add3A_201, %mul3A_202 : i32
      %swap3A_204 = arith.index_cast %mul3A_203 : i32 to index
      %swap3A_205 = tpu.vector_load %arg11[%swap3A_204] {strides = array<i32>} : memref<102400xf32, #tpu.memory_space<vmem>>, vector<16xf32>,
      tpu.vector_store %arg11[%swap3A_204], %broadcast_in_dim3A_3 {strides = array<i32>} : memref<102400xf32, #tpu.memory_space<vmem>>, vector<16xf32>,
      %mul3A_206 = arith.constant 8 : i32
      %mul3A_207 = arith.muli %scan3A_188, %mul3A_206 : i32
      %add3A_208 = arith.constant 2 : i32
      %add3A_209 = arith.addi %mul3A_207, %add3A_208 : i32
      %mul3A_210 = arith.constant 16 : i32
      %mul3A_211 = arith.muli %add3A_209, %mul3A_210 : i32
      %swap3A_212 = arith.index_cast %mul3A_211 : i32 to index
      %swap3A_213 = tpu.vector_load %arg11[%swap3A_212] {strides = array<i32>} : memref<102400xf32, #tpu.memory_space<vmem>>, vector<16xf32>,
      tpu.vector_store %arg11[%swap3A_212], %broadcast_in_dim3A_3 {strides = array<i32>} : memref<102400xf32, #tpu.memory_space<vmem>>, vector<16xf32>,
      %mul3A_214 = arith.constant 8 : i32
      %mul3A_215 = arith.muli %scan3A_188, %mul3A_214 : i32
      %add3A_216 = arith.constant 3 : i32
      %add3A_217 = arith.addi %mul3A_215, %add3A_216 : i32
      %mul3A_218 = arith.constant 16 : i32
      %mul3A_219 = arith.muli %add3A_217, %mul3A_218 : i32
      %swap3A_220 = arith.index_cast %mul3A_219 : i32 to index
      %swap3A_221 = tpu.vector_load %arg11[%swap3A_220] {strides = array<i32>} : memref<102400xf32, #tpu.memory_space<vmem>>, vector<16xf32>,
      tpu.vector_store %arg11[%swap3A_220], %broadcast_in_dim3A_3 {strides = array<i32>} : memref<102400xf32, #tpu.memory_space<vmem>>, vector<16xf32>,
      %mul3A_222 = arith.constant 8 : i32
      %mul3A_223 = arith.muli %scan3A_188, %mul3A_222 : i32
      %add3A_224 = arith.constant 4 : i32
      %add3A_225 = arith.addi %mul3A_223, %add3A_224 : i32
      %mul3A_226 = arith.constant 16 : i32
      %mul3A_227 = arith.muli %add3A_225, %mul3A_226 : i32
      %swap3A_228 = arith.index_cast %mul3A_227 : i32 to index
      %swap3A_229 = tpu.vector_load %arg11[%swap3A_228] {strides = array<i32>} : memref<102400xf32, #tpu.memory_space<vmem>>, vector<16xf32>,
      tpu.vector_store %arg11[%swap3A_228], %broadcast_in_dim3A_3 {strides = array<i32>} : memref<102400xf32, #tpu.memory_space<vmem>>, vector<16xf32>,
      %mul3A_230 = arith.constant 8 : i32
      %mul3A_231 = arith.muli %scan3A_188, %mul3A_230 : i32
      %add3A_232 = arith.constant 5 : i32
      %add3A_233 = arith.addi %mul3A_231, %add3A_232 : i32
      %mul3A_234 = arith.constant 16 : i32
      %mul3A_235 = arith.muli %add3A_233, %mul3A_234 : i32
      %swap3A_236 = arith.index_cast %mul3A_235 : i32 to index
      %swap3A_237 = tpu.vector_load %arg11[%swap3A_236] {strides = array<i32>} : memref<102400xf32, #tpu.memory_space<vmem>>, vector<16xf32>,
      tpu.vector_store %arg11[%swap3A_236], %broadcast_in_dim3A_3 {strides = array<i32>} : memref<102400xf32, #tpu.memory_space<vmem>>, vector<16xf32>,
      %mul3A_238 = arith.constant 8 : i32
      %mul3A_239 = arith.muli %scan3A_188, %mul3A_238 : i32
      %add3A_240 = arith.constant 6 : i32
      %add3A_241 = arith.addi %mul3A_239, %add3A_240 : i32
      %mul3A_242 = arith.constant 16 : i32
      %mul3A_243 = arith.muli %add3A_241, %mul3A_242 : i32
      %swap3A_244 = arith.index_cast %mul3A_243 : i32 to index
      %swap3A_245 = tpu.vector_load %arg11[%swap3A_244] {strides = array<i32>} : memref<102400xf32, #tpu.memory_space<vmem>>, vector<16xf32>,
      tpu.vector_store %arg11[%swap3A_244], %broadcast_in_dim3A_3 {strides = array<i32>} : memref<102400xf32, #tpu.memory_space<vmem>>, vector<16xf32>,
      %mul3A_246 = arith.constant 8 : i32
      %mul3A_247 = arith.muli %scan3A_188, %mul3A_246 : i32
      %add3A_248 = arith.constant 7 : i32
      %add3A_249 = arith.addi %mul3A_247, %add3A_248 : i32
      %mul3A_250 = arith.constant 16 : i32
      %mul3A_251 = arith.muli %add3A_249, %mul3A_250 : i32
      %swap3A_252 = arith.index_cast %mul3A_251 : i32 to index
      %swap3A_253 = tpu.vector_load %arg11[%swap3A_252] {strides = array<i32>} : memref<102400xf32, #tpu.memory_space<vmem>>, vector<16xf32>,
      tpu.vector_store %arg11[%swap3A_252], %broadcast_in_dim3A_3 {strides = array<i32>} : memref<102400xf32, #tpu.memory_space<vmem>>, vector<16xf32>,
      %scan3A_254 = arith.constant 0 : i32
      scf.yield %scan3A_254 : i32
    }
    %scan3A_9 = arith.constant 800 : i32
    %add3A = arith.constant 0 : i32
    %add3A_10 = arith.addi %mul3A_2, %add3A : i32
    %dma_start3A = arith.constant 0 : i32
    %dma_start3A_11 = arith.constant 0 : i32
    %dma_start3A_12 = tpu.memref_slice %arg12[%dma_start3A, %dma_start3A_11] : memref<2x3200xf32, #tpu.memory_space<vmem>> -> memref<1x3200xf32, #tpu.memory_space<vmem>>
    %dma_start3A_13 = tpu.memref_squeeze %dma_start3A_12 : memref<1x3200xf32, #tpu.memory_space<vmem>> -> memref<3200xf32, #tpu.memory_space<vmem>>
    %dma_start3A_14 = arith.constant 0 : i32
    %dma_start3A_15 = tpu.memref_slice %arg2[%arg0, %add3A_10, %dma_start3A_14] : memref<2x800x3200xf32, #tpu.memory_space<hbm>> -> memref<1x1x3200xf32, #tpu.memory_space<hbm>>
    %dma_start3A_16 = tpu.memref_squeeze %dma_start3A_15 : memref<1x1x3200xf32, #tpu.memory_space<hbm>> -> memref<3200xf32, #tpu.memory_space<hbm>>
    %dma_start3A_17 = arith.constant 0 : i32
    %dma_start3A_18 = tpu.memref_slice %arg12[%dma_start3A, %dma_start3A_17] : memref<2x3200xf32, #tpu.memory_space<vmem>> -> memref<1x3200xf32, #tpu.memory_space<vmem>>
    %dma_start3A_19 = tpu.memref_squeeze %dma_start3A_18 : memref<1x3200xf32, #tpu.memory_space<vmem>> -> memref<3200xf32, #tpu.memory_space<vmem>>
    %dma_start3A_20 = arith.constant 0 : i32
    %dma_start3A_21 = tpu.memref_slice %arg2[%arg0, %add3A_10, %dma_start3A_20] : memref<2x800x3200xf32, #tpu.memory_space<hbm>> -> memref<1x1x3200xf32, #tpu.memory_space<hbm>>
    %dma_start3A_22 = tpu.memref_squeeze %dma_start3A_21 : memref<1x1x3200xf32, #tpu.memory_space<hbm>> -> memref<3200xf32, #tpu.memory_space<hbm>>
    tpu.enqueue_dma source(%dma_start3A_22 : memref<3200xf32, #tpu.memory_space<hbm>>) target(%dma_start3A_19 : memref<3200xf32, #tpu.memory_space<vmem>>) target_semaphore(%arg17 : memref<!tpu.dma_semaphore, #tpu.memory_space<semaphore_mem>>)
    %add3A_23 = arith.constant 0 : i32
    %add3A_24 = arith.addi %mul3A_2, %add3A_23 : i32
    %dma_start3A_25 = arith.constant 0 : i32
    %dma_start3A_26 = arith.constant 0 : i32
    %dma_start3A_27 = tpu.memref_slice %arg13[%dma_start3A_25, %dma_start3A_26] : memref<2x3072xi32, #tpu.memory_space<vmem>> -> memref<1x3072xi32, #tpu.memory_space<vmem>>
    %dma_start3A_28 = tpu.memref_squeeze %dma_start3A_27 : memref<1x3072xi32, #tpu.memory_space<vmem>> -> memref<3072xi32, #tpu.memory_space<vmem>>
    %dma_start3A_29 = arith.constant 0 : i32
    %dma_start3A_30 = tpu.memref_slice %arg4[%arg0, %add3A_24, %dma_start3A_29] : memref<2x800x3072xi32, #tpu.memory_space<hbm>> -> memref<1x1x3072xi32, #tpu.memory_space<hbm>>
    %dma_start3A_31 = tpu.memref_squeeze %dma_start3A_30 : memref<1x1x3072xi32, #tpu.memory_space<hbm>> -> memref<3072xi32, #tpu.memory_space<hbm>>
    %dma_start3A_32 = arith.constant 0 : i32
    %dma_start3A_33 = tpu.memref_slice %arg13[%dma_start3A_25, %dma_start3A_32] : memref<2x3072xi32, #tpu.memory_space<vmem>> -> memref<1x3072xi32, #tpu.memory_space<vmem>>
    %dma_start3A_34 = tpu.memref_squeeze %dma_start3A_33 : memref<1x3072xi32, #tpu.memory_space<vmem>> -> memref<3072xi32, #tpu.memory_space<vmem>>
    %dma_start3A_35 = arith.constant 0 : i32
    %dma_start3A_36 = tpu.memref_slice %arg4[%arg0, %add3A_24, %dma_start3A_35] : memref<2x800x3072xi32, #tpu.memory_space<hbm>> -> memref<1x1x3072xi32, #tpu.memory_space<hbm>>
    %dma_start3A_37 = tpu.memref_squeeze %dma_start3A_36 : memref<1x1x3072xi32, #tpu.memory_space<hbm>> -> memref<3072xi32, #tpu.memory_space<hbm>>
    tpu.enqueue_dma source(%dma_start3A_37 : memref<3072xi32, #tpu.memory_space<hbm>>) target(%dma_start3A_34 : memref<3072xi32, #tpu.memory_space<vmem>>) target_semaphore(%arg19 : memref<!tpu.dma_semaphore, #tpu.memory_space<semaphore_mem>>)
    %scan3A_38 = arith.constant 0 : i32
    %scan3A_39 = arith.constant 0 : i32
    %scan3A_40 = arith.constant 25 : i32
    %scan3A_41 = arith.addi %scan3A_39, %scan3A_40 : i32
    %scan3A_42 = arith.constant 1 : i32
    scf.for %scan3A_188 = %scan3A_39 to %scan3A_41 step %scan3A_42  : i32 {
      %mul3A_189 = arith.constant 2 : i32
      %mul3A_190 = arith.muli %mul3A_189, %scan3A_188 : i32
      %add3A_191 = arith.constant 1 : i32
      %add3A_192 = arith.addi %mul3A_190, %add3A_191 : i32
      %add3A_193 = arith.addi %mul3A_2, %add3A_192 : i32
      %dma_start3A_194 = arith.constant 1 : i32
      %dma_start3A_195 = arith.constant 0 : i32
      %dma_start3A_196 = tpu.memref_slice %arg12[%dma_start3A_194, %dma_start3A_195] : memref<2x3200xf32, #tpu.memory_space<vmem>> -> memref<1x3200xf32, #tpu.memory_space<vmem>>
      %dma_start3A_197 = tpu.memref_squeeze %dma_start3A_196 : memref<1x3200xf32, #tpu.memory_space<vmem>> -> memref<3200xf32, #tpu.memory_space<vmem>>
      %dma_start3A_198 = arith.constant 0 : i32
      %dma_start3A_199 = tpu.memref_slice %arg2[%arg0, %add3A_193, %dma_start3A_198] : memref<2x800x3200xf32, #tpu.memory_space<hbm>> -> memref<1x1x3200xf32, #tpu.memory_space<hbm>>
      %dma_start3A_200 = tpu.memref_squeeze %dma_start3A_199 : memref<1x1x3200xf32, #tpu.memory_space<hbm>> -> memref<3200xf32, #tpu.memory_space<hbm>>
      %dma_start3A_201 = arith.constant 0 : i32
      %dma_start3A_202 = tpu.memref_slice %arg12[%dma_start3A_194, %dma_start3A_201] : memref<2x3200xf32, #tpu.memory_space<vmem>> -> memref<1x3200xf32, #tpu.memory_space<vmem>>
      %dma_start3A_203 = tpu.memref_squeeze %dma_start3A_202 : memref<1x3200xf32, #tpu.memory_space<vmem>> -> memref<3200xf32, #tpu.memory_space<vmem>>
      %dma_start3A_204 = arith.constant 0 : i32
      %dma_start3A_205 = tpu.memref_slice %arg2[%arg0, %add3A_193, %dma_start3A_204] : memref<2x800x3200xf32, #tpu.memory_space<hbm>> -> memref<1x1x3200xf32, #tpu.memory_space<hbm>>
      %dma_start3A_206 = tpu.memref_squeeze %dma_start3A_205 : memref<1x1x3200xf32, #tpu.memory_space<hbm>> -> memref<3200xf32, #tpu.memory_space<hbm>>
      tpu.enqueue_dma source(%dma_start3A_206 : memref<3200xf32, #tpu.memory_space<hbm>>) target(%dma_start3A_203 : memref<3200xf32, #tpu.memory_space<vmem>>) target_semaphore(%arg18 : memref<!tpu.dma_semaphore, #tpu.memory_space<semaphore_mem>>)
      %add3A_207 = arith.addi %mul3A_2, %add3A_192 : i32
      %dma_start3A_208 = arith.constant 1 : i32
      %dma_start3A_209 = arith.constant 0 : i32
      %dma_start3A_210 = tpu.memref_slice %arg13[%dma_start3A_208, %dma_start3A_209] : memref<2x3072xi32, #tpu.memory_space<vmem>> -> memref<1x3072xi32, #tpu.memory_space<vmem>>
      %dma_start3A_211 = tpu.memref_squeeze %dma_start3A_210 : memref<1x3072xi32, #tpu.memory_space<vmem>> -> memref<3072xi32, #tpu.memory_space<vmem>>
      %dma_start3A_212 = arith.constant 0 : i32
      %dma_start3A_213 = tpu.memref_slice %arg4[%arg0, %add3A_207, %dma_start3A_212] : memref<2x800x3072xi32, #tpu.memory_space<hbm>> -> memref<1x1x3072xi32, #tpu.memory_space<hbm>>
      %dma_start3A_214 = tpu.memref_squeeze %dma_start3A_213 : memref<1x1x3072xi32, #tpu.memory_space<hbm>> -> memref<3072xi32, #tpu.memory_space<hbm>>
      %dma_start3A_215 = arith.constant 0 : i32
      %dma_start3A_216 = tpu.memref_slice %arg13[%dma_start3A_208, %dma_start3A_215] : memref<2x3072xi32, #tpu.memory_space<vmem>> -> memref<1x3072xi32, #tpu.memory_space<vmem>>
      %dma_start3A_217 = tpu.memref_squeeze %dma_start3A_216 : memref<1x3072xi32, #tpu.memory_space<vmem>> -> memref<3072xi32, #tpu.memory_space<vmem>>
      %dma_start3A_218 = arith.constant 0 : i32
      %dma_start3A_219 = tpu.memref_slice %arg4[%arg0, %add3A_207, %dma_start3A_218] : memref<2x800x3072xi32, #tpu.memory_space<hbm>> -> memref<1x1x3072xi32, #tpu.memory_space<hbm>>
      %dma_start3A_220 = tpu.memref_squeeze %dma_start3A_219 : memref<1x1x3072xi32, #tpu.memory_space<hbm>> -> memref<3072xi32, #tpu.memory_space<hbm>>
      tpu.enqueue_dma source(%dma_start3A_220 : memref<3072xi32, #tpu.memory_space<hbm>>) target(%dma_start3A_217 : memref<3072xi32, #tpu.memory_space<vmem>>) target_semaphore(%arg20 : memref<!tpu.dma_semaphore, #tpu.memory_space<semaphore_mem>>)
      %add3A_221 = arith.addi %mul3A_2, %mul3A_190 : i32
      %dma_wait3A = arith.constant 0 : i32
      %dma_wait3A_222 = arith.constant 0 : i32
      %dma_wait3A_223 = tpu.memref_slice %arg12[%dma_wait3A, %dma_wait3A_222] : memref<2x3200xf32, #tpu.memory_space<vmem>> -> memref<1x3200xf32, #tpu.memory_space<vmem>>
      %dma_wait3A_224 = tpu.memref_squeeze %dma_wait3A_223 : memref<1x3200xf32, #tpu.memory_space<vmem>> -> memref<3200xf32, #tpu.memory_space<vmem>>
      %dma_wait3A_225 = arith.constant 0 : i32
      %dma_wait3A_226 = tpu.memref_slice %arg2[%arg0, %add3A_221, %dma_wait3A_225] : memref<2x800x3200xf32, #tpu.memory_space<hbm>> -> memref<1x1x3200xf32, #tpu.memory_space<hbm>>
      %dma_wait3A_227 = tpu.memref_squeeze %dma_wait3A_226 : memref<1x1x3200xf32, #tpu.memory_space<hbm>> -> memref<3200xf32, #tpu.memory_space<hbm>>
      %dma_wait3A_228 = arith.constant 0 : i32
      %dma_wait3A_229 = tpu.memref_slice %arg12[%dma_wait3A, %dma_wait3A_228] : memref<2x3200xf32, #tpu.memory_space<vmem>> -> memref<1x3200xf32, #tpu.memory_space<vmem>>
      %dma_wait3A_230 = tpu.memref_squeeze %dma_wait3A_229 : memref<1x3200xf32, #tpu.memory_space<vmem>> -> memref<3200xf32, #tpu.memory_space<vmem>>
      %dma_wait3A_231 = arith.constant 0 : i32
      %dma_wait3A_232 = tpu.memref_slice %arg2[%arg0, %add3A_221, %dma_wait3A_231] : memref<2x800x3200xf32, #tpu.memory_space<hbm>> -> memref<1x1x3200xf32, #tpu.memory_space<hbm>>
      %dma_wait3A_233 = tpu.memref_squeeze %dma_wait3A_232 : memref<1x1x3200xf32, #tpu.memory_space<hbm>> -> memref<3200xf32, #tpu.memory_space<hbm>>
      tpu.wait_dma2 semaphore(%arg17 : memref<!tpu.dma_semaphore, #tpu.memory_space<semaphore_mem>>) src(%dma_wait3A_233 : memref<3200xf32, #tpu.memory_space<hbm>>) dst(%dma_wait3A_230 : memref<3200xf32, #tpu.memory_space<vmem>>)
      %add3A_234 = arith.addi %mul3A_2, %mul3A_190 : i32
      %dma_wait3A_235 = arith.constant 0 : i32
      %dma_wait3A_236 = arith.constant 0 : i32
      %dma_wait3A_237 = tpu.memref_slice %arg13[%dma_wait3A_235, %dma_wait3A_236] : memref<2x3072xi32, #tpu.memory_space<vmem>> -> memref<1x3072xi32, #tpu.memory_space<vmem>>
      %dma_wait3A_238 = tpu.memref_squeeze %dma_wait3A_237 : memref<1x3072xi32, #tpu.memory_space<vmem>> -> memref<3072xi32, #tpu.memory_space<vmem>>
      %dma_wait3A_239 = arith.constant 0 : i32
      %dma_wait3A_240 = tpu.memref_slice %arg4[%arg0, %add3A_234, %dma_wait3A_239] : memref<2x800x3072xi32, #tpu.memory_space<hbm>> -> memref<1x1x3072xi32, #tpu.memory_space<hbm>>
      %dma_wait3A_241 = tpu.memref_squeeze %dma_wait3A_240 : memref<1x1x3072xi32, #tpu.memory_space<hbm>> -> memref<3072xi32, #tpu.memory_space<hbm>>
      %dma_wait3A_242 = arith.constant 0 : i32
      %dma_wait3A_243 = tpu.memref_slice %arg13[%dma_wait3A_235, %dma_wait3A_242] : memref<2x3072xi32, #tpu.memory_space<vmem>> -> memref<1x3072xi32, #tpu.memory_space<vmem>>
      %dma_wait3A_244 = tpu.memref_squeeze %dma_wait3A_243 : memref<1x3072xi32, #tpu.memory_space<vmem>> -> memref<3072xi32, #tpu.memory_space<vmem>>
      %dma_wait3A_245 = arith.constant 0 : i32
      %dma_wait3A_246 = tpu.memref_slice %arg4[%arg0, %add3A_234, %dma_wait3A_245] : memref<2x800x3072xi32, #tpu.memory_space<hbm>> -> memref<1x1x3072xi32, #tpu.memory_space<hbm>>
      %dma_wait3A_247 = tpu.memref_squeeze %dma_wait3A_246 : memref<1x1x3072xi32, #tpu.memory_space<hbm>> -> memref<3072xi32, #tpu.memory_space<hbm>>
      tpu.wait_dma2 semaphore(%arg19 : memref<!tpu.dma_semaphore, #tpu.memory_space<semaphore_mem>>) src(%dma_wait3A_247 : memref<3072xi32, #tpu.memory_space<hbm>>) dst(%dma_wait3A_244 : memref<3072xi32, #tpu.memory_space<vmem>>)
      %mul3A_248 = arith.constant 128 : i32
      %mul3A_249 = arith.muli %mul3A_190, %mul3A_248 : i32
      %add3A_250 = arith.constant 0 : i32
      %add3A_251 = arith.addi %mul3A_249, %add3A_250 : i32
      %add3A_252 = arith.addi %mul3A_0, %mul3A_249 : i32
      %add3A_253 = arith.constant 0 : i32
      %add3A_254 = arith.addi %add3A_252, %add3A_253 : i32
      %get3A = arith.index_cast %add3A_251 : i32 to index
      %get3A_255 = tpu.vector_load %arg14[%get3A] {strides = array<i32>} : memref<6400xf32, #tpu.memory_space<vmem>>, vector<16xf32>,
      %get3A_256 = arith.constant 0 : i32
      %get3A_257 = arith.index_cast %get3A_256 : i32 to index
      %get3A_258 = arith.constant 0 : index
      %get3A_259 = tpu.vector_load %arg12[%get3A_257, %get3A_258] {strides = array<i32>} : memref<2x3200xf32, #tpu.memory_space<vmem>>, vector<16xf32>,
      %mul3A_260 = arith.mulf %get3A_255, %get3A_259 : vector<16xf32>
      %swap3A_261 = arith.index_cast %add3A_254 : i32 to index
      %swap3A_262 = tpu.vector_load %arg11[%swap3A_261] {strides = array<i32>} : memref<102400xf32, #tpu.memory_space<vmem>>, vector<16xf32>,
      tpu.vector_store %arg11[%swap3A_261], %mul3A_260 {add = true, strides = array<i32>} : memref<102400xf32, #tpu.memory_space<vmem>>, vector<16xf32>,
      %add3A_263 = arith.constant 16 : i32
      %add3A_264 = arith.addi %mul3A_249, %add3A_263 : i32
      %add3A_265 = arith.addi %mul3A_0, %mul3A_249 : i32
      %add3A_266 = arith.constant 16 : i32
      %add3A_267 = arith.addi %add3A_265, %add3A_266 : i32
      %get3A_268 = arith.index_cast %add3A_264 : i32 to index
      %get3A_269 = tpu.vector_load %arg14[%get3A_268] {strides = array<i32>} : memref<6400xf32, #tpu.memory_space<vmem>>, vector<16xf32>,
      %get3A_270 = arith.constant 0 : i32
      %get3A_271 = arith.index_cast %get3A_270 : i32 to index
      %get3A_272 = arith.constant 16 : index
      %get3A_273 = tpu.vector_load %arg12[%get3A_271, %get3A_272] {strides = array<i32>} : memref<2x3200xf32, #tpu.memory_space<vmem>>, vector<16xf32>,
      %mul3A_274 = arith.mulf %get3A_269, %get3A_273 : vector<16xf32>
      %swap3A_275 = arith.index_cast %add3A_267 : i32 to index
      %swap3A_276 = tpu.vector_load %arg11[%swap3A_275] {strides = array<i32>} : memref<102400xf32, #tpu.memory_space<vmem>>, vector<16xf32>,
      tpu.vector_store %arg11[%swap3A_275], %mul3A_274 {add = true, strides = array<i32>} : memref<102400xf32, #tpu.memory_space<vmem>>, vector<16xf32>,
      %add3A_277 = arith.constant 32 : i32
      %add3A_278 = arith.addi %mul3A_249, %add3A_277 : i32
      %add3A_279 = arith.addi %mul3A_0, %mul3A_249 : i32
      %add3A_280 = arith.constant 32 : i32
      %add3A_281 = arith.addi %add3A_279, %add3A_280 : i32
      %get3A_282 = arith.index_cast %add3A_278 : i32 to index
      %get3A_283 = tpu.vector_load %arg14[%get3A_282] {strides = array<i32>} : memref<6400xf32, #tpu.memory_space<vmem>>, vector<16xf32>,
      %get3A_284 = arith.constant 0 : i32
      %get3A_285 = arith.index_cast %get3A_284 : i32 to index
      %get3A_286 = arith.constant 32 : index
      %get3A_287 = tpu.vector_load %arg12[%get3A_285, %get3A_286] {strides = array<i32>} : memref<2x3200xf32, #tpu.memory_space<vmem>>, vector<16xf32>,
      %mul3A_288 = arith.mulf %get3A_283, %get3A_287 : vector<16xf32>
      %swap3A_289 = arith.index_cast %add3A_281 : i32 to index
      %swap3A_290 = tpu.vector_load %arg11[%swap3A_289] {strides = array<i32>} : memref<102400xf32, #tpu.memory_space<vmem>>, vector<16xf32>,
      tpu.vector_store %arg11[%swap3A_289], %mul3A_288 {add = true, strides = array<i32>} : memref<102400xf32, #tpu.memory_space<vmem>>, vector<16xf32>,
      %add3A_291 = arith.constant 48 : i32
      %add3A_292 = arith.addi %mul3A_249, %add3A_291 : i32
      %add3A_293 = arith.addi %mul3A_0, %mul3A_249 : i32
      %add3A_294 = arith.constant 48 : i32
      %add3A_295 = arith.addi %add3A_293, %add3A_294 : i32
      %get3A_296 = arith.index_cast %add3A_292 : i32 to index
      %get3A_297 = tpu.vector_load %arg14[%get3A_296] {strides = array<i32>} : memref<6400xf32, #tpu.memory_space<vmem>>, vector<16xf32>,
      %get3A_298 = arith.constant 0 : i32
      %get3A_299 = arith.index_cast %get3A_298 : i32 to index
      %get3A_300 = arith.constant 48 : index
      %get3A_301 = tpu.vector_load %arg12[%get3A_299, %get3A_300] {strides = array<i32>} : memref<2x3200xf32, #tpu.memory_space<vmem>>, vector<16xf32>,
      %mul3A_302 = arith.mulf %get3A_297, %get3A_301 : vector<16xf32>
      %swap3A_303 = arith.index_cast %add3A_295 : i32 to index
      %swap3A_304 = tpu.vector_load %arg11[%swap3A_303] {strides = array<i32>} : memref<102400xf32, #tpu.memory_space<vmem>>, vector<16xf32>,
      tpu.vector_store %arg11[%swap3A_303], %mul3A_302 {add = true, strides = array<i32>} : memref<102400xf32, #tpu.memory_space<vmem>>, vector<16xf32>,
      %add3A_305 = arith.constant 64 : i32
      %add3A_306 = arith.addi %mul3A_249, %add3A_305 : i32
      %add3A_307 = arith.addi %mul3A_0, %mul3A_249 : i32
      %add3A_308 = arith.constant 64 : i32
      %add3A_309 = arith.addi %add3A_307, %add3A_308 : i32
      %get3A_310 = arith.index_cast %add3A_306 : i32 to index
      %get3A_311 = tpu.vector_load %arg14[%get3A_310] {strides = array<i32>} : memref<6400xf32, #tpu.memory_space<vmem>>, vector<16xf32>,
      %get3A_312 = arith.constant 0 : i32
      %get3A_313 = arith.index_cast %get3A_312 : i32 to index
      %get3A_314 = arith.constant 64 : index
      %get3A_315 = tpu.vector_load %arg12[%get3A_313, %get3A_314] {strides = array<i32>} : memref<2x3200xf32, #tpu.memory_space<vmem>>, vector<16xf32>,
      %mul3A_316 = arith.mulf %get3A_311, %get3A_315 : vector<16xf32>
      %swap3A_317 = arith.index_cast %add3A_309 : i32 to index
      %swap3A_318 = tpu.vector_load %arg11[%swap3A_317] {strides = array<i32>} : memref<102400xf32, #tpu.memory_space<vmem>>, vector<16xf32>,
      tpu.vector_store %arg11[%swap3A_317], %mul3A_316 {add = true, strides = array<i32>} : memref<102400xf32, #tpu.memory_space<vmem>>, vector<16xf32>,
      %add3A_319 = arith.constant 80 : i32
      %add3A_320 = arith.addi %mul3A_249, %add3A_319 : i32
      %add3A_321 = arith.addi %mul3A_0, %mul3A_249 : i32
      %add3A_322 = arith.constant 80 : i32
      %add3A_323 = arith.addi %add3A_321, %add3A_322 : i32
      %get3A_324 = arith.index_cast %add3A_320 : i32 to index
      %get3A_325 = tpu.vector_load %arg14[%get3A_324] {strides = array<i32>} : memref<6400xf32, #tpu.memory_space<vmem>>, vector<16xf32>,
      %get3A_326 = arith.constant 0 : i32
      %get3A_327 = arith.index_cast %get3A_326 : i32 to index
      %get3A_328 = arith.constant 80 : index
      %get3A_329 = tpu.vector_load %arg12[%get3A_327, %get3A_328] {strides = array<i32>} : memref<2x3200xf32, #tpu.memory_space<vmem>>, vector<16xf32>,
      %mul3A_330 = arith.mulf %get3A_325, %get3A_329 : vector<16xf32>
      %swap3A_331 = arith.index_cast %add3A_323 : i32 to index
      %swap3A_332 = tpu.vector_load %arg11[%swap3A_331] {strides = array<i32>} : memref<102400xf32, #tpu.memory_space<vmem>>, vector<16xf32>,
      tpu.vector_store %arg11[%swap3A_331], %mul3A_330 {add = true, strides = array<i32>} : memref<102400xf32, #tpu.memory_space<vmem>>, vector<16xf32>,
      %add3A_333 = arith.constant 96 : i32
      %add3A_334 = arith.addi %mul3A_249, %add3A_333 : i32
      %add3A_335 = arith.addi %mul3A_0, %mul3A_249 : i32
      %add3A_336 = arith.constant 96 : i32
      %add3A_337 = arith.addi %add3A_335, %add3A_336 : i32
      %get3A_338 = arith.index_cast %add3A_334 : i32 to index
      %get3A_339 = tpu.vector_load %arg14[%get3A_338] {strides = array<i32>} : memref<6400xf32, #tpu.memory_space<vmem>>, vector<16xf32>,
      %get3A_340 = arith.constant 0 : i32
      %get3A_341 = arith.index_cast %get3A_340 : i32 to index
      %get3A_342 = arith.constant 96 : index
      %get3A_343 = tpu.vector_load %arg12[%get3A_341, %get3A_342] {strides = array<i32>} : memref<2x3200xf32, #tpu.memory_space<vmem>>, vector<16xf32>,
      %mul3A_344 = arith.mulf %get3A_339, %get3A_343 : vector<16xf32>
      %swap3A_345 = arith.index_cast %add3A_337 : i32 to index
      %swap3A_346 = tpu.vector_load %arg11[%swap3A_345] {strides = array<i32>} : memref<102400xf32, #tpu.memory_space<vmem>>, vector<16xf32>,
      tpu.vector_store %arg11[%swap3A_345], %mul3A_344 {add = true, strides = array<i32>} : memref<102400xf32, #tpu.memory_space<vmem>>, vector<16xf32>,
      %add3A_347 = arith.constant 112 : i32
      %add3A_348 = arith.addi %mul3A_249, %add3A_347 : i32
      %add3A_349 = arith.addi %mul3A_0, %mul3A_249 : i32
      %add3A_350 = arith.constant 112 : i32
      %add3A_351 = arith.addi %add3A_349, %add3A_350 : i32
      %get3A_352 = arith.index_cast %add3A_348 : i32 to index
      %get3A_353 = tpu.vector_load %arg14[%get3A_352] {strides = array<i32>} : memref<6400xf32, #tpu.memory_space<vmem>>, vector<16xf32>,
      %get3A_354 = arith.constant 0 : i32
      %get3A_355 = arith.index_cast %get3A_354 : i32 to index
      %get3A_356 = arith.constant 112 : index
      %get3A_357 = tpu.vector_load %arg12[%get3A_355, %get3A_356] {strides = array<i32>} : memref<2x3200xf32, #tpu.memory_space<vmem>>, vector<16xf32>,
      %mul3A_358 = arith.mulf %get3A_353, %get3A_357 : vector<16xf32>
      %swap3A_359 = arith.index_cast %add3A_351 : i32 to index
      %swap3A_360 = tpu.vector_load %arg11[%swap3A_359] {strides = array<i32>} : memref<102400xf32, #tpu.memory_space<vmem>>, vector<16xf32>,
      tpu.vector_store %arg11[%swap3A_359], %mul3A_358 {add = true, strides = array<i32>} : memref<102400xf32, #tpu.memory_space<vmem>>, vector<16xf32>,
      %scan3A_361 = arith.constant 0 : i32
      %scan3A_362 = arith.constant 1 : i32
      %scan3A_363 = arith.constant 24 : i32
      %scan3A_364 = arith.addi %scan3A_362, %scan3A_363 : i32
      %scan3A_365 = arith.constant 1 : i32
      %scan3A_366 = scf.for %scan3A_525 = %scan3A_362 to %scan3A_364 step %scan3A_365 iter_args(%scan3A_526 = %scan3A_361) -> (i32)  : i32 {
        %mul3A_527 = arith.constant 128 : i32
        %mul3A_528 = arith.muli %scan3A_525, %mul3A_527 : i32
        %sub3A = arith.constant 128 : i32
        %sub3A_529 = arith.subi %mul3A_528, %sub3A : i32
        %add3A_530 = arith.constant 0 : i32
        %add3A_531 = arith.addi %sub3A_529, %add3A_530 : i32
        %get3A_532 = arith.constant 0 : i32
        %get3A_533 = arith.index_cast %get3A_532 : i32 to index
        %get3A_534 = arith.index_cast %add3A_531 : i32 to index
        %get3A_535 = tpu.vector_load %arg13[%get3A_533, %get3A_534] {strides = array<i32>} : memref<2x3072xi32, #tpu.memory_space<vmem>>, vector<16xi32>,
        %add3A_536 = arith.constant 0 : i32
        %add3A_537 = arith.addi %mul3A_249, %add3A_536 : i32
        %get3A_538 = arith.index_cast %add3A_537 : i32 to index
        %get3A_539 = tpu.vector_load %arg14[%get3A_538] {strides = array<i32>} : memref<6400xf32, #tpu.memory_space<vmem>>, vector<16xf32>,
        %add3A_540 = arith.constant 0 : i32
        %add3A_541 = arith.addi %mul3A_528, %add3A_540 : i32
        %get3A_542 = arith.constant 0 : i32
        %get3A_543 = arith.index_cast %get3A_542 : i32 to index
        %get3A_544 = arith.index_cast %add3A_541 : i32 to index
        %get3A_545 = tpu.vector_load %arg12[%get3A_543, %get3A_544] {strides = array<i32>} : memref<2x3200xf32, #tpu.memory_space<vmem>>, vector<16xf32>,
        %mul3A_546 = arith.mulf %get3A_539, %get3A_545 : vector<16xf32>
        tpu.vector_store_idx %arg11[%get3A_535], %mul3A_546 {add = true} : memref<102400xf32, #tpu.memory_space<vmem>>[vector<16xi32>], vector<16xf32>,
        %add3A_547 = arith.constant 16 : i32
        %add3A_548 = arith.addi %sub3A_529, %add3A_547 : i32
        %get3A_549 = arith.constant 0 : i32
        %get3A_550 = arith.index_cast %get3A_549 : i32 to index
        %get3A_551 = arith.index_cast %add3A_548 : i32 to index
        %get3A_552 = tpu.vector_load %arg13[%get3A_550, %get3A_551] {strides = array<i32>} : memref<2x3072xi32, #tpu.memory_space<vmem>>, vector<16xi32>,
        %add3A_553 = arith.constant 16 : i32
        %add3A_554 = arith.addi %mul3A_249, %add3A_553 : i32
        %get3A_555 = arith.index_cast %add3A_554 : i32 to index
        %get3A_556 = tpu.vector_load %arg14[%get3A_555] {strides = array<i32>} : memref<6400xf32, #tpu.memory_space<vmem>>, vector<16xf32>,
        %add3A_557 = arith.constant 16 : i32
        %add3A_558 = arith.addi %mul3A_528, %add3A_557 : i32
        %get3A_559 = arith.constant 0 : i32
        %get3A_560 = arith.index_cast %get3A_559 : i32 to index
        %get3A_561 = arith.index_cast %add3A_558 : i32 to index
        %get3A_562 = tpu.vector_load %arg12[%get3A_560, %get3A_561] {strides = array<i32>} : memref<2x3200xf32, #tpu.memory_space<vmem>>, vector<16xf32>,
        %mul3A_563 = arith.mulf %get3A_556, %get3A_562 : vector<16xf32>
        tpu.vector_store_idx %arg11[%get3A_552], %mul3A_563 {add = true} : memref<102400xf32, #tpu.memory_space<vmem>>[vector<16xi32>], vector<16xf32>,
        %add3A_564 = arith.constant 32 : i32
        %add3A_565 = arith.addi %sub3A_529, %add3A_564 : i32
        %get3A_566 = arith.constant 0 : i32
        %get3A_567 = arith.index_cast %get3A_566 : i32 to index
        %get3A_568 = arith.index_cast %add3A_565 : i32 to index
        %get3A_569 = tpu.vector_load %arg13[%get3A_567, %get3A_568] {strides = array<i32>} : memref<2x3072xi32, #tpu.memory_space<vmem>>, vector<16xi32>,
        %add3A_570 = arith.constant 32 : i32
        %add3A_571 = arith.addi %mul3A_249, %add3A_570 : i32
        %get3A_572 = arith.index_cast %add3A_571 : i32 to index
        %get3A_573 = tpu.vector_load %arg14[%get3A_572] {strides = array<i32>} : memref<6400xf32, #tpu.memory_space<vmem>>, vector<16xf32>,
        %add3A_574 = arith.constant 32 : i32
        %add3A_575 = arith.addi %mul3A_528, %add3A_574 : i32
        %get3A_576 = arith.constant 0 : i32
        %get3A_577 = arith.index_cast %get3A_576 : i32 to index
        %get3A_578 = arith.index_cast %add3A_575 : i32 to index
        %get3A_579 = tpu.vector_load %arg12[%get3A_577, %get3A_578] {strides = array<i32>} : memref<2x3200xf32, #tpu.memory_space<vmem>>, vector<16xf32>,
        %mul3A_580 = arith.mulf %get3A_573, %get3A_579 : vector<16xf32>
        tpu.vector_store_idx %arg11[%get3A_569], %mul3A_580 {add = true} : memref<102400xf32, #tpu.memory_space<vmem>>[vector<16xi32>], vector<16xf32>,
        %add3A_581 = arith.constant 48 : i32
        %add3A_582 = arith.addi %sub3A_529, %add3A_581 : i32
        %get3A_583 = arith.constant 0 : i32
        %get3A_584 = arith.index_cast %get3A_583 : i32 to index
        %get3A_585 = arith.index_cast %add3A_582 : i32 to index
        %get3A_586 = tpu.vector_load %arg13[%get3A_584, %get3A_585] {strides = array<i32>} : memref<2x3072xi32, #tpu.memory_space<vmem>>, vector<16xi32>,
        %add3A_587 = arith.constant 48 : i32
        %add3A_588 = arith.addi %mul3A_249, %add3A_587 : i32
        %get3A_589 = arith.index_cast %add3A_588 : i32 to index
        %get3A_590 = tpu.vector_load %arg14[%get3A_589] {strides = array<i32>} : memref<6400xf32, #tpu.memory_space<vmem>>, vector<16xf32>,
        %add3A_591 = arith.constant 48 : i32
        %add3A_592 = arith.addi %mul3A_528, %add3A_591 : i32
        %get3A_593 = arith.constant 0 : i32
        %get3A_594 = arith.index_cast %get3A_593 : i32 to index
        %get3A_595 = arith.index_cast %add3A_592 : i32 to index
        %get3A_596 = tpu.vector_load %arg12[%get3A_594, %get3A_595] {strides = array<i32>} : memref<2x3200xf32, #tpu.memory_space<vmem>>, vector<16xf32>,
        %mul3A_597 = arith.mulf %get3A_590, %get3A_596 : vector<16xf32>
        tpu.vector_store_idx %arg11[%get3A_586], %mul3A_597 {add = true} : memref<102400xf32, #tpu.memory_space<vmem>>[vector<16xi32>], vector<16xf32>,
        %add3A_598 = arith.constant 64 : i32
        %add3A_599 = arith.addi %sub3A_529, %add3A_598 : i32
        %get3A_600 = arith.constant 0 : i32
        %get3A_601 = arith.index_cast %get3A_600 : i32 to index
        %get3A_602 = arith.index_cast %add3A_599 : i32 to index
        %get3A_603 = tpu.vector_load %arg13[%get3A_601, %get3A_602] {strides = array<i32>} : memref<2x3072xi32, #tpu.memory_space<vmem>>, vector<16xi32>,
        %add3A_604 = arith.constant 64 : i32
        %add3A_605 = arith.addi %mul3A_249, %add3A_604 : i32
        %get3A_606 = arith.index_cast %add3A_605 : i32 to index
        %get3A_607 = tpu.vector_load %arg14[%get3A_606] {strides = array<i32>} : memref<6400xf32, #tpu.memory_space<vmem>>, vector<16xf32>,
        %add3A_608 = arith.constant 64 : i32
        %add3A_609 = arith.addi %mul3A_528, %add3A_608 : i32
        %get3A_610 = arith.constant 0 : i32
        %get3A_611 = arith.index_cast %get3A_610 : i32 to index
        %get3A_612 = arith.index_cast %add3A_609 : i32 to index
        %get3A_613 = tpu.vector_load %arg12[%get3A_611, %get3A_612] {strides = array<i32>} : memref<2x3200xf32, #tpu.memory_space<vmem>>, vector<16xf32>,
        %mul3A_614 = arith.mulf %get3A_607, %get3A_613 : vector<16xf32>
        tpu.vector_store_idx %arg11[%get3A_603], %mul3A_614 {add = true} : memref<102400xf32, #tpu.memory_space<vmem>>[vector<16xi32>], vector<16xf32>,
        %add3A_615 = arith.constant 80 : i32
        %add3A_616 = arith.addi %sub3A_529, %add3A_615 : i32
        %get3A_617 = arith.constant 0 : i32
        %get3A_618 = arith.index_cast %get3A_617 : i32 to index
        %get3A_619 = arith.index_cast %add3A_616 : i32 to index
        %get3A_620 = tpu.vector_load %arg13[%get3A_618, %get3A_619] {strides = array<i32>} : memref<2x3072xi32, #tpu.memory_space<vmem>>, vector<16xi32>,
        %add3A_621 = arith.constant 80 : i32
        %add3A_622 = arith.addi %mul3A_249, %add3A_621 : i32
        %get3A_623 = arith.index_cast %add3A_622 : i32 to index
        %get3A_624 = tpu.vector_load %arg14[%get3A_623] {strides = array<i32>} : memref<6400xf32, #tpu.memory_space<vmem>>, vector<16xf32>,
        %add3A_625 = arith.constant 80 : i32
        %add3A_626 = arith.addi %mul3A_528, %add3A_625 : i32
        %get3A_627 = arith.constant 0 : i32
        %get3A_628 = arith.index_cast %get3A_627 : i32 to index
        %get3A_629 = arith.index_cast %add3A_626 : i32 to index
        %get3A_630 = tpu.vector_load %arg12[%get3A_628, %get3A_629] {strides = array<i32>} : memref<2x3200xf32, #tpu.memory_space<vmem>>, vector<16xf32>,
        %mul3A_631 = arith.mulf %get3A_624, %get3A_630 : vector<16xf32>
        tpu.vector_store_idx %arg11[%get3A_620], %mul3A_631 {add = true} : memref<102400xf32, #tpu.memory_space<vmem>>[vector<16xi32>], vector<16xf32>,
        %add3A_632 = arith.constant 96 : i32
        %add3A_633 = arith.addi %sub3A_529, %add3A_632 : i32
        %get3A_634 = arith.constant 0 : i32
        %get3A_635 = arith.index_cast %get3A_634 : i32 to index
        %get3A_636 = arith.index_cast %add3A_633 : i32 to index
        %get3A_637 = tpu.vector_load %arg13[%get3A_635, %get3A_636] {strides = array<i32>} : memref<2x3072xi32, #tpu.memory_space<vmem>>, vector<16xi32>,
        %add3A_638 = arith.constant 96 : i32
        %add3A_639 = arith.addi %mul3A_249, %add3A_638 : i32
        %get3A_640 = arith.index_cast %add3A_639 : i32 to index
        %get3A_641 = tpu.vector_load %arg14[%get3A_640] {strides = array<i32>} : memref<6400xf32, #tpu.memory_space<vmem>>, vector<16xf32>,
        %add3A_642 = arith.constant 96 : i32
        %add3A_643 = arith.addi %mul3A_528, %add3A_642 : i32
        %get3A_644 = arith.constant 0 : i32
        %get3A_645 = arith.index_cast %get3A_644 : i32 to index
        %get3A_646 = arith.index_cast %add3A_643 : i32 to index
        %get3A_647 = tpu.vector_load %arg12[%get3A_645, %get3A_646] {strides = array<i32>} : memref<2x3200xf32, #tpu.memory_space<vmem>>, vector<16xf32>,
        %mul3A_648 = arith.mulf %get3A_641, %get3A_647 : vector<16xf32>
        tpu.vector_store_idx %arg11[%get3A_637], %mul3A_648 {add = true} : memref<102400xf32, #tpu.memory_space<vmem>>[vector<16xi32>], vector<16xf32>,
        %add3A_649 = arith.constant 112 : i32
        %add3A_650 = arith.addi %sub3A_529, %add3A_649 : i32
        %get3A_651 = arith.constant 0 : i32
        %get3A_652 = arith.index_cast %get3A_651 : i32 to index
        %get3A_653 = arith.index_cast %add3A_650 : i32 to index
        %get3A_654 = tpu.vector_load %arg13[%get3A_652, %get3A_653] {strides = array<i32>} : memref<2x3072xi32, #tpu.memory_space<vmem>>, vector<16xi32>,
        %add3A_655 = arith.constant 112 : i32
        %add3A_656 = arith.addi %mul3A_249, %add3A_655 : i32
        %get3A_657 = arith.index_cast %add3A_656 : i32 to index
        %get3A_658 = tpu.vector_load %arg14[%get3A_657] {strides = array<i32>} : memref<6400xf32, #tpu.memory_space<vmem>>, vector<16xf32>,
        %add3A_659 = arith.constant 112 : i32
        %add3A_660 = arith.addi %mul3A_528, %add3A_659 : i32
        %get3A_661 = arith.constant 0 : i32
        %get3A_662 = arith.index_cast %get3A_661 : i32 to index
        %get3A_663 = arith.index_cast %add3A_660 : i32 to index
        %get3A_664 = tpu.vector_load %arg12[%get3A_662, %get3A_663] {strides = array<i32>} : memref<2x3200xf32, #tpu.memory_space<vmem>>, vector<16xf32>,
        %mul3A_665 = arith.mulf %get3A_658, %get3A_664 : vector<16xf32>
        tpu.vector_store_idx %arg11[%get3A_654], %mul3A_665 {add = true} : memref<102400xf32, #tpu.memory_space<vmem>>[vector<16xi32>], vector<16xf32>,
        %scan3A_666 = arith.constant 0 : i32
        scf.yield %scan3A_666 : i32
      }
      %scan3A_367 = arith.constant 24 : i32
      %add3A_368 = arith.constant 2 : i32
      %add3A_369 = arith.addi %mul3A_190, %add3A_368 : i32
      %lt3A = arith.constant 50 : i32
      %lt3A_370 = arith.cmpi slt, %add3A_369, %lt3A : i32
      %convert_element_type3A = arith.extui %lt3A_370 : i1 to i32
      %cond3A = arith.constant 0 : i32
      %cond3A_371 = arith.cmpi ne, %convert_element_type3A, %cond3A : i32
      scf.if %cond3A_371 {
        %add3A_525 = arith.constant 2 : i32
        %add3A_526 = arith.addi %mul3A_190, %add3A_525 : i32
        %add3A_527 = arith.addi %mul3A_2, %add3A_526 : i32
        %dma_start3A_528 = arith.constant 0 : i32
        %dma_start3A_529 = arith.constant 0 : i32
        %dma_start3A_530 = tpu.memref_slice %arg12[%dma_start3A_528, %dma_start3A_529] : memref<2x3200xf32, #tpu.memory_space<vmem>> -> memref<1x3200xf32, #tpu.memory_space<vmem>>
        %dma_start3A_531 = tpu.memref_squeeze %dma_start3A_530 : memref<1x3200xf32, #tpu.memory_space<vmem>> -> memref<3200xf32, #tpu.memory_space<vmem>>
        %dma_start3A_532 = arith.constant 0 : i32
        %dma_start3A_533 = tpu.memref_slice %arg2[%arg0, %add3A_527, %dma_start3A_532] : memref<2x800x3200xf32, #tpu.memory_space<hbm>> -> memref<1x1x3200xf32, #tpu.memory_space<hbm>>
        %dma_start3A_534 = tpu.memref_squeeze %dma_start3A_533 : memref<1x1x3200xf32, #tpu.memory_space<hbm>> -> memref<3200xf32, #tpu.memory_space<hbm>>
        %dma_start3A_535 = arith.constant 0 : i32
        %dma_start3A_536 = tpu.memref_slice %arg12[%dma_start3A_528, %dma_start3A_535] : memref<2x3200xf32, #tpu.memory_space<vmem>> -> memref<1x3200xf32, #tpu.memory_space<vmem>>
        %dma_start3A_537 = tpu.memref_squeeze %dma_start3A_536 : memref<1x3200xf32, #tpu.memory_space<vmem>> -> memref<3200xf32, #tpu.memory_space<vmem>>
        %dma_start3A_538 = arith.constant 0 : i32
        %dma_start3A_539 = tpu.memref_slice %arg2[%arg0, %add3A_527, %dma_start3A_538] : memref<2x800x3200xf32, #tpu.memory_space<hbm>> -> memref<1x1x3200xf32, #tpu.memory_space<hbm>>
        %dma_start3A_540 = tpu.memref_squeeze %dma_start3A_539 : memref<1x1x3200xf32, #tpu.memory_space<hbm>> -> memref<3200xf32, #tpu.memory_space<hbm>>
        tpu.enqueue_dma source(%dma_start3A_540 : memref<3200xf32, #tpu.memory_space<hbm>>) target(%dma_start3A_537 : memref<3200xf32, #tpu.memory_space<vmem>>) target_semaphore(%arg17 : memref<!tpu.dma_semaphore, #tpu.memory_space<semaphore_mem>>)
        %add3A_541 = arith.addi %mul3A_2, %add3A_526 : i32
        %dma_start3A_542 = arith.constant 0 : i32
        %dma_start3A_543 = arith.constant 0 : i32
        %dma_start3A_544 = tpu.memref_slice %arg13[%dma_start3A_542, %dma_start3A_543] : memref<2x3072xi32, #tpu.memory_space<vmem>> -> memref<1x3072xi32, #tpu.memory_space<vmem>>
        %dma_start3A_545 = tpu.memref_squeeze %dma_start3A_544 : memref<1x3072xi32, #tpu.memory_space<vmem>> -> memref<3072xi32, #tpu.memory_space<vmem>>
        %dma_start3A_546 = arith.constant 0 : i32
        %dma_start3A_547 = tpu.memref_slice %arg4[%arg0, %add3A_541, %dma_start3A_546] : memref<2x800x3072xi32, #tpu.memory_space<hbm>> -> memref<1x1x3072xi32, #tpu.memory_space<hbm>>
        %dma_start3A_548 = tpu.memref_squeeze %dma_start3A_547 : memref<1x1x3072xi32, #tpu.memory_space<hbm>> -> memref<3072xi32, #tpu.memory_space<hbm>>
        %dma_start3A_549 = arith.constant 0 : i32
        %dma_start3A_550 = tpu.memref_slice %arg13[%dma_start3A_542, %dma_start3A_549] : memref<2x3072xi32, #tpu.memory_space<vmem>> -> memref<1x3072xi32, #tpu.memory_space<vmem>>
        %dma_start3A_551 = tpu.memref_squeeze %dma_start3A_550 : memref<1x3072xi32, #tpu.memory_space<vmem>> -> memref<3072xi32, #tpu.memory_space<vmem>>
        %dma_start3A_552 = arith.constant 0 : i32
        %dma_start3A_553 = tpu.memref_slice %arg4[%arg0, %add3A_541, %dma_start3A_552] : memref<2x800x3072xi32, #tpu.memory_space<hbm>> -> memref<1x1x3072xi32, #tpu.memory_space<hbm>>
        %dma_start3A_554 = tpu.memref_squeeze %dma_start3A_553 : memref<1x1x3072xi32, #tpu.memory_space<hbm>> -> memref<3072xi32, #tpu.memory_space<hbm>>
        tpu.enqueue_dma source(%dma_start3A_554 : memref<3072xi32, #tpu.memory_space<hbm>>) target(%dma_start3A_551 : memref<3072xi32, #tpu.memory_space<vmem>>) target_semaphore(%arg19 : memref<!tpu.dma_semaphore, #tpu.memory_space<semaphore_mem>>)
      } else {
      }
      %add3A_372 = arith.constant 1 : i32
      %add3A_373 = arith.addi %mul3A_190, %add3A_372 : i32
      %add3A_374 = arith.addi %mul3A_2, %add3A_373 : i32
      %dma_wait3A_375 = arith.constant 1 : i32
      %dma_wait3A_376 = arith.constant 0 : i32
      %dma_wait3A_377 = tpu.memref_slice %arg12[%dma_wait3A_375, %dma_wait3A_376] : memref<2x3200xf32, #tpu.memory_space<vmem>> -> memref<1x3200xf32, #tpu.memory_space<vmem>>
      %dma_wait3A_378 = tpu.memref_squeeze %dma_wait3A_377 : memref<1x3200xf32, #tpu.memory_space<vmem>> -> memref<3200xf32, #tpu.memory_space<vmem>>
      %dma_wait3A_379 = arith.constant 0 : i32
      %dma_wait3A_380 = tpu.memref_slice %arg2[%arg0, %add3A_374, %dma_wait3A_379] : memref<2x800x3200xf32, #tpu.memory_space<hbm>> -> memref<1x1x3200xf32, #tpu.memory_space<hbm>>
      %dma_wait3A_381 = tpu.memref_squeeze %dma_wait3A_380 : memref<1x1x3200xf32, #tpu.memory_space<hbm>> -> memref<3200xf32, #tpu.memory_space<hbm>>
      %dma_wait3A_382 = arith.constant 0 : i32
      %dma_wait3A_383 = tpu.memref_slice %arg12[%dma_wait3A_375, %dma_wait3A_382] : memref<2x3200xf32, #tpu.memory_space<vmem>> -> memref<1x3200xf32, #tpu.memory_space<vmem>>
      %dma_wait3A_384 = tpu.memref_squeeze %dma_wait3A_383 : memref<1x3200xf32, #tpu.memory_space<vmem>> -> memref<3200xf32, #tpu.memory_space<vmem>>
      %dma_wait3A_385 = arith.constant 0 : i32
      %dma_wait3A_386 = tpu.memref_slice %arg2[%arg0, %add3A_374, %dma_wait3A_385] : memref<2x800x3200xf32, #tpu.memory_space<hbm>> -> memref<1x1x3200xf32, #tpu.memory_space<hbm>>
      %dma_wait3A_387 = tpu.memref_squeeze %dma_wait3A_386 : memref<1x1x3200xf32, #tpu.memory_space<hbm>> -> memref<3200xf32, #tpu.memory_space<hbm>>
      tpu.wait_dma2 semaphore(%arg18 : memref<!tpu.dma_semaphore, #tpu.memory_space<semaphore_mem>>) src(%dma_wait3A_387 : memref<3200xf32, #tpu.memory_space<hbm>>) dst(%dma_wait3A_384 : memref<3200xf32, #tpu.memory_space<vmem>>)
      %add3A_388 = arith.addi %mul3A_2, %add3A_373 : i32
      %dma_wait3A_389 = arith.constant 1 : i32
      %dma_wait3A_390 = arith.constant 0 : i32
      %dma_wait3A_391 = tpu.memref_slice %arg13[%dma_wait3A_389, %dma_wait3A_390] : memref<2x3072xi32, #tpu.memory_space<vmem>> -> memref<1x3072xi32, #tpu.memory_space<vmem>>
      %dma_wait3A_392 = tpu.memref_squeeze %dma_wait3A_391 : memref<1x3072xi32, #tpu.memory_space<vmem>> -> memref<3072xi32, #tpu.memory_space<vmem>>
      %dma_wait3A_393 = arith.constant 0 : i32
      %dma_wait3A_394 = tpu.memref_slice %arg4[%arg0, %add3A_388, %dma_wait3A_393] : memref<2x800x3072xi32, #tpu.memory_space<hbm>> -> memref<1x1x3072xi32, #tpu.memory_space<hbm>>
      %dma_wait3A_395 = tpu.memref_squeeze %dma_wait3A_394 : memref<1x1x3072xi32, #tpu.memory_space<hbm>> -> memref<3072xi32, #tpu.memory_space<hbm>>
      %dma_wait3A_396 = arith.constant 0 : i32
      %dma_wait3A_397 = tpu.memref_slice %arg13[%dma_wait3A_389, %dma_wait3A_396] : memref<2x3072xi32, #tpu.memory_space<vmem>> -> memref<1x3072xi32, #tpu.memory_space<vmem>>
      %dma_wait3A_398 = tpu.memref_squeeze %dma_wait3A_397 : memref<1x3072xi32, #tpu.memory_space<vmem>> -> memref<3072xi32, #tpu.memory_space<vmem>>
      %dma_wait3A_399 = arith.constant 0 : i32
      %dma_wait3A_400 = tpu.memref_slice %arg4[%arg0, %add3A_388, %dma_wait3A_399] : memref<2x800x3072xi32, #tpu.memory_space<hbm>> -> memref<1x1x3072xi32, #tpu.memory_space<hbm>>
      %dma_wait3A_401 = tpu.memref_squeeze %dma_wait3A_400 : memref<1x1x3072xi32, #tpu.memory_space<hbm>> -> memref<3072xi32, #tpu.memory_space<hbm>>
      tpu.wait_dma2 semaphore(%arg20 : memref<!tpu.dma_semaphore, #tpu.memory_space<semaphore_mem>>) src(%dma_wait3A_401 : memref<3072xi32, #tpu.memory_space<hbm>>) dst(%dma_wait3A_398 : memref<3072xi32, #tpu.memory_space<vmem>>)
      %add3A_402 = arith.constant 1 : i32
      %add3A_403 = arith.addi %mul3A_190, %add3A_402 : i32
      %mul3A_404 = arith.constant 128 : i32
      %mul3A_405 = arith.muli %add3A_403, %mul3A_404 : i32
      %add3A_406 = arith.constant 0 : i32
      %add3A_407 = arith.addi %mul3A_405, %add3A_406 : i32
      %add3A_408 = arith.addi %mul3A_0, %mul3A_405 : i32
      %add3A_409 = arith.constant 0 : i32
      %add3A_410 = arith.addi %add3A_408, %add3A_409 : i32
      %get3A_411 = arith.index_cast %add3A_407 : i32 to index
      %get3A_412 = tpu.vector_load %arg14[%get3A_411] {strides = array<i32>} : memref<6400xf32, #tpu.memory_space<vmem>>, vector<16xf32>,
      %get3A_413 = arith.constant 1 : i32
      %get3A_414 = arith.index_cast %get3A_413 : i32 to index
      %get3A_415 = arith.constant 0 : index
      %get3A_416 = tpu.vector_load %arg12[%get3A_414, %get3A_415] {strides = array<i32>} : memref<2x3200xf32, #tpu.memory_space<vmem>>, vector<16xf32>,
      %mul3A_417 = arith.mulf %get3A_412, %get3A_416 : vector<16xf32>
      %swap3A_418 = arith.index_cast %add3A_410 : i32 to index
      %swap3A_419 = tpu.vector_load %arg11[%swap3A_418] {strides = array<i32>} : memref<102400xf32, #tpu.memory_space<vmem>>, vector<16xf32>,
      tpu.vector_store %arg11[%swap3A_418], %mul3A_417 {add = true, strides = array<i32>} : memref<102400xf32, #tpu.memory_space<vmem>>, vector<16xf32>,
      %add3A_420 = arith.constant 16 : i32
      %add3A_421 = arith.addi %mul3A_405, %add3A_420 : i32
      %add3A_422 = arith.addi %mul3A_0, %mul3A_405 : i32
      %add3A_423 = arith.constant 16 : i32
      %add3A_424 = arith.addi %add3A_422, %add3A_423 : i32
      %get3A_425 = arith.index_cast %add3A_421 : i32 to index
      %get3A_426 = tpu.vector_load %arg14[%get3A_425] {strides = array<i32>} : memref<6400xf32, #tpu.memory_space<vmem>>, vector<16xf32>,
      %get3A_427 = arith.constant 1 : i32
      %get3A_428 = arith.index_cast %get3A_427 : i32 to index
      %get3A_429 = arith.constant 16 : index
      %get3A_430 = tpu.vector_load %arg12[%get3A_428, %get3A_429] {strides = array<i32>} : memref<2x3200xf32, #tpu.memory_space<vmem>>, vector<16xf32>,
      %mul3A_431 = arith.mulf %get3A_426, %get3A_430 : vector<16xf32>
      %swap3A_432 = arith.index_cast %add3A_424 : i32 to index
      %swap3A_433 = tpu.vector_load %arg11[%swap3A_432] {strides = array<i32>} : memref<102400xf32, #tpu.memory_space<vmem>>, vector<16xf32>,
      tpu.vector_store %arg11[%swap3A_432], %mul3A_431 {add = true, strides = array<i32>} : memref<102400xf32, #tpu.memory_space<vmem>>, vector<16xf32>,
      %add3A_434 = arith.constant 32 : i32
      %add3A_435 = arith.addi %mul3A_405, %add3A_434 : i32
      %add3A_436 = arith.addi %mul3A_0, %mul3A_405 : i32
      %add3A_437 = arith.constant 32 : i32
      %add3A_438 = arith.addi %add3A_436, %add3A_437 : i32
      %get3A_439 = arith.index_cast %add3A_435 : i32 to index
      %get3A_440 = tpu.vector_load %arg14[%get3A_439] {strides = array<i32>} : memref<6400xf32, #tpu.memory_space<vmem>>, vector<16xf32>,
      %get3A_441 = arith.constant 1 : i32
      %get3A_442 = arith.index_cast %get3A_441 : i32 to index
      %get3A_443 = arith.constant 32 : index
      %get3A_444 = tpu.vector_load %arg12[%get3A_442, %get3A_443] {strides = array<i32>} : memref<2x3200xf32, #tpu.memory_space<vmem>>, vector<16xf32>,
      %mul3A_445 = arith.mulf %get3A_440, %get3A_444 : vector<16xf32>
      %swap3A_446 = arith.index_cast %add3A_438 : i32 to index
      %swap3A_447 = tpu.vector_load %arg11[%swap3A_446] {strides = array<i32>} : memref<102400xf32, #tpu.memory_space<vmem>>, vector<16xf32>,
      tpu.vector_store %arg11[%swap3A_446], %mul3A_445 {add = true, strides = array<i32>} : memref<102400xf32, #tpu.memory_space<vmem>>, vector<16xf32>,
      %add3A_448 = arith.constant 48 : i32
      %add3A_449 = arith.addi %mul3A_405, %add3A_448 : i32
      %add3A_450 = arith.addi %mul3A_0, %mul3A_405 : i32
      %add3A_451 = arith.constant 48 : i32
      %add3A_452 = arith.addi %add3A_450, %add3A_451 : i32
      %get3A_453 = arith.index_cast %add3A_449 : i32 to index
      %get3A_454 = tpu.vector_load %arg14[%get3A_453] {strides = array<i32>} : memref<6400xf32, #tpu.memory_space<vmem>>, vector<16xf32>,
      %get3A_455 = arith.constant 1 : i32
      %get3A_456 = arith.index_cast %get3A_455 : i32 to index
      %get3A_457 = arith.constant 48 : index
      %get3A_458 = tpu.vector_load %arg12[%get3A_456, %get3A_457] {strides = array<i32>} : memref<2x3200xf32, #tpu.memory_space<vmem>>, vector<16xf32>,
      %mul3A_459 = arith.mulf %get3A_454, %get3A_458 : vector<16xf32>
      %swap3A_460 = arith.index_cast %add3A_452 : i32 to index
      %swap3A_461 = tpu.vector_load %arg11[%swap3A_460] {strides = array<i32>} : memref<102400xf32, #tpu.memory_space<vmem>>, vector<16xf32>,
      tpu.vector_store %arg11[%swap3A_460], %mul3A_459 {add = true, strides = array<i32>} : memref<102400xf32, #tpu.memory_space<vmem>>, vector<16xf32>,
      %add3A_462 = arith.constant 64 : i32
      %add3A_463 = arith.addi %mul3A_405, %add3A_462 : i32
      %add3A_464 = arith.addi %mul3A_0, %mul3A_405 : i32
      %add3A_465 = arith.constant 64 : i32
      %add3A_466 = arith.addi %add3A_464, %add3A_465 : i32
      %get3A_467 = arith.index_cast %add3A_463 : i32 to index
      %get3A_468 = tpu.vector_load %arg14[%get3A_467] {strides = array<i32>} : memref<6400xf32, #tpu.memory_space<vmem>>, vector<16xf32>,
      %get3A_469 = arith.constant 1 : i32
      %get3A_470 = arith.index_cast %get3A_469 : i32 to index
      %get3A_471 = arith.constant 64 : index
      %get3A_472 = tpu.vector_load %arg12[%get3A_470, %get3A_471] {strides = array<i32>} : memref<2x3200xf32, #tpu.memory_space<vmem>>, vector<16xf32>,
      %mul3A_473 = arith.mulf %get3A_468, %get3A_472 : vector<16xf32>
      %swap3A_474 = arith.index_cast %add3A_466 : i32 to index
      %swap3A_475 = tpu.vector_load %arg11[%swap3A_474] {strides = array<i32>} : memref<102400xf32, #tpu.memory_space<vmem>>, vector<16xf32>,
      tpu.vector_store %arg11[%swap3A_474], %mul3A_473 {add = true, strides = array<i32>} : memref<102400xf32, #tpu.memory_space<vmem>>, vector<16xf32>,
      %add3A_476 = arith.constant 80 : i32
      %add3A_477 = arith.addi %mul3A_405, %add3A_476 : i32
      %add3A_478 = arith.addi %mul3A_0, %mul3A_405 : i32
      %add3A_479 = arith.constant 80 : i32
      %add3A_480 = arith.addi %add3A_478, %add3A_479 : i32
      %get3A_481 = arith.index_cast %add3A_477 : i32 to index
      %get3A_482 = tpu.vector_load %arg14[%get3A_481] {strides = array<i32>} : memref<6400xf32, #tpu.memory_space<vmem>>, vector<16xf32>,
      %get3A_483 = arith.constant 1 : i32
      %get3A_484 = arith.index_cast %get3A_483 : i32 to index
      %get3A_485 = arith.constant 80 : index
      %get3A_486 = tpu.vector_load %arg12[%get3A_484, %get3A_485] {strides = array<i32>} : memref<2x3200xf32, #tpu.memory_space<vmem>>, vector<16xf32>,
      %mul3A_487 = arith.mulf %get3A_482, %get3A_486 : vector<16xf32>
      %swap3A_488 = arith.index_cast %add3A_480 : i32 to index
      %swap3A_489 = tpu.vector_load %arg11[%swap3A_488] {strides = array<i32>} : memref<102400xf32, #tpu.memory_space<vmem>>, vector<16xf32>,
      tpu.vector_store %arg11[%swap3A_488], %mul3A_487 {add = true, strides = array<i32>} : memref<102400xf32, #tpu.memory_space<vmem>>, vector<16xf32>,
      %add3A_490 = arith.constant 96 : i32
      %add3A_491 = arith.addi %mul3A_405, %add3A_490 : i32
      %add3A_492 = arith.addi %mul3A_0, %mul3A_405 : i32
      %add3A_493 = arith.constant 96 : i32
      %add3A_494 = arith.addi %add3A_492, %add3A_493 : i32
      %get3A_495 = arith.index_cast %add3A_491 : i32 to index
      %get3A_496 = tpu.vector_load %arg14[%get3A_495] {strides = array<i32>} : memref<6400xf32, #tpu.memory_space<vmem>>, vector<16xf32>,
      %get3A_497 = arith.constant 1 : i32
      %get3A_498 = arith.index_cast %get3A_497 : i32 to index
      %get3A_499 = arith.constant 96 : index
      %get3A_500 = tpu.vector_load %arg12[%get3A_498, %get3A_499] {strides = array<i32>} : memref<2x3200xf32, #tpu.memory_space<vmem>>, vector<16xf32>,
      %mul3A_501 = arith.mulf %get3A_496, %get3A_500 : vector<16xf32>
      %swap3A_502 = arith.index_cast %add3A_494 : i32 to index
      %swap3A_503 = tpu.vector_load %arg11[%swap3A_502] {strides = array<i32>} : memref<102400xf32, #tpu.memory_space<vmem>>, vector<16xf32>,
      tpu.vector_store %arg11[%swap3A_502], %mul3A_501 {add = true, strides = array<i32>} : memref<102400xf32, #tpu.memory_space<vmem>>, vector<16xf32>,
      %add3A_504 = arith.constant 112 : i32
      %add3A_505 = arith.addi %mul3A_405, %add3A_504 : i32
      %add3A_506 = arith.addi %mul3A_0, %mul3A_405 : i32
      %add3A_507 = arith.constant 112 : i32
      %add3A_508 = arith.addi %add3A_506, %add3A_507 : i32
      %get3A_509 = arith.index_cast %add3A_505 : i32 to index
      %get3A_510 = tpu.vector_load %arg14[%get3A_509] {strides = array<i32>} : memref<6400xf32, #tpu.memory_space<vmem>>, vector<16xf32>,
      %get3A_511 = arith.constant 1 : i32
      %get3A_512 = arith.index_cast %get3A_511 : i32 to index
      %get3A_513 = arith.constant 112 : index
      %get3A_514 = tpu.vector_load %arg12[%get3A_512, %get3A_513] {strides = array<i32>} : memref<2x3200xf32, #tpu.memory_space<vmem>>, vector<16xf32>,
      %mul3A_515 = arith.mulf %get3A_510, %get3A_514 : vector<16xf32>
      %swap3A_516 = arith.index_cast %add3A_508 : i32 to index
      %swap3A_517 = tpu.vector_load %arg11[%swap3A_516] {strides = array<i32>} : memref<102400xf32, #tpu.memory_space<vmem>>, vector<16xf32>,
      tpu.vector_store %arg11[%swap3A_516], %mul3A_515 {add = true, strides = array<i32>} : memref<102400xf32, #tpu.memory_space<vmem>>, vector<16xf32>,
      %scan3A_518 = arith.constant 0 : i32
      %scan3A_519 = arith.constant 1 : i32
      %scan3A_520 = arith.constant 24 : i32
      %scan3A_521 = arith.addi %scan3A_519, %scan3A_520 : i32
      %scan3A_522 = arith.constant 1 : i32
      %scan3A_523 = scf.for %scan3A_525 = %scan3A_519 to %scan3A_521 step %scan3A_522 iter_args(%scan3A_526 = %scan3A_518) -> (i32)  : i32 {
        %mul3A_527 = arith.constant 128 : i32
        %mul3A_528 = arith.muli %scan3A_525, %mul3A_527 : i32
        %sub3A = arith.constant 128 : i32
        %sub3A_529 = arith.subi %mul3A_528, %sub3A : i32
        %add3A_530 = arith.constant 0 : i32
        %add3A_531 = arith.addi %sub3A_529, %add3A_530 : i32
        %get3A_532 = arith.constant 1 : i32
        %get3A_533 = arith.index_cast %get3A_532 : i32 to index
        %get3A_534 = arith.index_cast %add3A_531 : i32 to index
        %get3A_535 = tpu.vector_load %arg13[%get3A_533, %get3A_534] {strides = array<i32>} : memref<2x3072xi32, #tpu.memory_space<vmem>>, vector<16xi32>,
        %add3A_536 = arith.constant 0 : i32
        %add3A_537 = arith.addi %mul3A_405, %add3A_536 : i32
        %get3A_538 = arith.index_cast %add3A_537 : i32 to index
        %get3A_539 = tpu.vector_load %arg14[%get3A_538] {strides = array<i32>} : memref<6400xf32, #tpu.memory_space<vmem>>, vector<16xf32>,
        %add3A_540 = arith.constant 0 : i32
        %add3A_541 = arith.addi %mul3A_528, %add3A_540 : i32
        %get3A_542 = arith.constant 1 : i32
        %get3A_543 = arith.index_cast %get3A_542 : i32 to index
        %get3A_544 = arith.index_cast %add3A_541 : i32 to index
        %get3A_545 = tpu.vector_load %arg12[%get3A_543, %get3A_544] {strides = array<i32>} : memref<2x3200xf32, #tpu.memory_space<vmem>>, vector<16xf32>,
        %mul3A_546 = arith.mulf %get3A_539, %get3A_545 : vector<16xf32>
        tpu.vector_store_idx %arg11[%get3A_535], %mul3A_546 {add = true} : memref<102400xf32, #tpu.memory_space<vmem>>[vector<16xi32>], vector<16xf32>,
        %add3A_547 = arith.constant 16 : i32
        %add3A_548 = arith.addi %sub3A_529, %add3A_547 : i32
        %get3A_549 = arith.constant 1 : i32
        %get3A_550 = arith.index_cast %get3A_549 : i32 to index
        %get3A_551 = arith.index_cast %add3A_548 : i32 to index
        %get3A_552 = tpu.vector_load %arg13[%get3A_550, %get3A_551] {strides = array<i32>} : memref<2x3072xi32, #tpu.memory_space<vmem>>, vector<16xi32>,
        %add3A_553 = arith.constant 16 : i32
        %add3A_554 = arith.addi %mul3A_405, %add3A_553 : i32
        %get3A_555 = arith.index_cast %add3A_554 : i32 to index
        %get3A_556 = tpu.vector_load %arg14[%get3A_555] {strides = array<i32>} : memref<6400xf32, #tpu.memory_space<vmem>>, vector<16xf32>,
        %add3A_557 = arith.constant 16 : i32
        %add3A_558 = arith.addi %mul3A_528, %add3A_557 : i32
        %get3A_559 = arith.constant 1 : i32
        %get3A_560 = arith.index_cast %get3A_559 : i32 to index
        %get3A_561 = arith.index_cast %add3A_558 : i32 to index
        %get3A_562 = tpu.vector_load %arg12[%get3A_560, %get3A_561] {strides = array<i32>} : memref<2x3200xf32, #tpu.memory_space<vmem>>, vector<16xf32>,
        %mul3A_563 = arith.mulf %get3A_556, %get3A_562 : vector<16xf32>
        tpu.vector_store_idx %arg11[%get3A_552], %mul3A_563 {add = true} : memref<102400xf32, #tpu.memory_space<vmem>>[vector<16xi32>], vector<16xf32>,
        %add3A_564 = arith.constant 32 : i32
        %add3A_565 = arith.addi %sub3A_529, %add3A_564 : i32
        %get3A_566 = arith.constant 1 : i32
        %get3A_567 = arith.index_cast %get3A_566 : i32 to index
        %get3A_568 = arith.index_cast %add3A_565 : i32 to index
        %get3A_569 = tpu.vector_load %arg13[%get3A_567, %get3A_568] {strides = array<i32>} : memref<2x3072xi32, #tpu.memory_space<vmem>>, vector<16xi32>,
        %add3A_570 = arith.constant 32 : i32
        %add3A_571 = arith.addi %mul3A_405, %add3A_570 : i32
        %get3A_572 = arith.index_cast %add3A_571 : i32 to index
        %get3A_573 = tpu.vector_load %arg14[%get3A_572] {strides = array<i32>} : memref<6400xf32, #tpu.memory_space<vmem>>, vector<16xf32>,
        %add3A_574 = arith.constant 32 : i32
        %add3A_575 = arith.addi %mul3A_528, %add3A_574 : i32
        %get3A_576 = arith.constant 1 : i32
        %get3A_577 = arith.index_cast %get3A_576 : i32 to index
        %get3A_578 = arith.index_cast %add3A_575 : i32 to index
        %get3A_579 = tpu.vector_load %arg12[%get3A_577, %get3A_578] {strides = array<i32>} : memref<2x3200xf32, #tpu.memory_space<vmem>>, vector<16xf32>,
        %mul3A_580 = arith.mulf %get3A_573, %get3A_579 : vector<16xf32>
        tpu.vector_store_idx %arg11[%get3A_569], %mul3A_580 {add = true} : memref<102400xf32, #tpu.memory_space<vmem>>[vector<16xi32>], vector<16xf32>,
        %add3A_581 = arith.constant 48 : i32
        %add3A_582 = arith.addi %sub3A_529, %add3A_581 : i32
        %get3A_583 = arith.constant 1 : i32
        %get3A_584 = arith.index_cast %get3A_583 : i32 to index
        %get3A_585 = arith.index_cast %add3A_582 : i32 to index
        %get3A_586 = tpu.vector_load %arg13[%get3A_584, %get3A_585] {strides = array<i32>} : memref<2x3072xi32, #tpu.memory_space<vmem>>, vector<16xi32>,
        %add3A_587 = arith.constant 48 : i32
        %add3A_588 = arith.addi %mul3A_405, %add3A_587 : i32
        %get3A_589 = arith.index_cast %add3A_588 : i32 to index
        %get3A_590 = tpu.vector_load %arg14[%get3A_589] {strides = array<i32>} : memref<6400xf32, #tpu.memory_space<vmem>>, vector<16xf32>,
        %add3A_591 = arith.constant 48 : i32
        %add3A_592 = arith.addi %mul3A_528, %add3A_591 : i32
        %get3A_593 = arith.constant 1 : i32
        %get3A_594 = arith.index_cast %get3A_593 : i32 to index
        %get3A_595 = arith.index_cast %add3A_592 : i32 to index
        %get3A_596 = tpu.vector_load %arg12[%get3A_594, %get3A_595] {strides = array<i32>} : memref<2x3200xf32, #tpu.memory_space<vmem>>, vector<16xf32>,
        %mul3A_597 = arith.mulf %get3A_590, %get3A_596 : vector<16xf32>
        tpu.vector_store_idx %arg11[%get3A_586], %mul3A_597 {add = true} : memref<102400xf32, #tpu.memory_space<vmem>>[vector<16xi32>], vector<16xf32>,
        %add3A_598 = arith.constant 64 : i32
        %add3A_599 = arith.addi %sub3A_529, %add3A_598 : i32
        %get3A_600 = arith.constant 1 : i32
        %get3A_601 = arith.index_cast %get3A_600 : i32 to index
        %get3A_602 = arith.index_cast %add3A_599 : i32 to index
        %get3A_603 = tpu.vector_load %arg13[%get3A_601, %get3A_602] {strides = array<i32>} : memref<2x3072xi32, #tpu.memory_space<vmem>>, vector<16xi32>,
        %add3A_604 = arith.constant 64 : i32
        %add3A_605 = arith.addi %mul3A_405, %add3A_604 : i32
        %get3A_606 = arith.index_cast %add3A_605 : i32 to index
        %get3A_607 = tpu.vector_load %arg14[%get3A_606] {strides = array<i32>} : memref<6400xf32, #tpu.memory_space<vmem>>, vector<16xf32>,
        %add3A_608 = arith.constant 64 : i32
        %add3A_609 = arith.addi %mul3A_528, %add3A_608 : i32
        %get3A_610 = arith.constant 1 : i32
        %get3A_611 = arith.index_cast %get3A_610 : i32 to index
        %get3A_612 = arith.index_cast %add3A_609 : i32 to index
        %get3A_613 = tpu.vector_load %arg12[%get3A_611, %get3A_612] {strides = array<i32>} : memref<2x3200xf32, #tpu.memory_space<vmem>>, vector<16xf32>,
        %mul3A_614 = arith.mulf %get3A_607, %get3A_613 : vector<16xf32>
        tpu.vector_store_idx %arg11[%get3A_603], %mul3A_614 {add = true} : memref<102400xf32, #tpu.memory_space<vmem>>[vector<16xi32>], vector<16xf32>,
        %add3A_615 = arith.constant 80 : i32
        %add3A_616 = arith.addi %sub3A_529, %add3A_615 : i32
        %get3A_617 = arith.constant 1 : i32
        %get3A_618 = arith.index_cast %get3A_617 : i32 to index
        %get3A_619 = arith.index_cast %add3A_616 : i32 to index
        %get3A_620 = tpu.vector_load %arg13[%get3A_618, %get3A_619] {strides = array<i32>} : memref<2x3072xi32, #tpu.memory_space<vmem>>, vector<16xi32>,
        %add3A_621 = arith.constant 80 : i32
        %add3A_622 = arith.addi %mul3A_405, %add3A_621 : i32
        %get3A_623 = arith.index_cast %add3A_622 : i32 to index
        %get3A_624 = tpu.vector_load %arg14[%get3A_623] {strides = array<i32>} : memref<6400xf32, #tpu.memory_space<vmem>>, vector<16xf32>,
        %add3A_625 = arith.constant 80 : i32
        %add3A_626 = arith.addi %mul3A_528, %add3A_625 : i32
        %get3A_627 = arith.constant 1 : i32
        %get3A_628 = arith.index_cast %get3A_627 : i32 to index
        %get3A_629 = arith.index_cast %add3A_626 : i32 to index
        %get3A_630 = tpu.vector_load %arg12[%get3A_628, %get3A_629] {strides = array<i32>} : memref<2x3200xf32, #tpu.memory_space<vmem>>, vector<16xf32>,
        %mul3A_631 = arith.mulf %get3A_624, %get3A_630 : vector<16xf32>
        tpu.vector_store_idx %arg11[%get3A_620], %mul3A_631 {add = true} : memref<102400xf32, #tpu.memory_space<vmem>>[vector<16xi32>], vector<16xf32>,
        %add3A_632 = arith.constant 96 : i32
        %add3A_633 = arith.addi %sub3A_529, %add3A_632 : i32
        %get3A_634 = arith.constant 1 : i32
        %get3A_635 = arith.index_cast %get3A_634 : i32 to index
        %get3A_636 = arith.index_cast %add3A_633 : i32 to index
        %get3A_637 = tpu.vector_load %arg13[%get3A_635, %get3A_636] {strides = array<i32>} : memref<2x3072xi32, #tpu.memory_space<vmem>>, vector<16xi32>,
        %add3A_638 = arith.constant 96 : i32
        %add3A_639 = arith.addi %mul3A_405, %add3A_638 : i32
        %get3A_640 = arith.index_cast %add3A_639 : i32 to index
        %get3A_641 = tpu.vector_load %arg14[%get3A_640] {strides = array<i32>} : memref<6400xf32, #tpu.memory_space<vmem>>, vector<16xf32>,
        %add3A_642 = arith.constant 96 : i32
        %add3A_643 = arith.addi %mul3A_528, %add3A_642 : i32
        %get3A_644 = arith.constant 1 : i32
        %get3A_645 = arith.index_cast %get3A_644 : i32 to index
        %get3A_646 = arith.index_cast %add3A_643 : i32 to index
        %get3A_647 = tpu.vector_load %arg12[%get3A_645, %get3A_646] {strides = array<i32>} : memref<2x3200xf32, #tpu.memory_space<vmem>>, vector<16xf32>,
        %mul3A_648 = arith.mulf %get3A_641, %get3A_647 : vector<16xf32>
        tpu.vector_store_idx %arg11[%get3A_637], %mul3A_648 {add = true} : memref<102400xf32, #tpu.memory_space<vmem>>[vector<16xi32>], vector<16xf32>,
        %add3A_649 = arith.constant 112 : i32
        %add3A_650 = arith.addi %sub3A_529, %add3A_649 : i32
        %get3A_651 = arith.constant 1 : i32
        %get3A_652 = arith.index_cast %get3A_651 : i32 to index
        %get3A_653 = arith.index_cast %add3A_650 : i32 to index
        %get3A_654 = tpu.vector_load %arg13[%get3A_652, %get3A_653] {strides = array<i32>} : memref<2x3072xi32, #tpu.memory_space<vmem>>, vector<16xi32>,
        %add3A_655 = arith.constant 112 : i32
        %add3A_656 = arith.addi %mul3A_405, %add3A_655 : i32
        %get3A_657 = arith.index_cast %add3A_656 : i32 to index
        %get3A_658 = tpu.vector_load %arg14[%get3A_657] {strides = array<i32>} : memref<6400xf32, #tpu.memory_space<vmem>>, vector<16xf32>,
        %add3A_659 = arith.constant 112 : i32
        %add3A_660 = arith.addi %mul3A_528, %add3A_659 : i32
        %get3A_661 = arith.constant 1 : i32
        %get3A_662 = arith.index_cast %get3A_661 : i32 to index
        %get3A_663 = arith.index_cast %add3A_660 : i32 to index
        %get3A_664 = tpu.vector_load %arg12[%get3A_662, %get3A_663] {strides = array<i32>} : memref<2x3200xf32, #tpu.memory_space<vmem>>, vector<16xf32>,
        %mul3A_665 = arith.mulf %get3A_658, %get3A_664 : vector<16xf32>
        tpu.vector_store_idx %arg11[%get3A_654], %mul3A_665 {add = true} : memref<102400xf32, #tpu.memory_space<vmem>>[vector<16xi32>], vector<16xf32>,
        %scan3A_666 = arith.constant 0 : i32
        scf.yield %scan3A_666 : i32
      }
      %scan3A_524 = arith.constant 24 : i32
    }
    %scan3A_43 = arith.constant 25 : i32
    "tpu.region"() ({
      %run_scoped3A_188 = tpu.sem_alloc : memref<!tpu.dma_semaphore, #tpu.memory_space<semaphore_mem>>
      %dma_start3A_189 = arith.constant 0 : i32
      %dma_start3A_190 = tpu.memref_slice %arg8[%arg0, %arg1, %dma_start3A_189] : memref<2x16x102400xf32, #tpu.memory_space<hbm>> -> memref<1x1x102400xf32, #tpu.memory_space<hbm>>
      %dma_start3A_191 = tpu.memref_squeeze %dma_start3A_190 : memref<1x1x102400xf32, #tpu.memory_space<hbm>> -> memref<102400xf32, #tpu.memory_space<hbm>>
      %dma_start3A_192 = arith.constant 0 : i32
      %dma_start3A_193 = tpu.memref_slice %arg8[%arg0, %arg1, %dma_start3A_192] : memref<2x16x102400xf32, #tpu.memory_space<hbm>> -> memref<1x1x102400xf32, #tpu.memory_space<hbm>>
      %dma_start3A_194 = tpu.memref_squeeze %dma_start3A_193 : memref<1x1x102400xf32, #tpu.memory_space<hbm>> -> memref<102400xf32, #tpu.memory_space<hbm>>
      tpu.enqueue_dma source(%arg11 : memref<102400xf32, #tpu.memory_space<vmem>>) target(%dma_start3A_194 : memref<102400xf32, #tpu.memory_space<hbm>>) target_semaphore(%run_scoped3A_188 : memref<!tpu.dma_semaphore, #tpu.memory_space<semaphore_mem>>)
      %dma_wait3A = arith.constant 0 : i32
      %dma_wait3A_195 = tpu.memref_slice %arg8[%arg0, %arg1, %dma_wait3A] : memref<2x16x102400xf32, #tpu.memory_space<hbm>> -> memref<1x1x102400xf32, #tpu.memory_space<hbm>>
      %dma_wait3A_196 = tpu.memref_squeeze %dma_wait3A_195 : memref<1x1x102400xf32, #tpu.memory_space<hbm>> -> memref<102400xf32, #tpu.memory_space<hbm>>
      %dma_wait3A_197 = arith.constant 0 : i32
      %dma_wait3A_198 = tpu.memref_slice %arg8[%arg0, %arg1, %dma_wait3A_197] : memref<2x16x102400xf32, #tpu.memory_space<hbm>> -> memref<1x1x102400xf32, #tpu.memory_space<hbm>>
      %dma_wait3A_199 = tpu.memref_squeeze %dma_wait3A_198 : memref<1x1x102400xf32, #tpu.memory_space<hbm>> -> memref<102400xf32, #tpu.memory_space<hbm>>
      tpu.wait_dma2 semaphore(%run_scoped3A_188 : memref<!tpu.dma_semaphore, #tpu.memory_space<semaphore_mem>>) src(%arg11 : memref<102400xf32, #tpu.memory_space<vmem>>) dst(%dma_wait3A_199 : memref<102400xf32, #tpu.memory_space<hbm>>)
      tpu.yield
    }) : () -> ()
    %barrier3A = arith.constant 0 : index
    tpu.barrier barrier_id(%barrier3A)
    %run_scoped3A = arith.constant 0 : i32
    "tpu.region"() ({
      %run_scoped3A_188 = tpu.sem_alloc : memref<!tpu.dma_semaphore, #tpu.memory_space<semaphore_mem>>
      %dma_start3A_189 = tpu.memref_slice %arg8[%arg0, %run_scoped3A, %mul3A_0] : memref<2x16x102400xf32, #tpu.memory_space<hbm>> -> memref<1x1x6400xf32, #tpu.memory_space<hbm>>
      %dma_start3A_190 = tpu.memref_squeeze %dma_start3A_189 : memref<1x1x6400xf32, #tpu.memory_space<hbm>> -> memref<6400xf32, #tpu.memory_space<hbm>>
      %dma_start3A_191 = tpu.memref_slice %arg8[%arg0, %run_scoped3A, %mul3A_0] : memref<2x16x102400xf32, #tpu.memory_space<hbm>> -> memref<1x1x6400xf32, #tpu.memory_space<hbm>>
      %dma_start3A_192 = tpu.memref_squeeze %dma_start3A_191 : memref<1x1x6400xf32, #tpu.memory_space<hbm>> -> memref<6400xf32, #tpu.memory_space<hbm>>
      tpu.enqueue_dma source(%dma_start3A_192 : memref<6400xf32, #tpu.memory_space<hbm>>) target(%arg15 : memref<6400xf32, #tpu.memory_space<vmem>>) target_semaphore(%run_scoped3A_188 : memref<!tpu.dma_semaphore, #tpu.memory_space<semaphore_mem>>)
      %dma_wait3A = tpu.memref_slice %arg8[%arg0, %run_scoped3A, %mul3A_0] : memref<2x16x102400xf32, #tpu.memory_space<hbm>> -> memref<1x1x6400xf32, #tpu.memory_space<hbm>>
      %dma_wait3A_193 = tpu.memref_squeeze %dma_wait3A : memref<1x1x6400xf32, #tpu.memory_space<hbm>> -> memref<6400xf32, #tpu.memory_space<hbm>>
      %dma_wait3A_194 = tpu.memref_slice %arg8[%arg0, %run_scoped3A, %mul3A_0] : memref<2x16x102400xf32, #tpu.memory_space<hbm>> -> memref<1x1x6400xf32, #tpu.memory_space<hbm>>
      %dma_wait3A_195 = tpu.memref_squeeze %dma_wait3A_194 : memref<1x1x6400xf32, #tpu.memory_space<hbm>> -> memref<6400xf32, #tpu.memory_space<hbm>>
      tpu.wait_dma2 semaphore(%run_scoped3A_188 : memref<!tpu.dma_semaphore, #tpu.memory_space<semaphore_mem>>) src(%dma_wait3A_195 : memref<6400xf32, #tpu.memory_space<hbm>>) dst(%arg15 : memref<6400xf32, #tpu.memory_space<vmem>>)
      tpu.yield
    }) : () -> ()
    %add3A_44 = arith.constant 0 : i32
    %add3A_45 = arith.addi %mul3A_0, %add3A_44 : i32
    %dma_start3A_46 = arith.constant 1 : i32
    %dma_start3A_47 = arith.constant 0 : i32
    %dma_start3A_48 = arith.constant 0 : i32
    %dma_start3A_49 = tpu.memref_slice %arg12[%dma_start3A_47, %dma_start3A_48] : memref<2x3200xf32, #tpu.memory_space<vmem>> -> memref<1x1600xf32, #tpu.memory_space<vmem>>
    %dma_start3A_50 = tpu.memref_squeeze %dma_start3A_49 : memref<1x1600xf32, #tpu.memory_space<vmem>> -> memref<1600xf32, #tpu.memory_space<vmem>>
    %dma_start3A_51 = tpu.memref_slice %arg8[%arg0, %dma_start3A_46, %add3A_45] : memref<2x16x102400xf32, #tpu.memory_space<hbm>> -> memref<1x1x1600xf32, #tpu.memory_space<hbm>>
    %dma_start3A_52 = tpu.memref_squeeze %dma_start3A_51 : memref<1x1x1600xf32, #tpu.memory_space<hbm>> -> memref<1600xf32, #tpu.memory_space<hbm>>
    %dma_start3A_53 = arith.constant 0 : i32
    %dma_start3A_54 = tpu.memref_slice %arg12[%dma_start3A_47, %dma_start3A_53] : memref<2x3200xf32, #tpu.memory_space<vmem>> -> memref<1x1600xf32, #tpu.memory_space<vmem>>
    %dma_start3A_55 = tpu.memref_squeeze %dma_start3A_54 : memref<1x1600xf32, #tpu.memory_space<vmem>> -> memref<1600xf32, #tpu.memory_space<vmem>>
    %dma_start3A_56 = tpu.memref_slice %arg8[%arg0, %dma_start3A_46, %add3A_45] : memref<2x16x102400xf32, #tpu.memory_space<hbm>> -> memref<1x1x1600xf32, #tpu.memory_space<hbm>>
    %dma_start3A_57 = tpu.memref_squeeze %dma_start3A_56 : memref<1x1x1600xf32, #tpu.memory_space<hbm>> -> memref<1600xf32, #tpu.memory_space<hbm>>
    tpu.enqueue_dma source(%dma_start3A_57 : memref<1600xf32, #tpu.memory_space<hbm>>) target(%dma_start3A_55 : memref<1600xf32, #tpu.memory_space<vmem>>) target_semaphore(%arg17 : memref<!tpu.dma_semaphore, #tpu.memory_space<semaphore_mem>>)
    %add3A_58 = arith.constant 1600 : i32
    %add3A_59 = arith.addi %mul3A_0, %add3A_58 : i32
    %dma_start3A_60 = arith.constant 1 : i32
    %dma_start3A_61 = arith.constant 1 : i32
    %dma_start3A_62 = arith.constant 0 : i32
    %dma_start3A_63 = tpu.memref_slice %arg12[%dma_start3A_61, %dma_start3A_62] : memref<2x3200xf32, #tpu.memory_space<vmem>> -> memref<1x1600xf32, #tpu.memory_space<vmem>>
    %dma_start3A_64 = tpu.memref_squeeze %dma_start3A_63 : memref<1x1600xf32, #tpu.memory_space<vmem>> -> memref<1600xf32, #tpu.memory_space<vmem>>
    %dma_start3A_65 = tpu.memref_slice %arg8[%arg0, %dma_start3A_60, %add3A_59] : memref<2x16x102400xf32, #tpu.memory_space<hbm>> -> memref<1x1x1600xf32, #tpu.memory_space<hbm>>
    %dma_start3A_66 = tpu.memref_squeeze %dma_start3A_65 : memref<1x1x1600xf32, #tpu.memory_space<hbm>> -> memref<1600xf32, #tpu.memory_space<hbm>>
    %dma_start3A_67 = arith.constant 0 : i32
    %dma_start3A_68 = tpu.memref_slice %arg12[%dma_start3A_61, %dma_start3A_67] : memref<2x3200xf32, #tpu.memory_space<vmem>> -> memref<1x1600xf32, #tpu.memory_space<vmem>>
    %dma_start3A_69 = tpu.memref_squeeze %dma_start3A_68 : memref<1x1600xf32, #tpu.memory_space<vmem>> -> memref<1600xf32, #tpu.memory_space<vmem>>
    %dma_start3A_70 = tpu.memref_slice %arg8[%arg0, %dma_start3A_60, %add3A_59] : memref<2x16x102400xf32, #tpu.memory_space<hbm>> -> memref<1x1x1600xf32, #tpu.memory_space<hbm>>
    %dma_start3A_71 = tpu.memref_squeeze %dma_start3A_70 : memref<1x1x1600xf32, #tpu.memory_space<hbm>> -> memref<1600xf32, #tpu.memory_space<hbm>>
    tpu.enqueue_dma source(%dma_start3A_71 : memref<1600xf32, #tpu.memory_space<hbm>>) target(%dma_start3A_69 : memref<1600xf32, #tpu.memory_space<vmem>>) target_semaphore(%arg18 : memref<!tpu.dma_semaphore, #tpu.memory_space<semaphore_mem>>)
    %scan3A_72 = arith.constant 0 : i32
    %scan3A_73 = arith.constant 0 : i32
    %scan3A_74 = arith.constant 30 : i32
    %scan3A_75 = arith.addi %scan3A_73, %scan3A_74 : i32
    %scan3A_76 = arith.constant 1 : i32
    %scan3A_77 = scf.for %scan3A_188 = %scan3A_73 to %scan3A_75 step %scan3A_76 iter_args(%scan3A_189 = %scan3A_72) -> (i32)  : i32 {
      %mul3A_190 = arith.constant 2 : i32
      %mul3A_191 = arith.muli %mul3A_190, %scan3A_188 : i32
      %add3A_192 = arith.constant 1 : i32
      %add3A_193 = arith.addi %mul3A_191, %add3A_192 : i32
      %add3A_194 = arith.constant 2 : i32
      %add3A_195 = arith.addi %mul3A_191, %add3A_194 : i32
      %add3A_196 = arith.constant 3 : i32
      %add3A_197 = arith.addi %mul3A_191, %add3A_196 : i32
      %jit3A = arith.constant 4 : i32
      %div3A = arith.divsi %mul3A_191, %jit3A : i32
      %sign3A = arith.constant 0 : i32
      %sign3A_198 = arith.cmpi sgt, %mul3A_191, %sign3A : i32
      %sign3A_199 = arith.extui %sign3A_198 : i1 to i32
      %sign3A_200 = arith.constant 0 : i32
      %sign3A_201 = arith.cmpi slt, %mul3A_191, %sign3A_200 : i32
      %sign3A_202 = arith.extui %sign3A_201 : i1 to i32
      %sign3A_203 = arith.subi %sign3A_199, %sign3A_202 : i32
      %sign3A_204 = arith.constant 0 : i32
      %sign3A_205 = arith.cmpi sgt, %jit3A, %sign3A_204 : i32
      %sign3A_206 = arith.extui %sign3A_205 : i1 to i32
      %sign3A_207 = arith.constant 0 : i32
      %sign3A_208 = arith.cmpi slt, %jit3A, %sign3A_207 : i32
      %sign3A_209 = arith.extui %sign3A_208 : i1 to i32
      %sign3A_210 = arith.subi %sign3A_206, %sign3A_209 : i32
      %ne3A = arith.cmpi ne, %sign3A_203, %sign3A_210 : i32
      %rem3A = arith.remsi %mul3A_191, %jit3A : i32
      %ne3A_211 = arith.constant 0 : i32
      %ne3A_212 = arith.cmpi ne, %rem3A, %ne3A_211 : i32
      %and3A = arith.andi %ne3A, %ne3A_212 : i1
      %sub3A = arith.constant 1 : i32
      %sub3A_213 = arith.subi %div3A, %sub3A : i32
      %select_n3A = arith.select %and3A, %sub3A_213, %div3A : i32
      %add3A_214 = arith.constant 1 : i32
      %add3A_215 = arith.addi %select_n3A, %add3A_214 : i32
      %jit3A_216 = arith.constant 4 : i32
      %eq3A = arith.constant 0 : i32
      %eq3A_217 = arith.cmpi eq, %jit3A_216, %eq3A : i32
      %jit3A_218 = arith.constant 1 : i32
      %select_n3A_219 = arith.select %eq3A_217, %jit3A_218, %jit3A_216 : i32
      %rem3A_220 = arith.remsi %mul3A_191, %select_n3A_219 : i32
      %ne3A_221 = arith.constant 0 : i32
      %ne3A_222 = arith.cmpi ne, %rem3A_220, %ne3A_221 : i32
      %lt3A = arith.constant 0 : i32
      %lt3A_223 = arith.cmpi slt, %rem3A_220, %lt3A : i32
      %lt3A_224 = arith.constant 0 : i32
      %lt3A_225 = arith.cmpi slt, %select_n3A_219, %lt3A_224 : i32
      %ne3A_226 = arith.xori %lt3A_223, %lt3A_225 : i1
      %and3A_227 = arith.andi %ne3A_226, %ne3A_222 : i1
      %add3A_228 = arith.addi %rem3A_220, %select_n3A_219 : i32
      %select_n3A_229 = arith.select %and3A_227, %add3A_228, %rem3A_220 : i32
      %mul3A_230 = arith.constant 1600 : i32
      %mul3A_231 = arith.muli %select_n3A_229, %mul3A_230 : i32
      %add3A_232 = arith.addi %mul3A_0, %mul3A_231 : i32
      %dma_wait3A = arith.constant 0 : i32
      %dma_wait3A_233 = arith.constant 0 : i32
      %dma_wait3A_234 = tpu.memref_slice %arg12[%dma_wait3A, %dma_wait3A_233] : memref<2x3200xf32, #tpu.memory_space<vmem>> -> memref<1x1600xf32, #tpu.memory_space<vmem>>
      %dma_wait3A_235 = tpu.memref_squeeze %dma_wait3A_234 : memref<1x1600xf32, #tpu.memory_space<vmem>> -> memref<1600xf32, #tpu.memory_space<vmem>>
      %dma_wait3A_236 = tpu.memref_slice %arg8[%arg0, %add3A_215, %add3A_232] : memref<2x16x102400xf32, #tpu.memory_space<hbm>> -> memref<1x1x1600xf32, #tpu.memory_space<hbm>>
      %dma_wait3A_237 = tpu.memref_squeeze %dma_wait3A_236 : memref<1x1x1600xf32, #tpu.memory_space<hbm>> -> memref<1600xf32, #tpu.memory_space<hbm>>
      %dma_wait3A_238 = arith.constant 0 : i32
      %dma_wait3A_239 = tpu.memref_slice %arg12[%dma_wait3A, %dma_wait3A_238] : memref<2x3200xf32, #tpu.memory_space<vmem>> -> memref<1x1600xf32, #tpu.memory_space<vmem>>
      %dma_wait3A_240 = tpu.memref_squeeze %dma_wait3A_239 : memref<1x1600xf32, #tpu.memory_space<vmem>> -> memref<1600xf32, #tpu.memory_space<vmem>>
      %dma_wait3A_241 = tpu.memref_slice %arg8[%arg0, %add3A_215, %add3A_232] : memref<2x16x102400xf32, #tpu.memory_space<hbm>> -> memref<1x1x1600xf32, #tpu.memory_space<hbm>>
      %dma_wait3A_242 = tpu.memref_squeeze %dma_wait3A_241 : memref<1x1x1600xf32, #tpu.memory_space<hbm>> -> memref<1600xf32, #tpu.memory_space<hbm>>
      tpu.wait_dma2 semaphore(%arg17 : memref<!tpu.dma_semaphore, #tpu.memory_space<semaphore_mem>>) src(%dma_wait3A_242 : memref<1600xf32, #tpu.memory_space<hbm>>) dst(%dma_wait3A_240 : memref<1600xf32, #tpu.memory_space<vmem>>)
      %scan3A_243 = arith.constant 0 : i32
      %scan3A_244 = arith.constant 0 : i32
      %scan3A_245 = arith.constant 25 : i32
      %scan3A_246 = arith.addi %scan3A_244, %scan3A_245 : i32
      %scan3A_247 = arith.constant 1 : i32
      %scan3A_248 = scf.for %scan3A_322 = %scan3A_244 to %scan3A_246 step %scan3A_247 iter_args(%scan3A_323 = %scan3A_243) -> (i32)  : i32 {
        %mul3A_324 = arith.constant 4 : i32
        %mul3A_325 = arith.muli %scan3A_322, %mul3A_324 : i32
        %add3A_326 = arith.constant 0 : i32
        %add3A_327 = arith.addi %mul3A_325, %add3A_326 : i32
        %jit3A_328 = arith.constant 4 : i32
        %eq3A_329 = arith.constant 0 : i32
        %eq3A_330 = arith.cmpi eq, %jit3A_328, %eq3A_329 : i32
        %jit3A_331 = arith.constant 1 : i32
        %select_n3A_332 = arith.select %eq3A_330, %jit3A_331, %jit3A_328 : i32
        %rem3A_333 = arith.remsi %mul3A_191, %select_n3A_332 : i32
        %ne3A_334 = arith.constant 0 : i32
        %ne3A_335 = arith.cmpi ne, %rem3A_333, %ne3A_334 : i32
        %lt3A_336 = arith.constant 0 : i32
        %lt3A_337 = arith.cmpi slt, %rem3A_333, %lt3A_336 : i32
        %lt3A_338 = arith.constant 0 : i32
        %lt3A_339 = arith.cmpi slt, %select_n3A_332, %lt3A_338 : i32
        %ne3A_340 = arith.xori %lt3A_337, %lt3A_339 : i1
        %and3A_341 = arith.andi %ne3A_340, %ne3A_335 : i1
        %add3A_342 = arith.addi %rem3A_333, %select_n3A_332 : i32
        %select_n3A_343 = arith.select %and3A_341, %add3A_342, %rem3A_333 : i32
        %mul3A_344 = arith.constant 1600 : i32
        %mul3A_345 = arith.muli %select_n3A_343, %mul3A_344 : i32
        %mul3A_346 = arith.constant 16 : i32
        %mul3A_347 = arith.muli %add3A_327, %mul3A_346 : i32
        %add3A_348 = arith.addi %mul3A_345, %mul3A_347 : i32
        %get3A = arith.index_cast %add3A_348 : i32 to index
        %get3A_349 = tpu.vector_load %arg15[%get3A] {strides = array<i32>} : memref<6400xf32, #tpu.memory_space<vmem>>, vector<16xf32>,
        %mul3A_350 = arith.constant 16 : i32
        %mul3A_351 = arith.muli %add3A_327, %mul3A_350 : i32
        %get3A_352 = arith.constant 0 : i32
        %get3A_353 = arith.index_cast %get3A_352 : i32 to index
        %get3A_354 = arith.index_cast %mul3A_351 : i32 to index
        %get3A_355 = tpu.vector_load %arg12[%get3A_353, %get3A_354] {strides = array<i32>} : memref<2x3200xf32, #tpu.memory_space<vmem>>, vector<16xf32>,
        %add3A_356 = arith.addf %get3A_349, %get3A_355 : vector<16xf32>
        %swap3A_357 = arith.index_cast %add3A_348 : i32 to index
        %swap3A_358 = tpu.vector_load %arg15[%swap3A_357] {strides = array<i32>} : memref<6400xf32, #tpu.memory_space<vmem>>, vector<16xf32>,
        tpu.vector_store %arg15[%swap3A_357], %add3A_356 {strides = array<i32>} : memref<6400xf32, #tpu.memory_space<vmem>>, vector<16xf32>,
        %mul3A_359 = arith.constant 4 : i32
        %mul3A_360 = arith.muli %scan3A_322, %mul3A_359 : i32
        %add3A_361 = arith.constant 1 : i32
        %add3A_362 = arith.addi %mul3A_360, %add3A_361 : i32
        %jit3A_363 = arith.constant 4 : i32
        %eq3A_364 = arith.constant 0 : i32
        %eq3A_365 = arith.cmpi eq, %jit3A_363, %eq3A_364 : i32
        %jit3A_366 = arith.constant 1 : i32
        %select_n3A_367 = arith.select %eq3A_365, %jit3A_366, %jit3A_363 : i32
        %rem3A_368 = arith.remsi %mul3A_191, %select_n3A_367 : i32
        %ne3A_369 = arith.constant 0 : i32
        %ne3A_370 = arith.cmpi ne, %rem3A_368, %ne3A_369 : i32
        %lt3A_371 = arith.constant 0 : i32
        %lt3A_372 = arith.cmpi slt, %rem3A_368, %lt3A_371 : i32
        %lt3A_373 = arith.constant 0 : i32
        %lt3A_374 = arith.cmpi slt, %select_n3A_367, %lt3A_373 : i32
        %ne3A_375 = arith.xori %lt3A_372, %lt3A_374 : i1
        %and3A_376 = arith.andi %ne3A_375, %ne3A_370 : i1
        %add3A_377 = arith.addi %rem3A_368, %select_n3A_367 : i32
        %select_n3A_378 = arith.select %and3A_376, %add3A_377, %rem3A_368 : i32
        %mul3A_379 = arith.constant 1600 : i32
        %mul3A_380 = arith.muli %select_n3A_378, %mul3A_379 : i32
        %mul3A_381 = arith.constant 16 : i32
        %mul3A_382 = arith.muli %add3A_362, %mul3A_381 : i32
        %add3A_383 = arith.addi %mul3A_380, %mul3A_382 : i32
        %get3A_384 = arith.index_cast %add3A_383 : i32 to index
        %get3A_385 = tpu.vector_load %arg15[%get3A_384] {strides = array<i32>} : memref<6400xf32, #tpu.memory_space<vmem>>, vector<16xf32>,
        %mul3A_386 = arith.constant 16 : i32
        %mul3A_387 = arith.muli %add3A_362, %mul3A_386 : i32
        %get3A_388 = arith.constant 0 : i32
        %get3A_389 = arith.index_cast %get3A_388 : i32 to index
        %get3A_390 = arith.index_cast %mul3A_387 : i32 to index
        %get3A_391 = tpu.vector_load %arg12[%get3A_389, %get3A_390] {strides = array<i32>} : memref<2x3200xf32, #tpu.memory_space<vmem>>, vector<16xf32>,
        %add3A_392 = arith.addf %get3A_385, %get3A_391 : vector<16xf32>
        %swap3A_393 = arith.index_cast %add3A_383 : i32 to index
        %swap3A_394 = tpu.vector_load %arg15[%swap3A_393] {strides = array<i32>} : memref<6400xf32, #tpu.memory_space<vmem>>, vector<16xf32>,
        tpu.vector_store %arg15[%swap3A_393], %add3A_392 {strides = array<i32>} : memref<6400xf32, #tpu.memory_space<vmem>>, vector<16xf32>,
        %mul3A_395 = arith.constant 4 : i32
        %mul3A_396 = arith.muli %scan3A_322, %mul3A_395 : i32
        %add3A_397 = arith.constant 2 : i32
        %add3A_398 = arith.addi %mul3A_396, %add3A_397 : i32
        %jit3A_399 = arith.constant 4 : i32
        %eq3A_400 = arith.constant 0 : i32
        %eq3A_401 = arith.cmpi eq, %jit3A_399, %eq3A_400 : i32
        %jit3A_402 = arith.constant 1 : i32
        %select_n3A_403 = arith.select %eq3A_401, %jit3A_402, %jit3A_399 : i32
        %rem3A_404 = arith.remsi %mul3A_191, %select_n3A_403 : i32
        %ne3A_405 = arith.constant 0 : i32
        %ne3A_406 = arith.cmpi ne, %rem3A_404, %ne3A_405 : i32
        %lt3A_407 = arith.constant 0 : i32
        %lt3A_408 = arith.cmpi slt, %rem3A_404, %lt3A_407 : i32
        %lt3A_409 = arith.constant 0 : i32
        %lt3A_410 = arith.cmpi slt, %select_n3A_403, %lt3A_409 : i32
        %ne3A_411 = arith.xori %lt3A_408, %lt3A_410 : i1
        %and3A_412 = arith.andi %ne3A_411, %ne3A_406 : i1
        %add3A_413 = arith.addi %rem3A_404, %select_n3A_403 : i32
        %select_n3A_414 = arith.select %and3A_412, %add3A_413, %rem3A_404 : i32
        %mul3A_415 = arith.constant 1600 : i32
        %mul3A_416 = arith.muli %select_n3A_414, %mul3A_415 : i32
        %mul3A_417 = arith.constant 16 : i32
        %mul3A_418 = arith.muli %add3A_398, %mul3A_417 : i32
        %add3A_419 = arith.addi %mul3A_416, %mul3A_418 : i32
        %get3A_420 = arith.index_cast %add3A_419 : i32 to index
        %get3A_421 = tpu.vector_load %arg15[%get3A_420] {strides = array<i32>} : memref<6400xf32, #tpu.memory_space<vmem>>, vector<16xf32>,
        %mul3A_422 = arith.constant 16 : i32
        %mul3A_423 = arith.muli %add3A_398, %mul3A_422 : i32
        %get3A_424 = arith.constant 0 : i32
        %get3A_425 = arith.index_cast %get3A_424 : i32 to index
        %get3A_426 = arith.index_cast %mul3A_423 : i32 to index
        %get3A_427 = tpu.vector_load %arg12[%get3A_425, %get3A_426] {strides = array<i32>} : memref<2x3200xf32, #tpu.memory_space<vmem>>, vector<16xf32>,
        %add3A_428 = arith.addf %get3A_421, %get3A_427 : vector<16xf32>
        %swap3A_429 = arith.index_cast %add3A_419 : i32 to index
        %swap3A_430 = tpu.vector_load %arg15[%swap3A_429] {strides = array<i32>} : memref<6400xf32, #tpu.memory_space<vmem>>, vector<16xf32>,
        tpu.vector_store %arg15[%swap3A_429], %add3A_428 {strides = array<i32>} : memref<6400xf32, #tpu.memory_space<vmem>>, vector<16xf32>,
        %mul3A_431 = arith.constant 4 : i32
        %mul3A_432 = arith.muli %scan3A_322, %mul3A_431 : i32
        %add3A_433 = arith.constant 3 : i32
        %add3A_434 = arith.addi %mul3A_432, %add3A_433 : i32
        %jit3A_435 = arith.constant 4 : i32
        %eq3A_436 = arith.constant 0 : i32
        %eq3A_437 = arith.cmpi eq, %jit3A_435, %eq3A_436 : i32
        %jit3A_438 = arith.constant 1 : i32
        %select_n3A_439 = arith.select %eq3A_437, %jit3A_438, %jit3A_435 : i32
        %rem3A_440 = arith.remsi %mul3A_191, %select_n3A_439 : i32
        %ne3A_441 = arith.constant 0 : i32
        %ne3A_442 = arith.cmpi ne, %rem3A_440, %ne3A_441 : i32
        %lt3A_443 = arith.constant 0 : i32
        %lt3A_444 = arith.cmpi slt, %rem3A_440, %lt3A_443 : i32
        %lt3A_445 = arith.constant 0 : i32
        %lt3A_446 = arith.cmpi slt, %select_n3A_439, %lt3A_445 : i32
        %ne3A_447 = arith.xori %lt3A_444, %lt3A_446 : i1
        %and3A_448 = arith.andi %ne3A_447, %ne3A_442 : i1
        %add3A_449 = arith.addi %rem3A_440, %select_n3A_439 : i32
        %select_n3A_450 = arith.select %and3A_448, %add3A_449, %rem3A_440 : i32
        %mul3A_451 = arith.constant 1600 : i32
        %mul3A_452 = arith.muli %select_n3A_450, %mul3A_451 : i32
        %mul3A_453 = arith.constant 16 : i32
        %mul3A_454 = arith.muli %add3A_434, %mul3A_453 : i32
        %add3A_455 = arith.addi %mul3A_452, %mul3A_454 : i32
        %get3A_456 = arith.index_cast %add3A_455 : i32 to index
        %get3A_457 = tpu.vector_load %arg15[%get3A_456] {strides = array<i32>} : memref<6400xf32, #tpu.memory_space<vmem>>, vector<16xf32>,
        %mul3A_458 = arith.constant 16 : i32
        %mul3A_459 = arith.muli %add3A_434, %mul3A_458 : i32
        %get3A_460 = arith.constant 0 : i32
        %get3A_461 = arith.index_cast %get3A_460 : i32 to index
        %get3A_462 = arith.index_cast %mul3A_459 : i32 to index
        %get3A_463 = tpu.vector_load %arg12[%get3A_461, %get3A_462] {strides = array<i32>} : memref<2x3200xf32, #tpu.memory_space<vmem>>, vector<16xf32>,
        %add3A_464 = arith.addf %get3A_457, %get3A_463 : vector<16xf32>
        %swap3A_465 = arith.index_cast %add3A_455 : i32 to index
        %swap3A_466 = tpu.vector_load %arg15[%swap3A_465] {strides = array<i32>} : memref<6400xf32, #tpu.memory_space<vmem>>, vector<16xf32>,
        tpu.vector_store %arg15[%swap3A_465], %add3A_464 {strides = array<i32>} : memref<6400xf32, #tpu.memory_space<vmem>>, vector<16xf32>,
        %scan3A_467 = arith.constant 0 : i32
        scf.yield %scan3A_467 : i32
      }
      %scan3A_249 = arith.constant 25 : i32
      %lt3A_250 = arith.constant 60 : i32
      %lt3A_251 = arith.cmpi slt, %add3A_195, %lt3A_250 : i32
      %convert_element_type3A = arith.extui %lt3A_251 : i1 to i32
      %cond3A = arith.constant 0 : i32
      %cond3A_252 = arith.cmpi ne, %convert_element_type3A, %cond3A : i32
      scf.if %cond3A_252 {
        %jit3A_322 = arith.constant 4 : i32
        %div3A_323 = arith.divsi %add3A_195, %jit3A_322 : i32
        %sign3A_324 = arith.constant 0 : i32
        %sign3A_325 = arith.cmpi sgt, %add3A_195, %sign3A_324 : i32
        %sign3A_326 = arith.extui %sign3A_325 : i1 to i32
        %sign3A_327 = arith.constant 0 : i32
        %sign3A_328 = arith.cmpi slt, %add3A_195, %sign3A_327 : i32
        %sign3A_329 = arith.extui %sign3A_328 : i1 to i32
        %sign3A_330 = arith.subi %sign3A_326, %sign3A_329 : i32
        %sign3A_331 = arith.constant 0 : i32
        %sign3A_332 = arith.cmpi sgt, %jit3A_322, %sign3A_331 : i32
        %sign3A_333 = arith.extui %sign3A_332 : i1 to i32
        %sign3A_334 = arith.constant 0 : i32
        %sign3A_335 = arith.cmpi slt, %jit3A_322, %sign3A_334 : i32
        %sign3A_336 = arith.extui %sign3A_335 : i1 to i32
        %sign3A_337 = arith.subi %sign3A_333, %sign3A_336 : i32
        %ne3A_338 = arith.cmpi ne, %sign3A_330, %sign3A_337 : i32
        %rem3A_339 = arith.remsi %add3A_195, %jit3A_322 : i32
        %ne3A_340 = arith.constant 0 : i32
        %ne3A_341 = arith.cmpi ne, %rem3A_339, %ne3A_340 : i32
        %and3A_342 = arith.andi %ne3A_338, %ne3A_341 : i1
        %sub3A_343 = arith.constant 1 : i32
        %sub3A_344 = arith.subi %div3A_323, %sub3A_343 : i32
        %select_n3A_345 = arith.select %and3A_342, %sub3A_344, %div3A_323 : i32
        %add3A_346 = arith.constant 1 : i32
        %add3A_347 = arith.addi %select_n3A_345, %add3A_346 : i32
        %jit3A_348 = arith.constant 4 : i32
        %eq3A_349 = arith.constant 0 : i32
        %eq3A_350 = arith.cmpi eq, %jit3A_348, %eq3A_349 : i32
        %jit3A_351 = arith.constant 1 : i32
        %select_n3A_352 = arith.select %eq3A_350, %jit3A_351, %jit3A_348 : i32
        %rem3A_353 = arith.remsi %add3A_195, %select_n3A_352 : i32
        %ne3A_354 = arith.constant 0 : i32
        %ne3A_355 = arith.cmpi ne, %rem3A_353, %ne3A_354 : i32
        %lt3A_356 = arith.constant 0 : i32
        %lt3A_357 = arith.cmpi slt, %rem3A_353, %lt3A_356 : i32
        %lt3A_358 = arith.constant 0 : i32
        %lt3A_359 = arith.cmpi slt, %select_n3A_352, %lt3A_358 : i32
        %ne3A_360 = arith.xori %lt3A_357, %lt3A_359 : i1
        %and3A_361 = arith.andi %ne3A_360, %ne3A_355 : i1
        %add3A_362 = arith.addi %rem3A_353, %select_n3A_352 : i32
        %select_n3A_363 = arith.select %and3A_361, %add3A_362, %rem3A_353 : i32
        %mul3A_364 = arith.constant 1600 : i32
        %mul3A_365 = arith.muli %select_n3A_363, %mul3A_364 : i32
        %add3A_366 = arith.addi %mul3A_0, %mul3A_365 : i32
        %dma_start3A_367 = arith.constant 0 : i32
        %dma_start3A_368 = arith.constant 0 : i32
        %dma_start3A_369 = tpu.memref_slice %arg12[%dma_start3A_367, %dma_start3A_368] : memref<2x3200xf32, #tpu.memory_space<vmem>> -> memref<1x1600xf32, #tpu.memory_space<vmem>>
        %dma_start3A_370 = tpu.memref_squeeze %dma_start3A_369 : memref<1x1600xf32, #tpu.memory_space<vmem>> -> memref<1600xf32, #tpu.memory_space<vmem>>
        %dma_start3A_371 = tpu.memref_slice %arg8[%arg0, %add3A_347, %add3A_366] : memref<2x16x102400xf32, #tpu.memory_space<hbm>> -> memref<1x1x1600xf32, #tpu.memory_space<hbm>>
        %dma_start3A_372 = tpu.memref_squeeze %dma_start3A_371 : memref<1x1x1600xf32, #tpu.memory_space<hbm>> -> memref<1600xf32, #tpu.memory_space<hbm>>
        %dma_start3A_373 = arith.constant 0 : i32
        %dma_start3A_374 = tpu.memref_slice %arg12[%dma_start3A_367, %dma_start3A_373] : memref<2x3200xf32, #tpu.memory_space<vmem>> -> memref<1x1600xf32, #tpu.memory_space<vmem>>
        %dma_start3A_375 = tpu.memref_squeeze %dma_start3A_374 : memref<1x1600xf32, #tpu.memory_space<vmem>> -> memref<1600xf32, #tpu.memory_space<vmem>>
        %dma_start3A_376 = tpu.memref_slice %arg8[%arg0, %add3A_347, %add3A_366] : memref<2x16x102400xf32, #tpu.memory_space<hbm>> -> memref<1x1x1600xf32, #tpu.memory_space<hbm>>
        %dma_start3A_377 = tpu.memref_squeeze %dma_start3A_376 : memref<1x1x1600xf32, #tpu.memory_space<hbm>> -> memref<1600xf32, #tpu.memory_space<hbm>>
        tpu.enqueue_dma source(%dma_start3A_377 : memref<1600xf32, #tpu.memory_space<hbm>>) target(%dma_start3A_375 : memref<1600xf32, #tpu.memory_space<vmem>>) target_semaphore(%arg17 : memref<!tpu.dma_semaphore, #tpu.memory_space<semaphore_mem>>)
      } else {
      }
      %jit3A_253 = arith.constant 4 : i32
      %div3A_254 = arith.divsi %add3A_193, %jit3A_253 : i32
      %sign3A_255 = arith.constant 0 : i32
      %sign3A_256 = arith.cmpi sgt, %add3A_193, %sign3A_255 : i32
      %sign3A_257 = arith.extui %sign3A_256 : i1 to i32
      %sign3A_258 = arith.constant 0 : i32
      %sign3A_259 = arith.cmpi slt, %add3A_193, %sign3A_258 : i32
      %sign3A_260 = arith.extui %sign3A_259 : i1 to i32
      %sign3A_261 = arith.subi %sign3A_257, %sign3A_260 : i32
      %sign3A_262 = arith.constant 0 : i32
      %sign3A_263 = arith.cmpi sgt, %jit3A_253, %sign3A_262 : i32
      %sign3A_264 = arith.extui %sign3A_263 : i1 to i32
      %sign3A_265 = arith.constant 0 : i32
      %sign3A_266 = arith.cmpi slt, %jit3A_253, %sign3A_265 : i32
      %sign3A_267 = arith.extui %sign3A_266 : i1 to i32
      %sign3A_268 = arith.subi %sign3A_264, %sign3A_267 : i32
      %ne3A_269 = arith.cmpi ne, %sign3A_261, %sign3A_268 : i32
      %rem3A_270 = arith.remsi %add3A_193, %jit3A_253 : i32
      %ne3A_271 = arith.constant 0 : i32
      %ne3A_272 = arith.cmpi ne, %rem3A_270, %ne3A_271 : i32
      %and3A_273 = arith.andi %ne3A_269, %ne3A_272 : i1
      %sub3A_274 = arith.constant 1 : i32
      %sub3A_275 = arith.subi %div3A_254, %sub3A_274 : i32
      %select_n3A_276 = arith.select %and3A_273, %sub3A_275, %div3A_254 : i32
      %add3A_277 = arith.constant 1 : i32
      %add3A_278 = arith.addi %select_n3A_276, %add3A_277 : i32
      %jit3A_279 = arith.constant 4 : i32
      %eq3A_280 = arith.constant 0 : i32
      %eq3A_281 = arith.cmpi eq, %jit3A_279, %eq3A_280 : i32
      %jit3A_282 = arith.constant 1 : i32
      %select_n3A_283 = arith.select %eq3A_281, %jit3A_282, %jit3A_279 : i32
      %rem3A_284 = arith.remsi %add3A_193, %select_n3A_283 : i32
      %ne3A_285 = arith.constant 0 : i32
      %ne3A_286 = arith.cmpi ne, %rem3A_284, %ne3A_285 : i32
      %lt3A_287 = arith.constant 0 : i32
      %lt3A_288 = arith.cmpi slt, %rem3A_284, %lt3A_287 : i32
      %lt3A_289 = arith.constant 0 : i32
      %lt3A_290 = arith.cmpi slt, %select_n3A_283, %lt3A_289 : i32
      %ne3A_291 = arith.xori %lt3A_288, %lt3A_290 : i1
      %and3A_292 = arith.andi %ne3A_291, %ne3A_286 : i1
      %add3A_293 = arith.addi %rem3A_284, %select_n3A_283 : i32
      %select_n3A_294 = arith.select %and3A_292, %add3A_293, %rem3A_284 : i32
      %mul3A_295 = arith.constant 1600 : i32
      %mul3A_296 = arith.muli %select_n3A_294, %mul3A_295 : i32
      %add3A_297 = arith.addi %mul3A_0, %mul3A_296 : i32
      %dma_wait3A_298 = arith.constant 1 : i32
      %dma_wait3A_299 = arith.constant 0 : i32
      %dma_wait3A_300 = tpu.memref_slice %arg12[%dma_wait3A_298, %dma_wait3A_299] : memref<2x3200xf32, #tpu.memory_space<vmem>> -> memref<1x1600xf32, #tpu.memory_space<vmem>>
      %dma_wait3A_301 = tpu.memref_squeeze %dma_wait3A_300 : memref<1x1600xf32, #tpu.memory_space<vmem>> -> memref<1600xf32, #tpu.memory_space<vmem>>
      %dma_wait3A_302 = tpu.memref_slice %arg8[%arg0, %add3A_278, %add3A_297] : memref<2x16x102400xf32, #tpu.memory_space<hbm>> -> memref<1x1x1600xf32, #tpu.memory_space<hbm>>
      %dma_wait3A_303 = tpu.memref_squeeze %dma_wait3A_302 : memref<1x1x1600xf32, #tpu.memory_space<hbm>> -> memref<1600xf32, #tpu.memory_space<hbm>>
      %dma_wait3A_304 = arith.constant 0 : i32
      %dma_wait3A_305 = tpu.memref_slice %arg12[%dma_wait3A_298, %dma_wait3A_304] : memref<2x3200xf32, #tpu.memory_space<vmem>> -> memref<1x1600xf32, #tpu.memory_space<vmem>>
      %dma_wait3A_306 = tpu.memref_squeeze %dma_wait3A_305 : memref<1x1600xf32, #tpu.memory_space<vmem>> -> memref<1600xf32, #tpu.memory_space<vmem>>
      %dma_wait3A_307 = tpu.memref_slice %arg8[%arg0, %add3A_278, %add3A_297] : memref<2x16x102400xf32, #tpu.memory_space<hbm>> -> memref<1x1x1600xf32, #tpu.memory_space<hbm>>
      %dma_wait3A_308 = tpu.memref_squeeze %dma_wait3A_307 : memref<1x1x1600xf32, #tpu.memory_space<hbm>> -> memref<1600xf32, #tpu.memory_space<hbm>>
      tpu.wait_dma2 semaphore(%arg18 : memref<!tpu.dma_semaphore, #tpu.memory_space<semaphore_mem>>) src(%dma_wait3A_308 : memref<1600xf32, #tpu.memory_space<hbm>>) dst(%dma_wait3A_306 : memref<1600xf32, #tpu.memory_space<vmem>>)
      %scan3A_309 = arith.constant 0 : i32
      %scan3A_310 = arith.constant 0 : i32
      %scan3A_311 = arith.constant 25 : i32
      %scan3A_312 = arith.addi %scan3A_310, %scan3A_311 : i32
      %scan3A_313 = arith.constant 1 : i32
      %scan3A_314 = scf.for %scan3A_322 = %scan3A_310 to %scan3A_312 step %scan3A_313 iter_args(%scan3A_323 = %scan3A_309) -> (i32)  : i32 {
        %mul3A_324 = arith.constant 4 : i32
        %mul3A_325 = arith.muli %scan3A_322, %mul3A_324 : i32
        %add3A_326 = arith.constant 0 : i32
        %add3A_327 = arith.addi %mul3A_325, %add3A_326 : i32
        %jit3A_328 = arith.constant 4 : i32
        %eq3A_329 = arith.constant 0 : i32
        %eq3A_330 = arith.cmpi eq, %jit3A_328, %eq3A_329 : i32
        %jit3A_331 = arith.constant 1 : i32
        %select_n3A_332 = arith.select %eq3A_330, %jit3A_331, %jit3A_328 : i32
        %rem3A_333 = arith.remsi %add3A_193, %select_n3A_332 : i32
        %ne3A_334 = arith.constant 0 : i32
        %ne3A_335 = arith.cmpi ne, %rem3A_333, %ne3A_334 : i32
        %lt3A_336 = arith.constant 0 : i32
        %lt3A_337 = arith.cmpi slt, %rem3A_333, %lt3A_336 : i32
        %lt3A_338 = arith.constant 0 : i32
        %lt3A_339 = arith.cmpi slt, %select_n3A_332, %lt3A_338 : i32
        %ne3A_340 = arith.xori %lt3A_337, %lt3A_339 : i1
        %and3A_341 = arith.andi %ne3A_340, %ne3A_335 : i1
        %add3A_342 = arith.addi %rem3A_333, %select_n3A_332 : i32
        %select_n3A_343 = arith.select %and3A_341, %add3A_342, %rem3A_333 : i32
        %mul3A_344 = arith.constant 1600 : i32
        %mul3A_345 = arith.muli %select_n3A_343, %mul3A_344 : i32
        %mul3A_346 = arith.constant 16 : i32
        %mul3A_347 = arith.muli %add3A_327, %mul3A_346 : i32
        %add3A_348 = arith.addi %mul3A_345, %mul3A_347 : i32
        %get3A = arith.index_cast %add3A_348 : i32 to index
        %get3A_349 = tpu.vector_load %arg15[%get3A] {strides = array<i32>} : memref<6400xf32, #tpu.memory_space<vmem>>, vector<16xf32>,
        %mul3A_350 = arith.constant 16 : i32
        %mul3A_351 = arith.muli %add3A_327, %mul3A_350 : i32
        %get3A_352 = arith.constant 1 : i32
        %get3A_353 = arith.index_cast %get3A_352 : i32 to index
        %get3A_354 = arith.index_cast %mul3A_351 : i32 to index
        %get3A_355 = tpu.vector_load %arg12[%get3A_353, %get3A_354] {strides = array<i32>} : memref<2x3200xf32, #tpu.memory_space<vmem>>, vector<16xf32>,
        %add3A_356 = arith.addf %get3A_349, %get3A_355 : vector<16xf32>
        %swap3A_357 = arith.index_cast %add3A_348 : i32 to index
        %swap3A_358 = tpu.vector_load %arg15[%swap3A_357] {strides = array<i32>} : memref<6400xf32, #tpu.memory_space<vmem>>, vector<16xf32>,
        tpu.vector_store %arg15[%swap3A_357], %add3A_356 {strides = array<i32>} : memref<6400xf32, #tpu.memory_space<vmem>>, vector<16xf32>,
        %mul3A_359 = arith.constant 4 : i32
        %mul3A_360 = arith.muli %scan3A_322, %mul3A_359 : i32
        %add3A_361 = arith.constant 1 : i32
        %add3A_362 = arith.addi %mul3A_360, %add3A_361 : i32
        %jit3A_363 = arith.constant 4 : i32
        %eq3A_364 = arith.constant 0 : i32
        %eq3A_365 = arith.cmpi eq, %jit3A_363, %eq3A_364 : i32
        %jit3A_366 = arith.constant 1 : i32
        %select_n3A_367 = arith.select %eq3A_365, %jit3A_366, %jit3A_363 : i32
        %rem3A_368 = arith.remsi %add3A_193, %select_n3A_367 : i32
        %ne3A_369 = arith.constant 0 : i32
        %ne3A_370 = arith.cmpi ne, %rem3A_368, %ne3A_369 : i32
        %lt3A_371 = arith.constant 0 : i32
        %lt3A_372 = arith.cmpi slt, %rem3A_368, %lt3A_371 : i32
        %lt3A_373 = arith.constant 0 : i32
        %lt3A_374 = arith.cmpi slt, %select_n3A_367, %lt3A_373 : i32
        %ne3A_375 = arith.xori %lt3A_372, %lt3A_374 : i1
        %and3A_376 = arith.andi %ne3A_375, %ne3A_370 : i1
        %add3A_377 = arith.addi %rem3A_368, %select_n3A_367 : i32
        %select_n3A_378 = arith.select %and3A_376, %add3A_377, %rem3A_368 : i32
        %mul3A_379 = arith.constant 1600 : i32
        %mul3A_380 = arith.muli %select_n3A_378, %mul3A_379 : i32
        %mul3A_381 = arith.constant 16 : i32
        %mul3A_382 = arith.muli %add3A_362, %mul3A_381 : i32
        %add3A_383 = arith.addi %mul3A_380, %mul3A_382 : i32
        %get3A_384 = arith.index_cast %add3A_383 : i32 to index
        %get3A_385 = tpu.vector_load %arg15[%get3A_384] {strides = array<i32>} : memref<6400xf32, #tpu.memory_space<vmem>>, vector<16xf32>,
        %mul3A_386 = arith.constant 16 : i32
        %mul3A_387 = arith.muli %add3A_362, %mul3A_386 : i32
        %get3A_388 = arith.constant 1 : i32
        %get3A_389 = arith.index_cast %get3A_388 : i32 to index
        %get3A_390 = arith.index_cast %mul3A_387 : i32 to index
        %get3A_391 = tpu.vector_load %arg12[%get3A_389, %get3A_390] {strides = array<i32>} : memref<2x3200xf32, #tpu.memory_space<vmem>>, vector<16xf32>,
        %add3A_392 = arith.addf %get3A_385, %get3A_391 : vector<16xf32>
        %swap3A_393 = arith.index_cast %add3A_383 : i32 to index
        %swap3A_394 = tpu.vector_load %arg15[%swap3A_393] {strides = array<i32>} : memref<6400xf32, #tpu.memory_space<vmem>>, vector<16xf32>,
        tpu.vector_store %arg15[%swap3A_393], %add3A_392 {strides = array<i32>} : memref<6400xf32, #tpu.memory_space<vmem>>, vector<16xf32>,
        %mul3A_395 = arith.constant 4 : i32
        %mul3A_396 = arith.muli %scan3A_322, %mul3A_395 : i32
        %add3A_397 = arith.constant 2 : i32
        %add3A_398 = arith.addi %mul3A_396, %add3A_397 : i32
        %jit3A_399 = arith.constant 4 : i32
        %eq3A_400 = arith.constant 0 : i32
        %eq3A_401 = arith.cmpi eq, %jit3A_399, %eq3A_400 : i32
        %jit3A_402 = arith.constant 1 : i32
        %select_n3A_403 = arith.select %eq3A_401, %jit3A_402, %jit3A_399 : i32
        %rem3A_404 = arith.remsi %add3A_193, %select_n3A_403 : i32
        %ne3A_405 = arith.constant 0 : i32
        %ne3A_406 = arith.cmpi ne, %rem3A_404, %ne3A_405 : i32
        %lt3A_407 = arith.constant 0 : i32
        %lt3A_408 = arith.cmpi slt, %rem3A_404, %lt3A_407 : i32
        %lt3A_409 = arith.constant 0 : i32
        %lt3A_410 = arith.cmpi slt, %select_n3A_403, %lt3A_409 : i32
        %ne3A_411 = arith.xori %lt3A_408, %lt3A_410 : i1
        %and3A_412 = arith.andi %ne3A_411, %ne3A_406 : i1
        %add3A_413 = arith.addi %rem3A_404, %select_n3A_403 : i32
        %select_n3A_414 = arith.select %and3A_412, %add3A_413, %rem3A_404 : i32
        %mul3A_415 = arith.constant 1600 : i32
        %mul3A_416 = arith.muli %select_n3A_414, %mul3A_415 : i32
        %mul3A_417 = arith.constant 16 : i32
        %mul3A_418 = arith.muli %add3A_398, %mul3A_417 : i32
        %add3A_419 = arith.addi %mul3A_416, %mul3A_418 : i32
        %get3A_420 = arith.index_cast %add3A_419 : i32 to index
        %get3A_421 = tpu.vector_load %arg15[%get3A_420] {strides = array<i32>} : memref<6400xf32, #tpu.memory_space<vmem>>, vector<16xf32>,
        %mul3A_422 = arith.constant 16 : i32
        %mul3A_423 = arith.muli %add3A_398, %mul3A_422 : i32
        %get3A_424 = arith.constant 1 : i32
        %get3A_425 = arith.index_cast %get3A_424 : i32 to index
        %get3A_426 = arith.index_cast %mul3A_423 : i32 to index
        %get3A_427 = tpu.vector_load %arg12[%get3A_425, %get3A_426] {strides = array<i32>} : memref<2x3200xf32, #tpu.memory_space<vmem>>, vector<16xf32>,
        %add3A_428 = arith.addf %get3A_421, %get3A_427 : vector<16xf32>
        %swap3A_429 = arith.index_cast %add3A_419 : i32 to index
        %swap3A_430 = tpu.vector_load %arg15[%swap3A_429] {strides = array<i32>} : memref<6400xf32, #tpu.memory_space<vmem>>, vector<16xf32>,
        tpu.vector_store %arg15[%swap3A_429], %add3A_428 {strides = array<i32>} : memref<6400xf32, #tpu.memory_space<vmem>>, vector<16xf32>,
        %mul3A_431 = arith.constant 4 : i32
        %mul3A_432 = arith.muli %scan3A_322, %mul3A_431 : i32
        %add3A_433 = arith.constant 3 : i32
        %add3A_434 = arith.addi %mul3A_432, %add3A_433 : i32
        %jit3A_435 = arith.constant 4 : i32
        %eq3A_436 = arith.constant 0 : i32
        %eq3A_437 = arith.cmpi eq, %jit3A_435, %eq3A_436 : i32
        %jit3A_438 = arith.constant 1 : i32
        %select_n3A_439 = arith.select %eq3A_437, %jit3A_438, %jit3A_435 : i32
        %rem3A_440 = arith.remsi %add3A_193, %select_n3A_439 : i32
        %ne3A_441 = arith.constant 0 : i32
        %ne3A_442 = arith.cmpi ne, %rem3A_440, %ne3A_441 : i32
        %lt3A_443 = arith.constant 0 : i32
        %lt3A_444 = arith.cmpi slt, %rem3A_440, %lt3A_443 : i32
        %lt3A_445 = arith.constant 0 : i32
        %lt3A_446 = arith.cmpi slt, %select_n3A_439, %lt3A_445 : i32
        %ne3A_447 = arith.xori %lt3A_444, %lt3A_446 : i1
        %and3A_448 = arith.andi %ne3A_447, %ne3A_442 : i1
        %add3A_449 = arith.addi %rem3A_440, %select_n3A_439 : i32
        %select_n3A_450 = arith.select %and3A_448, %add3A_449, %rem3A_440 : i32
        %mul3A_451 = arith.constant 1600 : i32
        %mul3A_452 = arith.muli %select_n3A_450, %mul3A_451 : i32
        %mul3A_453 = arith.constant 16 : i32
        %mul3A_454 = arith.muli %add3A_434, %mul3A_453 : i32
        %add3A_455 = arith.addi %mul3A_452, %mul3A_454 : i32
        %get3A_456 = arith.index_cast %add3A_455 : i32 to index
        %get3A_457 = tpu.vector_load %arg15[%get3A_456] {strides = array<i32>} : memref<6400xf32, #tpu.memory_space<vmem>>, vector<16xf32>,
        %mul3A_458 = arith.constant 16 : i32
        %mul3A_459 = arith.muli %add3A_434, %mul3A_458 : i32
        %get3A_460 = arith.constant 1 : i32
        %get3A_461 = arith.index_cast %get3A_460 : i32 to index
        %get3A_462 = arith.index_cast %mul3A_459 : i32 to index
        %get3A_463 = tpu.vector_load %arg12[%get3A_461, %get3A_462] {strides = array<i32>} : memref<2x3200xf32, #tpu.memory_space<vmem>>, vector<16xf32>,
        %add3A_464 = arith.addf %get3A_457, %get3A_463 : vector<16xf32>
        %swap3A_465 = arith.index_cast %add3A_455 : i32 to index
        %swap3A_466 = tpu.vector_load %arg15[%swap3A_465] {strides = array<i32>} : memref<6400xf32, #tpu.memory_space<vmem>>, vector<16xf32>,
        tpu.vector_store %arg15[%swap3A_465], %add3A_464 {strides = array<i32>} : memref<6400xf32, #tpu.memory_space<vmem>>, vector<16xf32>,
        %scan3A_467 = arith.constant 0 : i32
        scf.yield %scan3A_467 : i32
      }
      %scan3A_315 = arith.constant 25 : i32
      %lt3A_316 = arith.constant 60 : i32
      %lt3A_317 = arith.cmpi slt, %add3A_197, %lt3A_316 : i32
      %convert_element_type3A_318 = arith.extui %lt3A_317 : i1 to i32
      %cond3A_319 = arith.constant 0 : i32
      %cond3A_320 = arith.cmpi ne, %convert_element_type3A_318, %cond3A_319 : i32
      scf.if %cond3A_320 {
        %jit3A_322 = arith.constant 4 : i32
        %div3A_323 = arith.divsi %add3A_197, %jit3A_322 : i32
        %sign3A_324 = arith.constant 0 : i32
        %sign3A_325 = arith.cmpi sgt, %add3A_197, %sign3A_324 : i32
        %sign3A_326 = arith.extui %sign3A_325 : i1 to i32
        %sign3A_327 = arith.constant 0 : i32
        %sign3A_328 = arith.cmpi slt, %add3A_197, %sign3A_327 : i32
        %sign3A_329 = arith.extui %sign3A_328 : i1 to i32
        %sign3A_330 = arith.subi %sign3A_326, %sign3A_329 : i32
        %sign3A_331 = arith.constant 0 : i32
        %sign3A_332 = arith.cmpi sgt, %jit3A_322, %sign3A_331 : i32
        %sign3A_333 = arith.extui %sign3A_332 : i1 to i32
        %sign3A_334 = arith.constant 0 : i32
        %sign3A_335 = arith.cmpi slt, %jit3A_322, %sign3A_334 : i32
        %sign3A_336 = arith.extui %sign3A_335 : i1 to i32
        %sign3A_337 = arith.subi %sign3A_333, %sign3A_336 : i32
        %ne3A_338 = arith.cmpi ne, %sign3A_330, %sign3A_337 : i32
        %rem3A_339 = arith.remsi %add3A_197, %jit3A_322 : i32
        %ne3A_340 = arith.constant 0 : i32
        %ne3A_341 = arith.cmpi ne, %rem3A_339, %ne3A_340 : i32
        %and3A_342 = arith.andi %ne3A_338, %ne3A_341 : i1
        %sub3A_343 = arith.constant 1 : i32
        %sub3A_344 = arith.subi %div3A_323, %sub3A_343 : i32
        %select_n3A_345 = arith.select %and3A_342, %sub3A_344, %div3A_323 : i32
        %add3A_346 = arith.constant 1 : i32
        %add3A_347 = arith.addi %select_n3A_345, %add3A_346 : i32
        %jit3A_348 = arith.constant 4 : i32
        %eq3A_349 = arith.constant 0 : i32
        %eq3A_350 = arith.cmpi eq, %jit3A_348, %eq3A_349 : i32
        %jit3A_351 = arith.constant 1 : i32
        %select_n3A_352 = arith.select %eq3A_350, %jit3A_351, %jit3A_348 : i32
        %rem3A_353 = arith.remsi %add3A_197, %select_n3A_352 : i32
        %ne3A_354 = arith.constant 0 : i32
        %ne3A_355 = arith.cmpi ne, %rem3A_353, %ne3A_354 : i32
        %lt3A_356 = arith.constant 0 : i32
        %lt3A_357 = arith.cmpi slt, %rem3A_353, %lt3A_356 : i32
        %lt3A_358 = arith.constant 0 : i32
        %lt3A_359 = arith.cmpi slt, %select_n3A_352, %lt3A_358 : i32
        %ne3A_360 = arith.xori %lt3A_357, %lt3A_359 : i1
        %and3A_361 = arith.andi %ne3A_360, %ne3A_355 : i1
        %add3A_362 = arith.addi %rem3A_353, %select_n3A_352 : i32
        %select_n3A_363 = arith.select %and3A_361, %add3A_362, %rem3A_353 : i32
        %mul3A_364 = arith.constant 1600 : i32
        %mul3A_365 = arith.muli %select_n3A_363, %mul3A_364 : i32
        %add3A_366 = arith.addi %mul3A_0, %mul3A_365 : i32
        %dma_start3A_367 = arith.constant 1 : i32
        %dma_start3A_368 = arith.constant 0 : i32
        %dma_start3A_369 = tpu.memref_slice %arg12[%dma_start3A_367, %dma_start3A_368] : memref<2x3200xf32, #tpu.memory_space<vmem>> -> memref<1x1600xf32, #tpu.memory_space<vmem>>
        %dma_start3A_370 = tpu.memref_squeeze %dma_start3A_369 : memref<1x1600xf32, #tpu.memory_space<vmem>> -> memref<1600xf32, #tpu.memory_space<vmem>>
        %dma_start3A_371 = tpu.memref_slice %arg8[%arg0, %add3A_347, %add3A_366] : memref<2x16x102400xf32, #tpu.memory_space<hbm>> -> memref<1x1x1600xf32, #tpu.memory_space<hbm>>
        %dma_start3A_372 = tpu.memref_squeeze %dma_start3A_371 : memref<1x1x1600xf32, #tpu.memory_space<hbm>> -> memref<1600xf32, #tpu.memory_space<hbm>>
        %dma_start3A_373 = arith.constant 0 : i32
        %dma_start3A_374 = tpu.memref_slice %arg12[%dma_start3A_367, %dma_start3A_373] : memref<2x3200xf32, #tpu.memory_space<vmem>> -> memref<1x1600xf32, #tpu.memory_space<vmem>>
        %dma_start3A_375 = tpu.memref_squeeze %dma_start3A_374 : memref<1x1600xf32, #tpu.memory_space<vmem>> -> memref<1600xf32, #tpu.memory_space<vmem>>
        %dma_start3A_376 = tpu.memref_slice %arg8[%arg0, %add3A_347, %add3A_366] : memref<2x16x102400xf32, #tpu.memory_space<hbm>> -> memref<1x1x1600xf32, #tpu.memory_space<hbm>>
        %dma_start3A_377 = tpu.memref_squeeze %dma_start3A_376 : memref<1x1x1600xf32, #tpu.memory_space<hbm>> -> memref<1600xf32, #tpu.memory_space<hbm>>
        tpu.enqueue_dma source(%dma_start3A_377 : memref<1600xf32, #tpu.memory_space<hbm>>) target(%dma_start3A_375 : memref<1600xf32, #tpu.memory_space<vmem>>) target_semaphore(%arg18 : memref<!tpu.dma_semaphore, #tpu.memory_space<semaphore_mem>>)
      } else {
      }
      %scan3A_321 = arith.constant 0 : i32
      scf.yield %scan3A_321 : i32
    }
    %scan3A_78 = arith.constant 30 : i32
    "tpu.region"() ({
      %run_scoped3A_188 = tpu.sem_alloc : memref<!tpu.dma_semaphore, #tpu.memory_space<semaphore_mem>>
      %dma_start3A_189 = tpu.memref_slice %arg9[%arg0, %mul3A_0] : memref<2x102400xf32, #tpu.memory_space<hbm>> -> memref<1x6400xf32, #tpu.memory_space<hbm>>
      %dma_start3A_190 = tpu.memref_squeeze %dma_start3A_189 : memref<1x6400xf32, #tpu.memory_space<hbm>> -> memref<6400xf32, #tpu.memory_space<hbm>>
      %dma_start3A_191 = tpu.memref_slice %arg9[%arg0, %mul3A_0] : memref<2x102400xf32, #tpu.memory_space<hbm>> -> memref<1x6400xf32, #tpu.memory_space<hbm>>
      %dma_start3A_192 = tpu.memref_squeeze %dma_start3A_191 : memref<1x6400xf32, #tpu.memory_space<hbm>> -> memref<6400xf32, #tpu.memory_space<hbm>>
      tpu.enqueue_dma source(%arg15 : memref<6400xf32, #tpu.memory_space<vmem>>) target(%dma_start3A_192 : memref<6400xf32, #tpu.memory_space<hbm>>) target_semaphore(%run_scoped3A_188 : memref<!tpu.dma_semaphore, #tpu.memory_space<semaphore_mem>>)
      %dma_wait3A = tpu.memref_slice %arg9[%arg0, %mul3A_0] : memref<2x102400xf32, #tpu.memory_space<hbm>> -> memref<1x6400xf32, #tpu.memory_space<hbm>>
      %dma_wait3A_193 = tpu.memref_squeeze %dma_wait3A : memref<1x6400xf32, #tpu.memory_space<hbm>> -> memref<6400xf32, #tpu.memory_space<hbm>>
      %dma_wait3A_194 = tpu.memref_slice %arg9[%arg0, %mul3A_0] : memref<2x102400xf32, #tpu.memory_space<hbm>> -> memref<1x6400xf32, #tpu.memory_space<hbm>>
      %dma_wait3A_195 = tpu.memref_squeeze %dma_wait3A_194 : memref<1x6400xf32, #tpu.memory_space<hbm>> -> memref<6400xf32, #tpu.memory_space<hbm>>
      tpu.wait_dma2 semaphore(%run_scoped3A_188 : memref<!tpu.dma_semaphore, #tpu.memory_space<semaphore_mem>>) src(%arg15 : memref<6400xf32, #tpu.memory_space<vmem>>) dst(%dma_wait3A_195 : memref<6400xf32, #tpu.memory_space<hbm>>)
      tpu.yield
    }) : () -> ()
    %barrier3A_79 = arith.constant 0 : index
    tpu.barrier barrier_id(%barrier3A_79)
    "tpu.region"() ({
      %run_scoped3A_188 = tpu.sem_alloc : memref<!tpu.dma_semaphore, #tpu.memory_space<semaphore_mem>>
      %dma_start3A_189 = arith.constant 0 : i32
      %dma_start3A_190 = tpu.memref_slice %arg9[%arg0, %dma_start3A_189] : memref<2x102400xf32, #tpu.memory_space<hbm>> -> memref<1x102400xf32, #tpu.memory_space<hbm>>
      %dma_start3A_191 = tpu.memref_squeeze %dma_start3A_190 : memref<1x102400xf32, #tpu.memory_space<hbm>> -> memref<102400xf32, #tpu.memory_space<hbm>>
      %dma_start3A_192 = arith.constant 0 : i32
      %dma_start3A_193 = tpu.memref_slice %arg9[%arg0, %dma_start3A_192] : memref<2x102400xf32, #tpu.memory_space<hbm>> -> memref<1x102400xf32, #tpu.memory_space<hbm>>
      %dma_start3A_194 = tpu.memref_squeeze %dma_start3A_193 : memref<1x102400xf32, #tpu.memory_space<hbm>> -> memref<102400xf32, #tpu.memory_space<hbm>>
      tpu.enqueue_dma source(%dma_start3A_194 : memref<102400xf32, #tpu.memory_space<hbm>>) target(%arg11 : memref<102400xf32, #tpu.memory_space<vmem>>) target_semaphore(%run_scoped3A_188 : memref<!tpu.dma_semaphore, #tpu.memory_space<semaphore_mem>>)
      %dma_wait3A = arith.constant 0 : i32
      %dma_wait3A_195 = tpu.memref_slice %arg9[%arg0, %dma_wait3A] : memref<2x102400xf32, #tpu.memory_space<hbm>> -> memref<1x102400xf32, #tpu.memory_space<hbm>>
      %dma_wait3A_196 = tpu.memref_squeeze %dma_wait3A_195 : memref<1x102400xf32, #tpu.memory_space<hbm>> -> memref<102400xf32, #tpu.memory_space<hbm>>
      %dma_wait3A_197 = arith.constant 0 : i32
      %dma_wait3A_198 = tpu.memref_slice %arg9[%arg0, %dma_wait3A_197] : memref<2x102400xf32, #tpu.memory_space<hbm>> -> memref<1x102400xf32, #tpu.memory_space<hbm>>
      %dma_wait3A_199 = tpu.memref_squeeze %dma_wait3A_198 : memref<1x102400xf32, #tpu.memory_space<hbm>> -> memref<102400xf32, #tpu.memory_space<hbm>>
      tpu.wait_dma2 semaphore(%run_scoped3A_188 : memref<!tpu.dma_semaphore, #tpu.memory_space<semaphore_mem>>) src(%dma_wait3A_199 : memref<102400xf32, #tpu.memory_space<hbm>>) dst(%arg11 : memref<102400xf32, #tpu.memory_space<vmem>>)
      tpu.yield
    }) : () -> ()
    %add3A_80 = arith.constant 0 : i32
    %add3A_81 = arith.addi %mul3A_2, %add3A_80 : i32
    %dma_start3A_82 = arith.constant 0 : i32
    %dma_start3A_83 = arith.constant 0 : i32
    %dma_start3A_84 = tpu.memref_slice %arg12[%dma_start3A_82, %dma_start3A_83] : memref<2x3200xf32, #tpu.memory_space<vmem>> -> memref<1x3200xf32, #tpu.memory_space<vmem>>
    %dma_start3A_85 = tpu.memref_squeeze %dma_start3A_84 : memref<1x3200xf32, #tpu.memory_space<vmem>> -> memref<3200xf32, #tpu.memory_space<vmem>>
    %dma_start3A_86 = arith.constant 0 : i32
    %dma_start3A_87 = tpu.memref_slice %arg2[%arg0, %add3A_81, %dma_start3A_86] : memref<2x800x3200xf32, #tpu.memory_space<hbm>> -> memref<1x1x3200xf32, #tpu.memory_space<hbm>>
    %dma_start3A_88 = tpu.memref_squeeze %dma_start3A_87 : memref<1x1x3200xf32, #tpu.memory_space<hbm>> -> memref<3200xf32, #tpu.memory_space<hbm>>
    %dma_start3A_89 = arith.constant 0 : i32
    %dma_start3A_90 = tpu.memref_slice %arg12[%dma_start3A_82, %dma_start3A_89] : memref<2x3200xf32, #tpu.memory_space<vmem>> -> memref<1x3200xf32, #tpu.memory_space<vmem>>
    %dma_start3A_91 = tpu.memref_squeeze %dma_start3A_90 : memref<1x3200xf32, #tpu.memory_space<vmem>> -> memref<3200xf32, #tpu.memory_space<vmem>>
    %dma_start3A_92 = arith.constant 0 : i32
    %dma_start3A_93 = tpu.memref_slice %arg2[%arg0, %add3A_81, %dma_start3A_92] : memref<2x800x3200xf32, #tpu.memory_space<hbm>> -> memref<1x1x3200xf32, #tpu.memory_space<hbm>>
    %dma_start3A_94 = tpu.memref_squeeze %dma_start3A_93 : memref<1x1x3200xf32, #tpu.memory_space<hbm>> -> memref<3200xf32, #tpu.memory_space<hbm>>
    tpu.enqueue_dma source(%dma_start3A_94 : memref<3200xf32, #tpu.memory_space<hbm>>) target(%dma_start3A_91 : memref<3200xf32, #tpu.memory_space<vmem>>) target_semaphore(%arg17 : memref<!tpu.dma_semaphore, #tpu.memory_space<semaphore_mem>>)
    %add3A_95 = arith.constant 0 : i32
    %add3A_96 = arith.addi %mul3A_2, %add3A_95 : i32
    %dma_start3A_97 = arith.constant 0 : i32
    %dma_start3A_98 = arith.constant 0 : i32
    %dma_start3A_99 = tpu.memref_slice %arg13[%dma_start3A_97, %dma_start3A_98] : memref<2x3072xi32, #tpu.memory_space<vmem>> -> memref<1x3072xi32, #tpu.memory_space<vmem>>
    %dma_start3A_100 = tpu.memref_squeeze %dma_start3A_99 : memref<1x3072xi32, #tpu.memory_space<vmem>> -> memref<3072xi32, #tpu.memory_space<vmem>>
    %dma_start3A_101 = arith.constant 0 : i32
    %dma_start3A_102 = tpu.memref_slice %arg4[%arg0, %add3A_96, %dma_start3A_101] : memref<2x800x3072xi32, #tpu.memory_space<hbm>> -> memref<1x1x3072xi32, #tpu.memory_space<hbm>>
    %dma_start3A_103 = tpu.memref_squeeze %dma_start3A_102 : memref<1x1x3072xi32, #tpu.memory_space<hbm>> -> memref<3072xi32, #tpu.memory_space<hbm>>
    %dma_start3A_104 = arith.constant 0 : i32
    %dma_start3A_105 = tpu.memref_slice %arg13[%dma_start3A_97, %dma_start3A_104] : memref<2x3072xi32, #tpu.memory_space<vmem>> -> memref<1x3072xi32, #tpu.memory_space<vmem>>
    %dma_start3A_106 = tpu.memref_squeeze %dma_start3A_105 : memref<1x3072xi32, #tpu.memory_space<vmem>> -> memref<3072xi32, #tpu.memory_space<vmem>>
    %dma_start3A_107 = arith.constant 0 : i32
    %dma_start3A_108 = tpu.memref_slice %arg4[%arg0, %add3A_96, %dma_start3A_107] : memref<2x800x3072xi32, #tpu.memory_space<hbm>> -> memref<1x1x3072xi32, #tpu.memory_space<hbm>>
    %dma_start3A_109 = tpu.memref_squeeze %dma_start3A_108 : memref<1x1x3072xi32, #tpu.memory_space<hbm>> -> memref<3072xi32, #tpu.memory_space<hbm>>
    tpu.enqueue_dma source(%dma_start3A_109 : memref<3072xi32, #tpu.memory_space<hbm>>) target(%dma_start3A_106 : memref<3072xi32, #tpu.memory_space<vmem>>) target_semaphore(%arg19 : memref<!tpu.dma_semaphore, #tpu.memory_space<semaphore_mem>>)
    %scan3A_110 = arith.constant 0 : i32
    %scan3A_111 = arith.constant 0 : i32
    %scan3A_112 = arith.constant 25 : i32
    %scan3A_113 = arith.addi %scan3A_111, %scan3A_112 : i32
    %scan3A_114 = arith.constant 1 : i32
    scf.for %scan3A_188 = %scan3A_111 to %scan3A_113 step %scan3A_114  : i32 {
      %mul3A_189 = arith.constant 2 : i32
      %mul3A_190 = arith.muli %mul3A_189, %scan3A_188 : i32
      %add3A_191 = arith.constant 1 : i32
      %add3A_192 = arith.addi %mul3A_190, %add3A_191 : i32
      %add3A_193 = arith.addi %mul3A_2, %add3A_192 : i32
      %dma_start3A_194 = arith.constant 1 : i32
      %dma_start3A_195 = arith.constant 0 : i32
      %dma_start3A_196 = tpu.memref_slice %arg12[%dma_start3A_194, %dma_start3A_195] : memref<2x3200xf32, #tpu.memory_space<vmem>> -> memref<1x3200xf32, #tpu.memory_space<vmem>>
      %dma_start3A_197 = tpu.memref_squeeze %dma_start3A_196 : memref<1x3200xf32, #tpu.memory_space<vmem>> -> memref<3200xf32, #tpu.memory_space<vmem>>
      %dma_start3A_198 = arith.constant 0 : i32
      %dma_start3A_199 = tpu.memref_slice %arg2[%arg0, %add3A_193, %dma_start3A_198] : memref<2x800x3200xf32, #tpu.memory_space<hbm>> -> memref<1x1x3200xf32, #tpu.memory_space<hbm>>
      %dma_start3A_200 = tpu.memref_squeeze %dma_start3A_199 : memref<1x1x3200xf32, #tpu.memory_space<hbm>> -> memref<3200xf32, #tpu.memory_space<hbm>>
      %dma_start3A_201 = arith.constant 0 : i32
      %dma_start3A_202 = tpu.memref_slice %arg12[%dma_start3A_194, %dma_start3A_201] : memref<2x3200xf32, #tpu.memory_space<vmem>> -> memref<1x3200xf32, #tpu.memory_space<vmem>>
      %dma_start3A_203 = tpu.memref_squeeze %dma_start3A_202 : memref<1x3200xf32, #tpu.memory_space<vmem>> -> memref<3200xf32, #tpu.memory_space<vmem>>
      %dma_start3A_204 = arith.constant 0 : i32
      %dma_start3A_205 = tpu.memref_slice %arg2[%arg0, %add3A_193, %dma_start3A_204] : memref<2x800x3200xf32, #tpu.memory_space<hbm>> -> memref<1x1x3200xf32, #tpu.memory_space<hbm>>
      %dma_start3A_206 = tpu.memref_squeeze %dma_start3A_205 : memref<1x1x3200xf32, #tpu.memory_space<hbm>> -> memref<3200xf32, #tpu.memory_space<hbm>>
      tpu.enqueue_dma source(%dma_start3A_206 : memref<3200xf32, #tpu.memory_space<hbm>>) target(%dma_start3A_203 : memref<3200xf32, #tpu.memory_space<vmem>>) target_semaphore(%arg18 : memref<!tpu.dma_semaphore, #tpu.memory_space<semaphore_mem>>)
      %add3A_207 = arith.addi %mul3A_2, %add3A_192 : i32
      %dma_start3A_208 = arith.constant 1 : i32
      %dma_start3A_209 = arith.constant 0 : i32
      %dma_start3A_210 = tpu.memref_slice %arg13[%dma_start3A_208, %dma_start3A_209] : memref<2x3072xi32, #tpu.memory_space<vmem>> -> memref<1x3072xi32, #tpu.memory_space<vmem>>
      %dma_start3A_211 = tpu.memref_squeeze %dma_start3A_210 : memref<1x3072xi32, #tpu.memory_space<vmem>> -> memref<3072xi32, #tpu.memory_space<vmem>>
      %dma_start3A_212 = arith.constant 0 : i32
      %dma_start3A_213 = tpu.memref_slice %arg4[%arg0, %add3A_207, %dma_start3A_212] : memref<2x800x3072xi32, #tpu.memory_space<hbm>> -> memref<1x1x3072xi32, #tpu.memory_space<hbm>>
      %dma_start3A_214 = tpu.memref_squeeze %dma_start3A_213 : memref<1x1x3072xi32, #tpu.memory_space<hbm>> -> memref<3072xi32, #tpu.memory_space<hbm>>
      %dma_start3A_215 = arith.constant 0 : i32
      %dma_start3A_216 = tpu.memref_slice %arg13[%dma_start3A_208, %dma_start3A_215] : memref<2x3072xi32, #tpu.memory_space<vmem>> -> memref<1x3072xi32, #tpu.memory_space<vmem>>
      %dma_start3A_217 = tpu.memref_squeeze %dma_start3A_216 : memref<1x3072xi32, #tpu.memory_space<vmem>> -> memref<3072xi32, #tpu.memory_space<vmem>>
      %dma_start3A_218 = arith.constant 0 : i32
      %dma_start3A_219 = tpu.memref_slice %arg4[%arg0, %add3A_207, %dma_start3A_218] : memref<2x800x3072xi32, #tpu.memory_space<hbm>> -> memref<1x1x3072xi32, #tpu.memory_space<hbm>>
      %dma_start3A_220 = tpu.memref_squeeze %dma_start3A_219 : memref<1x1x3072xi32, #tpu.memory_space<hbm>> -> memref<3072xi32, #tpu.memory_space<hbm>>
      tpu.enqueue_dma source(%dma_start3A_220 : memref<3072xi32, #tpu.memory_space<hbm>>) target(%dma_start3A_217 : memref<3072xi32, #tpu.memory_space<vmem>>) target_semaphore(%arg20 : memref<!tpu.dma_semaphore, #tpu.memory_space<semaphore_mem>>)
      %add3A_221 = arith.addi %mul3A_2, %mul3A_190 : i32
      %dma_wait3A = arith.constant 0 : i32
      %dma_wait3A_222 = arith.constant 0 : i32
      %dma_wait3A_223 = tpu.memref_slice %arg12[%dma_wait3A, %dma_wait3A_222] : memref<2x3200xf32, #tpu.memory_space<vmem>> -> memref<1x3200xf32, #tpu.memory_space<vmem>>
      %dma_wait3A_224 = tpu.memref_squeeze %dma_wait3A_223 : memref<1x3200xf32, #tpu.memory_space<vmem>> -> memref<3200xf32, #tpu.memory_space<vmem>>
      %dma_wait3A_225 = arith.constant 0 : i32
      %dma_wait3A_226 = tpu.memref_slice %arg2[%arg0, %add3A_221, %dma_wait3A_225] : memref<2x800x3200xf32, #tpu.memory_space<hbm>> -> memref<1x1x3200xf32, #tpu.memory_space<hbm>>
      %dma_wait3A_227 = tpu.memref_squeeze %dma_wait3A_226 : memref<1x1x3200xf32, #tpu.memory_space<hbm>> -> memref<3200xf32, #tpu.memory_space<hbm>>
      %dma_wait3A_228 = arith.constant 0 : i32
      %dma_wait3A_229 = tpu.memref_slice %arg12[%dma_wait3A, %dma_wait3A_228] : memref<2x3200xf32, #tpu.memory_space<vmem>> -> memref<1x3200xf32, #tpu.memory_space<vmem>>
      %dma_wait3A_230 = tpu.memref_squeeze %dma_wait3A_229 : memref<1x3200xf32, #tpu.memory_space<vmem>> -> memref<3200xf32, #tpu.memory_space<vmem>>
      %dma_wait3A_231 = arith.constant 0 : i32
      %dma_wait3A_232 = tpu.memref_slice %arg2[%arg0, %add3A_221, %dma_wait3A_231] : memref<2x800x3200xf32, #tpu.memory_space<hbm>> -> memref<1x1x3200xf32, #tpu.memory_space<hbm>>
      %dma_wait3A_233 = tpu.memref_squeeze %dma_wait3A_232 : memref<1x1x3200xf32, #tpu.memory_space<hbm>> -> memref<3200xf32, #tpu.memory_space<hbm>>
      tpu.wait_dma2 semaphore(%arg17 : memref<!tpu.dma_semaphore, #tpu.memory_space<semaphore_mem>>) src(%dma_wait3A_233 : memref<3200xf32, #tpu.memory_space<hbm>>) dst(%dma_wait3A_230 : memref<3200xf32, #tpu.memory_space<vmem>>)
      %add3A_234 = arith.addi %mul3A_2, %mul3A_190 : i32
      %dma_wait3A_235 = arith.constant 0 : i32
      %dma_wait3A_236 = arith.constant 0 : i32
      %dma_wait3A_237 = tpu.memref_slice %arg13[%dma_wait3A_235, %dma_wait3A_236] : memref<2x3072xi32, #tpu.memory_space<vmem>> -> memref<1x3072xi32, #tpu.memory_space<vmem>>
      %dma_wait3A_238 = tpu.memref_squeeze %dma_wait3A_237 : memref<1x3072xi32, #tpu.memory_space<vmem>> -> memref<3072xi32, #tpu.memory_space<vmem>>
      %dma_wait3A_239 = arith.constant 0 : i32
      %dma_wait3A_240 = tpu.memref_slice %arg4[%arg0, %add3A_234, %dma_wait3A_239] : memref<2x800x3072xi32, #tpu.memory_space<hbm>> -> memref<1x1x3072xi32, #tpu.memory_space<hbm>>
      %dma_wait3A_241 = tpu.memref_squeeze %dma_wait3A_240 : memref<1x1x3072xi32, #tpu.memory_space<hbm>> -> memref<3072xi32, #tpu.memory_space<hbm>>
      %dma_wait3A_242 = arith.constant 0 : i32
      %dma_wait3A_243 = tpu.memref_slice %arg13[%dma_wait3A_235, %dma_wait3A_242] : memref<2x3072xi32, #tpu.memory_space<vmem>> -> memref<1x3072xi32, #tpu.memory_space<vmem>>
      %dma_wait3A_244 = tpu.memref_squeeze %dma_wait3A_243 : memref<1x3072xi32, #tpu.memory_space<vmem>> -> memref<3072xi32, #tpu.memory_space<vmem>>
      %dma_wait3A_245 = arith.constant 0 : i32
      %dma_wait3A_246 = tpu.memref_slice %arg4[%arg0, %add3A_234, %dma_wait3A_245] : memref<2x800x3072xi32, #tpu.memory_space<hbm>> -> memref<1x1x3072xi32, #tpu.memory_space<hbm>>
      %dma_wait3A_247 = tpu.memref_squeeze %dma_wait3A_246 : memref<1x1x3072xi32, #tpu.memory_space<hbm>> -> memref<3072xi32, #tpu.memory_space<hbm>>
      tpu.wait_dma2 semaphore(%arg19 : memref<!tpu.dma_semaphore, #tpu.memory_space<semaphore_mem>>) src(%dma_wait3A_247 : memref<3072xi32, #tpu.memory_space<hbm>>) dst(%dma_wait3A_244 : memref<3072xi32, #tpu.memory_space<vmem>>)
      %mul3A_248 = arith.constant 128 : i32
      %mul3A_249 = arith.muli %mul3A_190, %mul3A_248 : i32
      %add3A_250 = arith.constant 0 : i32
      %add3A_251 = arith.addi %mul3A_249, %add3A_250 : i32
      %add3A_252 = arith.addi %mul3A_0, %mul3A_249 : i32
      %add3A_253 = arith.constant 0 : i32
      %add3A_254 = arith.addi %add3A_252, %add3A_253 : i32
      %get3A = arith.index_cast %add3A_254 : i32 to index
      %get3A_255 = tpu.vector_load %arg11[%get3A] {strides = array<i32>} : memref<102400xf32, #tpu.memory_space<vmem>>, vector<16xf32>,
      %get3A_256 = arith.constant 0 : i32
      %get3A_257 = arith.index_cast %get3A_256 : i32 to index
      %get3A_258 = arith.constant 0 : index
      %get3A_259 = tpu.vector_load %arg12[%get3A_257, %get3A_258] {strides = array<i32>} : memref<2x3200xf32, #tpu.memory_space<vmem>>, vector<16xf32>,
      %mul3A_260 = arith.mulf %get3A_255, %get3A_259 : vector<16xf32>
      %get3A_261 = arith.index_cast %add3A_251 : i32 to index
      %get3A_262 = tpu.vector_load %arg14[%get3A_261] {strides = array<i32>} : memref<6400xf32, #tpu.memory_space<vmem>>, vector<16xf32>,
      %mul3A_263 = arith.constant 9.99999974E-5 : f32
      %mul3A_264 = vector.broadcast %mul3A_263 : f32 to vector<16xf32>
      %mul3A_265 = arith.mulf %mul3A_264, %get3A_262 : vector<16xf32>
      %add3A_266 = arith.addf %mul3A_260, %mul3A_265 : vector<16xf32>
      %add3A_267 = arith.constant 16 : i32
      %add3A_268 = arith.addi %mul3A_249, %add3A_267 : i32
      %add3A_269 = arith.addi %mul3A_0, %mul3A_249 : i32
      %add3A_270 = arith.constant 16 : i32
      %add3A_271 = arith.addi %add3A_269, %add3A_270 : i32
      %get3A_272 = arith.index_cast %add3A_271 : i32 to index
      %get3A_273 = tpu.vector_load %arg11[%get3A_272] {strides = array<i32>} : memref<102400xf32, #tpu.memory_space<vmem>>, vector<16xf32>,
      %get3A_274 = arith.constant 0 : i32
      %get3A_275 = arith.index_cast %get3A_274 : i32 to index
      %get3A_276 = arith.constant 16 : index
      %get3A_277 = tpu.vector_load %arg12[%get3A_275, %get3A_276] {strides = array<i32>} : memref<2x3200xf32, #tpu.memory_space<vmem>>, vector<16xf32>,
      %mul3A_278 = arith.mulf %get3A_273, %get3A_277 : vector<16xf32>
      %get3A_279 = arith.index_cast %add3A_268 : i32 to index
      %get3A_280 = tpu.vector_load %arg14[%get3A_279] {strides = array<i32>} : memref<6400xf32, #tpu.memory_space<vmem>>, vector<16xf32>,
      %mul3A_281 = arith.constant 9.99999974E-5 : f32
      %mul3A_282 = vector.broadcast %mul3A_281 : f32 to vector<16xf32>
      %mul3A_283 = arith.mulf %mul3A_282, %get3A_280 : vector<16xf32>
      %add3A_284 = arith.addf %mul3A_278, %mul3A_283 : vector<16xf32>
      %add3A_285 = arith.constant 32 : i32
      %add3A_286 = arith.addi %mul3A_249, %add3A_285 : i32
      %add3A_287 = arith.addi %mul3A_0, %mul3A_249 : i32
      %add3A_288 = arith.constant 32 : i32
      %add3A_289 = arith.addi %add3A_287, %add3A_288 : i32
      %get3A_290 = arith.index_cast %add3A_289 : i32 to index
      %get3A_291 = tpu.vector_load %arg11[%get3A_290] {strides = array<i32>} : memref<102400xf32, #tpu.memory_space<vmem>>, vector<16xf32>,
      %get3A_292 = arith.constant 0 : i32
      %get3A_293 = arith.index_cast %get3A_292 : i32 to index
      %get3A_294 = arith.constant 32 : index
      %get3A_295 = tpu.vector_load %arg12[%get3A_293, %get3A_294] {strides = array<i32>} : memref<2x3200xf32, #tpu.memory_space<vmem>>, vector<16xf32>,
      %mul3A_296 = arith.mulf %get3A_291, %get3A_295 : vector<16xf32>
      %get3A_297 = arith.index_cast %add3A_286 : i32 to index
      %get3A_298 = tpu.vector_load %arg14[%get3A_297] {strides = array<i32>} : memref<6400xf32, #tpu.memory_space<vmem>>, vector<16xf32>,
      %mul3A_299 = arith.constant 9.99999974E-5 : f32
      %mul3A_300 = vector.broadcast %mul3A_299 : f32 to vector<16xf32>
      %mul3A_301 = arith.mulf %mul3A_300, %get3A_298 : vector<16xf32>
      %add3A_302 = arith.addf %mul3A_296, %mul3A_301 : vector<16xf32>
      %add3A_303 = arith.constant 48 : i32
      %add3A_304 = arith.addi %mul3A_249, %add3A_303 : i32
      %add3A_305 = arith.addi %mul3A_0, %mul3A_249 : i32
      %add3A_306 = arith.constant 48 : i32
      %add3A_307 = arith.addi %add3A_305, %add3A_306 : i32
      %get3A_308 = arith.index_cast %add3A_307 : i32 to index
      %get3A_309 = tpu.vector_load %arg11[%get3A_308] {strides = array<i32>} : memref<102400xf32, #tpu.memory_space<vmem>>, vector<16xf32>,
      %get3A_310 = arith.constant 0 : i32
      %get3A_311 = arith.index_cast %get3A_310 : i32 to index
      %get3A_312 = arith.constant 48 : index
      %get3A_313 = tpu.vector_load %arg12[%get3A_311, %get3A_312] {strides = array<i32>} : memref<2x3200xf32, #tpu.memory_space<vmem>>, vector<16xf32>,
      %mul3A_314 = arith.mulf %get3A_309, %get3A_313 : vector<16xf32>
      %get3A_315 = arith.index_cast %add3A_304 : i32 to index
      %get3A_316 = tpu.vector_load %arg14[%get3A_315] {strides = array<i32>} : memref<6400xf32, #tpu.memory_space<vmem>>, vector<16xf32>,
      %mul3A_317 = arith.constant 9.99999974E-5 : f32
      %mul3A_318 = vector.broadcast %mul3A_317 : f32 to vector<16xf32>
      %mul3A_319 = arith.mulf %mul3A_318, %get3A_316 : vector<16xf32>
      %add3A_320 = arith.addf %mul3A_314, %mul3A_319 : vector<16xf32>
      %add3A_321 = arith.constant 64 : i32
      %add3A_322 = arith.addi %mul3A_249, %add3A_321 : i32
      %add3A_323 = arith.addi %mul3A_0, %mul3A_249 : i32
      %add3A_324 = arith.constant 64 : i32
      %add3A_325 = arith.addi %add3A_323, %add3A_324 : i32
      %get3A_326 = arith.index_cast %add3A_325 : i32 to index
      %get3A_327 = tpu.vector_load %arg11[%get3A_326] {strides = array<i32>} : memref<102400xf32, #tpu.memory_space<vmem>>, vector<16xf32>,
      %get3A_328 = arith.constant 0 : i32
      %get3A_329 = arith.index_cast %get3A_328 : i32 to index
      %get3A_330 = arith.constant 64 : index
      %get3A_331 = tpu.vector_load %arg12[%get3A_329, %get3A_330] {strides = array<i32>} : memref<2x3200xf32, #tpu.memory_space<vmem>>, vector<16xf32>,
      %mul3A_332 = arith.mulf %get3A_327, %get3A_331 : vector<16xf32>
      %get3A_333 = arith.index_cast %add3A_322 : i32 to index
      %get3A_334 = tpu.vector_load %arg14[%get3A_333] {strides = array<i32>} : memref<6400xf32, #tpu.memory_space<vmem>>, vector<16xf32>,
      %mul3A_335 = arith.constant 9.99999974E-5 : f32
      %mul3A_336 = vector.broadcast %mul3A_335 : f32 to vector<16xf32>
      %mul3A_337 = arith.mulf %mul3A_336, %get3A_334 : vector<16xf32>
      %add3A_338 = arith.addf %mul3A_332, %mul3A_337 : vector<16xf32>
      %add3A_339 = arith.constant 80 : i32
      %add3A_340 = arith.addi %mul3A_249, %add3A_339 : i32
      %add3A_341 = arith.addi %mul3A_0, %mul3A_249 : i32
      %add3A_342 = arith.constant 80 : i32
      %add3A_343 = arith.addi %add3A_341, %add3A_342 : i32
      %get3A_344 = arith.index_cast %add3A_343 : i32 to index
      %get3A_345 = tpu.vector_load %arg11[%get3A_344] {strides = array<i32>} : memref<102400xf32, #tpu.memory_space<vmem>>, vector<16xf32>,
      %get3A_346 = arith.constant 0 : i32
      %get3A_347 = arith.index_cast %get3A_346 : i32 to index
      %get3A_348 = arith.constant 80 : index
      %get3A_349 = tpu.vector_load %arg12[%get3A_347, %get3A_348] {strides = array<i32>} : memref<2x3200xf32, #tpu.memory_space<vmem>>, vector<16xf32>,
      %mul3A_350 = arith.mulf %get3A_345, %get3A_349 : vector<16xf32>
      %get3A_351 = arith.index_cast %add3A_340 : i32 to index
      %get3A_352 = tpu.vector_load %arg14[%get3A_351] {strides = array<i32>} : memref<6400xf32, #tpu.memory_space<vmem>>, vector<16xf32>,
      %mul3A_353 = arith.constant 9.99999974E-5 : f32
      %mul3A_354 = vector.broadcast %mul3A_353 : f32 to vector<16xf32>
      %mul3A_355 = arith.mulf %mul3A_354, %get3A_352 : vector<16xf32>
      %add3A_356 = arith.addf %mul3A_350, %mul3A_355 : vector<16xf32>
      %add3A_357 = arith.constant 96 : i32
      %add3A_358 = arith.addi %mul3A_249, %add3A_357 : i32
      %add3A_359 = arith.addi %mul3A_0, %mul3A_249 : i32
      %add3A_360 = arith.constant 96 : i32
      %add3A_361 = arith.addi %add3A_359, %add3A_360 : i32
      %get3A_362 = arith.index_cast %add3A_361 : i32 to index
      %get3A_363 = tpu.vector_load %arg11[%get3A_362] {strides = array<i32>} : memref<102400xf32, #tpu.memory_space<vmem>>, vector<16xf32>,
      %get3A_364 = arith.constant 0 : i32
      %get3A_365 = arith.index_cast %get3A_364 : i32 to index
      %get3A_366 = arith.constant 96 : index
      %get3A_367 = tpu.vector_load %arg12[%get3A_365, %get3A_366] {strides = array<i32>} : memref<2x3200xf32, #tpu.memory_space<vmem>>, vector<16xf32>,
      %mul3A_368 = arith.mulf %get3A_363, %get3A_367 : vector<16xf32>
      %get3A_369 = arith.index_cast %add3A_358 : i32 to index
      %get3A_370 = tpu.vector_load %arg14[%get3A_369] {strides = array<i32>} : memref<6400xf32, #tpu.memory_space<vmem>>, vector<16xf32>,
      %mul3A_371 = arith.constant 9.99999974E-5 : f32
      %mul3A_372 = vector.broadcast %mul3A_371 : f32 to vector<16xf32>
      %mul3A_373 = arith.mulf %mul3A_372, %get3A_370 : vector<16xf32>
      %add3A_374 = arith.addf %mul3A_368, %mul3A_373 : vector<16xf32>
      %add3A_375 = arith.constant 112 : i32
      %add3A_376 = arith.addi %mul3A_249, %add3A_375 : i32
      %add3A_377 = arith.addi %mul3A_0, %mul3A_249 : i32
      %add3A_378 = arith.constant 112 : i32
      %add3A_379 = arith.addi %add3A_377, %add3A_378 : i32
      %get3A_380 = arith.index_cast %add3A_379 : i32 to index
      %get3A_381 = tpu.vector_load %arg11[%get3A_380] {strides = array<i32>} : memref<102400xf32, #tpu.memory_space<vmem>>, vector<16xf32>,
      %get3A_382 = arith.constant 0 : i32
      %get3A_383 = arith.index_cast %get3A_382 : i32 to index
      %get3A_384 = arith.constant 112 : index
      %get3A_385 = tpu.vector_load %arg12[%get3A_383, %get3A_384] {strides = array<i32>} : memref<2x3200xf32, #tpu.memory_space<vmem>>, vector<16xf32>,
      %mul3A_386 = arith.mulf %get3A_381, %get3A_385 : vector<16xf32>
      %get3A_387 = arith.index_cast %add3A_376 : i32 to index
      %get3A_388 = tpu.vector_load %arg14[%get3A_387] {strides = array<i32>} : memref<6400xf32, #tpu.memory_space<vmem>>, vector<16xf32>,
      %mul3A_389 = arith.constant 9.99999974E-5 : f32
      %mul3A_390 = vector.broadcast %mul3A_389 : f32 to vector<16xf32>
      %mul3A_391 = arith.mulf %mul3A_390, %get3A_388 : vector<16xf32>
      %add3A_392 = arith.addf %mul3A_386, %mul3A_391 : vector<16xf32>
      %scan3A_393 = arith.constant 1 : i32
      %scan3A_394 = arith.constant 24 : i32
      %scan3A_395 = arith.addi %scan3A_393, %scan3A_394 : i32
      %scan3A_396 = arith.constant 1 : i32
      %scan3A_397:8 = scf.for %scan3A_651 = %scan3A_393 to %scan3A_395 step %scan3A_396 iter_args(%scan3A_652 = %add3A_266, %scan3A_653 = %add3A_284, %scan3A_654 = %add3A_302, %scan3A_655 = %add3A_320, %scan3A_656 = %add3A_338, %scan3A_657 = %add3A_356, %scan3A_658 = %add3A_374, %scan3A_659 = %add3A_392) -> (vector<16xf32>, vector<16xf32>, vector<16xf32>, vector<16xf32>, vector<16xf32>, vector<16xf32>, vector<16xf32>, vector<16xf32>)  : i32 {
        %mul3A_660 = arith.constant 128 : i32
        %mul3A_661 = arith.muli %scan3A_651, %mul3A_660 : i32
        %sub3A = arith.constant 128 : i32
        %sub3A_662 = arith.subi %mul3A_661, %sub3A : i32
        %add3A_663 = arith.constant 0 : i32
        %add3A_664 = arith.addi %sub3A_662, %add3A_663 : i32
        %get3A_665 = arith.constant 0 : i32
        %get3A_666 = arith.index_cast %get3A_665 : i32 to index
        %get3A_667 = arith.index_cast %add3A_664 : i32 to index
        %get3A_668 = tpu.vector_load %arg13[%get3A_666, %get3A_667] {strides = array<i32>} : memref<2x3072xi32, #tpu.memory_space<vmem>>, vector<16xi32>,
        %add3A_669 = arith.constant 0 : i32
        %add3A_670 = arith.addi %mul3A_661, %add3A_669 : i32
        %get3A_671 = arith.constant 0 : i32
        %get3A_672 = arith.index_cast %get3A_671 : i32 to index
        %get3A_673 = arith.index_cast %add3A_670 : i32 to index
        %get3A_674 = tpu.vector_load %arg12[%get3A_672, %get3A_673] {strides = array<i32>} : memref<2x3200xf32, #tpu.memory_space<vmem>>, vector<16xf32>,
        %gather3A = tpu.vector_load_idx %arg11[%get3A_668] : memref<102400xf32, #tpu.memory_space<vmem>>[vector<16xi32>], vector<16xf32>,
        %mul3A_675 = arith.mulf %gather3A, %get3A_674 : vector<16xf32>
        %add3A_676 = arith.addf %scan3A_652, %mul3A_675 : vector<16xf32>
        %add3A_677 = arith.constant 16 : i32
        %add3A_678 = arith.addi %sub3A_662, %add3A_677 : i32
        %get3A_679 = arith.constant 0 : i32
        %get3A_680 = arith.index_cast %get3A_679 : i32 to index
        %get3A_681 = arith.index_cast %add3A_678 : i32 to index
        %get3A_682 = tpu.vector_load %arg13[%get3A_680, %get3A_681] {strides = array<i32>} : memref<2x3072xi32, #tpu.memory_space<vmem>>, vector<16xi32>,
        %add3A_683 = arith.constant 16 : i32
        %add3A_684 = arith.addi %mul3A_661, %add3A_683 : i32
        %get3A_685 = arith.constant 0 : i32
        %get3A_686 = arith.index_cast %get3A_685 : i32 to index
        %get3A_687 = arith.index_cast %add3A_684 : i32 to index
        %get3A_688 = tpu.vector_load %arg12[%get3A_686, %get3A_687] {strides = array<i32>} : memref<2x3200xf32, #tpu.memory_space<vmem>>, vector<16xf32>,
        %gather3A_689 = tpu.vector_load_idx %arg11[%get3A_682] : memref<102400xf32, #tpu.memory_space<vmem>>[vector<16xi32>], vector<16xf32>,
        %mul3A_690 = arith.mulf %gather3A_689, %get3A_688 : vector<16xf32>
        %add3A_691 = arith.addf %scan3A_653, %mul3A_690 : vector<16xf32>
        %add3A_692 = arith.constant 32 : i32
        %add3A_693 = arith.addi %sub3A_662, %add3A_692 : i32
        %get3A_694 = arith.constant 0 : i32
        %get3A_695 = arith.index_cast %get3A_694 : i32 to index
        %get3A_696 = arith.index_cast %add3A_693 : i32 to index
        %get3A_697 = tpu.vector_load %arg13[%get3A_695, %get3A_696] {strides = array<i32>} : memref<2x3072xi32, #tpu.memory_space<vmem>>, vector<16xi32>,
        %add3A_698 = arith.constant 32 : i32
        %add3A_699 = arith.addi %mul3A_661, %add3A_698 : i32
        %get3A_700 = arith.constant 0 : i32
        %get3A_701 = arith.index_cast %get3A_700 : i32 to index
        %get3A_702 = arith.index_cast %add3A_699 : i32 to index
        %get3A_703 = tpu.vector_load %arg12[%get3A_701, %get3A_702] {strides = array<i32>} : memref<2x3200xf32, #tpu.memory_space<vmem>>, vector<16xf32>,
        %gather3A_704 = tpu.vector_load_idx %arg11[%get3A_697] : memref<102400xf32, #tpu.memory_space<vmem>>[vector<16xi32>], vector<16xf32>,
        %mul3A_705 = arith.mulf %gather3A_704, %get3A_703 : vector<16xf32>
        %add3A_706 = arith.addf %scan3A_654, %mul3A_705 : vector<16xf32>
        %add3A_707 = arith.constant 48 : i32
        %add3A_708 = arith.addi %sub3A_662, %add3A_707 : i32
        %get3A_709 = arith.constant 0 : i32
        %get3A_710 = arith.index_cast %get3A_709 : i32 to index
        %get3A_711 = arith.index_cast %add3A_708 : i32 to index
        %get3A_712 = tpu.vector_load %arg13[%get3A_710, %get3A_711] {strides = array<i32>} : memref<2x3072xi32, #tpu.memory_space<vmem>>, vector<16xi32>,
        %add3A_713 = arith.constant 48 : i32
        %add3A_714 = arith.addi %mul3A_661, %add3A_713 : i32
        %get3A_715 = arith.constant 0 : i32
        %get3A_716 = arith.index_cast %get3A_715 : i32 to index
        %get3A_717 = arith.index_cast %add3A_714 : i32 to index
        %get3A_718 = tpu.vector_load %arg12[%get3A_716, %get3A_717] {strides = array<i32>} : memref<2x3200xf32, #tpu.memory_space<vmem>>, vector<16xf32>,
        %gather3A_719 = tpu.vector_load_idx %arg11[%get3A_712] : memref<102400xf32, #tpu.memory_space<vmem>>[vector<16xi32>], vector<16xf32>,
        %mul3A_720 = arith.mulf %gather3A_719, %get3A_718 : vector<16xf32>
        %add3A_721 = arith.addf %scan3A_655, %mul3A_720 : vector<16xf32>
        %add3A_722 = arith.constant 64 : i32
        %add3A_723 = arith.addi %sub3A_662, %add3A_722 : i32
        %get3A_724 = arith.constant 0 : i32
        %get3A_725 = arith.index_cast %get3A_724 : i32 to index
        %get3A_726 = arith.index_cast %add3A_723 : i32 to index
        %get3A_727 = tpu.vector_load %arg13[%get3A_725, %get3A_726] {strides = array<i32>} : memref<2x3072xi32, #tpu.memory_space<vmem>>, vector<16xi32>,
        %add3A_728 = arith.constant 64 : i32
        %add3A_729 = arith.addi %mul3A_661, %add3A_728 : i32
        %get3A_730 = arith.constant 0 : i32
        %get3A_731 = arith.index_cast %get3A_730 : i32 to index
        %get3A_732 = arith.index_cast %add3A_729 : i32 to index
        %get3A_733 = tpu.vector_load %arg12[%get3A_731, %get3A_732] {strides = array<i32>} : memref<2x3200xf32, #tpu.memory_space<vmem>>, vector<16xf32>,
        %gather3A_734 = tpu.vector_load_idx %arg11[%get3A_727] : memref<102400xf32, #tpu.memory_space<vmem>>[vector<16xi32>], vector<16xf32>,
        %mul3A_735 = arith.mulf %gather3A_734, %get3A_733 : vector<16xf32>
        %add3A_736 = arith.addf %scan3A_656, %mul3A_735 : vector<16xf32>
        %add3A_737 = arith.constant 80 : i32
        %add3A_738 = arith.addi %sub3A_662, %add3A_737 : i32
        %get3A_739 = arith.constant 0 : i32
        %get3A_740 = arith.index_cast %get3A_739 : i32 to index
        %get3A_741 = arith.index_cast %add3A_738 : i32 to index
        %get3A_742 = tpu.vector_load %arg13[%get3A_740, %get3A_741] {strides = array<i32>} : memref<2x3072xi32, #tpu.memory_space<vmem>>, vector<16xi32>,
        %add3A_743 = arith.constant 80 : i32
        %add3A_744 = arith.addi %mul3A_661, %add3A_743 : i32
        %get3A_745 = arith.constant 0 : i32
        %get3A_746 = arith.index_cast %get3A_745 : i32 to index
        %get3A_747 = arith.index_cast %add3A_744 : i32 to index
        %get3A_748 = tpu.vector_load %arg12[%get3A_746, %get3A_747] {strides = array<i32>} : memref<2x3200xf32, #tpu.memory_space<vmem>>, vector<16xf32>,
        %gather3A_749 = tpu.vector_load_idx %arg11[%get3A_742] : memref<102400xf32, #tpu.memory_space<vmem>>[vector<16xi32>], vector<16xf32>,
        %mul3A_750 = arith.mulf %gather3A_749, %get3A_748 : vector<16xf32>
        %add3A_751 = arith.addf %scan3A_657, %mul3A_750 : vector<16xf32>
        %add3A_752 = arith.constant 96 : i32
        %add3A_753 = arith.addi %sub3A_662, %add3A_752 : i32
        %get3A_754 = arith.constant 0 : i32
        %get3A_755 = arith.index_cast %get3A_754 : i32 to index
        %get3A_756 = arith.index_cast %add3A_753 : i32 to index
        %get3A_757 = tpu.vector_load %arg13[%get3A_755, %get3A_756] {strides = array<i32>} : memref<2x3072xi32, #tpu.memory_space<vmem>>, vector<16xi32>,
        %add3A_758 = arith.constant 96 : i32
        %add3A_759 = arith.addi %mul3A_661, %add3A_758 : i32
        %get3A_760 = arith.constant 0 : i32
        %get3A_761 = arith.index_cast %get3A_760 : i32 to index
        %get3A_762 = arith.index_cast %add3A_759 : i32 to index
        %get3A_763 = tpu.vector_load %arg12[%get3A_761, %get3A_762] {strides = array<i32>} : memref<2x3200xf32, #tpu.memory_space<vmem>>, vector<16xf32>,
        %gather3A_764 = tpu.vector_load_idx %arg11[%get3A_757] : memref<102400xf32, #tpu.memory_space<vmem>>[vector<16xi32>], vector<16xf32>,
        %mul3A_765 = arith.mulf %gather3A_764, %get3A_763 : vector<16xf32>
        %add3A_766 = arith.addf %scan3A_658, %mul3A_765 : vector<16xf32>
        %add3A_767 = arith.constant 112 : i32
        %add3A_768 = arith.addi %sub3A_662, %add3A_767 : i32
        %get3A_769 = arith.constant 0 : i32
        %get3A_770 = arith.index_cast %get3A_769 : i32 to index
        %get3A_771 = arith.index_cast %add3A_768 : i32 to index
        %get3A_772 = tpu.vector_load %arg13[%get3A_770, %get3A_771] {strides = array<i32>} : memref<2x3072xi32, #tpu.memory_space<vmem>>, vector<16xi32>,
        %add3A_773 = arith.constant 112 : i32
        %add3A_774 = arith.addi %mul3A_661, %add3A_773 : i32
        %get3A_775 = arith.constant 0 : i32
        %get3A_776 = arith.index_cast %get3A_775 : i32 to index
        %get3A_777 = arith.index_cast %add3A_774 : i32 to index
        %get3A_778 = tpu.vector_load %arg12[%get3A_776, %get3A_777] {strides = array<i32>} : memref<2x3200xf32, #tpu.memory_space<vmem>>, vector<16xf32>,
        %gather3A_779 = tpu.vector_load_idx %arg11[%get3A_772] : memref<102400xf32, #tpu.memory_space<vmem>>[vector<16xi32>], vector<16xf32>,
        %mul3A_780 = arith.mulf %gather3A_779, %get3A_778 : vector<16xf32>
        %add3A_781 = arith.addf %scan3A_659, %mul3A_780 : vector<16xf32>
        scf.yield %add3A_676, %add3A_691, %add3A_706, %add3A_721, %add3A_736, %add3A_751, %add3A_766, %add3A_781 : vector<16xf32>, vector<16xf32>, vector<16xf32>, vector<16xf32>, vector<16xf32>, vector<16xf32>, vector<16xf32>, vector<16xf32>
      }
      %scan3A_398 = arith.constant 24 : i32
      %add3A_399 = arith.constant 0 : i32
      %add3A_400 = arith.addi %mul3A_249, %add3A_399 : i32
      %swap3A_401 = arith.index_cast %add3A_400 : i32 to index
      %swap3A_402 = tpu.vector_load %arg15[%swap3A_401] {strides = array<i32>} : memref<6400xf32, #tpu.memory_space<vmem>>, vector<16xf32>,
      tpu.vector_store %arg15[%swap3A_401], %scan3A_397#0 {strides = array<i32>} : memref<6400xf32, #tpu.memory_space<vmem>>, vector<16xf32>,
      %add3A_403 = arith.constant 16 : i32
      %add3A_404 = arith.addi %mul3A_249, %add3A_403 : i32
      %swap3A_405 = arith.index_cast %add3A_404 : i32 to index
      %swap3A_406 = tpu.vector_load %arg15[%swap3A_405] {strides = array<i32>} : memref<6400xf32, #tpu.memory_space<vmem>>, vector<16xf32>,
      tpu.vector_store %arg15[%swap3A_405], %scan3A_397#1 {strides = array<i32>} : memref<6400xf32, #tpu.memory_space<vmem>>, vector<16xf32>,
      %add3A_407 = arith.constant 32 : i32
      %add3A_408 = arith.addi %mul3A_249, %add3A_407 : i32
      %swap3A_409 = arith.index_cast %add3A_408 : i32 to index
      %swap3A_410 = tpu.vector_load %arg15[%swap3A_409] {strides = array<i32>} : memref<6400xf32, #tpu.memory_space<vmem>>, vector<16xf32>,
      tpu.vector_store %arg15[%swap3A_409], %scan3A_397#2 {strides = array<i32>} : memref<6400xf32, #tpu.memory_space<vmem>>, vector<16xf32>,
      %add3A_411 = arith.constant 48 : i32
      %add3A_412 = arith.addi %mul3A_249, %add3A_411 : i32
      %swap3A_413 = arith.index_cast %add3A_412 : i32 to index
      %swap3A_414 = tpu.vector_load %arg15[%swap3A_413] {strides = array<i32>} : memref<6400xf32, #tpu.memory_space<vmem>>, vector<16xf32>,
      tpu.vector_store %arg15[%swap3A_413], %scan3A_397#3 {strides = array<i32>} : memref<6400xf32, #tpu.memory_space<vmem>>, vector<16xf32>,
      %add3A_415 = arith.constant 64 : i32
      %add3A_416 = arith.addi %mul3A_249, %add3A_415 : i32
      %swap3A_417 = arith.index_cast %add3A_416 : i32 to index
      %swap3A_418 = tpu.vector_load %arg15[%swap3A_417] {strides = array<i32>} : memref<6400xf32, #tpu.memory_space<vmem>>, vector<16xf32>,
      tpu.vector_store %arg15[%swap3A_417], %scan3A_397#4 {strides = array<i32>} : memref<6400xf32, #tpu.memory_space<vmem>>, vector<16xf32>,
      %add3A_419 = arith.constant 80 : i32
      %add3A_420 = arith.addi %mul3A_249, %add3A_419 : i32
      %swap3A_421 = arith.index_cast %add3A_420 : i32 to index
      %swap3A_422 = tpu.vector_load %arg15[%swap3A_421] {strides = array<i32>} : memref<6400xf32, #tpu.memory_space<vmem>>, vector<16xf32>,
      tpu.vector_store %arg15[%swap3A_421], %scan3A_397#5 {strides = array<i32>} : memref<6400xf32, #tpu.memory_space<vmem>>, vector<16xf32>,
      %add3A_423 = arith.constant 96 : i32
      %add3A_424 = arith.addi %mul3A_249, %add3A_423 : i32
      %swap3A_425 = arith.index_cast %add3A_424 : i32 to index
      %swap3A_426 = tpu.vector_load %arg15[%swap3A_425] {strides = array<i32>} : memref<6400xf32, #tpu.memory_space<vmem>>, vector<16xf32>,
      tpu.vector_store %arg15[%swap3A_425], %scan3A_397#6 {strides = array<i32>} : memref<6400xf32, #tpu.memory_space<vmem>>, vector<16xf32>,
      %add3A_427 = arith.constant 112 : i32
      %add3A_428 = arith.addi %mul3A_249, %add3A_427 : i32
      %swap3A_429 = arith.index_cast %add3A_428 : i32 to index
      %swap3A_430 = tpu.vector_load %arg15[%swap3A_429] {strides = array<i32>} : memref<6400xf32, #tpu.memory_space<vmem>>, vector<16xf32>,
      tpu.vector_store %arg15[%swap3A_429], %scan3A_397#7 {strides = array<i32>} : memref<6400xf32, #tpu.memory_space<vmem>>, vector<16xf32>,
      %add3A_431 = arith.constant 2 : i32
      %add3A_432 = arith.addi %mul3A_190, %add3A_431 : i32
      %lt3A = arith.constant 50 : i32
      %lt3A_433 = arith.cmpi slt, %add3A_432, %lt3A : i32
      %convert_element_type3A = arith.extui %lt3A_433 : i1 to i32
      %cond3A = arith.constant 0 : i32
      %cond3A_434 = arith.cmpi ne, %convert_element_type3A, %cond3A : i32
      scf.if %cond3A_434 {
        %add3A_651 = arith.constant 2 : i32
        %add3A_652 = arith.addi %mul3A_190, %add3A_651 : i32
        %add3A_653 = arith.addi %mul3A_2, %add3A_652 : i32
        %dma_start3A_654 = arith.constant 0 : i32
        %dma_start3A_655 = arith.constant 0 : i32
        %dma_start3A_656 = tpu.memref_slice %arg12[%dma_start3A_654, %dma_start3A_655] : memref<2x3200xf32, #tpu.memory_space<vmem>> -> memref<1x3200xf32, #tpu.memory_space<vmem>>
        %dma_start3A_657 = tpu.memref_squeeze %dma_start3A_656 : memref<1x3200xf32, #tpu.memory_space<vmem>> -> memref<3200xf32, #tpu.memory_space<vmem>>
        %dma_start3A_658 = arith.constant 0 : i32
        %dma_start3A_659 = tpu.memref_slice %arg2[%arg0, %add3A_653, %dma_start3A_658] : memref<2x800x3200xf32, #tpu.memory_space<hbm>> -> memref<1x1x3200xf32, #tpu.memory_space<hbm>>
        %dma_start3A_660 = tpu.memref_squeeze %dma_start3A_659 : memref<1x1x3200xf32, #tpu.memory_space<hbm>> -> memref<3200xf32, #tpu.memory_space<hbm>>
        %dma_start3A_661 = arith.constant 0 : i32
        %dma_start3A_662 = tpu.memref_slice %arg12[%dma_start3A_654, %dma_start3A_661] : memref<2x3200xf32, #tpu.memory_space<vmem>> -> memref<1x3200xf32, #tpu.memory_space<vmem>>
        %dma_start3A_663 = tpu.memref_squeeze %dma_start3A_662 : memref<1x3200xf32, #tpu.memory_space<vmem>> -> memref<3200xf32, #tpu.memory_space<vmem>>
        %dma_start3A_664 = arith.constant 0 : i32
        %dma_start3A_665 = tpu.memref_slice %arg2[%arg0, %add3A_653, %dma_start3A_664] : memref<2x800x3200xf32, #tpu.memory_space<hbm>> -> memref<1x1x3200xf32, #tpu.memory_space<hbm>>
        %dma_start3A_666 = tpu.memref_squeeze %dma_start3A_665 : memref<1x1x3200xf32, #tpu.memory_space<hbm>> -> memref<3200xf32, #tpu.memory_space<hbm>>
        tpu.enqueue_dma source(%dma_start3A_666 : memref<3200xf32, #tpu.memory_space<hbm>>) target(%dma_start3A_663 : memref<3200xf32, #tpu.memory_space<vmem>>) target_semaphore(%arg17 : memref<!tpu.dma_semaphore, #tpu.memory_space<semaphore_mem>>)
        %add3A_667 = arith.addi %mul3A_2, %add3A_652 : i32
        %dma_start3A_668 = arith.constant 0 : i32
        %dma_start3A_669 = arith.constant 0 : i32
        %dma_start3A_670 = tpu.memref_slice %arg13[%dma_start3A_668, %dma_start3A_669] : memref<2x3072xi32, #tpu.memory_space<vmem>> -> memref<1x3072xi32, #tpu.memory_space<vmem>>
        %dma_start3A_671 = tpu.memref_squeeze %dma_start3A_670 : memref<1x3072xi32, #tpu.memory_space<vmem>> -> memref<3072xi32, #tpu.memory_space<vmem>>
        %dma_start3A_672 = arith.constant 0 : i32
        %dma_start3A_673 = tpu.memref_slice %arg4[%arg0, %add3A_667, %dma_start3A_672] : memref<2x800x3072xi32, #tpu.memory_space<hbm>> -> memref<1x1x3072xi32, #tpu.memory_space<hbm>>
        %dma_start3A_674 = tpu.memref_squeeze %dma_start3A_673 : memref<1x1x3072xi32, #tpu.memory_space<hbm>> -> memref<3072xi32, #tpu.memory_space<hbm>>
        %dma_start3A_675 = arith.constant 0 : i32
        %dma_start3A_676 = tpu.memref_slice %arg13[%dma_start3A_668, %dma_start3A_675] : memref<2x3072xi32, #tpu.memory_space<vmem>> -> memref<1x3072xi32, #tpu.memory_space<vmem>>
        %dma_start3A_677 = tpu.memref_squeeze %dma_start3A_676 : memref<1x3072xi32, #tpu.memory_space<vmem>> -> memref<3072xi32, #tpu.memory_space<vmem>>
        %dma_start3A_678 = arith.constant 0 : i32
        %dma_start3A_679 = tpu.memref_slice %arg4[%arg0, %add3A_667, %dma_start3A_678] : memref<2x800x3072xi32, #tpu.memory_space<hbm>> -> memref<1x1x3072xi32, #tpu.memory_space<hbm>>
        %dma_start3A_680 = tpu.memref_squeeze %dma_start3A_679 : memref<1x1x3072xi32, #tpu.memory_space<hbm>> -> memref<3072xi32, #tpu.memory_space<hbm>>
        tpu.enqueue_dma source(%dma_start3A_680 : memref<3072xi32, #tpu.memory_space<hbm>>) target(%dma_start3A_677 : memref<3072xi32, #tpu.memory_space<vmem>>) target_semaphore(%arg19 : memref<!tpu.dma_semaphore, #tpu.memory_space<semaphore_mem>>)
      } else {
      }
      %add3A_435 = arith.constant 1 : i32
      %add3A_436 = arith.addi %mul3A_190, %add3A_435 : i32
      %add3A_437 = arith.addi %mul3A_2, %add3A_436 : i32
      %dma_wait3A_438 = arith.constant 1 : i32
      %dma_wait3A_439 = arith.constant 0 : i32
      %dma_wait3A_440 = tpu.memref_slice %arg12[%dma_wait3A_438, %dma_wait3A_439] : memref<2x3200xf32, #tpu.memory_space<vmem>> -> memref<1x3200xf32, #tpu.memory_space<vmem>>
      %dma_wait3A_441 = tpu.memref_squeeze %dma_wait3A_440 : memref<1x3200xf32, #tpu.memory_space<vmem>> -> memref<3200xf32, #tpu.memory_space<vmem>>
      %dma_wait3A_442 = arith.constant 0 : i32
      %dma_wait3A_443 = tpu.memref_slice %arg2[%arg0, %add3A_437, %dma_wait3A_442] : memref<2x800x3200xf32, #tpu.memory_space<hbm>> -> memref<1x1x3200xf32, #tpu.memory_space<hbm>>
      %dma_wait3A_444 = tpu.memref_squeeze %dma_wait3A_443 : memref<1x1x3200xf32, #tpu.memory_space<hbm>> -> memref<3200xf32, #tpu.memory_space<hbm>>
      %dma_wait3A_445 = arith.constant 0 : i32
      %dma_wait3A_446 = tpu.memref_slice %arg12[%dma_wait3A_438, %dma_wait3A_445] : memref<2x3200xf32, #tpu.memory_space<vmem>> -> memref<1x3200xf32, #tpu.memory_space<vmem>>
      %dma_wait3A_447 = tpu.memref_squeeze %dma_wait3A_446 : memref<1x3200xf32, #tpu.memory_space<vmem>> -> memref<3200xf32, #tpu.memory_space<vmem>>
      %dma_wait3A_448 = arith.constant 0 : i32
      %dma_wait3A_449 = tpu.memref_slice %arg2[%arg0, %add3A_437, %dma_wait3A_448] : memref<2x800x3200xf32, #tpu.memory_space<hbm>> -> memref<1x1x3200xf32, #tpu.memory_space<hbm>>
      %dma_wait3A_450 = tpu.memref_squeeze %dma_wait3A_449 : memref<1x1x3200xf32, #tpu.memory_space<hbm>> -> memref<3200xf32, #tpu.memory_space<hbm>>
      tpu.wait_dma2 semaphore(%arg18 : memref<!tpu.dma_semaphore, #tpu.memory_space<semaphore_mem>>) src(%dma_wait3A_450 : memref<3200xf32, #tpu.memory_space<hbm>>) dst(%dma_wait3A_447 : memref<3200xf32, #tpu.memory_space<vmem>>)
      %add3A_451 = arith.addi %mul3A_2, %add3A_436 : i32
      %dma_wait3A_452 = arith.constant 1 : i32
      %dma_wait3A_453 = arith.constant 0 : i32
      %dma_wait3A_454 = tpu.memref_slice %arg13[%dma_wait3A_452, %dma_wait3A_453] : memref<2x3072xi32, #tpu.memory_space<vmem>> -> memref<1x3072xi32, #tpu.memory_space<vmem>>
      %dma_wait3A_455 = tpu.memref_squeeze %dma_wait3A_454 : memref<1x3072xi32, #tpu.memory_space<vmem>> -> memref<3072xi32, #tpu.memory_space<vmem>>
      %dma_wait3A_456 = arith.constant 0 : i32
      %dma_wait3A_457 = tpu.memref_slice %arg4[%arg0, %add3A_451, %dma_wait3A_456] : memref<2x800x3072xi32, #tpu.memory_space<hbm>> -> memref<1x1x3072xi32, #tpu.memory_space<hbm>>
      %dma_wait3A_458 = tpu.memref_squeeze %dma_wait3A_457 : memref<1x1x3072xi32, #tpu.memory_space<hbm>> -> memref<3072xi32, #tpu.memory_space<hbm>>
      %dma_wait3A_459 = arith.constant 0 : i32
      %dma_wait3A_460 = tpu.memref_slice %arg13[%dma_wait3A_452, %dma_wait3A_459] : memref<2x3072xi32, #tpu.memory_space<vmem>> -> memref<1x3072xi32, #tpu.memory_space<vmem>>
      %dma_wait3A_461 = tpu.memref_squeeze %dma_wait3A_460 : memref<1x3072xi32, #tpu.memory_space<vmem>> -> memref<3072xi32, #tpu.memory_space<vmem>>
      %dma_wait3A_462 = arith.constant 0 : i32
      %dma_wait3A_463 = tpu.memref_slice %arg4[%arg0, %add3A_451, %dma_wait3A_462] : memref<2x800x3072xi32, #tpu.memory_space<hbm>> -> memref<1x1x3072xi32, #tpu.memory_space<hbm>>
      %dma_wait3A_464 = tpu.memref_squeeze %dma_wait3A_463 : memref<1x1x3072xi32, #tpu.memory_space<hbm>> -> memref<3072xi32, #tpu.memory_space<hbm>>
      tpu.wait_dma2 semaphore(%arg20 : memref<!tpu.dma_semaphore, #tpu.memory_space<semaphore_mem>>) src(%dma_wait3A_464 : memref<3072xi32, #tpu.memory_space<hbm>>) dst(%dma_wait3A_461 : memref<3072xi32, #tpu.memory_space<vmem>>)
      %add3A_465 = arith.constant 1 : i32
      %add3A_466 = arith.addi %mul3A_190, %add3A_465 : i32
      %mul3A_467 = arith.constant 128 : i32
      %mul3A_468 = arith.muli %add3A_466, %mul3A_467 : i32
      %add3A_469 = arith.constant 0 : i32
      %add3A_470 = arith.addi %mul3A_468, %add3A_469 : i32
      %add3A_471 = arith.addi %mul3A_0, %mul3A_468 : i32
      %add3A_472 = arith.constant 0 : i32
      %add3A_473 = arith.addi %add3A_471, %add3A_472 : i32
      %get3A_474 = arith.index_cast %add3A_473 : i32 to index
      %get3A_475 = tpu.vector_load %arg11[%get3A_474] {strides = array<i32>} : memref<102400xf32, #tpu.memory_space<vmem>>, vector<16xf32>,
      %get3A_476 = arith.constant 1 : i32
      %get3A_477 = arith.index_cast %get3A_476 : i32 to index
      %get3A_478 = arith.constant 0 : index
      %get3A_479 = tpu.vector_load %arg12[%get3A_477, %get3A_478] {strides = array<i32>} : memref<2x3200xf32, #tpu.memory_space<vmem>>, vector<16xf32>,
      %mul3A_480 = arith.mulf %get3A_475, %get3A_479 : vector<16xf32>
      %get3A_481 = arith.index_cast %add3A_470 : i32 to index
      %get3A_482 = tpu.vector_load %arg14[%get3A_481] {strides = array<i32>} : memref<6400xf32, #tpu.memory_space<vmem>>, vector<16xf32>,
      %mul3A_483 = arith.constant 9.99999974E-5 : f32
      %mul3A_484 = vector.broadcast %mul3A_483 : f32 to vector<16xf32>
      %mul3A_485 = arith.mulf %mul3A_484, %get3A_482 : vector<16xf32>
      %add3A_486 = arith.addf %mul3A_480, %mul3A_485 : vector<16xf32>
      %add3A_487 = arith.constant 16 : i32
      %add3A_488 = arith.addi %mul3A_468, %add3A_487 : i32
      %add3A_489 = arith.addi %mul3A_0, %mul3A_468 : i32
      %add3A_490 = arith.constant 16 : i32
      %add3A_491 = arith.addi %add3A_489, %add3A_490 : i32
      %get3A_492 = arith.index_cast %add3A_491 : i32 to index
      %get3A_493 = tpu.vector_load %arg11[%get3A_492] {strides = array<i32>} : memref<102400xf32, #tpu.memory_space<vmem>>, vector<16xf32>,
      %get3A_494 = arith.constant 1 : i32
      %get3A_495 = arith.index_cast %get3A_494 : i32 to index
      %get3A_496 = arith.constant 16 : index
      %get3A_497 = tpu.vector_load %arg12[%get3A_495, %get3A_496] {strides = array<i32>} : memref<2x3200xf32, #tpu.memory_space<vmem>>, vector<16xf32>,
      %mul3A_498 = arith.mulf %get3A_493, %get3A_497 : vector<16xf32>
      %get3A_499 = arith.index_cast %add3A_488 : i32 to index
      %get3A_500 = tpu.vector_load %arg14[%get3A_499] {strides = array<i32>} : memref<6400xf32, #tpu.memory_space<vmem>>, vector<16xf32>,
      %mul3A_501 = arith.constant 9.99999974E-5 : f32
      %mul3A_502 = vector.broadcast %mul3A_501 : f32 to vector<16xf32>
      %mul3A_503 = arith.mulf %mul3A_502, %get3A_500 : vector<16xf32>
      %add3A_504 = arith.addf %mul3A_498, %mul3A_503 : vector<16xf32>
      %add3A_505 = arith.constant 32 : i32
      %add3A_506 = arith.addi %mul3A_468, %add3A_505 : i32
      %add3A_507 = arith.addi %mul3A_0, %mul3A_468 : i32
      %add3A_508 = arith.constant 32 : i32
      %add3A_509 = arith.addi %add3A_507, %add3A_508 : i32
      %get3A_510 = arith.index_cast %add3A_509 : i32 to index
      %get3A_511 = tpu.vector_load %arg11[%get3A_510] {strides = array<i32>} : memref<102400xf32, #tpu.memory_space<vmem>>, vector<16xf32>,
      %get3A_512 = arith.constant 1 : i32
      %get3A_513 = arith.index_cast %get3A_512 : i32 to index
      %get3A_514 = arith.constant 32 : index
      %get3A_515 = tpu.vector_load %arg12[%get3A_513, %get3A_514] {strides = array<i32>} : memref<2x3200xf32, #tpu.memory_space<vmem>>, vector<16xf32>,
      %mul3A_516 = arith.mulf %get3A_511, %get3A_515 : vector<16xf32>
      %get3A_517 = arith.index_cast %add3A_506 : i32 to index
      %get3A_518 = tpu.vector_load %arg14[%get3A_517] {strides = array<i32>} : memref<6400xf32, #tpu.memory_space<vmem>>, vector<16xf32>,
      %mul3A_519 = arith.constant 9.99999974E-5 : f32
      %mul3A_520 = vector.broadcast %mul3A_519 : f32 to vector<16xf32>
      %mul3A_521 = arith.mulf %mul3A_520, %get3A_518 : vector<16xf32>
      %add3A_522 = arith.addf %mul3A_516, %mul3A_521 : vector<16xf32>
      %add3A_523 = arith.constant 48 : i32
      %add3A_524 = arith.addi %mul3A_468, %add3A_523 : i32
      %add3A_525 = arith.addi %mul3A_0, %mul3A_468 : i32
      %add3A_526 = arith.constant 48 : i32
      %add3A_527 = arith.addi %add3A_525, %add3A_526 : i32
      %get3A_528 = arith.index_cast %add3A_527 : i32 to index
      %get3A_529 = tpu.vector_load %arg11[%get3A_528] {strides = array<i32>} : memref<102400xf32, #tpu.memory_space<vmem>>, vector<16xf32>,
      %get3A_530 = arith.constant 1 : i32
      %get3A_531 = arith.index_cast %get3A_530 : i32 to index
      %get3A_532 = arith.constant 48 : index
      %get3A_533 = tpu.vector_load %arg12[%get3A_531, %get3A_532] {strides = array<i32>} : memref<2x3200xf32, #tpu.memory_space<vmem>>, vector<16xf32>,
      %mul3A_534 = arith.mulf %get3A_529, %get3A_533 : vector<16xf32>
      %get3A_535 = arith.index_cast %add3A_524 : i32 to index
      %get3A_536 = tpu.vector_load %arg14[%get3A_535] {strides = array<i32>} : memref<6400xf32, #tpu.memory_space<vmem>>, vector<16xf32>,
      %mul3A_537 = arith.constant 9.99999974E-5 : f32
      %mul3A_538 = vector.broadcast %mul3A_537 : f32 to vector<16xf32>
      %mul3A_539 = arith.mulf %mul3A_538, %get3A_536 : vector<16xf32>
      %add3A_540 = arith.addf %mul3A_534, %mul3A_539 : vector<16xf32>
      %add3A_541 = arith.constant 64 : i32
      %add3A_542 = arith.addi %mul3A_468, %add3A_541 : i32
      %add3A_543 = arith.addi %mul3A_0, %mul3A_468 : i32
      %add3A_544 = arith.constant 64 : i32
      %add3A_545 = arith.addi %add3A_543, %add3A_544 : i32
      %get3A_546 = arith.index_cast %add3A_545 : i32 to index
      %get3A_547 = tpu.vector_load %arg11[%get3A_546] {strides = array<i32>} : memref<102400xf32, #tpu.memory_space<vmem>>, vector<16xf32>,
      %get3A_548 = arith.constant 1 : i32
      %get3A_549 = arith.index_cast %get3A_548 : i32 to index
      %get3A_550 = arith.constant 64 : index
      %get3A_551 = tpu.vector_load %arg12[%get3A_549, %get3A_550] {strides = array<i32>} : memref<2x3200xf32, #tpu.memory_space<vmem>>, vector<16xf32>,
      %mul3A_552 = arith.mulf %get3A_547, %get3A_551 : vector<16xf32>
      %get3A_553 = arith.index_cast %add3A_542 : i32 to index
      %get3A_554 = tpu.vector_load %arg14[%get3A_553] {strides = array<i32>} : memref<6400xf32, #tpu.memory_space<vmem>>, vector<16xf32>,
      %mul3A_555 = arith.constant 9.99999974E-5 : f32
      %mul3A_556 = vector.broadcast %mul3A_555 : f32 to vector<16xf32>
      %mul3A_557 = arith.mulf %mul3A_556, %get3A_554 : vector<16xf32>
      %add3A_558 = arith.addf %mul3A_552, %mul3A_557 : vector<16xf32>
      %add3A_559 = arith.constant 80 : i32
      %add3A_560 = arith.addi %mul3A_468, %add3A_559 : i32
      %add3A_561 = arith.addi %mul3A_0, %mul3A_468 : i32
      %add3A_562 = arith.constant 80 : i32
      %add3A_563 = arith.addi %add3A_561, %add3A_562 : i32
      %get3A_564 = arith.index_cast %add3A_563 : i32 to index
      %get3A_565 = tpu.vector_load %arg11[%get3A_564] {strides = array<i32>} : memref<102400xf32, #tpu.memory_space<vmem>>, vector<16xf32>,
      %get3A_566 = arith.constant 1 : i32
      %get3A_567 = arith.index_cast %get3A_566 : i32 to index
      %get3A_568 = arith.constant 80 : index
      %get3A_569 = tpu.vector_load %arg12[%get3A_567, %get3A_568] {strides = array<i32>} : memref<2x3200xf32, #tpu.memory_space<vmem>>, vector<16xf32>,
      %mul3A_570 = arith.mulf %get3A_565, %get3A_569 : vector<16xf32>
      %get3A_571 = arith.index_cast %add3A_560 : i32 to index
      %get3A_572 = tpu.vector_load %arg14[%get3A_571] {strides = array<i32>} : memref<6400xf32, #tpu.memory_space<vmem>>, vector<16xf32>,
      %mul3A_573 = arith.constant 9.99999974E-5 : f32
      %mul3A_574 = vector.broadcast %mul3A_573 : f32 to vector<16xf32>
      %mul3A_575 = arith.mulf %mul3A_574, %get3A_572 : vector<16xf32>
      %add3A_576 = arith.addf %mul3A_570, %mul3A_575 : vector<16xf32>
      %add3A_577 = arith.constant 96 : i32
      %add3A_578 = arith.addi %mul3A_468, %add3A_577 : i32
      %add3A_579 = arith.addi %mul3A_0, %mul3A_468 : i32
      %add3A_580 = arith.constant 96 : i32
      %add3A_581 = arith.addi %add3A_579, %add3A_580 : i32
      %get3A_582 = arith.index_cast %add3A_581 : i32 to index
      %get3A_583 = tpu.vector_load %arg11[%get3A_582] {strides = array<i32>} : memref<102400xf32, #tpu.memory_space<vmem>>, vector<16xf32>,
      %get3A_584 = arith.constant 1 : i32
      %get3A_585 = arith.index_cast %get3A_584 : i32 to index
      %get3A_586 = arith.constant 96 : index
      %get3A_587 = tpu.vector_load %arg12[%get3A_585, %get3A_586] {strides = array<i32>} : memref<2x3200xf32, #tpu.memory_space<vmem>>, vector<16xf32>,
      %mul3A_588 = arith.mulf %get3A_583, %get3A_587 : vector<16xf32>
      %get3A_589 = arith.index_cast %add3A_578 : i32 to index
      %get3A_590 = tpu.vector_load %arg14[%get3A_589] {strides = array<i32>} : memref<6400xf32, #tpu.memory_space<vmem>>, vector<16xf32>,
      %mul3A_591 = arith.constant 9.99999974E-5 : f32
      %mul3A_592 = vector.broadcast %mul3A_591 : f32 to vector<16xf32>
      %mul3A_593 = arith.mulf %mul3A_592, %get3A_590 : vector<16xf32>
      %add3A_594 = arith.addf %mul3A_588, %mul3A_593 : vector<16xf32>
      %add3A_595 = arith.constant 112 : i32
      %add3A_596 = arith.addi %mul3A_468, %add3A_595 : i32
      %add3A_597 = arith.addi %mul3A_0, %mul3A_468 : i32
      %add3A_598 = arith.constant 112 : i32
      %add3A_599 = arith.addi %add3A_597, %add3A_598 : i32
      %get3A_600 = arith.index_cast %add3A_599 : i32 to index
      %get3A_601 = tpu.vector_load %arg11[%get3A_600] {strides = array<i32>} : memref<102400xf32, #tpu.memory_space<vmem>>, vector<16xf32>,
      %get3A_602 = arith.constant 1 : i32
      %get3A_603 = arith.index_cast %get3A_602 : i32 to index
      %get3A_604 = arith.constant 112 : index
      %get3A_605 = tpu.vector_load %arg12[%get3A_603, %get3A_604] {strides = array<i32>} : memref<2x3200xf32, #tpu.memory_space<vmem>>, vector<16xf32>,
      %mul3A_606 = arith.mulf %get3A_601, %get3A_605 : vector<16xf32>
      %get3A_607 = arith.index_cast %add3A_596 : i32 to index
      %get3A_608 = tpu.vector_load %arg14[%get3A_607] {strides = array<i32>} : memref<6400xf32, #tpu.memory_space<vmem>>, vector<16xf32>,
      %mul3A_609 = arith.constant 9.99999974E-5 : f32
      %mul3A_610 = vector.broadcast %mul3A_609 : f32 to vector<16xf32>
      %mul3A_611 = arith.mulf %mul3A_610, %get3A_608 : vector<16xf32>
      %add3A_612 = arith.addf %mul3A_606, %mul3A_611 : vector<16xf32>
      %scan3A_613 = arith.constant 1 : i32
      %scan3A_614 = arith.constant 24 : i32
      %scan3A_615 = arith.addi %scan3A_613, %scan3A_614 : i32
      %scan3A_616 = arith.constant 1 : i32
      %scan3A_617:8 = scf.for %scan3A_651 = %scan3A_613 to %scan3A_615 step %scan3A_616 iter_args(%scan3A_652 = %add3A_486, %scan3A_653 = %add3A_504, %scan3A_654 = %add3A_522, %scan3A_655 = %add3A_540, %scan3A_656 = %add3A_558, %scan3A_657 = %add3A_576, %scan3A_658 = %add3A_594, %scan3A_659 = %add3A_612) -> (vector<16xf32>, vector<16xf32>, vector<16xf32>, vector<16xf32>, vector<16xf32>, vector<16xf32>, vector<16xf32>, vector<16xf32>)  : i32 {
        %mul3A_660 = arith.constant 128 : i32
        %mul3A_661 = arith.muli %scan3A_651, %mul3A_660 : i32
        %sub3A = arith.constant 128 : i32
        %sub3A_662 = arith.subi %mul3A_661, %sub3A : i32
        %add3A_663 = arith.constant 0 : i32
        %add3A_664 = arith.addi %sub3A_662, %add3A_663 : i32
        %get3A_665 = arith.constant 1 : i32
        %get3A_666 = arith.index_cast %get3A_665 : i32 to index
        %get3A_667 = arith.index_cast %add3A_664 : i32 to index
        %get3A_668 = tpu.vector_load %arg13[%get3A_666, %get3A_667] {strides = array<i32>} : memref<2x3072xi32, #tpu.memory_space<vmem>>, vector<16xi32>,
        %add3A_669 = arith.constant 0 : i32
        %add3A_670 = arith.addi %mul3A_661, %add3A_669 : i32
        %get3A_671 = arith.constant 1 : i32
        %get3A_672 = arith.index_cast %get3A_671 : i32 to index
        %get3A_673 = arith.index_cast %add3A_670 : i32 to index
        %get3A_674 = tpu.vector_load %arg12[%get3A_672, %get3A_673] {strides = array<i32>} : memref<2x3200xf32, #tpu.memory_space<vmem>>, vector<16xf32>,
        %gather3A = tpu.vector_load_idx %arg11[%get3A_668] : memref<102400xf32, #tpu.memory_space<vmem>>[vector<16xi32>], vector<16xf32>,
        %mul3A_675 = arith.mulf %gather3A, %get3A_674 : vector<16xf32>
        %add3A_676 = arith.addf %scan3A_652, %mul3A_675 : vector<16xf32>
        %add3A_677 = arith.constant 16 : i32
        %add3A_678 = arith.addi %sub3A_662, %add3A_677 : i32
        %get3A_679 = arith.constant 1 : i32
        %get3A_680 = arith.index_cast %get3A_679 : i32 to index
        %get3A_681 = arith.index_cast %add3A_678 : i32 to index
        %get3A_682 = tpu.vector_load %arg13[%get3A_680, %get3A_681] {strides = array<i32>} : memref<2x3072xi32, #tpu.memory_space<vmem>>, vector<16xi32>,
        %add3A_683 = arith.constant 16 : i32
        %add3A_684 = arith.addi %mul3A_661, %add3A_683 : i32
        %get3A_685 = arith.constant 1 : i32
        %get3A_686 = arith.index_cast %get3A_685 : i32 to index
        %get3A_687 = arith.index_cast %add3A_684 : i32 to index
        %get3A_688 = tpu.vector_load %arg12[%get3A_686, %get3A_687] {strides = array<i32>} : memref<2x3200xf32, #tpu.memory_space<vmem>>, vector<16xf32>,
        %gather3A_689 = tpu.vector_load_idx %arg11[%get3A_682] : memref<102400xf32, #tpu.memory_space<vmem>>[vector<16xi32>], vector<16xf32>,
        %mul3A_690 = arith.mulf %gather3A_689, %get3A_688 : vector<16xf32>
        %add3A_691 = arith.addf %scan3A_653, %mul3A_690 : vector<16xf32>
        %add3A_692 = arith.constant 32 : i32
        %add3A_693 = arith.addi %sub3A_662, %add3A_692 : i32
        %get3A_694 = arith.constant 1 : i32
        %get3A_695 = arith.index_cast %get3A_694 : i32 to index
        %get3A_696 = arith.index_cast %add3A_693 : i32 to index
        %get3A_697 = tpu.vector_load %arg13[%get3A_695, %get3A_696] {strides = array<i32>} : memref<2x3072xi32, #tpu.memory_space<vmem>>, vector<16xi32>,
        %add3A_698 = arith.constant 32 : i32
        %add3A_699 = arith.addi %mul3A_661, %add3A_698 : i32
        %get3A_700 = arith.constant 1 : i32
        %get3A_701 = arith.index_cast %get3A_700 : i32 to index
        %get3A_702 = arith.index_cast %add3A_699 : i32 to index
        %get3A_703 = tpu.vector_load %arg12[%get3A_701, %get3A_702] {strides = array<i32>} : memref<2x3200xf32, #tpu.memory_space<vmem>>, vector<16xf32>,
        %gather3A_704 = tpu.vector_load_idx %arg11[%get3A_697] : memref<102400xf32, #tpu.memory_space<vmem>>[vector<16xi32>], vector<16xf32>,
        %mul3A_705 = arith.mulf %gather3A_704, %get3A_703 : vector<16xf32>
        %add3A_706 = arith.addf %scan3A_654, %mul3A_705 : vector<16xf32>
        %add3A_707 = arith.constant 48 : i32
        %add3A_708 = arith.addi %sub3A_662, %add3A_707 : i32
        %get3A_709 = arith.constant 1 : i32
        %get3A_710 = arith.index_cast %get3A_709 : i32 to index
        %get3A_711 = arith.index_cast %add3A_708 : i32 to index
        %get3A_712 = tpu.vector_load %arg13[%get3A_710, %get3A_711] {strides = array<i32>} : memref<2x3072xi32, #tpu.memory_space<vmem>>, vector<16xi32>,
        %add3A_713 = arith.constant 48 : i32
        %add3A_714 = arith.addi %mul3A_661, %add3A_713 : i32
        %get3A_715 = arith.constant 1 : i32
        %get3A_716 = arith.index_cast %get3A_715 : i32 to index
        %get3A_717 = arith.index_cast %add3A_714 : i32 to index
        %get3A_718 = tpu.vector_load %arg12[%get3A_716, %get3A_717] {strides = array<i32>} : memref<2x3200xf32, #tpu.memory_space<vmem>>, vector<16xf32>,
        %gather3A_719 = tpu.vector_load_idx %arg11[%get3A_712] : memref<102400xf32, #tpu.memory_space<vmem>>[vector<16xi32>], vector<16xf32>,
        %mul3A_720 = arith.mulf %gather3A_719, %get3A_718 : vector<16xf32>
        %add3A_721 = arith.addf %scan3A_655, %mul3A_720 : vector<16xf32>
        %add3A_722 = arith.constant 64 : i32
        %add3A_723 = arith.addi %sub3A_662, %add3A_722 : i32
        %get3A_724 = arith.constant 1 : i32
        %get3A_725 = arith.index_cast %get3A_724 : i32 to index
        %get3A_726 = arith.index_cast %add3A_723 : i32 to index
        %get3A_727 = tpu.vector_load %arg13[%get3A_725, %get3A_726] {strides = array<i32>} : memref<2x3072xi32, #tpu.memory_space<vmem>>, vector<16xi32>,
        %add3A_728 = arith.constant 64 : i32
        %add3A_729 = arith.addi %mul3A_661, %add3A_728 : i32
        %get3A_730 = arith.constant 1 : i32
        %get3A_731 = arith.index_cast %get3A_730 : i32 to index
        %get3A_732 = arith.index_cast %add3A_729 : i32 to index
        %get3A_733 = tpu.vector_load %arg12[%get3A_731, %get3A_732] {strides = array<i32>} : memref<2x3200xf32, #tpu.memory_space<vmem>>, vector<16xf32>,
        %gather3A_734 = tpu.vector_load_idx %arg11[%get3A_727] : memref<102400xf32, #tpu.memory_space<vmem>>[vector<16xi32>], vector<16xf32>,
        %mul3A_735 = arith.mulf %gather3A_734, %get3A_733 : vector<16xf32>
        %add3A_736 = arith.addf %scan3A_656, %mul3A_735 : vector<16xf32>
        %add3A_737 = arith.constant 80 : i32
        %add3A_738 = arith.addi %sub3A_662, %add3A_737 : i32
        %get3A_739 = arith.constant 1 : i32
        %get3A_740 = arith.index_cast %get3A_739 : i32 to index
        %get3A_741 = arith.index_cast %add3A_738 : i32 to index
        %get3A_742 = tpu.vector_load %arg13[%get3A_740, %get3A_741] {strides = array<i32>} : memref<2x3072xi32, #tpu.memory_space<vmem>>, vector<16xi32>,
        %add3A_743 = arith.constant 80 : i32
        %add3A_744 = arith.addi %mul3A_661, %add3A_743 : i32
        %get3A_745 = arith.constant 1 : i32
        %get3A_746 = arith.index_cast %get3A_745 : i32 to index
        %get3A_747 = arith.index_cast %add3A_744 : i32 to index
        %get3A_748 = tpu.vector_load %arg12[%get3A_746, %get3A_747] {strides = array<i32>} : memref<2x3200xf32, #tpu.memory_space<vmem>>, vector<16xf32>,
        %gather3A_749 = tpu.vector_load_idx %arg11[%get3A_742] : memref<102400xf32, #tpu.memory_space<vmem>>[vector<16xi32>], vector<16xf32>,
        %mul3A_750 = arith.mulf %gather3A_749, %get3A_748 : vector<16xf32>
        %add3A_751 = arith.addf %scan3A_657, %mul3A_750 : vector<16xf32>
        %add3A_752 = arith.constant 96 : i32
        %add3A_753 = arith.addi %sub3A_662, %add3A_752 : i32
        %get3A_754 = arith.constant 1 : i32
        %get3A_755 = arith.index_cast %get3A_754 : i32 to index
        %get3A_756 = arith.index_cast %add3A_753 : i32 to index
        %get3A_757 = tpu.vector_load %arg13[%get3A_755, %get3A_756] {strides = array<i32>} : memref<2x3072xi32, #tpu.memory_space<vmem>>, vector<16xi32>,
        %add3A_758 = arith.constant 96 : i32
        %add3A_759 = arith.addi %mul3A_661, %add3A_758 : i32
        %get3A_760 = arith.constant 1 : i32
        %get3A_761 = arith.index_cast %get3A_760 : i32 to index
        %get3A_762 = arith.index_cast %add3A_759 : i32 to index
        %get3A_763 = tpu.vector_load %arg12[%get3A_761, %get3A_762] {strides = array<i32>} : memref<2x3200xf32, #tpu.memory_space<vmem>>, vector<16xf32>,
        %gather3A_764 = tpu.vector_load_idx %arg11[%get3A_757] : memref<102400xf32, #tpu.memory_space<vmem>>[vector<16xi32>], vector<16xf32>,
        %mul3A_765 = arith.mulf %gather3A_764, %get3A_763 : vector<16xf32>
        %add3A_766 = arith.addf %scan3A_658, %mul3A_765 : vector<16xf32>
        %add3A_767 = arith.constant 112 : i32
        %add3A_768 = arith.addi %sub3A_662, %add3A_767 : i32
        %get3A_769 = arith.constant 1 : i32
        %get3A_770 = arith.index_cast %get3A_769 : i32 to index
        %get3A_771 = arith.index_cast %add3A_768 : i32 to index
        %get3A_772 = tpu.vector_load %arg13[%get3A_770, %get3A_771] {strides = array<i32>} : memref<2x3072xi32, #tpu.memory_space<vmem>>, vector<16xi32>,
        %add3A_773 = arith.constant 112 : i32
        %add3A_774 = arith.addi %mul3A_661, %add3A_773 : i32
        %get3A_775 = arith.constant 1 : i32
        %get3A_776 = arith.index_cast %get3A_775 : i32 to index
        %get3A_777 = arith.index_cast %add3A_774 : i32 to index
        %get3A_778 = tpu.vector_load %arg12[%get3A_776, %get3A_777] {strides = array<i32>} : memref<2x3200xf32, #tpu.memory_space<vmem>>, vector<16xf32>,
        %gather3A_779 = tpu.vector_load_idx %arg11[%get3A_772] : memref<102400xf32, #tpu.memory_space<vmem>>[vector<16xi32>], vector<16xf32>,
        %mul3A_780 = arith.mulf %gather3A_779, %get3A_778 : vector<16xf32>
        %add3A_781 = arith.addf %scan3A_659, %mul3A_780 : vector<16xf32>
        scf.yield %add3A_676, %add3A_691, %add3A_706, %add3A_721, %add3A_736, %add3A_751, %add3A_766, %add3A_781 : vector<16xf32>, vector<16xf32>, vector<16xf32>, vector<16xf32>, vector<16xf32>, vector<16xf32>, vector<16xf32>, vector<16xf32>
      }
      %scan3A_618 = arith.constant 24 : i32
      %add3A_619 = arith.constant 0 : i32
      %add3A_620 = arith.addi %mul3A_468, %add3A_619 : i32
      %swap3A_621 = arith.index_cast %add3A_620 : i32 to index
      %swap3A_622 = tpu.vector_load %arg15[%swap3A_621] {strides = array<i32>} : memref<6400xf32, #tpu.memory_space<vmem>>, vector<16xf32>,
      tpu.vector_store %arg15[%swap3A_621], %scan3A_617#0 {strides = array<i32>} : memref<6400xf32, #tpu.memory_space<vmem>>, vector<16xf32>,
      %add3A_623 = arith.constant 16 : i32
      %add3A_624 = arith.addi %mul3A_468, %add3A_623 : i32
      %swap3A_625 = arith.index_cast %add3A_624 : i32 to index
      %swap3A_626 = tpu.vector_load %arg15[%swap3A_625] {strides = array<i32>} : memref<6400xf32, #tpu.memory_space<vmem>>, vector<16xf32>,
      tpu.vector_store %arg15[%swap3A_625], %scan3A_617#1 {strides = array<i32>} : memref<6400xf32, #tpu.memory_space<vmem>>, vector<16xf32>,
      %add3A_627 = arith.constant 32 : i32
      %add3A_628 = arith.addi %mul3A_468, %add3A_627 : i32
      %swap3A_629 = arith.index_cast %add3A_628 : i32 to index
      %swap3A_630 = tpu.vector_load %arg15[%swap3A_629] {strides = array<i32>} : memref<6400xf32, #tpu.memory_space<vmem>>, vector<16xf32>,
      tpu.vector_store %arg15[%swap3A_629], %scan3A_617#2 {strides = array<i32>} : memref<6400xf32, #tpu.memory_space<vmem>>, vector<16xf32>,
      %add3A_631 = arith.constant 48 : i32
      %add3A_632 = arith.addi %mul3A_468, %add3A_631 : i32
      %swap3A_633 = arith.index_cast %add3A_632 : i32 to index
      %swap3A_634 = tpu.vector_load %arg15[%swap3A_633] {strides = array<i32>} : memref<6400xf32, #tpu.memory_space<vmem>>, vector<16xf32>,
      tpu.vector_store %arg15[%swap3A_633], %scan3A_617#3 {strides = array<i32>} : memref<6400xf32, #tpu.memory_space<vmem>>, vector<16xf32>,
      %add3A_635 = arith.constant 64 : i32
      %add3A_636 = arith.addi %mul3A_468, %add3A_635 : i32
      %swap3A_637 = arith.index_cast %add3A_636 : i32 to index
      %swap3A_638 = tpu.vector_load %arg15[%swap3A_637] {strides = array<i32>} : memref<6400xf32, #tpu.memory_space<vmem>>, vector<16xf32>,
      tpu.vector_store %arg15[%swap3A_637], %scan3A_617#4 {strides = array<i32>} : memref<6400xf32, #tpu.memory_space<vmem>>, vector<16xf32>,
      %add3A_639 = arith.constant 80 : i32
      %add3A_640 = arith.addi %mul3A_468, %add3A_639 : i32
      %swap3A_641 = arith.index_cast %add3A_640 : i32 to index
      %swap3A_642 = tpu.vector_load %arg15[%swap3A_641] {strides = array<i32>} : memref<6400xf32, #tpu.memory_space<vmem>>, vector<16xf32>,
      tpu.vector_store %arg15[%swap3A_641], %scan3A_617#5 {strides = array<i32>} : memref<6400xf32, #tpu.memory_space<vmem>>, vector<16xf32>,
      %add3A_643 = arith.constant 96 : i32
      %add3A_644 = arith.addi %mul3A_468, %add3A_643 : i32
      %swap3A_645 = arith.index_cast %add3A_644 : i32 to index
      %swap3A_646 = tpu.vector_load %arg15[%swap3A_645] {strides = array<i32>} : memref<6400xf32, #tpu.memory_space<vmem>>, vector<16xf32>,
      tpu.vector_store %arg15[%swap3A_645], %scan3A_617#6 {strides = array<i32>} : memref<6400xf32, #tpu.memory_space<vmem>>, vector<16xf32>,
      %add3A_647 = arith.constant 112 : i32
      %add3A_648 = arith.addi %mul3A_468, %add3A_647 : i32
      %swap3A_649 = arith.index_cast %add3A_648 : i32 to index
      %swap3A_650 = tpu.vector_load %arg15[%swap3A_649] {strides = array<i32>} : memref<6400xf32, #tpu.memory_space<vmem>>, vector<16xf32>,
      tpu.vector_store %arg15[%swap3A_649], %scan3A_617#7 {strides = array<i32>} : memref<6400xf32, #tpu.memory_space<vmem>>, vector<16xf32>,
    }
    %scan3A_115 = arith.constant 25 : i32
    "tpu.region"() ({
      %run_scoped3A_188 = tpu.sem_alloc : memref<!tpu.dma_semaphore, #tpu.memory_space<semaphore_mem>>
      %dma_start3A_189 = tpu.memref_slice %arg10[%arg0, %mul3A_0] : memref<2x102400xf32, #tpu.memory_space<hbm>> -> memref<1x6400xf32, #tpu.memory_space<hbm>>
      %dma_start3A_190 = tpu.memref_squeeze %dma_start3A_189 : memref<1x6400xf32, #tpu.memory_space<hbm>> -> memref<6400xf32, #tpu.memory_space<hbm>>
      %dma_start3A_191 = tpu.memref_slice %arg10[%arg0, %mul3A_0] : memref<2x102400xf32, #tpu.memory_space<hbm>> -> memref<1x6400xf32, #tpu.memory_space<hbm>>
      %dma_start3A_192 = tpu.memref_squeeze %dma_start3A_191 : memref<1x6400xf32, #tpu.memory_space<hbm>> -> memref<6400xf32, #tpu.memory_space<hbm>>
      tpu.enqueue_dma source(%arg15 : memref<6400xf32, #tpu.memory_space<vmem>>) target(%dma_start3A_192 : memref<6400xf32, #tpu.memory_space<hbm>>) target_semaphore(%run_scoped3A_188 : memref<!tpu.dma_semaphore, #tpu.memory_space<semaphore_mem>>)
      %dma_wait3A = tpu.memref_slice %arg10[%arg0, %mul3A_0] : memref<2x102400xf32, #tpu.memory_space<hbm>> -> memref<1x6400xf32, #tpu.memory_space<hbm>>
      %dma_wait3A_193 = tpu.memref_squeeze %dma_wait3A : memref<1x6400xf32, #tpu.memory_space<hbm>> -> memref<6400xf32, #tpu.memory_space<hbm>>
      %dma_wait3A_194 = tpu.memref_slice %arg10[%arg0, %mul3A_0] : memref<2x102400xf32, #tpu.memory_space<hbm>> -> memref<1x6400xf32, #tpu.memory_space<hbm>>
      %dma_wait3A_195 = tpu.memref_squeeze %dma_wait3A_194 : memref<1x6400xf32, #tpu.memory_space<hbm>> -> memref<6400xf32, #tpu.memory_space<hbm>>
      tpu.wait_dma2 semaphore(%run_scoped3A_188 : memref<!tpu.dma_semaphore, #tpu.memory_space<semaphore_mem>>) src(%arg15 : memref<6400xf32, #tpu.memory_space<vmem>>) dst(%dma_wait3A_195 : memref<6400xf32, #tpu.memory_space<hbm>>)
      tpu.yield
    }) : () -> ()
    %barrier3A_116 = arith.constant 0 : index
    tpu.barrier barrier_id(%barrier3A_116)
    "tpu.region"() ({
      %run_scoped3A_188 = tpu.sem_alloc : memref<!tpu.dma_semaphore, #tpu.memory_space<semaphore_mem>>
      %dma_start3A_189 = arith.constant 0 : i32
      %dma_start3A_190 = tpu.memref_slice %arg10[%arg0, %dma_start3A_189] : memref<2x102400xf32, #tpu.memory_space<hbm>> -> memref<1x102400xf32, #tpu.memory_space<hbm>>
      %dma_start3A_191 = tpu.memref_squeeze %dma_start3A_190 : memref<1x102400xf32, #tpu.memory_space<hbm>> -> memref<102400xf32, #tpu.memory_space<hbm>>
      %dma_start3A_192 = arith.constant 0 : i32
      %dma_start3A_193 = tpu.memref_slice %arg10[%arg0, %dma_start3A_192] : memref<2x102400xf32, #tpu.memory_space<hbm>> -> memref<1x102400xf32, #tpu.memory_space<hbm>>
      %dma_start3A_194 = tpu.memref_squeeze %dma_start3A_193 : memref<1x102400xf32, #tpu.memory_space<hbm>> -> memref<102400xf32, #tpu.memory_space<hbm>>
      tpu.enqueue_dma source(%dma_start3A_194 : memref<102400xf32, #tpu.memory_space<hbm>>) target(%arg11 : memref<102400xf32, #tpu.memory_space<vmem>>) target_semaphore(%run_scoped3A_188 : memref<!tpu.dma_semaphore, #tpu.memory_space<semaphore_mem>>)
      %dma_wait3A = arith.constant 0 : i32
      %dma_wait3A_195 = tpu.memref_slice %arg10[%arg0, %dma_wait3A] : memref<2x102400xf32, #tpu.memory_space<hbm>> -> memref<1x102400xf32, #tpu.memory_space<hbm>>
      %dma_wait3A_196 = tpu.memref_squeeze %dma_wait3A_195 : memref<1x102400xf32, #tpu.memory_space<hbm>> -> memref<102400xf32, #tpu.memory_space<hbm>>
      %dma_wait3A_197 = arith.constant 0 : i32
      %dma_wait3A_198 = tpu.memref_slice %arg10[%arg0, %dma_wait3A_197] : memref<2x102400xf32, #tpu.memory_space<hbm>> -> memref<1x102400xf32, #tpu.memory_space<hbm>>
      %dma_wait3A_199 = tpu.memref_squeeze %dma_wait3A_198 : memref<1x102400xf32, #tpu.memory_space<hbm>> -> memref<102400xf32, #tpu.memory_space<hbm>>
      tpu.wait_dma2 semaphore(%run_scoped3A_188 : memref<!tpu.dma_semaphore, #tpu.memory_space<semaphore_mem>>) src(%dma_wait3A_199 : memref<102400xf32, #tpu.memory_space<hbm>>) dst(%arg11 : memref<102400xf32, #tpu.memory_space<vmem>>)
      tpu.yield
    }) : () -> ()
    %add3A_117 = arith.constant 0 : i32
    %add3A_118 = arith.addi %mul3A_2, %add3A_117 : i32
    %dma_start3A_119 = arith.constant 0 : i32
    %dma_start3A_120 = arith.constant 0 : i32
    %dma_start3A_121 = tpu.memref_slice %arg12[%dma_start3A_119, %dma_start3A_120] : memref<2x3200xf32, #tpu.memory_space<vmem>> -> memref<1x3200xf32, #tpu.memory_space<vmem>>
    %dma_start3A_122 = tpu.memref_squeeze %dma_start3A_121 : memref<1x3200xf32, #tpu.memory_space<vmem>> -> memref<3200xf32, #tpu.memory_space<vmem>>
    %dma_start3A_123 = arith.constant 0 : i32
    %dma_start3A_124 = tpu.memref_slice %arg3[%arg0, %add3A_118, %dma_start3A_123] : memref<2x800x3200xf32, #tpu.memory_space<hbm>> -> memref<1x1x3200xf32, #tpu.memory_space<hbm>>
    %dma_start3A_125 = tpu.memref_squeeze %dma_start3A_124 : memref<1x1x3200xf32, #tpu.memory_space<hbm>> -> memref<3200xf32, #tpu.memory_space<hbm>>
    %dma_start3A_126 = arith.constant 0 : i32
    %dma_start3A_127 = tpu.memref_slice %arg12[%dma_start3A_119, %dma_start3A_126] : memref<2x3200xf32, #tpu.memory_space<vmem>> -> memref<1x3200xf32, #tpu.memory_space<vmem>>
    %dma_start3A_128 = tpu.memref_squeeze %dma_start3A_127 : memref<1x3200xf32, #tpu.memory_space<vmem>> -> memref<3200xf32, #tpu.memory_space<vmem>>
    %dma_start3A_129 = arith.constant 0 : i32
    %dma_start3A_130 = tpu.memref_slice %arg3[%arg0, %add3A_118, %dma_start3A_129] : memref<2x800x3200xf32, #tpu.memory_space<hbm>> -> memref<1x1x3200xf32, #tpu.memory_space<hbm>>
    %dma_start3A_131 = tpu.memref_squeeze %dma_start3A_130 : memref<1x1x3200xf32, #tpu.memory_space<hbm>> -> memref<3200xf32, #tpu.memory_space<hbm>>
    tpu.enqueue_dma source(%dma_start3A_131 : memref<3200xf32, #tpu.memory_space<hbm>>) target(%dma_start3A_128 : memref<3200xf32, #tpu.memory_space<vmem>>) target_semaphore(%arg17 : memref<!tpu.dma_semaphore, #tpu.memory_space<semaphore_mem>>)
    %add3A_132 = arith.constant 0 : i32
    %add3A_133 = arith.addi %mul3A_2, %add3A_132 : i32
    %dma_start3A_134 = arith.constant 0 : i32
    %dma_start3A_135 = arith.constant 0 : i32
    %dma_start3A_136 = tpu.memref_slice %arg13[%dma_start3A_134, %dma_start3A_135] : memref<2x3072xi32, #tpu.memory_space<vmem>> -> memref<1x3072xi32, #tpu.memory_space<vmem>>
    %dma_start3A_137 = tpu.memref_squeeze %dma_start3A_136 : memref<1x3072xi32, #tpu.memory_space<vmem>> -> memref<3072xi32, #tpu.memory_space<vmem>>
    %dma_start3A_138 = arith.constant 0 : i32
    %dma_start3A_139 = tpu.memref_slice %arg4[%arg0, %add3A_133, %dma_start3A_138] : memref<2x800x3072xi32, #tpu.memory_space<hbm>> -> memref<1x1x3072xi32, #tpu.memory_space<hbm>>
    %dma_start3A_140 = tpu.memref_squeeze %dma_start3A_139 : memref<1x1x3072xi32, #tpu.memory_space<hbm>> -> memref<3072xi32, #tpu.memory_space<hbm>>
    %dma_start3A_141 = arith.constant 0 : i32
    %dma_start3A_142 = tpu.memref_slice %arg13[%dma_start3A_134, %dma_start3A_141] : memref<2x3072xi32, #tpu.memory_space<vmem>> -> memref<1x3072xi32, #tpu.memory_space<vmem>>
    %dma_start3A_143 = tpu.memref_squeeze %dma_start3A_142 : memref<1x3072xi32, #tpu.memory_space<vmem>> -> memref<3072xi32, #tpu.memory_space<vmem>>
    %dma_start3A_144 = arith.constant 0 : i32
    %dma_start3A_145 = tpu.memref_slice %arg4[%arg0, %add3A_133, %dma_start3A_144] : memref<2x800x3072xi32, #tpu.memory_space<hbm>> -> memref<1x1x3072xi32, #tpu.memory_space<hbm>>
    %dma_start3A_146 = tpu.memref_squeeze %dma_start3A_145 : memref<1x1x3072xi32, #tpu.memory_space<hbm>> -> memref<3072xi32, #tpu.memory_space<hbm>>
    tpu.enqueue_dma source(%dma_start3A_146 : memref<3072xi32, #tpu.memory_space<hbm>>) target(%dma_start3A_143 : memref<3072xi32, #tpu.memory_space<vmem>>) target_semaphore(%arg19 : memref<!tpu.dma_semaphore, #tpu.memory_space<semaphore_mem>>)
    %scan3A_147 = arith.constant 0 : i32
    %scan3A_148 = arith.constant 25 : i32
    %scan3A_149 = arith.addi %scan3A_147, %scan3A_148 : i32
    %scan3A_150 = arith.constant 1 : i32
    %scan3A_151 = scf.for %scan3A_188 = %scan3A_147 to %scan3A_149 step %scan3A_150 iter_args(%scan3A_189 = %broadcast_in_dim3A_3) -> (vector<16xf32>)  : i32 {
      %mul3A_190 = arith.constant 2 : i32
      %mul3A_191 = arith.muli %mul3A_190, %scan3A_188 : i32
      %add3A_192 = arith.constant 1 : i32
      %add3A_193 = arith.addi %mul3A_191, %add3A_192 : i32
      %add3A_194 = arith.addi %mul3A_2, %add3A_193 : i32
      %dma_start3A_195 = arith.constant 1 : i32
      %dma_start3A_196 = arith.constant 0 : i32
      %dma_start3A_197 = tpu.memref_slice %arg12[%dma_start3A_195, %dma_start3A_196] : memref<2x3200xf32, #tpu.memory_space<vmem>> -> memref<1x3200xf32, #tpu.memory_space<vmem>>
      %dma_start3A_198 = tpu.memref_squeeze %dma_start3A_197 : memref<1x3200xf32, #tpu.memory_space<vmem>> -> memref<3200xf32, #tpu.memory_space<vmem>>
      %dma_start3A_199 = arith.constant 0 : i32
      %dma_start3A_200 = tpu.memref_slice %arg3[%arg0, %add3A_194, %dma_start3A_199] : memref<2x800x3200xf32, #tpu.memory_space<hbm>> -> memref<1x1x3200xf32, #tpu.memory_space<hbm>>
      %dma_start3A_201 = tpu.memref_squeeze %dma_start3A_200 : memref<1x1x3200xf32, #tpu.memory_space<hbm>> -> memref<3200xf32, #tpu.memory_space<hbm>>
      %dma_start3A_202 = arith.constant 0 : i32
      %dma_start3A_203 = tpu.memref_slice %arg12[%dma_start3A_195, %dma_start3A_202] : memref<2x3200xf32, #tpu.memory_space<vmem>> -> memref<1x3200xf32, #tpu.memory_space<vmem>>
      %dma_start3A_204 = tpu.memref_squeeze %dma_start3A_203 : memref<1x3200xf32, #tpu.memory_space<vmem>> -> memref<3200xf32, #tpu.memory_space<vmem>>
      %dma_start3A_205 = arith.constant 0 : i32
      %dma_start3A_206 = tpu.memref_slice %arg3[%arg0, %add3A_194, %dma_start3A_205] : memref<2x800x3200xf32, #tpu.memory_space<hbm>> -> memref<1x1x3200xf32, #tpu.memory_space<hbm>>
      %dma_start3A_207 = tpu.memref_squeeze %dma_start3A_206 : memref<1x1x3200xf32, #tpu.memory_space<hbm>> -> memref<3200xf32, #tpu.memory_space<hbm>>
      tpu.enqueue_dma source(%dma_start3A_207 : memref<3200xf32, #tpu.memory_space<hbm>>) target(%dma_start3A_204 : memref<3200xf32, #tpu.memory_space<vmem>>) target_semaphore(%arg18 : memref<!tpu.dma_semaphore, #tpu.memory_space<semaphore_mem>>)
      %add3A_208 = arith.addi %mul3A_2, %add3A_193 : i32
      %dma_start3A_209 = arith.constant 1 : i32
      %dma_start3A_210 = arith.constant 0 : i32
      %dma_start3A_211 = tpu.memref_slice %arg13[%dma_start3A_209, %dma_start3A_210] : memref<2x3072xi32, #tpu.memory_space<vmem>> -> memref<1x3072xi32, #tpu.memory_space<vmem>>
      %dma_start3A_212 = tpu.memref_squeeze %dma_start3A_211 : memref<1x3072xi32, #tpu.memory_space<vmem>> -> memref<3072xi32, #tpu.memory_space<vmem>>
      %dma_start3A_213 = arith.constant 0 : i32
      %dma_start3A_214 = tpu.memref_slice %arg4[%arg0, %add3A_208, %dma_start3A_213] : memref<2x800x3072xi32, #tpu.memory_space<hbm>> -> memref<1x1x3072xi32, #tpu.memory_space<hbm>>
      %dma_start3A_215 = tpu.memref_squeeze %dma_start3A_214 : memref<1x1x3072xi32, #tpu.memory_space<hbm>> -> memref<3072xi32, #tpu.memory_space<hbm>>
      %dma_start3A_216 = arith.constant 0 : i32
      %dma_start3A_217 = tpu.memref_slice %arg13[%dma_start3A_209, %dma_start3A_216] : memref<2x3072xi32, #tpu.memory_space<vmem>> -> memref<1x3072xi32, #tpu.memory_space<vmem>>
      %dma_start3A_218 = tpu.memref_squeeze %dma_start3A_217 : memref<1x3072xi32, #tpu.memory_space<vmem>> -> memref<3072xi32, #tpu.memory_space<vmem>>
      %dma_start3A_219 = arith.constant 0 : i32
      %dma_start3A_220 = tpu.memref_slice %arg4[%arg0, %add3A_208, %dma_start3A_219] : memref<2x800x3072xi32, #tpu.memory_space<hbm>> -> memref<1x1x3072xi32, #tpu.memory_space<hbm>>
      %dma_start3A_221 = tpu.memref_squeeze %dma_start3A_220 : memref<1x1x3072xi32, #tpu.memory_space<hbm>> -> memref<3072xi32, #tpu.memory_space<hbm>>
      tpu.enqueue_dma source(%dma_start3A_221 : memref<3072xi32, #tpu.memory_space<hbm>>) target(%dma_start3A_218 : memref<3072xi32, #tpu.memory_space<vmem>>) target_semaphore(%arg20 : memref<!tpu.dma_semaphore, #tpu.memory_space<semaphore_mem>>)
      %add3A_222 = arith.addi %mul3A_2, %mul3A_191 : i32
      %dma_wait3A = arith.constant 0 : i32
      %dma_wait3A_223 = arith.constant 0 : i32
      %dma_wait3A_224 = tpu.memref_slice %arg12[%dma_wait3A, %dma_wait3A_223] : memref<2x3200xf32, #tpu.memory_space<vmem>> -> memref<1x3200xf32, #tpu.memory_space<vmem>>
      %dma_wait3A_225 = tpu.memref_squeeze %dma_wait3A_224 : memref<1x3200xf32, #tpu.memory_space<vmem>> -> memref<3200xf32, #tpu.memory_space<vmem>>
      %dma_wait3A_226 = arith.constant 0 : i32
      %dma_wait3A_227 = tpu.memref_slice %arg3[%arg0, %add3A_222, %dma_wait3A_226] : memref<2x800x3200xf32, #tpu.memory_space<hbm>> -> memref<1x1x3200xf32, #tpu.memory_space<hbm>>
      %dma_wait3A_228 = tpu.memref_squeeze %dma_wait3A_227 : memref<1x1x3200xf32, #tpu.memory_space<hbm>> -> memref<3200xf32, #tpu.memory_space<hbm>>
      %dma_wait3A_229 = arith.constant 0 : i32
      %dma_wait3A_230 = tpu.memref_slice %arg12[%dma_wait3A, %dma_wait3A_229] : memref<2x3200xf32, #tpu.memory_space<vmem>> -> memref<1x3200xf32, #tpu.memory_space<vmem>>
      %dma_wait3A_231 = tpu.memref_squeeze %dma_wait3A_230 : memref<1x3200xf32, #tpu.memory_space<vmem>> -> memref<3200xf32, #tpu.memory_space<vmem>>
      %dma_wait3A_232 = arith.constant 0 : i32
      %dma_wait3A_233 = tpu.memref_slice %arg3[%arg0, %add3A_222, %dma_wait3A_232] : memref<2x800x3200xf32, #tpu.memory_space<hbm>> -> memref<1x1x3200xf32, #tpu.memory_space<hbm>>
      %dma_wait3A_234 = tpu.memref_squeeze %dma_wait3A_233 : memref<1x1x3200xf32, #tpu.memory_space<hbm>> -> memref<3200xf32, #tpu.memory_space<hbm>>
      tpu.wait_dma2 semaphore(%arg17 : memref<!tpu.dma_semaphore, #tpu.memory_space<semaphore_mem>>) src(%dma_wait3A_234 : memref<3200xf32, #tpu.memory_space<hbm>>) dst(%dma_wait3A_231 : memref<3200xf32, #tpu.memory_space<vmem>>)
      %add3A_235 = arith.addi %mul3A_2, %mul3A_191 : i32
      %dma_wait3A_236 = arith.constant 0 : i32
      %dma_wait3A_237 = arith.constant 0 : i32
      %dma_wait3A_238 = tpu.memref_slice %arg13[%dma_wait3A_236, %dma_wait3A_237] : memref<2x3072xi32, #tpu.memory_space<vmem>> -> memref<1x3072xi32, #tpu.memory_space<vmem>>
      %dma_wait3A_239 = tpu.memref_squeeze %dma_wait3A_238 : memref<1x3072xi32, #tpu.memory_space<vmem>> -> memref<3072xi32, #tpu.memory_space<vmem>>
      %dma_wait3A_240 = arith.constant 0 : i32
      %dma_wait3A_241 = tpu.memref_slice %arg4[%arg0, %add3A_235, %dma_wait3A_240] : memref<2x800x3072xi32, #tpu.memory_space<hbm>> -> memref<1x1x3072xi32, #tpu.memory_space<hbm>>
      %dma_wait3A_242 = tpu.memref_squeeze %dma_wait3A_241 : memref<1x1x3072xi32, #tpu.memory_space<hbm>> -> memref<3072xi32, #tpu.memory_space<hbm>>
      %dma_wait3A_243 = arith.constant 0 : i32
      %dma_wait3A_244 = tpu.memref_slice %arg13[%dma_wait3A_236, %dma_wait3A_243] : memref<2x3072xi32, #tpu.memory_space<vmem>> -> memref<1x3072xi32, #tpu.memory_space<vmem>>
      %dma_wait3A_245 = tpu.memref_squeeze %dma_wait3A_244 : memref<1x3072xi32, #tpu.memory_space<vmem>> -> memref<3072xi32, #tpu.memory_space<vmem>>
      %dma_wait3A_246 = arith.constant 0 : i32
      %dma_wait3A_247 = tpu.memref_slice %arg4[%arg0, %add3A_235, %dma_wait3A_246] : memref<2x800x3072xi32, #tpu.memory_space<hbm>> -> memref<1x1x3072xi32, #tpu.memory_space<hbm>>
      %dma_wait3A_248 = tpu.memref_squeeze %dma_wait3A_247 : memref<1x1x3072xi32, #tpu.memory_space<hbm>> -> memref<3072xi32, #tpu.memory_space<hbm>>
      tpu.wait_dma2 semaphore(%arg19 : memref<!tpu.dma_semaphore, #tpu.memory_space<semaphore_mem>>) src(%dma_wait3A_248 : memref<3072xi32, #tpu.memory_space<hbm>>) dst(%dma_wait3A_245 : memref<3072xi32, #tpu.memory_space<vmem>>)
      %mul3A_249 = arith.constant 128 : i32
      %mul3A_250 = arith.muli %mul3A_191, %mul3A_249 : i32
      %get3A = arith.constant 0 : i32
      %get3A_251 = arith.index_cast %get3A : i32 to index
      %get3A_252 = arith.constant 0 : index
      %get3A_253 = tpu.vector_load %arg12[%get3A_251, %get3A_252] {strides = array<i32>} : memref<2x3200xf32, #tpu.memory_space<vmem>>, vector<16xf32>,
      %add3A_254 = arith.addi %mul3A_0, %mul3A_250 : i32
      %add3A_255 = arith.constant 0 : i32
      %add3A_256 = arith.addi %add3A_254, %add3A_255 : i32
      %get3A_257 = arith.index_cast %add3A_256 : i32 to index
      %get3A_258 = tpu.vector_load %arg11[%get3A_257] {strides = array<i32>} : memref<102400xf32, #tpu.memory_space<vmem>>, vector<16xf32>,
      %mul3A_259 = arith.mulf %get3A_258, %get3A_253 : vector<16xf32>
      %abs3A = math.absf %get3A_253 : vector<16xf32>
      %add3A_260 = arith.addf %scan3A_189, %abs3A : vector<16xf32>
      %get3A_261 = arith.constant 0 : i32
      %get3A_262 = arith.index_cast %get3A_261 : i32 to index
      %get3A_263 = arith.constant 16 : index
      %get3A_264 = tpu.vector_load %arg12[%get3A_262, %get3A_263] {strides = array<i32>} : memref<2x3200xf32, #tpu.memory_space<vmem>>, vector<16xf32>,
      %add3A_265 = arith.addi %mul3A_0, %mul3A_250 : i32
      %add3A_266 = arith.constant 16 : i32
      %add3A_267 = arith.addi %add3A_265, %add3A_266 : i32
      %get3A_268 = arith.index_cast %add3A_267 : i32 to index
      %get3A_269 = tpu.vector_load %arg11[%get3A_268] {strides = array<i32>} : memref<102400xf32, #tpu.memory_space<vmem>>, vector<16xf32>,
      %mul3A_270 = arith.mulf %get3A_269, %get3A_264 : vector<16xf32>
      %abs3A_271 = math.absf %get3A_264 : vector<16xf32>
      %add3A_272 = arith.addf %add3A_260, %abs3A_271 : vector<16xf32>
      %get3A_273 = arith.constant 0 : i32
      %get3A_274 = arith.index_cast %get3A_273 : i32 to index
      %get3A_275 = arith.constant 32 : index
      %get3A_276 = tpu.vector_load %arg12[%get3A_274, %get3A_275] {strides = array<i32>} : memref<2x3200xf32, #tpu.memory_space<vmem>>, vector<16xf32>,
      %add3A_277 = arith.addi %mul3A_0, %mul3A_250 : i32
      %add3A_278 = arith.constant 32 : i32
      %add3A_279 = arith.addi %add3A_277, %add3A_278 : i32
      %get3A_280 = arith.index_cast %add3A_279 : i32 to index
      %get3A_281 = tpu.vector_load %arg11[%get3A_280] {strides = array<i32>} : memref<102400xf32, #tpu.memory_space<vmem>>, vector<16xf32>,
      %mul3A_282 = arith.mulf %get3A_281, %get3A_276 : vector<16xf32>
      %abs3A_283 = math.absf %get3A_276 : vector<16xf32>
      %add3A_284 = arith.addf %add3A_272, %abs3A_283 : vector<16xf32>
      %get3A_285 = arith.constant 0 : i32
      %get3A_286 = arith.index_cast %get3A_285 : i32 to index
      %get3A_287 = arith.constant 48 : index
      %get3A_288 = tpu.vector_load %arg12[%get3A_286, %get3A_287] {strides = array<i32>} : memref<2x3200xf32, #tpu.memory_space<vmem>>, vector<16xf32>,
      %add3A_289 = arith.addi %mul3A_0, %mul3A_250 : i32
      %add3A_290 = arith.constant 48 : i32
      %add3A_291 = arith.addi %add3A_289, %add3A_290 : i32
      %get3A_292 = arith.index_cast %add3A_291 : i32 to index
      %get3A_293 = tpu.vector_load %arg11[%get3A_292] {strides = array<i32>} : memref<102400xf32, #tpu.memory_space<vmem>>, vector<16xf32>,
      %mul3A_294 = arith.mulf %get3A_293, %get3A_288 : vector<16xf32>
      %abs3A_295 = math.absf %get3A_288 : vector<16xf32>
      %add3A_296 = arith.addf %add3A_284, %abs3A_295 : vector<16xf32>
      %get3A_297 = arith.constant 0 : i32
      %get3A_298 = arith.index_cast %get3A_297 : i32 to index
      %get3A_299 = arith.constant 64 : index
      %get3A_300 = tpu.vector_load %arg12[%get3A_298, %get3A_299] {strides = array<i32>} : memref<2x3200xf32, #tpu.memory_space<vmem>>, vector<16xf32>,
      %add3A_301 = arith.addi %mul3A_0, %mul3A_250 : i32
      %add3A_302 = arith.constant 64 : i32
      %add3A_303 = arith.addi %add3A_301, %add3A_302 : i32
      %get3A_304 = arith.index_cast %add3A_303 : i32 to index
      %get3A_305 = tpu.vector_load %arg11[%get3A_304] {strides = array<i32>} : memref<102400xf32, #tpu.memory_space<vmem>>, vector<16xf32>,
      %mul3A_306 = arith.mulf %get3A_305, %get3A_300 : vector<16xf32>
      %abs3A_307 = math.absf %get3A_300 : vector<16xf32>
      %add3A_308 = arith.addf %add3A_296, %abs3A_307 : vector<16xf32>
      %get3A_309 = arith.constant 0 : i32
      %get3A_310 = arith.index_cast %get3A_309 : i32 to index
      %get3A_311 = arith.constant 80 : index
      %get3A_312 = tpu.vector_load %arg12[%get3A_310, %get3A_311] {strides = array<i32>} : memref<2x3200xf32, #tpu.memory_space<vmem>>, vector<16xf32>,
      %add3A_313 = arith.addi %mul3A_0, %mul3A_250 : i32
      %add3A_314 = arith.constant 80 : i32
      %add3A_315 = arith.addi %add3A_313, %add3A_314 : i32
      %get3A_316 = arith.index_cast %add3A_315 : i32 to index
      %get3A_317 = tpu.vector_load %arg11[%get3A_316] {strides = array<i32>} : memref<102400xf32, #tpu.memory_space<vmem>>, vector<16xf32>,
      %mul3A_318 = arith.mulf %get3A_317, %get3A_312 : vector<16xf32>
      %abs3A_319 = math.absf %get3A_312 : vector<16xf32>
      %add3A_320 = arith.addf %add3A_308, %abs3A_319 : vector<16xf32>
      %get3A_321 = arith.constant 0 : i32
      %get3A_322 = arith.index_cast %get3A_321 : i32 to index
      %get3A_323 = arith.constant 96 : index
      %get3A_324 = tpu.vector_load %arg12[%get3A_322, %get3A_323] {strides = array<i32>} : memref<2x3200xf32, #tpu.memory_space<vmem>>, vector<16xf32>,
      %add3A_325 = arith.addi %mul3A_0, %mul3A_250 : i32
      %add3A_326 = arith.constant 96 : i32
      %add3A_327 = arith.addi %add3A_325, %add3A_326 : i32
      %get3A_328 = arith.index_cast %add3A_327 : i32 to index
      %get3A_329 = tpu.vector_load %arg11[%get3A_328] {strides = array<i32>} : memref<102400xf32, #tpu.memory_space<vmem>>, vector<16xf32>,
      %mul3A_330 = arith.mulf %get3A_329, %get3A_324 : vector<16xf32>
      %abs3A_331 = math.absf %get3A_324 : vector<16xf32>
      %add3A_332 = arith.addf %add3A_320, %abs3A_331 : vector<16xf32>
      %get3A_333 = arith.constant 0 : i32
      %get3A_334 = arith.index_cast %get3A_333 : i32 to index
      %get3A_335 = arith.constant 112 : index
      %get3A_336 = tpu.vector_load %arg12[%get3A_334, %get3A_335] {strides = array<i32>} : memref<2x3200xf32, #tpu.memory_space<vmem>>, vector<16xf32>,
      %add3A_337 = arith.addi %mul3A_0, %mul3A_250 : i32
      %add3A_338 = arith.constant 112 : i32
      %add3A_339 = arith.addi %add3A_337, %add3A_338 : i32
      %get3A_340 = arith.index_cast %add3A_339 : i32 to index
      %get3A_341 = tpu.vector_load %arg11[%get3A_340] {strides = array<i32>} : memref<102400xf32, #tpu.memory_space<vmem>>, vector<16xf32>,
      %mul3A_342 = arith.mulf %get3A_341, %get3A_336 : vector<16xf32>
      %abs3A_343 = math.absf %get3A_336 : vector<16xf32>
      %add3A_344 = arith.addf %add3A_332, %abs3A_343 : vector<16xf32>
      %scan3A_345 = arith.constant 1 : i32
      %scan3A_346 = arith.constant 24 : i32
      %scan3A_347 = arith.addi %scan3A_345, %scan3A_346 : i32
      %scan3A_348 = arith.constant 1 : i32
      %scan3A_349:9 = scf.for %scan3A_555 = %scan3A_345 to %scan3A_347 step %scan3A_348 iter_args(%scan3A_556 = %mul3A_259, %scan3A_557 = %mul3A_270, %scan3A_558 = %mul3A_282, %scan3A_559 = %mul3A_294, %scan3A_560 = %mul3A_306, %scan3A_561 = %mul3A_318, %scan3A_562 = %mul3A_330, %scan3A_563 = %mul3A_342, %scan3A_564 = %add3A_344) -> (vector<16xf32>, vector<16xf32>, vector<16xf32>, vector<16xf32>, vector<16xf32>, vector<16xf32>, vector<16xf32>, vector<16xf32>, vector<16xf32>)  : i32 {
        %mul3A_565 = arith.constant 128 : i32
        %mul3A_566 = arith.muli %scan3A_555, %mul3A_565 : i32
        %sub3A = arith.constant 128 : i32
        %sub3A_567 = arith.subi %mul3A_566, %sub3A : i32
        %add3A_568 = arith.constant 0 : i32
        %add3A_569 = arith.addi %sub3A_567, %add3A_568 : i32
        %get3A_570 = arith.constant 0 : i32
        %get3A_571 = arith.index_cast %get3A_570 : i32 to index
        %get3A_572 = arith.index_cast %add3A_569 : i32 to index
        %get3A_573 = tpu.vector_load %arg13[%get3A_571, %get3A_572] {strides = array<i32>} : memref<2x3072xi32, #tpu.memory_space<vmem>>, vector<16xi32>,
        %add3A_574 = arith.constant 0 : i32
        %add3A_575 = arith.addi %mul3A_566, %add3A_574 : i32
        %get3A_576 = arith.constant 0 : i32
        %get3A_577 = arith.index_cast %get3A_576 : i32 to index
        %get3A_578 = arith.index_cast %add3A_575 : i32 to index
        %get3A_579 = tpu.vector_load %arg12[%get3A_577, %get3A_578] {strides = array<i32>} : memref<2x3200xf32, #tpu.memory_space<vmem>>, vector<16xf32>,
        %gather3A = tpu.vector_load_idx %arg11[%get3A_573] : memref<102400xf32, #tpu.memory_space<vmem>>[vector<16xi32>], vector<16xf32>,
        %mul3A_580 = arith.mulf %gather3A, %get3A_579 : vector<16xf32>
        %add3A_581 = arith.addf %scan3A_556, %mul3A_580 : vector<16xf32>
        %abs3A_582 = math.absf %get3A_579 : vector<16xf32>
        %add3A_583 = arith.addf %scan3A_564, %abs3A_582 : vector<16xf32>
        %add3A_584 = arith.constant 16 : i32
        %add3A_585 = arith.addi %sub3A_567, %add3A_584 : i32
        %get3A_586 = arith.constant 0 : i32
        %get3A_587 = arith.index_cast %get3A_586 : i32 to index
        %get3A_588 = arith.index_cast %add3A_585 : i32 to index
        %get3A_589 = tpu.vector_load %arg13[%get3A_587, %get3A_588] {strides = array<i32>} : memref<2x3072xi32, #tpu.memory_space<vmem>>, vector<16xi32>,
        %add3A_590 = arith.constant 16 : i32
        %add3A_591 = arith.addi %mul3A_566, %add3A_590 : i32
        %get3A_592 = arith.constant 0 : i32
        %get3A_593 = arith.index_cast %get3A_592 : i32 to index
        %get3A_594 = arith.index_cast %add3A_591 : i32 to index
        %get3A_595 = tpu.vector_load %arg12[%get3A_593, %get3A_594] {strides = array<i32>} : memref<2x3200xf32, #tpu.memory_space<vmem>>, vector<16xf32>,
        %gather3A_596 = tpu.vector_load_idx %arg11[%get3A_589] : memref<102400xf32, #tpu.memory_space<vmem>>[vector<16xi32>], vector<16xf32>,
        %mul3A_597 = arith.mulf %gather3A_596, %get3A_595 : vector<16xf32>
        %add3A_598 = arith.addf %scan3A_557, %mul3A_597 : vector<16xf32>
        %abs3A_599 = math.absf %get3A_595 : vector<16xf32>
        %add3A_600 = arith.addf %add3A_583, %abs3A_599 : vector<16xf32>
        %add3A_601 = arith.constant 32 : i32
        %add3A_602 = arith.addi %sub3A_567, %add3A_601 : i32
        %get3A_603 = arith.constant 0 : i32
        %get3A_604 = arith.index_cast %get3A_603 : i32 to index
        %get3A_605 = arith.index_cast %add3A_602 : i32 to index
        %get3A_606 = tpu.vector_load %arg13[%get3A_604, %get3A_605] {strides = array<i32>} : memref<2x3072xi32, #tpu.memory_space<vmem>>, vector<16xi32>,
        %add3A_607 = arith.constant 32 : i32
        %add3A_608 = arith.addi %mul3A_566, %add3A_607 : i32
        %get3A_609 = arith.constant 0 : i32
        %get3A_610 = arith.index_cast %get3A_609 : i32 to index
        %get3A_611 = arith.index_cast %add3A_608 : i32 to index
        %get3A_612 = tpu.vector_load %arg12[%get3A_610, %get3A_611] {strides = array<i32>} : memref<2x3200xf32, #tpu.memory_space<vmem>>, vector<16xf32>,
        %gather3A_613 = tpu.vector_load_idx %arg11[%get3A_606] : memref<102400xf32, #tpu.memory_space<vmem>>[vector<16xi32>], vector<16xf32>,
        %mul3A_614 = arith.mulf %gather3A_613, %get3A_612 : vector<16xf32>
        %add3A_615 = arith.addf %scan3A_558, %mul3A_614 : vector<16xf32>
        %abs3A_616 = math.absf %get3A_612 : vector<16xf32>
        %add3A_617 = arith.addf %add3A_600, %abs3A_616 : vector<16xf32>
        %add3A_618 = arith.constant 48 : i32
        %add3A_619 = arith.addi %sub3A_567, %add3A_618 : i32
        %get3A_620 = arith.constant 0 : i32
        %get3A_621 = arith.index_cast %get3A_620 : i32 to index
        %get3A_622 = arith.index_cast %add3A_619 : i32 to index
        %get3A_623 = tpu.vector_load %arg13[%get3A_621, %get3A_622] {strides = array<i32>} : memref<2x3072xi32, #tpu.memory_space<vmem>>, vector<16xi32>,
        %add3A_624 = arith.constant 48 : i32
        %add3A_625 = arith.addi %mul3A_566, %add3A_624 : i32
        %get3A_626 = arith.constant 0 : i32
        %get3A_627 = arith.index_cast %get3A_626 : i32 to index
        %get3A_628 = arith.index_cast %add3A_625 : i32 to index
        %get3A_629 = tpu.vector_load %arg12[%get3A_627, %get3A_628] {strides = array<i32>} : memref<2x3200xf32, #tpu.memory_space<vmem>>, vector<16xf32>,
        %gather3A_630 = tpu.vector_load_idx %arg11[%get3A_623] : memref<102400xf32, #tpu.memory_space<vmem>>[vector<16xi32>], vector<16xf32>,
        %mul3A_631 = arith.mulf %gather3A_630, %get3A_629 : vector<16xf32>
        %add3A_632 = arith.addf %scan3A_559, %mul3A_631 : vector<16xf32>
        %abs3A_633 = math.absf %get3A_629 : vector<16xf32>
        %add3A_634 = arith.addf %add3A_617, %abs3A_633 : vector<16xf32>
        %add3A_635 = arith.constant 64 : i32
        %add3A_636 = arith.addi %sub3A_567, %add3A_635 : i32
        %get3A_637 = arith.constant 0 : i32
        %get3A_638 = arith.index_cast %get3A_637 : i32 to index
        %get3A_639 = arith.index_cast %add3A_636 : i32 to index
        %get3A_640 = tpu.vector_load %arg13[%get3A_638, %get3A_639] {strides = array<i32>} : memref<2x3072xi32, #tpu.memory_space<vmem>>, vector<16xi32>,
        %add3A_641 = arith.constant 64 : i32
        %add3A_642 = arith.addi %mul3A_566, %add3A_641 : i32
        %get3A_643 = arith.constant 0 : i32
        %get3A_644 = arith.index_cast %get3A_643 : i32 to index
        %get3A_645 = arith.index_cast %add3A_642 : i32 to index
        %get3A_646 = tpu.vector_load %arg12[%get3A_644, %get3A_645] {strides = array<i32>} : memref<2x3200xf32, #tpu.memory_space<vmem>>, vector<16xf32>,
        %gather3A_647 = tpu.vector_load_idx %arg11[%get3A_640] : memref<102400xf32, #tpu.memory_space<vmem>>[vector<16xi32>], vector<16xf32>,
        %mul3A_648 = arith.mulf %gather3A_647, %get3A_646 : vector<16xf32>
        %add3A_649 = arith.addf %scan3A_560, %mul3A_648 : vector<16xf32>
        %abs3A_650 = math.absf %get3A_646 : vector<16xf32>
        %add3A_651 = arith.addf %add3A_634, %abs3A_650 : vector<16xf32>
        %add3A_652 = arith.constant 80 : i32
        %add3A_653 = arith.addi %sub3A_567, %add3A_652 : i32
        %get3A_654 = arith.constant 0 : i32
        %get3A_655 = arith.index_cast %get3A_654 : i32 to index
        %get3A_656 = arith.index_cast %add3A_653 : i32 to index
        %get3A_657 = tpu.vector_load %arg13[%get3A_655, %get3A_656] {strides = array<i32>} : memref<2x3072xi32, #tpu.memory_space<vmem>>, vector<16xi32>,
        %add3A_658 = arith.constant 80 : i32
        %add3A_659 = arith.addi %mul3A_566, %add3A_658 : i32
        %get3A_660 = arith.constant 0 : i32
        %get3A_661 = arith.index_cast %get3A_660 : i32 to index
        %get3A_662 = arith.index_cast %add3A_659 : i32 to index
        %get3A_663 = tpu.vector_load %arg12[%get3A_661, %get3A_662] {strides = array<i32>} : memref<2x3200xf32, #tpu.memory_space<vmem>>, vector<16xf32>,
        %gather3A_664 = tpu.vector_load_idx %arg11[%get3A_657] : memref<102400xf32, #tpu.memory_space<vmem>>[vector<16xi32>], vector<16xf32>,
        %mul3A_665 = arith.mulf %gather3A_664, %get3A_663 : vector<16xf32>
        %add3A_666 = arith.addf %scan3A_561, %mul3A_665 : vector<16xf32>
        %abs3A_667 = math.absf %get3A_663 : vector<16xf32>
        %add3A_668 = arith.addf %add3A_651, %abs3A_667 : vector<16xf32>
        %add3A_669 = arith.constant 96 : i32
        %add3A_670 = arith.addi %sub3A_567, %add3A_669 : i32
        %get3A_671 = arith.constant 0 : i32
        %get3A_672 = arith.index_cast %get3A_671 : i32 to index
        %get3A_673 = arith.index_cast %add3A_670 : i32 to index
        %get3A_674 = tpu.vector_load %arg13[%get3A_672, %get3A_673] {strides = array<i32>} : memref<2x3072xi32, #tpu.memory_space<vmem>>, vector<16xi32>,
        %add3A_675 = arith.constant 96 : i32
        %add3A_676 = arith.addi %mul3A_566, %add3A_675 : i32
        %get3A_677 = arith.constant 0 : i32
        %get3A_678 = arith.index_cast %get3A_677 : i32 to index
        %get3A_679 = arith.index_cast %add3A_676 : i32 to index
        %get3A_680 = tpu.vector_load %arg12[%get3A_678, %get3A_679] {strides = array<i32>} : memref<2x3200xf32, #tpu.memory_space<vmem>>, vector<16xf32>,
        %gather3A_681 = tpu.vector_load_idx %arg11[%get3A_674] : memref<102400xf32, #tpu.memory_space<vmem>>[vector<16xi32>], vector<16xf32>,
        %mul3A_682 = arith.mulf %gather3A_681, %get3A_680 : vector<16xf32>
        %add3A_683 = arith.addf %scan3A_562, %mul3A_682 : vector<16xf32>
        %abs3A_684 = math.absf %get3A_680 : vector<16xf32>
        %add3A_685 = arith.addf %add3A_668, %abs3A_684 : vector<16xf32>
        %add3A_686 = arith.constant 112 : i32
        %add3A_687 = arith.addi %sub3A_567, %add3A_686 : i32
        %get3A_688 = arith.constant 0 : i32
        %get3A_689 = arith.index_cast %get3A_688 : i32 to index
        %get3A_690 = arith.index_cast %add3A_687 : i32 to index
        %get3A_691 = tpu.vector_load %arg13[%get3A_689, %get3A_690] {strides = array<i32>} : memref<2x3072xi32, #tpu.memory_space<vmem>>, vector<16xi32>,
        %add3A_692 = arith.constant 112 : i32
        %add3A_693 = arith.addi %mul3A_566, %add3A_692 : i32
        %get3A_694 = arith.constant 0 : i32
        %get3A_695 = arith.index_cast %get3A_694 : i32 to index
        %get3A_696 = arith.index_cast %add3A_693 : i32 to index
        %get3A_697 = tpu.vector_load %arg12[%get3A_695, %get3A_696] {strides = array<i32>} : memref<2x3200xf32, #tpu.memory_space<vmem>>, vector<16xf32>,
        %gather3A_698 = tpu.vector_load_idx %arg11[%get3A_691] : memref<102400xf32, #tpu.memory_space<vmem>>[vector<16xi32>], vector<16xf32>,
        %mul3A_699 = arith.mulf %gather3A_698, %get3A_697 : vector<16xf32>
        %add3A_700 = arith.addf %scan3A_563, %mul3A_699 : vector<16xf32>
        %abs3A_701 = math.absf %get3A_697 : vector<16xf32>
        %add3A_702 = arith.addf %add3A_685, %abs3A_701 : vector<16xf32>
        scf.yield %add3A_581, %add3A_598, %add3A_615, %add3A_632, %add3A_649, %add3A_666, %add3A_683, %add3A_700, %add3A_702 : vector<16xf32>, vector<16xf32>, vector<16xf32>, vector<16xf32>, vector<16xf32>, vector<16xf32>, vector<16xf32>, vector<16xf32>, vector<16xf32>
      }
      %scan3A_350 = arith.constant 24 : i32
      %add3A_351 = arith.constant 0 : i32
      %add3A_352 = arith.addi %mul3A_250, %add3A_351 : i32
      %swap3A_353 = arith.index_cast %add3A_352 : i32 to index
      %swap3A_354 = tpu.vector_load %arg15[%swap3A_353] {strides = array<i32>} : memref<6400xf32, #tpu.memory_space<vmem>>, vector<16xf32>,
      tpu.vector_store %arg15[%swap3A_353], %scan3A_349#0 {strides = array<i32>} : memref<6400xf32, #tpu.memory_space<vmem>>, vector<16xf32>,
      %add3A_355 = arith.constant 16 : i32
      %add3A_356 = arith.addi %mul3A_250, %add3A_355 : i32
      %swap3A_357 = arith.index_cast %add3A_356 : i32 to index
      %swap3A_358 = tpu.vector_load %arg15[%swap3A_357] {strides = array<i32>} : memref<6400xf32, #tpu.memory_space<vmem>>, vector<16xf32>,
      tpu.vector_store %arg15[%swap3A_357], %scan3A_349#1 {strides = array<i32>} : memref<6400xf32, #tpu.memory_space<vmem>>, vector<16xf32>,
      %add3A_359 = arith.constant 32 : i32
      %add3A_360 = arith.addi %mul3A_250, %add3A_359 : i32
      %swap3A_361 = arith.index_cast %add3A_360 : i32 to index
      %swap3A_362 = tpu.vector_load %arg15[%swap3A_361] {strides = array<i32>} : memref<6400xf32, #tpu.memory_space<vmem>>, vector<16xf32>,
      tpu.vector_store %arg15[%swap3A_361], %scan3A_349#2 {strides = array<i32>} : memref<6400xf32, #tpu.memory_space<vmem>>, vector<16xf32>,
      %add3A_363 = arith.constant 48 : i32
      %add3A_364 = arith.addi %mul3A_250, %add3A_363 : i32
      %swap3A_365 = arith.index_cast %add3A_364 : i32 to index
      %swap3A_366 = tpu.vector_load %arg15[%swap3A_365] {strides = array<i32>} : memref<6400xf32, #tpu.memory_space<vmem>>, vector<16xf32>,
      tpu.vector_store %arg15[%swap3A_365], %scan3A_349#3 {strides = array<i32>} : memref<6400xf32, #tpu.memory_space<vmem>>, vector<16xf32>,
      %add3A_367 = arith.constant 64 : i32
      %add3A_368 = arith.addi %mul3A_250, %add3A_367 : i32
      %swap3A_369 = arith.index_cast %add3A_368 : i32 to index
      %swap3A_370 = tpu.vector_load %arg15[%swap3A_369] {strides = array<i32>} : memref<6400xf32, #tpu.memory_space<vmem>>, vector<16xf32>,
      tpu.vector_store %arg15[%swap3A_369], %scan3A_349#4 {strides = array<i32>} : memref<6400xf32, #tpu.memory_space<vmem>>, vector<16xf32>,
      %add3A_371 = arith.constant 80 : i32
      %add3A_372 = arith.addi %mul3A_250, %add3A_371 : i32
      %swap3A_373 = arith.index_cast %add3A_372 : i32 to index
      %swap3A_374 = tpu.vector_load %arg15[%swap3A_373] {strides = array<i32>} : memref<6400xf32, #tpu.memory_space<vmem>>, vector<16xf32>,
      tpu.vector_store %arg15[%swap3A_373], %scan3A_349#5 {strides = array<i32>} : memref<6400xf32, #tpu.memory_space<vmem>>, vector<16xf32>,
      %add3A_375 = arith.constant 96 : i32
      %add3A_376 = arith.addi %mul3A_250, %add3A_375 : i32
      %swap3A_377 = arith.index_cast %add3A_376 : i32 to index
      %swap3A_378 = tpu.vector_load %arg15[%swap3A_377] {strides = array<i32>} : memref<6400xf32, #tpu.memory_space<vmem>>, vector<16xf32>,
      tpu.vector_store %arg15[%swap3A_377], %scan3A_349#6 {strides = array<i32>} : memref<6400xf32, #tpu.memory_space<vmem>>, vector<16xf32>,
      %add3A_379 = arith.constant 112 : i32
      %add3A_380 = arith.addi %mul3A_250, %add3A_379 : i32
      %swap3A_381 = arith.index_cast %add3A_380 : i32 to index
      %swap3A_382 = tpu.vector_load %arg15[%swap3A_381] {strides = array<i32>} : memref<6400xf32, #tpu.memory_space<vmem>>, vector<16xf32>,
      tpu.vector_store %arg15[%swap3A_381], %scan3A_349#7 {strides = array<i32>} : memref<6400xf32, #tpu.memory_space<vmem>>, vector<16xf32>,
      %add3A_383 = arith.constant 2 : i32
      %add3A_384 = arith.addi %mul3A_191, %add3A_383 : i32
      %lt3A = arith.constant 50 : i32
      %lt3A_385 = arith.cmpi slt, %add3A_384, %lt3A : i32
      %convert_element_type3A = arith.extui %lt3A_385 : i1 to i32
      %cond3A = arith.constant 0 : i32
      %cond3A_386 = arith.cmpi ne, %convert_element_type3A, %cond3A : i32
      scf.if %cond3A_386 {
        %add3A_555 = arith.constant 2 : i32
        %add3A_556 = arith.addi %mul3A_191, %add3A_555 : i32
        %add3A_557 = arith.addi %mul3A_2, %add3A_556 : i32
        %dma_start3A_558 = arith.constant 0 : i32
        %dma_start3A_559 = arith.constant 0 : i32
        %dma_start3A_560 = tpu.memref_slice %arg12[%dma_start3A_558, %dma_start3A_559] : memref<2x3200xf32, #tpu.memory_space<vmem>> -> memref<1x3200xf32, #tpu.memory_space<vmem>>
        %dma_start3A_561 = tpu.memref_squeeze %dma_start3A_560 : memref<1x3200xf32, #tpu.memory_space<vmem>> -> memref<3200xf32, #tpu.memory_space<vmem>>
        %dma_start3A_562 = arith.constant 0 : i32
        %dma_start3A_563 = tpu.memref_slice %arg3[%arg0, %add3A_557, %dma_start3A_562] : memref<2x800x3200xf32, #tpu.memory_space<hbm>> -> memref<1x1x3200xf32, #tpu.memory_space<hbm>>
        %dma_start3A_564 = tpu.memref_squeeze %dma_start3A_563 : memref<1x1x3200xf32, #tpu.memory_space<hbm>> -> memref<3200xf32, #tpu.memory_space<hbm>>
        %dma_start3A_565 = arith.constant 0 : i32
        %dma_start3A_566 = tpu.memref_slice %arg12[%dma_start3A_558, %dma_start3A_565] : memref<2x3200xf32, #tpu.memory_space<vmem>> -> memref<1x3200xf32, #tpu.memory_space<vmem>>
        %dma_start3A_567 = tpu.memref_squeeze %dma_start3A_566 : memref<1x3200xf32, #tpu.memory_space<vmem>> -> memref<3200xf32, #tpu.memory_space<vmem>>
        %dma_start3A_568 = arith.constant 0 : i32
        %dma_start3A_569 = tpu.memref_slice %arg3[%arg0, %add3A_557, %dma_start3A_568] : memref<2x800x3200xf32, #tpu.memory_space<hbm>> -> memref<1x1x3200xf32, #tpu.memory_space<hbm>>
        %dma_start3A_570 = tpu.memref_squeeze %dma_start3A_569 : memref<1x1x3200xf32, #tpu.memory_space<hbm>> -> memref<3200xf32, #tpu.memory_space<hbm>>
        tpu.enqueue_dma source(%dma_start3A_570 : memref<3200xf32, #tpu.memory_space<hbm>>) target(%dma_start3A_567 : memref<3200xf32, #tpu.memory_space<vmem>>) target_semaphore(%arg17 : memref<!tpu.dma_semaphore, #tpu.memory_space<semaphore_mem>>)
        %add3A_571 = arith.addi %mul3A_2, %add3A_556 : i32
        %dma_start3A_572 = arith.constant 0 : i32
        %dma_start3A_573 = arith.constant 0 : i32
        %dma_start3A_574 = tpu.memref_slice %arg13[%dma_start3A_572, %dma_start3A_573] : memref<2x3072xi32, #tpu.memory_space<vmem>> -> memref<1x3072xi32, #tpu.memory_space<vmem>>
        %dma_start3A_575 = tpu.memref_squeeze %dma_start3A_574 : memref<1x3072xi32, #tpu.memory_space<vmem>> -> memref<3072xi32, #tpu.memory_space<vmem>>
        %dma_start3A_576 = arith.constant 0 : i32
        %dma_start3A_577 = tpu.memref_slice %arg4[%arg0, %add3A_571, %dma_start3A_576] : memref<2x800x3072xi32, #tpu.memory_space<hbm>> -> memref<1x1x3072xi32, #tpu.memory_space<hbm>>
        %dma_start3A_578 = tpu.memref_squeeze %dma_start3A_577 : memref<1x1x3072xi32, #tpu.memory_space<hbm>> -> memref<3072xi32, #tpu.memory_space<hbm>>
        %dma_start3A_579 = arith.constant 0 : i32
        %dma_start3A_580 = tpu.memref_slice %arg13[%dma_start3A_572, %dma_start3A_579] : memref<2x3072xi32, #tpu.memory_space<vmem>> -> memref<1x3072xi32, #tpu.memory_space<vmem>>
        %dma_start3A_581 = tpu.memref_squeeze %dma_start3A_580 : memref<1x3072xi32, #tpu.memory_space<vmem>> -> memref<3072xi32, #tpu.memory_space<vmem>>
        %dma_start3A_582 = arith.constant 0 : i32
        %dma_start3A_583 = tpu.memref_slice %arg4[%arg0, %add3A_571, %dma_start3A_582] : memref<2x800x3072xi32, #tpu.memory_space<hbm>> -> memref<1x1x3072xi32, #tpu.memory_space<hbm>>
        %dma_start3A_584 = tpu.memref_squeeze %dma_start3A_583 : memref<1x1x3072xi32, #tpu.memory_space<hbm>> -> memref<3072xi32, #tpu.memory_space<hbm>>
        tpu.enqueue_dma source(%dma_start3A_584 : memref<3072xi32, #tpu.memory_space<hbm>>) target(%dma_start3A_581 : memref<3072xi32, #tpu.memory_space<vmem>>) target_semaphore(%arg19 : memref<!tpu.dma_semaphore, #tpu.memory_space<semaphore_mem>>)
      } else {
      }
      %add3A_387 = arith.constant 1 : i32
      %add3A_388 = arith.addi %mul3A_191, %add3A_387 : i32
      %add3A_389 = arith.addi %mul3A_2, %add3A_388 : i32
      %dma_wait3A_390 = arith.constant 1 : i32
      %dma_wait3A_391 = arith.constant 0 : i32
      %dma_wait3A_392 = tpu.memref_slice %arg12[%dma_wait3A_390, %dma_wait3A_391] : memref<2x3200xf32, #tpu.memory_space<vmem>> -> memref<1x3200xf32, #tpu.memory_space<vmem>>
      %dma_wait3A_393 = tpu.memref_squeeze %dma_wait3A_392 : memref<1x3200xf32, #tpu.memory_space<vmem>> -> memref<3200xf32, #tpu.memory_space<vmem>>
      %dma_wait3A_394 = arith.constant 0 : i32
      %dma_wait3A_395 = tpu.memref_slice %arg3[%arg0, %add3A_389, %dma_wait3A_394] : memref<2x800x3200xf32, #tpu.memory_space<hbm>> -> memref<1x1x3200xf32, #tpu.memory_space<hbm>>
      %dma_wait3A_396 = tpu.memref_squeeze %dma_wait3A_395 : memref<1x1x3200xf32, #tpu.memory_space<hbm>> -> memref<3200xf32, #tpu.memory_space<hbm>>
      %dma_wait3A_397 = arith.constant 0 : i32
      %dma_wait3A_398 = tpu.memref_slice %arg12[%dma_wait3A_390, %dma_wait3A_397] : memref<2x3200xf32, #tpu.memory_space<vmem>> -> memref<1x3200xf32, #tpu.memory_space<vmem>>
      %dma_wait3A_399 = tpu.memref_squeeze %dma_wait3A_398 : memref<1x3200xf32, #tpu.memory_space<vmem>> -> memref<3200xf32, #tpu.memory_space<vmem>>
      %dma_wait3A_400 = arith.constant 0 : i32
      %dma_wait3A_401 = tpu.memref_slice %arg3[%arg0, %add3A_389, %dma_wait3A_400] : memref<2x800x3200xf32, #tpu.memory_space<hbm>> -> memref<1x1x3200xf32, #tpu.memory_space<hbm>>
      %dma_wait3A_402 = tpu.memref_squeeze %dma_wait3A_401 : memref<1x1x3200xf32, #tpu.memory_space<hbm>> -> memref<3200xf32, #tpu.memory_space<hbm>>
      tpu.wait_dma2 semaphore(%arg18 : memref<!tpu.dma_semaphore, #tpu.memory_space<semaphore_mem>>) src(%dma_wait3A_402 : memref<3200xf32, #tpu.memory_space<hbm>>) dst(%dma_wait3A_399 : memref<3200xf32, #tpu.memory_space<vmem>>)
      %add3A_403 = arith.addi %mul3A_2, %add3A_388 : i32
      %dma_wait3A_404 = arith.constant 1 : i32
      %dma_wait3A_405 = arith.constant 0 : i32
      %dma_wait3A_406 = tpu.memref_slice %arg13[%dma_wait3A_404, %dma_wait3A_405] : memref<2x3072xi32, #tpu.memory_space<vmem>> -> memref<1x3072xi32, #tpu.memory_space<vmem>>
      %dma_wait3A_407 = tpu.memref_squeeze %dma_wait3A_406 : memref<1x3072xi32, #tpu.memory_space<vmem>> -> memref<3072xi32, #tpu.memory_space<vmem>>
      %dma_wait3A_408 = arith.constant 0 : i32
      %dma_wait3A_409 = tpu.memref_slice %arg4[%arg0, %add3A_403, %dma_wait3A_408] : memref<2x800x3072xi32, #tpu.memory_space<hbm>> -> memref<1x1x3072xi32, #tpu.memory_space<hbm>>
      %dma_wait3A_410 = tpu.memref_squeeze %dma_wait3A_409 : memref<1x1x3072xi32, #tpu.memory_space<hbm>> -> memref<3072xi32, #tpu.memory_space<hbm>>
      %dma_wait3A_411 = arith.constant 0 : i32
      %dma_wait3A_412 = tpu.memref_slice %arg13[%dma_wait3A_404, %dma_wait3A_411] : memref<2x3072xi32, #tpu.memory_space<vmem>> -> memref<1x3072xi32, #tpu.memory_space<vmem>>
      %dma_wait3A_413 = tpu.memref_squeeze %dma_wait3A_412 : memref<1x3072xi32, #tpu.memory_space<vmem>> -> memref<3072xi32, #tpu.memory_space<vmem>>
      %dma_wait3A_414 = arith.constant 0 : i32
      %dma_wait3A_415 = tpu.memref_slice %arg4[%arg0, %add3A_403, %dma_wait3A_414] : memref<2x800x3072xi32, #tpu.memory_space<hbm>> -> memref<1x1x3072xi32, #tpu.memory_space<hbm>>
      %dma_wait3A_416 = tpu.memref_squeeze %dma_wait3A_415 : memref<1x1x3072xi32, #tpu.memory_space<hbm>> -> memref<3072xi32, #tpu.memory_space<hbm>>
      tpu.wait_dma2 semaphore(%arg20 : memref<!tpu.dma_semaphore, #tpu.memory_space<semaphore_mem>>) src(%dma_wait3A_416 : memref<3072xi32, #tpu.memory_space<hbm>>) dst(%dma_wait3A_413 : memref<3072xi32, #tpu.memory_space<vmem>>)
      %add3A_417 = arith.constant 1 : i32
      %add3A_418 = arith.addi %mul3A_191, %add3A_417 : i32
      %mul3A_419 = arith.constant 128 : i32
      %mul3A_420 = arith.muli %add3A_418, %mul3A_419 : i32
      %get3A_421 = arith.constant 1 : i32
      %get3A_422 = arith.index_cast %get3A_421 : i32 to index
      %get3A_423 = arith.constant 0 : index
      %get3A_424 = tpu.vector_load %arg12[%get3A_422, %get3A_423] {strides = array<i32>} : memref<2x3200xf32, #tpu.memory_space<vmem>>, vector<16xf32>,
      %add3A_425 = arith.addi %mul3A_0, %mul3A_420 : i32
      %add3A_426 = arith.constant 0 : i32
      %add3A_427 = arith.addi %add3A_425, %add3A_426 : i32
      %get3A_428 = arith.index_cast %add3A_427 : i32 to index
      %get3A_429 = tpu.vector_load %arg11[%get3A_428] {strides = array<i32>} : memref<102400xf32, #tpu.memory_space<vmem>>, vector<16xf32>,
      %mul3A_430 = arith.mulf %get3A_429, %get3A_424 : vector<16xf32>
      %abs3A_431 = math.absf %get3A_424 : vector<16xf32>
      %add3A_432 = arith.addf %scan3A_349#8, %abs3A_431 : vector<16xf32>
      %get3A_433 = arith.constant 1 : i32
      %get3A_434 = arith.index_cast %get3A_433 : i32 to index
      %get3A_435 = arith.constant 16 : index
      %get3A_436 = tpu.vector_load %arg12[%get3A_434, %get3A_435] {strides = array<i32>} : memref<2x3200xf32, #tpu.memory_space<vmem>>, vector<16xf32>,
      %add3A_437 = arith.addi %mul3A_0, %mul3A_420 : i32
      %add3A_438 = arith.constant 16 : i32
      %add3A_439 = arith.addi %add3A_437, %add3A_438 : i32
      %get3A_440 = arith.index_cast %add3A_439 : i32 to index
      %get3A_441 = tpu.vector_load %arg11[%get3A_440] {strides = array<i32>} : memref<102400xf32, #tpu.memory_space<vmem>>, vector<16xf32>,
      %mul3A_442 = arith.mulf %get3A_441, %get3A_436 : vector<16xf32>
      %abs3A_443 = math.absf %get3A_436 : vector<16xf32>
      %add3A_444 = arith.addf %add3A_432, %abs3A_443 : vector<16xf32>
      %get3A_445 = arith.constant 1 : i32
      %get3A_446 = arith.index_cast %get3A_445 : i32 to index
      %get3A_447 = arith.constant 32 : index
      %get3A_448 = tpu.vector_load %arg12[%get3A_446, %get3A_447] {strides = array<i32>} : memref<2x3200xf32, #tpu.memory_space<vmem>>, vector<16xf32>,
      %add3A_449 = arith.addi %mul3A_0, %mul3A_420 : i32
      %add3A_450 = arith.constant 32 : i32
      %add3A_451 = arith.addi %add3A_449, %add3A_450 : i32
      %get3A_452 = arith.index_cast %add3A_451 : i32 to index
      %get3A_453 = tpu.vector_load %arg11[%get3A_452] {strides = array<i32>} : memref<102400xf32, #tpu.memory_space<vmem>>, vector<16xf32>,
      %mul3A_454 = arith.mulf %get3A_453, %get3A_448 : vector<16xf32>
      %abs3A_455 = math.absf %get3A_448 : vector<16xf32>
      %add3A_456 = arith.addf %add3A_444, %abs3A_455 : vector<16xf32>
      %get3A_457 = arith.constant 1 : i32
      %get3A_458 = arith.index_cast %get3A_457 : i32 to index
      %get3A_459 = arith.constant 48 : index
      %get3A_460 = tpu.vector_load %arg12[%get3A_458, %get3A_459] {strides = array<i32>} : memref<2x3200xf32, #tpu.memory_space<vmem>>, vector<16xf32>,
      %add3A_461 = arith.addi %mul3A_0, %mul3A_420 : i32
      %add3A_462 = arith.constant 48 : i32
      %add3A_463 = arith.addi %add3A_461, %add3A_462 : i32
      %get3A_464 = arith.index_cast %add3A_463 : i32 to index
      %get3A_465 = tpu.vector_load %arg11[%get3A_464] {strides = array<i32>} : memref<102400xf32, #tpu.memory_space<vmem>>, vector<16xf32>,
      %mul3A_466 = arith.mulf %get3A_465, %get3A_460 : vector<16xf32>
      %abs3A_467 = math.absf %get3A_460 : vector<16xf32>
      %add3A_468 = arith.addf %add3A_456, %abs3A_467 : vector<16xf32>
      %get3A_469 = arith.constant 1 : i32
      %get3A_470 = arith.index_cast %get3A_469 : i32 to index
      %get3A_471 = arith.constant 64 : index
      %get3A_472 = tpu.vector_load %arg12[%get3A_470, %get3A_471] {strides = array<i32>} : memref<2x3200xf32, #tpu.memory_space<vmem>>, vector<16xf32>,
      %add3A_473 = arith.addi %mul3A_0, %mul3A_420 : i32
      %add3A_474 = arith.constant 64 : i32
      %add3A_475 = arith.addi %add3A_473, %add3A_474 : i32
      %get3A_476 = arith.index_cast %add3A_475 : i32 to index
      %get3A_477 = tpu.vector_load %arg11[%get3A_476] {strides = array<i32>} : memref<102400xf32, #tpu.memory_space<vmem>>, vector<16xf32>,
      %mul3A_478 = arith.mulf %get3A_477, %get3A_472 : vector<16xf32>
      %abs3A_479 = math.absf %get3A_472 : vector<16xf32>
      %add3A_480 = arith.addf %add3A_468, %abs3A_479 : vector<16xf32>
      %get3A_481 = arith.constant 1 : i32
      %get3A_482 = arith.index_cast %get3A_481 : i32 to index
      %get3A_483 = arith.constant 80 : index
      %get3A_484 = tpu.vector_load %arg12[%get3A_482, %get3A_483] {strides = array<i32>} : memref<2x3200xf32, #tpu.memory_space<vmem>>, vector<16xf32>,
      %add3A_485 = arith.addi %mul3A_0, %mul3A_420 : i32
      %add3A_486 = arith.constant 80 : i32
      %add3A_487 = arith.addi %add3A_485, %add3A_486 : i32
      %get3A_488 = arith.index_cast %add3A_487 : i32 to index
      %get3A_489 = tpu.vector_load %arg11[%get3A_488] {strides = array<i32>} : memref<102400xf32, #tpu.memory_space<vmem>>, vector<16xf32>,
      %mul3A_490 = arith.mulf %get3A_489, %get3A_484 : vector<16xf32>
      %abs3A_491 = math.absf %get3A_484 : vector<16xf32>
      %add3A_492 = arith.addf %add3A_480, %abs3A_491 : vector<16xf32>
      %get3A_493 = arith.constant 1 : i32
      %get3A_494 = arith.index_cast %get3A_493 : i32 to index
      %get3A_495 = arith.constant 96 : index
      %get3A_496 = tpu.vector_load %arg12[%get3A_494, %get3A_495] {strides = array<i32>} : memref<2x3200xf32, #tpu.memory_space<vmem>>, vector<16xf32>,
      %add3A_497 = arith.addi %mul3A_0, %mul3A_420 : i32
      %add3A_498 = arith.constant 96 : i32
      %add3A_499 = arith.addi %add3A_497, %add3A_498 : i32
      %get3A_500 = arith.index_cast %add3A_499 : i32 to index
      %get3A_501 = tpu.vector_load %arg11[%get3A_500] {strides = array<i32>} : memref<102400xf32, #tpu.memory_space<vmem>>, vector<16xf32>,
      %mul3A_502 = arith.mulf %get3A_501, %get3A_496 : vector<16xf32>
      %abs3A_503 = math.absf %get3A_496 : vector<16xf32>
      %add3A_504 = arith.addf %add3A_492, %abs3A_503 : vector<16xf32>
      %get3A_505 = arith.constant 1 : i32
      %get3A_506 = arith.index_cast %get3A_505 : i32 to index
      %get3A_507 = arith.constant 112 : index
      %get3A_508 = tpu.vector_load %arg12[%get3A_506, %get3A_507] {strides = array<i32>} : memref<2x3200xf32, #tpu.memory_space<vmem>>, vector<16xf32>,
      %add3A_509 = arith.addi %mul3A_0, %mul3A_420 : i32
      %add3A_510 = arith.constant 112 : i32
      %add3A_511 = arith.addi %add3A_509, %add3A_510 : i32
      %get3A_512 = arith.index_cast %add3A_511 : i32 to index
      %get3A_513 = tpu.vector_load %arg11[%get3A_512] {strides = array<i32>} : memref<102400xf32, #tpu.memory_space<vmem>>, vector<16xf32>,
      %mul3A_514 = arith.mulf %get3A_513, %get3A_508 : vector<16xf32>
      %abs3A_515 = math.absf %get3A_508 : vector<16xf32>
      %add3A_516 = arith.addf %add3A_504, %abs3A_515 : vector<16xf32>
      %scan3A_517 = arith.constant 1 : i32
      %scan3A_518 = arith.constant 24 : i32
      %scan3A_519 = arith.addi %scan3A_517, %scan3A_518 : i32
      %scan3A_520 = arith.constant 1 : i32
      %scan3A_521:9 = scf.for %scan3A_555 = %scan3A_517 to %scan3A_519 step %scan3A_520 iter_args(%scan3A_556 = %mul3A_430, %scan3A_557 = %mul3A_442, %scan3A_558 = %mul3A_454, %scan3A_559 = %mul3A_466, %scan3A_560 = %mul3A_478, %scan3A_561 = %mul3A_490, %scan3A_562 = %mul3A_502, %scan3A_563 = %mul3A_514, %scan3A_564 = %add3A_516) -> (vector<16xf32>, vector<16xf32>, vector<16xf32>, vector<16xf32>, vector<16xf32>, vector<16xf32>, vector<16xf32>, vector<16xf32>, vector<16xf32>)  : i32 {
        %mul3A_565 = arith.constant 128 : i32
        %mul3A_566 = arith.muli %scan3A_555, %mul3A_565 : i32
        %sub3A = arith.constant 128 : i32
        %sub3A_567 = arith.subi %mul3A_566, %sub3A : i32
        %add3A_568 = arith.constant 0 : i32
        %add3A_569 = arith.addi %sub3A_567, %add3A_568 : i32
        %get3A_570 = arith.constant 1 : i32
        %get3A_571 = arith.index_cast %get3A_570 : i32 to index
        %get3A_572 = arith.index_cast %add3A_569 : i32 to index
        %get3A_573 = tpu.vector_load %arg13[%get3A_571, %get3A_572] {strides = array<i32>} : memref<2x3072xi32, #tpu.memory_space<vmem>>, vector<16xi32>,
        %add3A_574 = arith.constant 0 : i32
        %add3A_575 = arith.addi %mul3A_566, %add3A_574 : i32
        %get3A_576 = arith.constant 1 : i32
        %get3A_577 = arith.index_cast %get3A_576 : i32 to index
        %get3A_578 = arith.index_cast %add3A_575 : i32 to index
        %get3A_579 = tpu.vector_load %arg12[%get3A_577, %get3A_578] {strides = array<i32>} : memref<2x3200xf32, #tpu.memory_space<vmem>>, vector<16xf32>,
        %gather3A = tpu.vector_load_idx %arg11[%get3A_573] : memref<102400xf32, #tpu.memory_space<vmem>>[vector<16xi32>], vector<16xf32>,
        %mul3A_580 = arith.mulf %gather3A, %get3A_579 : vector<16xf32>
        %add3A_581 = arith.addf %scan3A_556, %mul3A_580 : vector<16xf32>
        %abs3A_582 = math.absf %get3A_579 : vector<16xf32>
        %add3A_583 = arith.addf %scan3A_564, %abs3A_582 : vector<16xf32>
        %add3A_584 = arith.constant 16 : i32
        %add3A_585 = arith.addi %sub3A_567, %add3A_584 : i32
        %get3A_586 = arith.constant 1 : i32
        %get3A_587 = arith.index_cast %get3A_586 : i32 to index
        %get3A_588 = arith.index_cast %add3A_585 : i32 to index
        %get3A_589 = tpu.vector_load %arg13[%get3A_587, %get3A_588] {strides = array<i32>} : memref<2x3072xi32, #tpu.memory_space<vmem>>, vector<16xi32>,
        %add3A_590 = arith.constant 16 : i32
        %add3A_591 = arith.addi %mul3A_566, %add3A_590 : i32
        %get3A_592 = arith.constant 1 : i32
        %get3A_593 = arith.index_cast %get3A_592 : i32 to index
        %get3A_594 = arith.index_cast %add3A_591 : i32 to index
        %get3A_595 = tpu.vector_load %arg12[%get3A_593, %get3A_594] {strides = array<i32>} : memref<2x3200xf32, #tpu.memory_space<vmem>>, vector<16xf32>,
        %gather3A_596 = tpu.vector_load_idx %arg11[%get3A_589] : memref<102400xf32, #tpu.memory_space<vmem>>[vector<16xi32>], vector<16xf32>,
        %mul3A_597 = arith.mulf %gather3A_596, %get3A_595 : vector<16xf32>
        %add3A_598 = arith.addf %scan3A_557, %mul3A_597 : vector<16xf32>
        %abs3A_599 = math.absf %get3A_595 : vector<16xf32>
        %add3A_600 = arith.addf %add3A_583, %abs3A_599 : vector<16xf32>
        %add3A_601 = arith.constant 32 : i32
        %add3A_602 = arith.addi %sub3A_567, %add3A_601 : i32
        %get3A_603 = arith.constant 1 : i32
        %get3A_604 = arith.index_cast %get3A_603 : i32 to index
        %get3A_605 = arith.index_cast %add3A_602 : i32 to index
        %get3A_606 = tpu.vector_load %arg13[%get3A_604, %get3A_605] {strides = array<i32>} : memref<2x3072xi32, #tpu.memory_space<vmem>>, vector<16xi32>,
        %add3A_607 = arith.constant 32 : i32
        %add3A_608 = arith.addi %mul3A_566, %add3A_607 : i32
        %get3A_609 = arith.constant 1 : i32
        %get3A_610 = arith.index_cast %get3A_609 : i32 to index
        %get3A_611 = arith.index_cast %add3A_608 : i32 to index
        %get3A_612 = tpu.vector_load %arg12[%get3A_610, %get3A_611] {strides = array<i32>} : memref<2x3200xf32, #tpu.memory_space<vmem>>, vector<16xf32>,
        %gather3A_613 = tpu.vector_load_idx %arg11[%get3A_606] : memref<102400xf32, #tpu.memory_space<vmem>>[vector<16xi32>], vector<16xf32>,
        %mul3A_614 = arith.mulf %gather3A_613, %get3A_612 : vector<16xf32>
        %add3A_615 = arith.addf %scan3A_558, %mul3A_614 : vector<16xf32>
        %abs3A_616 = math.absf %get3A_612 : vector<16xf32>
        %add3A_617 = arith.addf %add3A_600, %abs3A_616 : vector<16xf32>
        %add3A_618 = arith.constant 48 : i32
        %add3A_619 = arith.addi %sub3A_567, %add3A_618 : i32
        %get3A_620 = arith.constant 1 : i32
        %get3A_621 = arith.index_cast %get3A_620 : i32 to index
        %get3A_622 = arith.index_cast %add3A_619 : i32 to index
        %get3A_623 = tpu.vector_load %arg13[%get3A_621, %get3A_622] {strides = array<i32>} : memref<2x3072xi32, #tpu.memory_space<vmem>>, vector<16xi32>,
        %add3A_624 = arith.constant 48 : i32
        %add3A_625 = arith.addi %mul3A_566, %add3A_624 : i32
        %get3A_626 = arith.constant 1 : i32
        %get3A_627 = arith.index_cast %get3A_626 : i32 to index
        %get3A_628 = arith.index_cast %add3A_625 : i32 to index
        %get3A_629 = tpu.vector_load %arg12[%get3A_627, %get3A_628] {strides = array<i32>} : memref<2x3200xf32, #tpu.memory_space<vmem>>, vector<16xf32>,
        %gather3A_630 = tpu.vector_load_idx %arg11[%get3A_623] : memref<102400xf32, #tpu.memory_space<vmem>>[vector<16xi32>], vector<16xf32>,
        %mul3A_631 = arith.mulf %gather3A_630, %get3A_629 : vector<16xf32>
        %add3A_632 = arith.addf %scan3A_559, %mul3A_631 : vector<16xf32>
        %abs3A_633 = math.absf %get3A_629 : vector<16xf32>
        %add3A_634 = arith.addf %add3A_617, %abs3A_633 : vector<16xf32>
        %add3A_635 = arith.constant 64 : i32
        %add3A_636 = arith.addi %sub3A_567, %add3A_635 : i32
        %get3A_637 = arith.constant 1 : i32
        %get3A_638 = arith.index_cast %get3A_637 : i32 to index
        %get3A_639 = arith.index_cast %add3A_636 : i32 to index
        %get3A_640 = tpu.vector_load %arg13[%get3A_638, %get3A_639] {strides = array<i32>} : memref<2x3072xi32, #tpu.memory_space<vmem>>, vector<16xi32>,
        %add3A_641 = arith.constant 64 : i32
        %add3A_642 = arith.addi %mul3A_566, %add3A_641 : i32
        %get3A_643 = arith.constant 1 : i32
        %get3A_644 = arith.index_cast %get3A_643 : i32 to index
        %get3A_645 = arith.index_cast %add3A_642 : i32 to index
        %get3A_646 = tpu.vector_load %arg12[%get3A_644, %get3A_645] {strides = array<i32>} : memref<2x3200xf32, #tpu.memory_space<vmem>>, vector<16xf32>,
        %gather3A_647 = tpu.vector_load_idx %arg11[%get3A_640] : memref<102400xf32, #tpu.memory_space<vmem>>[vector<16xi32>], vector<16xf32>,
        %mul3A_648 = arith.mulf %gather3A_647, %get3A_646 : vector<16xf32>
        %add3A_649 = arith.addf %scan3A_560, %mul3A_648 : vector<16xf32>
        %abs3A_650 = math.absf %get3A_646 : vector<16xf32>
        %add3A_651 = arith.addf %add3A_634, %abs3A_650 : vector<16xf32>
        %add3A_652 = arith.constant 80 : i32
        %add3A_653 = arith.addi %sub3A_567, %add3A_652 : i32
        %get3A_654 = arith.constant 1 : i32
        %get3A_655 = arith.index_cast %get3A_654 : i32 to index
        %get3A_656 = arith.index_cast %add3A_653 : i32 to index
        %get3A_657 = tpu.vector_load %arg13[%get3A_655, %get3A_656] {strides = array<i32>} : memref<2x3072xi32, #tpu.memory_space<vmem>>, vector<16xi32>,
        %add3A_658 = arith.constant 80 : i32
        %add3A_659 = arith.addi %mul3A_566, %add3A_658 : i32
        %get3A_660 = arith.constant 1 : i32
        %get3A_661 = arith.index_cast %get3A_660 : i32 to index
        %get3A_662 = arith.index_cast %add3A_659 : i32 to index
        %get3A_663 = tpu.vector_load %arg12[%get3A_661, %get3A_662] {strides = array<i32>} : memref<2x3200xf32, #tpu.memory_space<vmem>>, vector<16xf32>,
        %gather3A_664 = tpu.vector_load_idx %arg11[%get3A_657] : memref<102400xf32, #tpu.memory_space<vmem>>[vector<16xi32>], vector<16xf32>,
        %mul3A_665 = arith.mulf %gather3A_664, %get3A_663 : vector<16xf32>
        %add3A_666 = arith.addf %scan3A_561, %mul3A_665 : vector<16xf32>
        %abs3A_667 = math.absf %get3A_663 : vector<16xf32>
        %add3A_668 = arith.addf %add3A_651, %abs3A_667 : vector<16xf32>
        %add3A_669 = arith.constant 96 : i32
        %add3A_670 = arith.addi %sub3A_567, %add3A_669 : i32
        %get3A_671 = arith.constant 1 : i32
        %get3A_672 = arith.index_cast %get3A_671 : i32 to index
        %get3A_673 = arith.index_cast %add3A_670 : i32 to index
        %get3A_674 = tpu.vector_load %arg13[%get3A_672, %get3A_673] {strides = array<i32>} : memref<2x3072xi32, #tpu.memory_space<vmem>>, vector<16xi32>,
        %add3A_675 = arith.constant 96 : i32
        %add3A_676 = arith.addi %mul3A_566, %add3A_675 : i32
        %get3A_677 = arith.constant 1 : i32
        %get3A_678 = arith.index_cast %get3A_677 : i32 to index
        %get3A_679 = arith.index_cast %add3A_676 : i32 to index
        %get3A_680 = tpu.vector_load %arg12[%get3A_678, %get3A_679] {strides = array<i32>} : memref<2x3200xf32, #tpu.memory_space<vmem>>, vector<16xf32>,
        %gather3A_681 = tpu.vector_load_idx %arg11[%get3A_674] : memref<102400xf32, #tpu.memory_space<vmem>>[vector<16xi32>], vector<16xf32>,
        %mul3A_682 = arith.mulf %gather3A_681, %get3A_680 : vector<16xf32>
        %add3A_683 = arith.addf %scan3A_562, %mul3A_682 : vector<16xf32>
        %abs3A_684 = math.absf %get3A_680 : vector<16xf32>
        %add3A_685 = arith.addf %add3A_668, %abs3A_684 : vector<16xf32>
        %add3A_686 = arith.constant 112 : i32
        %add3A_687 = arith.addi %sub3A_567, %add3A_686 : i32
        %get3A_688 = arith.constant 1 : i32
        %get3A_689 = arith.index_cast %get3A_688 : i32 to index
        %get3A_690 = arith.index_cast %add3A_687 : i32 to index
        %get3A_691 = tpu.vector_load %arg13[%get3A_689, %get3A_690] {strides = array<i32>} : memref<2x3072xi32, #tpu.memory_space<vmem>>, vector<16xi32>,
        %add3A_692 = arith.constant 112 : i32
        %add3A_693 = arith.addi %mul3A_566, %add3A_692 : i32
        %get3A_694 = arith.constant 1 : i32
        %get3A_695 = arith.index_cast %get3A_694 : i32 to index
        %get3A_696 = arith.index_cast %add3A_693 : i32 to index
        %get3A_697 = tpu.vector_load %arg12[%get3A_695, %get3A_696] {strides = array<i32>} : memref<2x3200xf32, #tpu.memory_space<vmem>>, vector<16xf32>,
        %gather3A_698 = tpu.vector_load_idx %arg11[%get3A_691] : memref<102400xf32, #tpu.memory_space<vmem>>[vector<16xi32>], vector<16xf32>,
        %mul3A_699 = arith.mulf %gather3A_698, %get3A_697 : vector<16xf32>
        %add3A_700 = arith.addf %scan3A_563, %mul3A_699 : vector<16xf32>
        %abs3A_701 = math.absf %get3A_697 : vector<16xf32>
        %add3A_702 = arith.addf %add3A_685, %abs3A_701 : vector<16xf32>
        scf.yield %add3A_581, %add3A_598, %add3A_615, %add3A_632, %add3A_649, %add3A_666, %add3A_683, %add3A_700, %add3A_702 : vector<16xf32>, vector<16xf32>, vector<16xf32>, vector<16xf32>, vector<16xf32>, vector<16xf32>, vector<16xf32>, vector<16xf32>, vector<16xf32>
      }
      %scan3A_522 = arith.constant 24 : i32
      %add3A_523 = arith.constant 0 : i32
      %add3A_524 = arith.addi %mul3A_420, %add3A_523 : i32
      %swap3A_525 = arith.index_cast %add3A_524 : i32 to index
      %swap3A_526 = tpu.vector_load %arg15[%swap3A_525] {strides = array<i32>} : memref<6400xf32, #tpu.memory_space<vmem>>, vector<16xf32>,
      tpu.vector_store %arg15[%swap3A_525], %scan3A_521#0 {strides = array<i32>} : memref<6400xf32, #tpu.memory_space<vmem>>, vector<16xf32>,
      %add3A_527 = arith.constant 16 : i32
      %add3A_528 = arith.addi %mul3A_420, %add3A_527 : i32
      %swap3A_529 = arith.index_cast %add3A_528 : i32 to index
      %swap3A_530 = tpu.vector_load %arg15[%swap3A_529] {strides = array<i32>} : memref<6400xf32, #tpu.memory_space<vmem>>, vector<16xf32>,
      tpu.vector_store %arg15[%swap3A_529], %scan3A_521#1 {strides = array<i32>} : memref<6400xf32, #tpu.memory_space<vmem>>, vector<16xf32>,
      %add3A_531 = arith.constant 32 : i32
      %add3A_532 = arith.addi %mul3A_420, %add3A_531 : i32
      %swap3A_533 = arith.index_cast %add3A_532 : i32 to index
      %swap3A_534 = tpu.vector_load %arg15[%swap3A_533] {strides = array<i32>} : memref<6400xf32, #tpu.memory_space<vmem>>, vector<16xf32>,
      tpu.vector_store %arg15[%swap3A_533], %scan3A_521#2 {strides = array<i32>} : memref<6400xf32, #tpu.memory_space<vmem>>, vector<16xf32>,
      %add3A_535 = arith.constant 48 : i32
      %add3A_536 = arith.addi %mul3A_420, %add3A_535 : i32
      %swap3A_537 = arith.index_cast %add3A_536 : i32 to index
      %swap3A_538 = tpu.vector_load %arg15[%swap3A_537] {strides = array<i32>} : memref<6400xf32, #tpu.memory_space<vmem>>, vector<16xf32>,
      tpu.vector_store %arg15[%swap3A_537], %scan3A_521#3 {strides = array<i32>} : memref<6400xf32, #tpu.memory_space<vmem>>, vector<16xf32>,
      %add3A_539 = arith.constant 64 : i32
      %add3A_540 = arith.addi %mul3A_420, %add3A_539 : i32
      %swap3A_541 = arith.index_cast %add3A_540 : i32 to index
      %swap3A_542 = tpu.vector_load %arg15[%swap3A_541] {strides = array<i32>} : memref<6400xf32, #tpu.memory_space<vmem>>, vector<16xf32>,
      tpu.vector_store %arg15[%swap3A_541], %scan3A_521#4 {strides = array<i32>} : memref<6400xf32, #tpu.memory_space<vmem>>, vector<16xf32>,
      %add3A_543 = arith.constant 80 : i32
      %add3A_544 = arith.addi %mul3A_420, %add3A_543 : i32
      %swap3A_545 = arith.index_cast %add3A_544 : i32 to index
      %swap3A_546 = tpu.vector_load %arg15[%swap3A_545] {strides = array<i32>} : memref<6400xf32, #tpu.memory_space<vmem>>, vector<16xf32>,
      tpu.vector_store %arg15[%swap3A_545], %scan3A_521#5 {strides = array<i32>} : memref<6400xf32, #tpu.memory_space<vmem>>, vector<16xf32>,
      %add3A_547 = arith.constant 96 : i32
      %add3A_548 = arith.addi %mul3A_420, %add3A_547 : i32
      %swap3A_549 = arith.index_cast %add3A_548 : i32 to index
      %swap3A_550 = tpu.vector_load %arg15[%swap3A_549] {strides = array<i32>} : memref<6400xf32, #tpu.memory_space<vmem>>, vector<16xf32>,
      tpu.vector_store %arg15[%swap3A_549], %scan3A_521#6 {strides = array<i32>} : memref<6400xf32, #tpu.memory_space<vmem>>, vector<16xf32>,
      %add3A_551 = arith.constant 112 : i32
      %add3A_552 = arith.addi %mul3A_420, %add3A_551 : i32
      %swap3A_553 = arith.index_cast %add3A_552 : i32 to index
      %swap3A_554 = tpu.vector_load %arg15[%swap3A_553] {strides = array<i32>} : memref<6400xf32, #tpu.memory_space<vmem>>, vector<16xf32>,
      tpu.vector_store %arg15[%swap3A_553], %scan3A_521#7 {strides = array<i32>} : memref<6400xf32, #tpu.memory_space<vmem>>, vector<16xf32>,
      scf.yield %scan3A_521#8 : vector<16xf32>
    }
    %scan3A_152 = arith.constant 25 : i32
    %run_scoped3A_153 = arith.constant 0 : i32
    "tpu.region"() ({
      %run_scoped3A_188 = tpu.sem_alloc : memref<!tpu.dma_semaphore, #tpu.memory_space<semaphore_mem>>
      %dma_start3A_189 = arith.constant 0 : i32
      %dma_start3A_190 = tpu.memref_slice %arg12[%run_scoped3A_153, %dma_start3A_189] : memref<2x3200xf32, #tpu.memory_space<vmem>> -> memref<1x3200xf32, #tpu.memory_space<vmem>>
      %dma_start3A_191 = tpu.memref_squeeze %dma_start3A_190 : memref<1x3200xf32, #tpu.memory_space<vmem>> -> memref<3200xf32, #tpu.memory_space<vmem>>
      %dma_start3A_192 = tpu.memref_slice %arg6[%arg0, %mul3A_0] : memref<2x102400xf32, #tpu.memory_space<hbm>> -> memref<1x3200xf32, #tpu.memory_space<hbm>>
      %dma_start3A_193 = tpu.memref_squeeze %dma_start3A_192 : memref<1x3200xf32, #tpu.memory_space<hbm>> -> memref<3200xf32, #tpu.memory_space<hbm>>
      %dma_start3A_194 = arith.constant 0 : i32
      %dma_start3A_195 = tpu.memref_slice %arg12[%run_scoped3A_153, %dma_start3A_194] : memref<2x3200xf32, #tpu.memory_space<vmem>> -> memref<1x3200xf32, #tpu.memory_space<vmem>>
      %dma_start3A_196 = tpu.memref_squeeze %dma_start3A_195 : memref<1x3200xf32, #tpu.memory_space<vmem>> -> memref<3200xf32, #tpu.memory_space<vmem>>
      %dma_start3A_197 = tpu.memref_slice %arg6[%arg0, %mul3A_0] : memref<2x102400xf32, #tpu.memory_space<hbm>> -> memref<1x3200xf32, #tpu.memory_space<hbm>>
      %dma_start3A_198 = tpu.memref_squeeze %dma_start3A_197 : memref<1x3200xf32, #tpu.memory_space<hbm>> -> memref<3200xf32, #tpu.memory_space<hbm>>
      tpu.enqueue_dma source(%dma_start3A_198 : memref<3200xf32, #tpu.memory_space<hbm>>) target(%dma_start3A_196 : memref<3200xf32, #tpu.memory_space<vmem>>) target_semaphore(%run_scoped3A_188 : memref<!tpu.dma_semaphore, #tpu.memory_space<semaphore_mem>>)
      %dma_wait3A = arith.constant 0 : i32
      %dma_wait3A_199 = tpu.memref_slice %arg12[%run_scoped3A_153, %dma_wait3A] : memref<2x3200xf32, #tpu.memory_space<vmem>> -> memref<1x3200xf32, #tpu.memory_space<vmem>>
      %dma_wait3A_200 = tpu.memref_squeeze %dma_wait3A_199 : memref<1x3200xf32, #tpu.memory_space<vmem>> -> memref<3200xf32, #tpu.memory_space<vmem>>
      %dma_wait3A_201 = tpu.memref_slice %arg6[%arg0, %mul3A_0] : memref<2x102400xf32, #tpu.memory_space<hbm>> -> memref<1x3200xf32, #tpu.memory_space<hbm>>
      %dma_wait3A_202 = tpu.memref_squeeze %dma_wait3A_201 : memref<1x3200xf32, #tpu.memory_space<hbm>> -> memref<3200xf32, #tpu.memory_space<hbm>>
      %dma_wait3A_203 = arith.constant 0 : i32
      %dma_wait3A_204 = tpu.memref_slice %arg12[%run_scoped3A_153, %dma_wait3A_203] : memref<2x3200xf32, #tpu.memory_space<vmem>> -> memref<1x3200xf32, #tpu.memory_space<vmem>>
      %dma_wait3A_205 = tpu.memref_squeeze %dma_wait3A_204 : memref<1x3200xf32, #tpu.memory_space<vmem>> -> memref<3200xf32, #tpu.memory_space<vmem>>
      %dma_wait3A_206 = tpu.memref_slice %arg6[%arg0, %mul3A_0] : memref<2x102400xf32, #tpu.memory_space<hbm>> -> memref<1x3200xf32, #tpu.memory_space<hbm>>
      %dma_wait3A_207 = tpu.memref_squeeze %dma_wait3A_206 : memref<1x3200xf32, #tpu.memory_space<hbm>> -> memref<3200xf32, #tpu.memory_space<hbm>>
      tpu.wait_dma2 semaphore(%run_scoped3A_188 : memref<!tpu.dma_semaphore, #tpu.memory_space<semaphore_mem>>) src(%dma_wait3A_207 : memref<3200xf32, #tpu.memory_space<hbm>>) dst(%dma_wait3A_205 : memref<3200xf32, #tpu.memory_space<vmem>>)
      tpu.yield
    }) : () -> ()
    %add3A_154 = arith.constant 3200 : i32
    %add3A_155 = arith.addi %mul3A_0, %add3A_154 : i32
    %run_scoped3A_156 = arith.constant 1 : i32
    "tpu.region"() ({
      %run_scoped3A_188 = tpu.sem_alloc : memref<!tpu.dma_semaphore, #tpu.memory_space<semaphore_mem>>
      %dma_start3A_189 = arith.constant 0 : i32
      %dma_start3A_190 = tpu.memref_slice %arg12[%run_scoped3A_156, %dma_start3A_189] : memref<2x3200xf32, #tpu.memory_space<vmem>> -> memref<1x3200xf32, #tpu.memory_space<vmem>>
      %dma_start3A_191 = tpu.memref_squeeze %dma_start3A_190 : memref<1x3200xf32, #tpu.memory_space<vmem>> -> memref<3200xf32, #tpu.memory_space<vmem>>
      %dma_start3A_192 = tpu.memref_slice %arg6[%arg0, %add3A_155] : memref<2x102400xf32, #tpu.memory_space<hbm>> -> memref<1x3200xf32, #tpu.memory_space<hbm>>
      %dma_start3A_193 = tpu.memref_squeeze %dma_start3A_192 : memref<1x3200xf32, #tpu.memory_space<hbm>> -> memref<3200xf32, #tpu.memory_space<hbm>>
      %dma_start3A_194 = arith.constant 0 : i32
      %dma_start3A_195 = tpu.memref_slice %arg12[%run_scoped3A_156, %dma_start3A_194] : memref<2x3200xf32, #tpu.memory_space<vmem>> -> memref<1x3200xf32, #tpu.memory_space<vmem>>
      %dma_start3A_196 = tpu.memref_squeeze %dma_start3A_195 : memref<1x3200xf32, #tpu.memory_space<vmem>> -> memref<3200xf32, #tpu.memory_space<vmem>>
      %dma_start3A_197 = tpu.memref_slice %arg6[%arg0, %add3A_155] : memref<2x102400xf32, #tpu.memory_space<hbm>> -> memref<1x3200xf32, #tpu.memory_space<hbm>>
      %dma_start3A_198 = tpu.memref_squeeze %dma_start3A_197 : memref<1x3200xf32, #tpu.memory_space<hbm>> -> memref<3200xf32, #tpu.memory_space<hbm>>
      tpu.enqueue_dma source(%dma_start3A_198 : memref<3200xf32, #tpu.memory_space<hbm>>) target(%dma_start3A_196 : memref<3200xf32, #tpu.memory_space<vmem>>) target_semaphore(%run_scoped3A_188 : memref<!tpu.dma_semaphore, #tpu.memory_space<semaphore_mem>>)
      %dma_wait3A = arith.constant 0 : i32
      %dma_wait3A_199 = tpu.memref_slice %arg12[%run_scoped3A_156, %dma_wait3A] : memref<2x3200xf32, #tpu.memory_space<vmem>> -> memref<1x3200xf32, #tpu.memory_space<vmem>>
      %dma_wait3A_200 = tpu.memref_squeeze %dma_wait3A_199 : memref<1x3200xf32, #tpu.memory_space<vmem>> -> memref<3200xf32, #tpu.memory_space<vmem>>
      %dma_wait3A_201 = tpu.memref_slice %arg6[%arg0, %add3A_155] : memref<2x102400xf32, #tpu.memory_space<hbm>> -> memref<1x3200xf32, #tpu.memory_space<hbm>>
      %dma_wait3A_202 = tpu.memref_squeeze %dma_wait3A_201 : memref<1x3200xf32, #tpu.memory_space<hbm>> -> memref<3200xf32, #tpu.memory_space<hbm>>
      %dma_wait3A_203 = arith.constant 0 : i32
      %dma_wait3A_204 = tpu.memref_slice %arg12[%run_scoped3A_156, %dma_wait3A_203] : memref<2x3200xf32, #tpu.memory_space<vmem>> -> memref<1x3200xf32, #tpu.memory_space<vmem>>
      %dma_wait3A_205 = tpu.memref_squeeze %dma_wait3A_204 : memref<1x3200xf32, #tpu.memory_space<vmem>> -> memref<3200xf32, #tpu.memory_space<vmem>>
      %dma_wait3A_206 = tpu.memref_slice %arg6[%arg0, %add3A_155] : memref<2x102400xf32, #tpu.memory_space<hbm>> -> memref<1x3200xf32, #tpu.memory_space<hbm>>
      %dma_wait3A_207 = tpu.memref_squeeze %dma_wait3A_206 : memref<1x3200xf32, #tpu.memory_space<hbm>> -> memref<3200xf32, #tpu.memory_space<hbm>>
      tpu.wait_dma2 semaphore(%run_scoped3A_188 : memref<!tpu.dma_semaphore, #tpu.memory_space<semaphore_mem>>) src(%dma_wait3A_207 : memref<3200xf32, #tpu.memory_space<hbm>>) dst(%dma_wait3A_205 : memref<3200xf32, #tpu.memory_space<vmem>>)
      tpu.yield
    }) : () -> ()
    %scan3A_157 = arith.constant 0 : i32
    %scan3A_158 = arith.constant 25 : i32
    %scan3A_159 = arith.addi %scan3A_157, %scan3A_158 : i32
    %scan3A_160 = arith.constant 1 : i32
    %scan3A_161:4 = scf.for %scan3A_188 = %scan3A_157 to %scan3A_159 step %scan3A_160 iter_args(%scan3A_189 = %broadcast_in_dim3A_3, %scan3A_190 = %broadcast_in_dim3A_3, %scan3A_191 = %broadcast_in_dim3A_3, %scan3A_192 = %broadcast_in_dim3A_3) -> (vector<16xf32>, vector<16xf32>, vector<16xf32>, vector<16xf32>)  : i32 {
      %mul3A_193 = arith.constant 8 : i32
      %mul3A_194 = arith.muli %scan3A_188, %mul3A_193 : i32
      %add3A_195 = arith.constant 0 : i32
      %add3A_196 = arith.addi %mul3A_194, %add3A_195 : i32
      %mul3A_197 = arith.constant 16 : i32
      %mul3A_198 = arith.muli %add3A_196, %mul3A_197 : i32
      %get3A = arith.constant 0 : i32
      %get3A_199 = arith.index_cast %get3A : i32 to index
      %get3A_200 = arith.index_cast %mul3A_198 : i32 to index
      %get3A_201 = tpu.vector_load %arg12[%get3A_199, %get3A_200] {strides = array<i32>} : memref<2x3200xf32, #tpu.memory_space<vmem>>, vector<16xf32>,
      %get3A_202 = arith.index_cast %mul3A_198 : i32 to index
      %get3A_203 = tpu.vector_load %arg15[%get3A_202] {strides = array<i32>} : memref<6400xf32, #tpu.memory_space<vmem>>, vector<16xf32>,
      %mul3A_204 = arith.mulf %get3A_201, %get3A_203 : vector<16xf32>
      %get3A_205 = arith.index_cast %mul3A_198 : i32 to index
      %get3A_206 = tpu.vector_load %arg14[%get3A_205] {strides = array<i32>} : memref<6400xf32, #tpu.memory_space<vmem>>, vector<16xf32>,
      %mul3A_207 = arith.mulf %get3A_201, %get3A_206 : vector<16xf32>
      %mul3A_208 = arith.mulf %mul3A_204, %mul3A_204 : vector<16xf32>
      %add3A_209 = arith.addf %scan3A_189, %mul3A_208 : vector<16xf32>
      %mul3A_210 = arith.mulf %mul3A_204, %mul3A_207 : vector<16xf32>
      %add3A_211 = arith.addf %scan3A_190, %mul3A_210 : vector<16xf32>
      %mul3A_212 = arith.mulf %mul3A_207, %mul3A_207 : vector<16xf32>
      %add3A_213 = arith.addf %scan3A_191, %mul3A_212 : vector<16xf32>
      %add3A_214 = arith.addf %scan3A_192, %get3A_201 : vector<16xf32>
      %mul3A_215 = arith.constant 8 : i32
      %mul3A_216 = arith.muli %scan3A_188, %mul3A_215 : i32
      %add3A_217 = arith.constant 1 : i32
      %add3A_218 = arith.addi %mul3A_216, %add3A_217 : i32
      %mul3A_219 = arith.constant 16 : i32
      %mul3A_220 = arith.muli %add3A_218, %mul3A_219 : i32
      %get3A_221 = arith.constant 0 : i32
      %get3A_222 = arith.index_cast %get3A_221 : i32 to index
      %get3A_223 = arith.index_cast %mul3A_220 : i32 to index
      %get3A_224 = tpu.vector_load %arg12[%get3A_222, %get3A_223] {strides = array<i32>} : memref<2x3200xf32, #tpu.memory_space<vmem>>, vector<16xf32>,
      %get3A_225 = arith.index_cast %mul3A_220 : i32 to index
      %get3A_226 = tpu.vector_load %arg15[%get3A_225] {strides = array<i32>} : memref<6400xf32, #tpu.memory_space<vmem>>, vector<16xf32>,
      %mul3A_227 = arith.mulf %get3A_224, %get3A_226 : vector<16xf32>
      %get3A_228 = arith.index_cast %mul3A_220 : i32 to index
      %get3A_229 = tpu.vector_load %arg14[%get3A_228] {strides = array<i32>} : memref<6400xf32, #tpu.memory_space<vmem>>, vector<16xf32>,
      %mul3A_230 = arith.mulf %get3A_224, %get3A_229 : vector<16xf32>
      %mul3A_231 = arith.mulf %mul3A_227, %mul3A_227 : vector<16xf32>
      %add3A_232 = arith.addf %add3A_209, %mul3A_231 : vector<16xf32>
      %mul3A_233 = arith.mulf %mul3A_227, %mul3A_230 : vector<16xf32>
      %add3A_234 = arith.addf %add3A_211, %mul3A_233 : vector<16xf32>
      %mul3A_235 = arith.mulf %mul3A_230, %mul3A_230 : vector<16xf32>
      %add3A_236 = arith.addf %add3A_213, %mul3A_235 : vector<16xf32>
      %add3A_237 = arith.addf %add3A_214, %get3A_224 : vector<16xf32>
      %mul3A_238 = arith.constant 8 : i32
      %mul3A_239 = arith.muli %scan3A_188, %mul3A_238 : i32
      %add3A_240 = arith.constant 2 : i32
      %add3A_241 = arith.addi %mul3A_239, %add3A_240 : i32
      %mul3A_242 = arith.constant 16 : i32
      %mul3A_243 = arith.muli %add3A_241, %mul3A_242 : i32
      %get3A_244 = arith.constant 0 : i32
      %get3A_245 = arith.index_cast %get3A_244 : i32 to index
      %get3A_246 = arith.index_cast %mul3A_243 : i32 to index
      %get3A_247 = tpu.vector_load %arg12[%get3A_245, %get3A_246] {strides = array<i32>} : memref<2x3200xf32, #tpu.memory_space<vmem>>, vector<16xf32>,
      %get3A_248 = arith.index_cast %mul3A_243 : i32 to index
      %get3A_249 = tpu.vector_load %arg15[%get3A_248] {strides = array<i32>} : memref<6400xf32, #tpu.memory_space<vmem>>, vector<16xf32>,
      %mul3A_250 = arith.mulf %get3A_247, %get3A_249 : vector<16xf32>
      %get3A_251 = arith.index_cast %mul3A_243 : i32 to index
      %get3A_252 = tpu.vector_load %arg14[%get3A_251] {strides = array<i32>} : memref<6400xf32, #tpu.memory_space<vmem>>, vector<16xf32>,
      %mul3A_253 = arith.mulf %get3A_247, %get3A_252 : vector<16xf32>
      %mul3A_254 = arith.mulf %mul3A_250, %mul3A_250 : vector<16xf32>
      %add3A_255 = arith.addf %add3A_232, %mul3A_254 : vector<16xf32>
      %mul3A_256 = arith.mulf %mul3A_250, %mul3A_253 : vector<16xf32>
      %add3A_257 = arith.addf %add3A_234, %mul3A_256 : vector<16xf32>
      %mul3A_258 = arith.mulf %mul3A_253, %mul3A_253 : vector<16xf32>
      %add3A_259 = arith.addf %add3A_236, %mul3A_258 : vector<16xf32>
      %add3A_260 = arith.addf %add3A_237, %get3A_247 : vector<16xf32>
      %mul3A_261 = arith.constant 8 : i32
      %mul3A_262 = arith.muli %scan3A_188, %mul3A_261 : i32
      %add3A_263 = arith.constant 3 : i32
      %add3A_264 = arith.addi %mul3A_262, %add3A_263 : i32
      %mul3A_265 = arith.constant 16 : i32
      %mul3A_266 = arith.muli %add3A_264, %mul3A_265 : i32
      %get3A_267 = arith.constant 0 : i32
      %get3A_268 = arith.index_cast %get3A_267 : i32 to index
      %get3A_269 = arith.index_cast %mul3A_266 : i32 to index
      %get3A_270 = tpu.vector_load %arg12[%get3A_268, %get3A_269] {strides = array<i32>} : memref<2x3200xf32, #tpu.memory_space<vmem>>, vector<16xf32>,
      %get3A_271 = arith.index_cast %mul3A_266 : i32 to index
      %get3A_272 = tpu.vector_load %arg15[%get3A_271] {strides = array<i32>} : memref<6400xf32, #tpu.memory_space<vmem>>, vector<16xf32>,
      %mul3A_273 = arith.mulf %get3A_270, %get3A_272 : vector<16xf32>
      %get3A_274 = arith.index_cast %mul3A_266 : i32 to index
      %get3A_275 = tpu.vector_load %arg14[%get3A_274] {strides = array<i32>} : memref<6400xf32, #tpu.memory_space<vmem>>, vector<16xf32>,
      %mul3A_276 = arith.mulf %get3A_270, %get3A_275 : vector<16xf32>
      %mul3A_277 = arith.mulf %mul3A_273, %mul3A_273 : vector<16xf32>
      %add3A_278 = arith.addf %add3A_255, %mul3A_277 : vector<16xf32>
      %mul3A_279 = arith.mulf %mul3A_273, %mul3A_276 : vector<16xf32>
      %add3A_280 = arith.addf %add3A_257, %mul3A_279 : vector<16xf32>
      %mul3A_281 = arith.mulf %mul3A_276, %mul3A_276 : vector<16xf32>
      %add3A_282 = arith.addf %add3A_259, %mul3A_281 : vector<16xf32>
      %add3A_283 = arith.addf %add3A_260, %get3A_270 : vector<16xf32>
      %mul3A_284 = arith.constant 8 : i32
      %mul3A_285 = arith.muli %scan3A_188, %mul3A_284 : i32
      %add3A_286 = arith.constant 4 : i32
      %add3A_287 = arith.addi %mul3A_285, %add3A_286 : i32
      %mul3A_288 = arith.constant 16 : i32
      %mul3A_289 = arith.muli %add3A_287, %mul3A_288 : i32
      %get3A_290 = arith.constant 0 : i32
      %get3A_291 = arith.index_cast %get3A_290 : i32 to index
      %get3A_292 = arith.index_cast %mul3A_289 : i32 to index
      %get3A_293 = tpu.vector_load %arg12[%get3A_291, %get3A_292] {strides = array<i32>} : memref<2x3200xf32, #tpu.memory_space<vmem>>, vector<16xf32>,
      %get3A_294 = arith.index_cast %mul3A_289 : i32 to index
      %get3A_295 = tpu.vector_load %arg15[%get3A_294] {strides = array<i32>} : memref<6400xf32, #tpu.memory_space<vmem>>, vector<16xf32>,
      %mul3A_296 = arith.mulf %get3A_293, %get3A_295 : vector<16xf32>
      %get3A_297 = arith.index_cast %mul3A_289 : i32 to index
      %get3A_298 = tpu.vector_load %arg14[%get3A_297] {strides = array<i32>} : memref<6400xf32, #tpu.memory_space<vmem>>, vector<16xf32>,
      %mul3A_299 = arith.mulf %get3A_293, %get3A_298 : vector<16xf32>
      %mul3A_300 = arith.mulf %mul3A_296, %mul3A_296 : vector<16xf32>
      %add3A_301 = arith.addf %add3A_278, %mul3A_300 : vector<16xf32>
      %mul3A_302 = arith.mulf %mul3A_296, %mul3A_299 : vector<16xf32>
      %add3A_303 = arith.addf %add3A_280, %mul3A_302 : vector<16xf32>
      %mul3A_304 = arith.mulf %mul3A_299, %mul3A_299 : vector<16xf32>
      %add3A_305 = arith.addf %add3A_282, %mul3A_304 : vector<16xf32>
      %add3A_306 = arith.addf %add3A_283, %get3A_293 : vector<16xf32>
      %mul3A_307 = arith.constant 8 : i32
      %mul3A_308 = arith.muli %scan3A_188, %mul3A_307 : i32
      %add3A_309 = arith.constant 5 : i32
      %add3A_310 = arith.addi %mul3A_308, %add3A_309 : i32
      %mul3A_311 = arith.constant 16 : i32
      %mul3A_312 = arith.muli %add3A_310, %mul3A_311 : i32
      %get3A_313 = arith.constant 0 : i32
      %get3A_314 = arith.index_cast %get3A_313 : i32 to index
      %get3A_315 = arith.index_cast %mul3A_312 : i32 to index
      %get3A_316 = tpu.vector_load %arg12[%get3A_314, %get3A_315] {strides = array<i32>} : memref<2x3200xf32, #tpu.memory_space<vmem>>, vector<16xf32>,
      %get3A_317 = arith.index_cast %mul3A_312 : i32 to index
      %get3A_318 = tpu.vector_load %arg15[%get3A_317] {strides = array<i32>} : memref<6400xf32, #tpu.memory_space<vmem>>, vector<16xf32>,
      %mul3A_319 = arith.mulf %get3A_316, %get3A_318 : vector<16xf32>
      %get3A_320 = arith.index_cast %mul3A_312 : i32 to index
      %get3A_321 = tpu.vector_load %arg14[%get3A_320] {strides = array<i32>} : memref<6400xf32, #tpu.memory_space<vmem>>, vector<16xf32>,
      %mul3A_322 = arith.mulf %get3A_316, %get3A_321 : vector<16xf32>
      %mul3A_323 = arith.mulf %mul3A_319, %mul3A_319 : vector<16xf32>
      %add3A_324 = arith.addf %add3A_301, %mul3A_323 : vector<16xf32>
      %mul3A_325 = arith.mulf %mul3A_319, %mul3A_322 : vector<16xf32>
      %add3A_326 = arith.addf %add3A_303, %mul3A_325 : vector<16xf32>
      %mul3A_327 = arith.mulf %mul3A_322, %mul3A_322 : vector<16xf32>
      %add3A_328 = arith.addf %add3A_305, %mul3A_327 : vector<16xf32>
      %add3A_329 = arith.addf %add3A_306, %get3A_316 : vector<16xf32>
      %mul3A_330 = arith.constant 8 : i32
      %mul3A_331 = arith.muli %scan3A_188, %mul3A_330 : i32
      %add3A_332 = arith.constant 6 : i32
      %add3A_333 = arith.addi %mul3A_331, %add3A_332 : i32
      %mul3A_334 = arith.constant 16 : i32
      %mul3A_335 = arith.muli %add3A_333, %mul3A_334 : i32
      %get3A_336 = arith.constant 0 : i32
      %get3A_337 = arith.index_cast %get3A_336 : i32 to index
      %get3A_338 = arith.index_cast %mul3A_335 : i32 to index
      %get3A_339 = tpu.vector_load %arg12[%get3A_337, %get3A_338] {strides = array<i32>} : memref<2x3200xf32, #tpu.memory_space<vmem>>, vector<16xf32>,
      %get3A_340 = arith.index_cast %mul3A_335 : i32 to index
      %get3A_341 = tpu.vector_load %arg15[%get3A_340] {strides = array<i32>} : memref<6400xf32, #tpu.memory_space<vmem>>, vector<16xf32>,
      %mul3A_342 = arith.mulf %get3A_339, %get3A_341 : vector<16xf32>
      %get3A_343 = arith.index_cast %mul3A_335 : i32 to index
      %get3A_344 = tpu.vector_load %arg14[%get3A_343] {strides = array<i32>} : memref<6400xf32, #tpu.memory_space<vmem>>, vector<16xf32>,
      %mul3A_345 = arith.mulf %get3A_339, %get3A_344 : vector<16xf32>
      %mul3A_346 = arith.mulf %mul3A_342, %mul3A_342 : vector<16xf32>
      %add3A_347 = arith.addf %add3A_324, %mul3A_346 : vector<16xf32>
      %mul3A_348 = arith.mulf %mul3A_342, %mul3A_345 : vector<16xf32>
      %add3A_349 = arith.addf %add3A_326, %mul3A_348 : vector<16xf32>
      %mul3A_350 = arith.mulf %mul3A_345, %mul3A_345 : vector<16xf32>
      %add3A_351 = arith.addf %add3A_328, %mul3A_350 : vector<16xf32>
      %add3A_352 = arith.addf %add3A_329, %get3A_339 : vector<16xf32>
      %mul3A_353 = arith.constant 8 : i32
      %mul3A_354 = arith.muli %scan3A_188, %mul3A_353 : i32
      %add3A_355 = arith.constant 7 : i32
      %add3A_356 = arith.addi %mul3A_354, %add3A_355 : i32
      %mul3A_357 = arith.constant 16 : i32
      %mul3A_358 = arith.muli %add3A_356, %mul3A_357 : i32
      %get3A_359 = arith.constant 0 : i32
      %get3A_360 = arith.index_cast %get3A_359 : i32 to index
      %get3A_361 = arith.index_cast %mul3A_358 : i32 to index
      %get3A_362 = tpu.vector_load %arg12[%get3A_360, %get3A_361] {strides = array<i32>} : memref<2x3200xf32, #tpu.memory_space<vmem>>, vector<16xf32>,
      %get3A_363 = arith.index_cast %mul3A_358 : i32 to index
      %get3A_364 = tpu.vector_load %arg15[%get3A_363] {strides = array<i32>} : memref<6400xf32, #tpu.memory_space<vmem>>, vector<16xf32>,
      %mul3A_365 = arith.mulf %get3A_362, %get3A_364 : vector<16xf32>
      %get3A_366 = arith.index_cast %mul3A_358 : i32 to index
      %get3A_367 = tpu.vector_load %arg14[%get3A_366] {strides = array<i32>} : memref<6400xf32, #tpu.memory_space<vmem>>, vector<16xf32>,
      %mul3A_368 = arith.mulf %get3A_362, %get3A_367 : vector<16xf32>
      %mul3A_369 = arith.mulf %mul3A_365, %mul3A_365 : vector<16xf32>
      %add3A_370 = arith.addf %add3A_347, %mul3A_369 : vector<16xf32>
      %mul3A_371 = arith.mulf %mul3A_365, %mul3A_368 : vector<16xf32>
      %add3A_372 = arith.addf %add3A_349, %mul3A_371 : vector<16xf32>
      %mul3A_373 = arith.mulf %mul3A_368, %mul3A_368 : vector<16xf32>
      %add3A_374 = arith.addf %add3A_351, %mul3A_373 : vector<16xf32>
      %add3A_375 = arith.addf %add3A_352, %get3A_362 : vector<16xf32>
      scf.yield %add3A_370, %add3A_372, %add3A_374, %add3A_375 : vector<16xf32>, vector<16xf32>, vector<16xf32>, vector<16xf32>
    }
    %scan3A_162 = arith.constant 25 : i32
    %scan3A_163 = arith.constant 0 : i32
    %scan3A_164 = arith.constant 25 : i32
    %scan3A_165 = arith.addi %scan3A_163, %scan3A_164 : i32
    %scan3A_166 = arith.constant 1 : i32
    %scan3A_167:4 = scf.for %scan3A_188 = %scan3A_163 to %scan3A_165 step %scan3A_166 iter_args(%scan3A_189 = %scan3A_161#0, %scan3A_190 = %scan3A_161#1, %scan3A_191 = %scan3A_161#2, %scan3A_192 = %scan3A_161#3) -> (vector<16xf32>, vector<16xf32>, vector<16xf32>, vector<16xf32>)  : i32 {
      %mul3A_193 = arith.constant 8 : i32
      %mul3A_194 = arith.muli %scan3A_188, %mul3A_193 : i32
      %add3A_195 = arith.constant 0 : i32
      %add3A_196 = arith.addi %mul3A_194, %add3A_195 : i32
      %mul3A_197 = arith.constant 16 : i32
      %mul3A_198 = arith.muli %add3A_196, %mul3A_197 : i32
      %mul3A_199 = arith.constant 16 : i32
      %mul3A_200 = arith.muli %add3A_196, %mul3A_199 : i32
      %add3A_201 = arith.constant 3200 : i32
      %add3A_202 = arith.addi %add3A_201, %mul3A_200 : i32
      %get3A = arith.constant 1 : i32
      %get3A_203 = arith.index_cast %get3A : i32 to index
      %get3A_204 = arith.index_cast %mul3A_198 : i32 to index
      %get3A_205 = tpu.vector_load %arg12[%get3A_203, %get3A_204] {strides = array<i32>} : memref<2x3200xf32, #tpu.memory_space<vmem>>, vector<16xf32>,
      %get3A_206 = arith.index_cast %add3A_202 : i32 to index
      %get3A_207 = tpu.vector_load %arg15[%get3A_206] {strides = array<i32>} : memref<6400xf32, #tpu.memory_space<vmem>>, vector<16xf32>,
      %mul3A_208 = arith.mulf %get3A_205, %get3A_207 : vector<16xf32>
      %get3A_209 = arith.index_cast %add3A_202 : i32 to index
      %get3A_210 = tpu.vector_load %arg14[%get3A_209] {strides = array<i32>} : memref<6400xf32, #tpu.memory_space<vmem>>, vector<16xf32>,
      %mul3A_211 = arith.mulf %get3A_205, %get3A_210 : vector<16xf32>
      %mul3A_212 = arith.mulf %mul3A_208, %mul3A_208 : vector<16xf32>
      %add3A_213 = arith.addf %scan3A_189, %mul3A_212 : vector<16xf32>
      %mul3A_214 = arith.mulf %mul3A_208, %mul3A_211 : vector<16xf32>
      %add3A_215 = arith.addf %scan3A_190, %mul3A_214 : vector<16xf32>
      %mul3A_216 = arith.mulf %mul3A_211, %mul3A_211 : vector<16xf32>
      %add3A_217 = arith.addf %scan3A_191, %mul3A_216 : vector<16xf32>
      %add3A_218 = arith.addf %scan3A_192, %get3A_205 : vector<16xf32>
      %mul3A_219 = arith.constant 8 : i32
      %mul3A_220 = arith.muli %scan3A_188, %mul3A_219 : i32
      %add3A_221 = arith.constant 1 : i32
      %add3A_222 = arith.addi %mul3A_220, %add3A_221 : i32
      %mul3A_223 = arith.constant 16 : i32
      %mul3A_224 = arith.muli %add3A_222, %mul3A_223 : i32
      %mul3A_225 = arith.constant 16 : i32
      %mul3A_226 = arith.muli %add3A_222, %mul3A_225 : i32
      %add3A_227 = arith.constant 3200 : i32
      %add3A_228 = arith.addi %add3A_227, %mul3A_226 : i32
      %get3A_229 = arith.constant 1 : i32
      %get3A_230 = arith.index_cast %get3A_229 : i32 to index
      %get3A_231 = arith.index_cast %mul3A_224 : i32 to index
      %get3A_232 = tpu.vector_load %arg12[%get3A_230, %get3A_231] {strides = array<i32>} : memref<2x3200xf32, #tpu.memory_space<vmem>>, vector<16xf32>,
      %get3A_233 = arith.index_cast %add3A_228 : i32 to index
      %get3A_234 = tpu.vector_load %arg15[%get3A_233] {strides = array<i32>} : memref<6400xf32, #tpu.memory_space<vmem>>, vector<16xf32>,
      %mul3A_235 = arith.mulf %get3A_232, %get3A_234 : vector<16xf32>
      %get3A_236 = arith.index_cast %add3A_228 : i32 to index
      %get3A_237 = tpu.vector_load %arg14[%get3A_236] {strides = array<i32>} : memref<6400xf32, #tpu.memory_space<vmem>>, vector<16xf32>,
      %mul3A_238 = arith.mulf %get3A_232, %get3A_237 : vector<16xf32>
      %mul3A_239 = arith.mulf %mul3A_235, %mul3A_235 : vector<16xf32>
      %add3A_240 = arith.addf %add3A_213, %mul3A_239 : vector<16xf32>
      %mul3A_241 = arith.mulf %mul3A_235, %mul3A_238 : vector<16xf32>
      %add3A_242 = arith.addf %add3A_215, %mul3A_241 : vector<16xf32>
      %mul3A_243 = arith.mulf %mul3A_238, %mul3A_238 : vector<16xf32>
      %add3A_244 = arith.addf %add3A_217, %mul3A_243 : vector<16xf32>
      %add3A_245 = arith.addf %add3A_218, %get3A_232 : vector<16xf32>
      %mul3A_246 = arith.constant 8 : i32
      %mul3A_247 = arith.muli %scan3A_188, %mul3A_246 : i32
      %add3A_248 = arith.constant 2 : i32
      %add3A_249 = arith.addi %mul3A_247, %add3A_248 : i32
      %mul3A_250 = arith.constant 16 : i32
      %mul3A_251 = arith.muli %add3A_249, %mul3A_250 : i32
      %mul3A_252 = arith.constant 16 : i32
      %mul3A_253 = arith.muli %add3A_249, %mul3A_252 : i32
      %add3A_254 = arith.constant 3200 : i32
      %add3A_255 = arith.addi %add3A_254, %mul3A_253 : i32
      %get3A_256 = arith.constant 1 : i32
      %get3A_257 = arith.index_cast %get3A_256 : i32 to index
      %get3A_258 = arith.index_cast %mul3A_251 : i32 to index
      %get3A_259 = tpu.vector_load %arg12[%get3A_257, %get3A_258] {strides = array<i32>} : memref<2x3200xf32, #tpu.memory_space<vmem>>, vector<16xf32>,
      %get3A_260 = arith.index_cast %add3A_255 : i32 to index
      %get3A_261 = tpu.vector_load %arg15[%get3A_260] {strides = array<i32>} : memref<6400xf32, #tpu.memory_space<vmem>>, vector<16xf32>,
      %mul3A_262 = arith.mulf %get3A_259, %get3A_261 : vector<16xf32>
      %get3A_263 = arith.index_cast %add3A_255 : i32 to index
      %get3A_264 = tpu.vector_load %arg14[%get3A_263] {strides = array<i32>} : memref<6400xf32, #tpu.memory_space<vmem>>, vector<16xf32>,
      %mul3A_265 = arith.mulf %get3A_259, %get3A_264 : vector<16xf32>
      %mul3A_266 = arith.mulf %mul3A_262, %mul3A_262 : vector<16xf32>
      %add3A_267 = arith.addf %add3A_240, %mul3A_266 : vector<16xf32>
      %mul3A_268 = arith.mulf %mul3A_262, %mul3A_265 : vector<16xf32>
      %add3A_269 = arith.addf %add3A_242, %mul3A_268 : vector<16xf32>
      %mul3A_270 = arith.mulf %mul3A_265, %mul3A_265 : vector<16xf32>
      %add3A_271 = arith.addf %add3A_244, %mul3A_270 : vector<16xf32>
      %add3A_272 = arith.addf %add3A_245, %get3A_259 : vector<16xf32>
      %mul3A_273 = arith.constant 8 : i32
      %mul3A_274 = arith.muli %scan3A_188, %mul3A_273 : i32
      %add3A_275 = arith.constant 3 : i32
      %add3A_276 = arith.addi %mul3A_274, %add3A_275 : i32
      %mul3A_277 = arith.constant 16 : i32
      %mul3A_278 = arith.muli %add3A_276, %mul3A_277 : i32
      %mul3A_279 = arith.constant 16 : i32
      %mul3A_280 = arith.muli %add3A_276, %mul3A_279 : i32
      %add3A_281 = arith.constant 3200 : i32
      %add3A_282 = arith.addi %add3A_281, %mul3A_280 : i32
      %get3A_283 = arith.constant 1 : i32
      %get3A_284 = arith.index_cast %get3A_283 : i32 to index
      %get3A_285 = arith.index_cast %mul3A_278 : i32 to index
      %get3A_286 = tpu.vector_load %arg12[%get3A_284, %get3A_285] {strides = array<i32>} : memref<2x3200xf32, #tpu.memory_space<vmem>>, vector<16xf32>,
      %get3A_287 = arith.index_cast %add3A_282 : i32 to index
      %get3A_288 = tpu.vector_load %arg15[%get3A_287] {strides = array<i32>} : memref<6400xf32, #tpu.memory_space<vmem>>, vector<16xf32>,
      %mul3A_289 = arith.mulf %get3A_286, %get3A_288 : vector<16xf32>
      %get3A_290 = arith.index_cast %add3A_282 : i32 to index
      %get3A_291 = tpu.vector_load %arg14[%get3A_290] {strides = array<i32>} : memref<6400xf32, #tpu.memory_space<vmem>>, vector<16xf32>,
      %mul3A_292 = arith.mulf %get3A_286, %get3A_291 : vector<16xf32>
      %mul3A_293 = arith.mulf %mul3A_289, %mul3A_289 : vector<16xf32>
      %add3A_294 = arith.addf %add3A_267, %mul3A_293 : vector<16xf32>
      %mul3A_295 = arith.mulf %mul3A_289, %mul3A_292 : vector<16xf32>
      %add3A_296 = arith.addf %add3A_269, %mul3A_295 : vector<16xf32>
      %mul3A_297 = arith.mulf %mul3A_292, %mul3A_292 : vector<16xf32>
      %add3A_298 = arith.addf %add3A_271, %mul3A_297 : vector<16xf32>
      %add3A_299 = arith.addf %add3A_272, %get3A_286 : vector<16xf32>
      %mul3A_300 = arith.constant 8 : i32
      %mul3A_301 = arith.muli %scan3A_188, %mul3A_300 : i32
      %add3A_302 = arith.constant 4 : i32
      %add3A_303 = arith.addi %mul3A_301, %add3A_302 : i32
      %mul3A_304 = arith.constant 16 : i32
      %mul3A_305 = arith.muli %add3A_303, %mul3A_304 : i32
      %mul3A_306 = arith.constant 16 : i32
      %mul3A_307 = arith.muli %add3A_303, %mul3A_306 : i32
      %add3A_308 = arith.constant 3200 : i32
      %add3A_309 = arith.addi %add3A_308, %mul3A_307 : i32
      %get3A_310 = arith.constant 1 : i32
      %get3A_311 = arith.index_cast %get3A_310 : i32 to index
      %get3A_312 = arith.index_cast %mul3A_305 : i32 to index
      %get3A_313 = tpu.vector_load %arg12[%get3A_311, %get3A_312] {strides = array<i32>} : memref<2x3200xf32, #tpu.memory_space<vmem>>, vector<16xf32>,
      %get3A_314 = arith.index_cast %add3A_309 : i32 to index
      %get3A_315 = tpu.vector_load %arg15[%get3A_314] {strides = array<i32>} : memref<6400xf32, #tpu.memory_space<vmem>>, vector<16xf32>,
      %mul3A_316 = arith.mulf %get3A_313, %get3A_315 : vector<16xf32>
      %get3A_317 = arith.index_cast %add3A_309 : i32 to index
      %get3A_318 = tpu.vector_load %arg14[%get3A_317] {strides = array<i32>} : memref<6400xf32, #tpu.memory_space<vmem>>, vector<16xf32>,
      %mul3A_319 = arith.mulf %get3A_313, %get3A_318 : vector<16xf32>
      %mul3A_320 = arith.mulf %mul3A_316, %mul3A_316 : vector<16xf32>
      %add3A_321 = arith.addf %add3A_294, %mul3A_320 : vector<16xf32>
      %mul3A_322 = arith.mulf %mul3A_316, %mul3A_319 : vector<16xf32>
      %add3A_323 = arith.addf %add3A_296, %mul3A_322 : vector<16xf32>
      %mul3A_324 = arith.mulf %mul3A_319, %mul3A_319 : vector<16xf32>
      %add3A_325 = arith.addf %add3A_298, %mul3A_324 : vector<16xf32>
      %add3A_326 = arith.addf %add3A_299, %get3A_313 : vector<16xf32>
      %mul3A_327 = arith.constant 8 : i32
      %mul3A_328 = arith.muli %scan3A_188, %mul3A_327 : i32
      %add3A_329 = arith.constant 5 : i32
      %add3A_330 = arith.addi %mul3A_328, %add3A_329 : i32
      %mul3A_331 = arith.constant 16 : i32
      %mul3A_332 = arith.muli %add3A_330, %mul3A_331 : i32
      %mul3A_333 = arith.constant 16 : i32
      %mul3A_334 = arith.muli %add3A_330, %mul3A_333 : i32
      %add3A_335 = arith.constant 3200 : i32
      %add3A_336 = arith.addi %add3A_335, %mul3A_334 : i32
      %get3A_337 = arith.constant 1 : i32
      %get3A_338 = arith.index_cast %get3A_337 : i32 to index
      %get3A_339 = arith.index_cast %mul3A_332 : i32 to index
      %get3A_340 = tpu.vector_load %arg12[%get3A_338, %get3A_339] {strides = array<i32>} : memref<2x3200xf32, #tpu.memory_space<vmem>>, vector<16xf32>,
      %get3A_341 = arith.index_cast %add3A_336 : i32 to index
      %get3A_342 = tpu.vector_load %arg15[%get3A_341] {strides = array<i32>} : memref<6400xf32, #tpu.memory_space<vmem>>, vector<16xf32>,
      %mul3A_343 = arith.mulf %get3A_340, %get3A_342 : vector<16xf32>
      %get3A_344 = arith.index_cast %add3A_336 : i32 to index
      %get3A_345 = tpu.vector_load %arg14[%get3A_344] {strides = array<i32>} : memref<6400xf32, #tpu.memory_space<vmem>>, vector<16xf32>,
      %mul3A_346 = arith.mulf %get3A_340, %get3A_345 : vector<16xf32>
      %mul3A_347 = arith.mulf %mul3A_343, %mul3A_343 : vector<16xf32>
      %add3A_348 = arith.addf %add3A_321, %mul3A_347 : vector<16xf32>
      %mul3A_349 = arith.mulf %mul3A_343, %mul3A_346 : vector<16xf32>
      %add3A_350 = arith.addf %add3A_323, %mul3A_349 : vector<16xf32>
      %mul3A_351 = arith.mulf %mul3A_346, %mul3A_346 : vector<16xf32>
      %add3A_352 = arith.addf %add3A_325, %mul3A_351 : vector<16xf32>
      %add3A_353 = arith.addf %add3A_326, %get3A_340 : vector<16xf32>
      %mul3A_354 = arith.constant 8 : i32
      %mul3A_355 = arith.muli %scan3A_188, %mul3A_354 : i32
      %add3A_356 = arith.constant 6 : i32
      %add3A_357 = arith.addi %mul3A_355, %add3A_356 : i32
      %mul3A_358 = arith.constant 16 : i32
      %mul3A_359 = arith.muli %add3A_357, %mul3A_358 : i32
      %mul3A_360 = arith.constant 16 : i32
      %mul3A_361 = arith.muli %add3A_357, %mul3A_360 : i32
      %add3A_362 = arith.constant 3200 : i32
      %add3A_363 = arith.addi %add3A_362, %mul3A_361 : i32
      %get3A_364 = arith.constant 1 : i32
      %get3A_365 = arith.index_cast %get3A_364 : i32 to index
      %get3A_366 = arith.index_cast %mul3A_359 : i32 to index
      %get3A_367 = tpu.vector_load %arg12[%get3A_365, %get3A_366] {strides = array<i32>} : memref<2x3200xf32, #tpu.memory_space<vmem>>, vector<16xf32>,
      %get3A_368 = arith.index_cast %add3A_363 : i32 to index
      %get3A_369 = tpu.vector_load %arg15[%get3A_368] {strides = array<i32>} : memref<6400xf32, #tpu.memory_space<vmem>>, vector<16xf32>,
      %mul3A_370 = arith.mulf %get3A_367, %get3A_369 : vector<16xf32>
      %get3A_371 = arith.index_cast %add3A_363 : i32 to index
      %get3A_372 = tpu.vector_load %arg14[%get3A_371] {strides = array<i32>} : memref<6400xf32, #tpu.memory_space<vmem>>, vector<16xf32>,
      %mul3A_373 = arith.mulf %get3A_367, %get3A_372 : vector<16xf32>
      %mul3A_374 = arith.mulf %mul3A_370, %mul3A_370 : vector<16xf32>
      %add3A_375 = arith.addf %add3A_348, %mul3A_374 : vector<16xf32>
      %mul3A_376 = arith.mulf %mul3A_370, %mul3A_373 : vector<16xf32>
      %add3A_377 = arith.addf %add3A_350, %mul3A_376 : vector<16xf32>
      %mul3A_378 = arith.mulf %mul3A_373, %mul3A_373 : vector<16xf32>
      %add3A_379 = arith.addf %add3A_352, %mul3A_378 : vector<16xf32>
      %add3A_380 = arith.addf %add3A_353, %get3A_367 : vector<16xf32>
      %mul3A_381 = arith.constant 8 : i32
      %mul3A_382 = arith.muli %scan3A_188, %mul3A_381 : i32
      %add3A_383 = arith.constant 7 : i32
      %add3A_384 = arith.addi %mul3A_382, %add3A_383 : i32
      %mul3A_385 = arith.constant 16 : i32
      %mul3A_386 = arith.muli %add3A_384, %mul3A_385 : i32
      %mul3A_387 = arith.constant 16 : i32
      %mul3A_388 = arith.muli %add3A_384, %mul3A_387 : i32
      %add3A_389 = arith.constant 3200 : i32
      %add3A_390 = arith.addi %add3A_389, %mul3A_388 : i32
      %get3A_391 = arith.constant 1 : i32
      %get3A_392 = arith.index_cast %get3A_391 : i32 to index
      %get3A_393 = arith.index_cast %mul3A_386 : i32 to index
      %get3A_394 = tpu.vector_load %arg12[%get3A_392, %get3A_393] {strides = array<i32>} : memref<2x3200xf32, #tpu.memory_space<vmem>>, vector<16xf32>,
      %get3A_395 = arith.index_cast %add3A_390 : i32 to index
      %get3A_396 = tpu.vector_load %arg15[%get3A_395] {strides = array<i32>} : memref<6400xf32, #tpu.memory_space<vmem>>, vector<16xf32>,
      %mul3A_397 = arith.mulf %get3A_394, %get3A_396 : vector<16xf32>
      %get3A_398 = arith.index_cast %add3A_390 : i32 to index
      %get3A_399 = tpu.vector_load %arg14[%get3A_398] {strides = array<i32>} : memref<6400xf32, #tpu.memory_space<vmem>>, vector<16xf32>,
      %mul3A_400 = arith.mulf %get3A_394, %get3A_399 : vector<16xf32>
      %mul3A_401 = arith.mulf %mul3A_397, %mul3A_397 : vector<16xf32>
      %add3A_402 = arith.addf %add3A_375, %mul3A_401 : vector<16xf32>
      %mul3A_403 = arith.mulf %mul3A_397, %mul3A_400 : vector<16xf32>
      %add3A_404 = arith.addf %add3A_377, %mul3A_403 : vector<16xf32>
      %mul3A_405 = arith.mulf %mul3A_400, %mul3A_400 : vector<16xf32>
      %add3A_406 = arith.addf %add3A_379, %mul3A_405 : vector<16xf32>
      %add3A_407 = arith.addf %add3A_380, %get3A_394 : vector<16xf32>
      scf.yield %add3A_402, %add3A_404, %add3A_406, %add3A_407 : vector<16xf32>, vector<16xf32>, vector<16xf32>, vector<16xf32>
    }
    %scan3A_168 = arith.constant 25 : i32
    %swap3A = arith.constant 0 : i32
    %swap3A_169 = arith.index_cast %swap3A : i32 to index
    %swap3A_170 = arith.constant 0 : index
    %swap3A_171 = tpu.vector_load %arg16[%swap3A_169, %swap3A_170] {strides = array<i32>} : memref<5x16xf32, #tpu.memory_space<vmem>>, vector<16xf32>,
    tpu.vector_store %arg16[%swap3A_169, %swap3A_170], %scan3A_167#0 {strides = array<i32>} : memref<5x16xf32, #tpu.memory_space<vmem>>, vector<16xf32>,
    %swap3A_172 = arith.constant 1 : i32
    %swap3A_173 = arith.index_cast %swap3A_172 : i32 to index
    %swap3A_174 = arith.constant 0 : index
    %swap3A_175 = tpu.vector_load %arg16[%swap3A_173, %swap3A_174] {strides = array<i32>} : memref<5x16xf32, #tpu.memory_space<vmem>>, vector<16xf32>,
    tpu.vector_store %arg16[%swap3A_173, %swap3A_174], %scan3A_167#1 {strides = array<i32>} : memref<5x16xf32, #tpu.memory_space<vmem>>, vector<16xf32>,
    %swap3A_176 = arith.constant 2 : i32
    %swap3A_177 = arith.index_cast %swap3A_176 : i32 to index
    %swap3A_178 = arith.constant 0 : index
    %swap3A_179 = tpu.vector_load %arg16[%swap3A_177, %swap3A_178] {strides = array<i32>} : memref<5x16xf32, #tpu.memory_space<vmem>>, vector<16xf32>,
    tpu.vector_store %arg16[%swap3A_177, %swap3A_178], %scan3A_167#2 {strides = array<i32>} : memref<5x16xf32, #tpu.memory_space<vmem>>, vector<16xf32>,
    %swap3A_180 = arith.constant 3 : i32
    %swap3A_181 = arith.index_cast %swap3A_180 : i32 to index
    %swap3A_182 = arith.constant 0 : index
    %swap3A_183 = tpu.vector_load %arg16[%swap3A_181, %swap3A_182] {strides = array<i32>} : memref<5x16xf32, #tpu.memory_space<vmem>>, vector<16xf32>,
    tpu.vector_store %arg16[%swap3A_181, %swap3A_182], %scan3A_167#3 {strides = array<i32>} : memref<5x16xf32, #tpu.memory_space<vmem>>, vector<16xf32>,
    %swap3A_184 = arith.constant 4 : i32
    %swap3A_185 = arith.index_cast %swap3A_184 : i32 to index
    %swap3A_186 = arith.constant 0 : index
    %swap3A_187 = tpu.vector_load %arg16[%swap3A_185, %swap3A_186] {strides = array<i32>} : memref<5x16xf32, #tpu.memory_space<vmem>>, vector<16xf32>,
    tpu.vector_store %arg16[%swap3A_185, %swap3A_186], %scan3A_151 {strides = array<i32>} : memref<5x16xf32, #tpu.memory_space<vmem>>, vector<16xf32>,
    "tpu.region"() ({
      %run_scoped3A_188 = tpu.sem_alloc : memref<!tpu.dma_semaphore, #tpu.memory_space<semaphore_mem>>
      %dma_start3A_189 = arith.constant 0 : i32
      %dma_start3A_190 = arith.constant 0 : i32
      %dma_start3A_191 = tpu.memref_slice %arg7[%arg0, %arg1, %dma_start3A_189, %dma_start3A_190] : memref<2x16x5x16xf32, #tpu.memory_space<hbm>> -> memref<1x1x5x16xf32, #tpu.memory_space<hbm>>
      %dma_start3A_192 = tpu.memref_squeeze %dma_start3A_191 : memref<1x1x5x16xf32, #tpu.memory_space<hbm>> -> memref<5x16xf32, #tpu.memory_space<hbm>>
      %dma_start3A_193 = arith.constant 0 : i32
      %dma_start3A_194 = arith.constant 0 : i32
      %dma_start3A_195 = tpu.memref_slice %arg7[%arg0, %arg1, %dma_start3A_193, %dma_start3A_194] : memref<2x16x5x16xf32, #tpu.memory_space<hbm>> -> memref<1x1x5x16xf32, #tpu.memory_space<hbm>>
      %dma_start3A_196 = tpu.memref_squeeze %dma_start3A_195 : memref<1x1x5x16xf32, #tpu.memory_space<hbm>> -> memref<5x16xf32, #tpu.memory_space<hbm>>
      tpu.enqueue_dma source(%arg16 : memref<5x16xf32, #tpu.memory_space<vmem>>) target(%dma_start3A_196 : memref<5x16xf32, #tpu.memory_space<hbm>>) target_semaphore(%run_scoped3A_188 : memref<!tpu.dma_semaphore, #tpu.memory_space<semaphore_mem>>)
      %dma_wait3A = arith.constant 0 : i32
      %dma_wait3A_197 = arith.constant 0 : i32
      %dma_wait3A_198 = tpu.memref_slice %arg7[%arg0, %arg1, %dma_wait3A, %dma_wait3A_197] : memref<2x16x5x16xf32, #tpu.memory_space<hbm>> -> memref<1x1x5x16xf32, #tpu.memory_space<hbm>>
      %dma_wait3A_199 = tpu.memref_squeeze %dma_wait3A_198 : memref<1x1x5x16xf32, #tpu.memory_space<hbm>> -> memref<5x16xf32, #tpu.memory_space<hbm>>
      %dma_wait3A_200 = arith.constant 0 : i32
      %dma_wait3A_201 = arith.constant 0 : i32
      %dma_wait3A_202 = tpu.memref_slice %arg7[%arg0, %arg1, %dma_wait3A_200, %dma_wait3A_201] : memref<2x16x5x16xf32, #tpu.memory_space<hbm>> -> memref<1x1x5x16xf32, #tpu.memory_space<hbm>>
      %dma_wait3A_203 = tpu.memref_squeeze %dma_wait3A_202 : memref<1x1x5x16xf32, #tpu.memory_space<hbm>> -> memref<5x16xf32, #tpu.memory_space<hbm>>
      tpu.wait_dma2 semaphore(%run_scoped3A_188 : memref<!tpu.dma_semaphore, #tpu.memory_space<semaphore_mem>>) src(%arg16 : memref<5x16xf32, #tpu.memory_space<vmem>>) dst(%dma_wait3A_203 : memref<5x16xf32, #tpu.memory_space<hbm>>)
      tpu.yield
    }) : () -> ()
    return
  }
}

</mosaic_0001>

<sc_bundles>
// kernel: kernel.3.cloned.1.call-start
scs
__scs_entry_jumppad:
0x0: {  	(pc) =	sbr.rel $0x88, $3  }
0x1: {  	(tag) =	ssettag $0x0;
	lr =	simm.s32 $0x1  }
0x2: {  	[smem:$0x3F9C] =	sst lr;
	_ =	strace $0xD0000000  }
0x3: {  	_ = 	snop  }
0x4: {  	_ = 	snop  }
0x5: {  	_ = 	snop  }
0x6: {  	_ = 	snop  }
0x7: {  	_ = 	snop  }
__scs_overlays_trampoline_lowered:
0x8: {  	[smem:$0x3FAB] =	sst s0  }
0x9: {  	[smem:$0x3FAC] =	sst s1  }
0xa: {  	[smem:$0x3FAD] =	sst s2  }
0xb: {  	[smem:$0x3FAE] =	sst s3  }
0xc: {  	[smem:$0x3FAF] =	sst s4  }
0xd: {  	[smem:$0x3FB0] =	sst s5  }
0xe: {  	[smem:$0x3FB1] =	sst s6  }
0xf: {  	[smem:$0x3FB2] =	sst s7  }
0x10: {  	[smem:$0x3FB3] =	sst s8  }
0x11: {  	[smem:$0x3FB4] =	sst s9;
	s0 =	simm.s32 @!p0 $0x0  }
0x12: {  	s1 =	sld [smem:$0x3F9A];
	s0 =	simm.s32 @p0 $0x1  }
0x13: {  	[smem:$0x3FB5] =	sst s0;
	s0 =	simm.s32 @!p1 $0x0  }
0x14: {  	s2 =	sld [smem:$0x3F99];
	s0 =	simm.s32 @p1 $0x1  }
0x15: {  	[smem:$0x3FB6] =	sst s0;
	s0 =	simm.s32 @!p2 $0x0  }
0x16: {  	s3 =	sld [smem:$0x3FDB];
	s0 =	simm.s32 @p2 $0x1  }
0x17: {  	s4 =	simm.s32 $0x1BF5;
	[smem:$0x3FB8] =	sst s0  }
0x18: {  	s0 =	sld [smem:$0x3F9B];
	_ =	swait.ge [sflag:s4], $0x0  }
0x19: {  	s7 =	sld [smem:$0x3F9C]  }
0x1a: {  	s8 =	sadd.s32 $0xFFFFE003, lr  }
0x1b: {  	s9 =	sadd.s32 $0xFFFFFEF7, lr;
	s5 =	simm.s32 $0xFFFFFFFF;
	p2 =	slt.u32 s8, $0xFFFFF086  }
0x1c: {  	p1 =	slt.u32 s9, $0xF7A;
	s5 =	simm.s32 @!p2 $0x0  }
0x1d: {  	s5 =	simm.s32 @p1 $0x1;
	p0 =	seq.s32 s7, s2  }
0x1e: {  	s7 =	smul.u32 @!p0 $0xF7A, s2;
	p2 =	seq.s32 @!p0 s5, $0x0  }
0x1f: {  	s9 =	smul.u32 $0xF7A, s1;
	s8 =	simm.s32 @!p0 $0x1BF5;
	p2 =	por !p2, p0  }
0x20: {  	[sflag:s8] =	ssyncset.s32 @!p0 $0xFFFFF086;
	s6 =	sadd.s32 @!p0 s3, s7;
	s7 =	simm.s32 @!p0 $0x108  }
0x21: {  	s3 =	sadd.s32 s3, s9;
	s6 =	sadd.s32 @!p0 $0x88, s6;
	s7 =	simm.s32 @p2 $0x1082  }
0x22: {  	[simem:s7], [sflag:s8] =	dma.local @!p0 [hbm:s6], $0xF7A  }
0x23: {  	s9 =	sor.u32 $0xD0000000, s2;
	s6 =	simm.s32 $0x108;
	_ =	swait.ge @!p0 [sflag:s8], $0x0  }
0x24: {  	s3 =	sadd.s32 $0x88, s3;
	s6 =	simm.s32 @!p1 $0x1082;
	[sflag:s4] =	ssyncset.s32 $0xFFFFF086  }
0x25: {  	[simem:s6], [sflag:s4] =	dma.local [hbm:s3], $0xF7A  }
0x26: {  	[smem:$0x3F9C] =	sst s1;
	(tag) =	ssettag s2;
	_ =	strace s9  }
0x27: {  	s1 =	sld [smem:$0x3FAC]  }
0x28: {  	s2 =	sld [smem:$0x3FAD]  }
0x29: {  	s4 =	sld [smem:$0x3FAF]  }
0x2a: {  	p0 =	seq.s32 s5, $0x0;
	s5 =	sld [smem:$0x3FB0]  }
0x2b: {  	s6 =	sld [smem:$0x3FB1]  }
0x2c: {  	s7 =	sld [smem:$0x3FB2]  }
0x2d: {  	s3 =	simm.s32 $0x108;
	s8 =	sld [smem:$0x3FB3]  }
0x2e: {  	s3 =	simm.s32 @!p0 $0x1082;
	s9 =	sld [smem:$0x3FB4]  }
0x2f: {  	lr =	sadd.s32 s0, s3;
	s0 =	sld [smem:$0x3FAB]  }
0x30: {  	s3 =	sld [smem:$0x3FAE]  }
0x31: {  	[smem:$0x3FB7] =	sst s10  }
0x32: {  	s10 =	sld [smem:$0x3FB5];
	_ =	sdelay $0x3  }
0x33: {  	p0 =	seq.s32 s10, $0x1;
	s10 =	sld [smem:$0x3FB7];
	_ =	sdelay $0x3  }
0x34: {  	[smem:$0x3FB7] =	sst s10  }
0x35: {  	s10 =	sld [smem:$0x3FB6];
	_ =	sdelay $0x3  }
0x36: {  	p1 =	seq.s32 s10, $0x1;
	s10 =	sld [smem:$0x3FB7];
	_ =	sdelay $0x3  }
0x37: {  	[smem:$0x3FB7] =	sst s10  }
0x38: {  	s10 =	sld [smem:$0x3FB8]  }
0x39: {  	_ = 	snop;
	(pc) =	sbr.ind lr, $3  }
0x3a: {  	_ = 	snop  }
0x3b: {  	_ = 	snop  }
0x3c: {  	p2 =	seq.s32 s10, $0x1;
	s10 =	sld [smem:$0x3FB7]  }
0x3d: {  	_ =	shalt  }
0x3e: {  	_ =	shalt  }
0x3f: {  	_ =	shalt  }
0x40: {  	_ =	shalt  }
0x41: {  	_ =	shalt  }
0x42: {  	_ =	shalt  }
0x43: {  	_ =	shalt  }
0x44: {  	_ =	shalt  }
0x45: {  	_ =	shalt  }
0x46: {  	_ =	shalt  }
0x47: {  	_ =	shalt  }
0x48: {  	_ =	shalt  }
0x49: {  	_ =	shalt  }
0x4a: {  	_ =	shalt  }
0x4b: {  	_ =	shalt  }
0x4c: {  	_ =	shalt  }
0x4d: {  	_ =	shalt  }
0x4e: {  	_ =	shalt  }
0x4f: {  	_ =	shalt  }
0x50: {  	_ =	shalt  }
0x51: {  	_ =	shalt  }
0x52: {  	_ =	shalt  }
0x53: {  	_ =	shalt  }
0x54: {  	_ =	shalt  }
0x55: {  	_ =	shalt  }
0x56: {  	_ =	shalt  }
0x57: {  	_ =	shalt  }
0x58: {  	_ =	shalt  }
0x59: {  	_ =	shalt  }
0x5a: {  	_ =	shalt  }
0x5b: {  	_ =	shalt  }
0x5c: {  	_ =	shalt  }
0x5d: {  	_ =	shalt  }
0x5e: {  	_ =	shalt  }
0x5f: {  	_ =	shalt  }
0x60: {  	_ =	shalt  }
0x61: {  	_ =	shalt  }
0x62: {  	_ =	shalt  }
0x63: {  	_ =	shalt  }
0x64: {  	_ =	shalt  }
0x65: {  	_ =	shalt  }
0x66: {  	_ =	shalt  }
0x67: {  	_ =	shalt  }
0x68: {  	_ =	shalt  }
0x69: {  	_ =	shalt  }
0x6a: {  	_ =	shalt  }
0x6b: {  	_ =	shalt  }
0x6c: {  	_ =	shalt  }
0x6d: {  	_ =	shalt  }
0x6e: {  	_ =	shalt  }
0x6f: {  	_ =	shalt  }
0x70: {  	_ =	shalt  }
0x71: {  	_ =	shalt  }
0x72: {  	_ =	shalt  }
0x73: {  	_ =	shalt  }
0x74: {  	_ =	shalt  }
0x75: {  	_ =	shalt  }
0x76: {  	_ =	shalt  }
0x77: {  	_ =	shalt  }
0x78: {  	_ =	shalt  }
0x79: {  	_ =	shalt  }
0x7a: {  	_ =	shalt  }
0x7b: {  	_ =	shalt  }
0x7c: {  	_ =	shalt  }
0x7d: {  	_ =	shalt  }
0x7e: {  	_ =	shalt  }
0x7f: {  	_ =	shalt  }
0x80: {  	_ =	shalt  }
0x81: {  	_ =	shalt  }
0x82: {  	_ =	shalt  }
0x83: {  	_ =	shalt  }
0x84: {  	_ =	shalt  }
0x85: {  	_ =	shalt  }
0x86: {  	_ =	shalt  }
0x87: {  	_ =	shalt  }
.Lfunc_end0:
.L_simem_size_0:
called_computation_lowered:
.L_overlay_start_0:
0x88: {  	s2 =	sld [smem:$0x3FD9]  }
0x89: {  	s3 =	sld [smem:$0x3FFE];
	_ =	sdelay $0x1  }
0x8a: {  	s1 =	srdreg.scid  }
0x8b: {  	s0 =	sand.u32 $0x1, s1  }
0x8c: {  	s16 =	sshll.u32 s0, $0xA;
	s2 =	sadd.s32 s3, s2  }
0x8d: {  	s2 =	sadd.s32 s2, s16  }
0x8e: {  	[smem:$0x3FC3] =	sst s2  }
0x8f: {  	_ = 	snop  }
0x90: {  	(tm) =	ssettm $0x1  }
0x91: {  	s17 =	sld [smem:$0x3FFB];
	_ =	sdelay $0x3  }
0x92: {  	_ =	strace s17  }
0x93: {  	s2 =	sld [smem:$0x3FFC];
	_ =	sdelay $0x3  }
0x94: {  	_ =	strace s2  }
0x95: {  	s2 =	sld [smem:$0x3FFD];
	_ =	sdelay $0x3  }
0x96: {  	_ =	strace s2  }
0x97: {  	_ =	strace $0x8FFFFFFF  }
0x98: {  	s18 =	sld [smem:$0x3FDB];
	_ =	sdelay $0x1  }
0x99: {  	s19 =	simm.s32 $_scs_section_size  }
0x9a: {  	s4 =	simm.s32 $_size__tile_overlayer_lowered;
	s5 =	simm.s32 $_tile_overlayer_lowered  }
0x9b: {  	s22 =	simm.s32 $0x1BFF;
	s21 =	sshll.u32 s5, $0x1;
	s2 =	sadd.s32 s19, s18  }
0x9c: {  	s6 =	simm.s32 $0x0;
	s20 =	sshll.u32 s4, $0x1;
	s4 =	sadd.s32 s21, s2  }
0x9d: {  	[timem:s6], [sflag:s22] =	dma.local [hbm:s4], s20  }
0x9e: {  	_ =	swait.ge [sflag:s22], s20  }
0x9f: {  	s3 =	ssub.s32 $0x0, s20;
	[sflag:s22] =	ssyncset.done $0x0  }
0xa0: {  	[sflag:s22] =	ssyncadd.s32 s3;
	_ =	sdelay $0x1  }
0xa1: {  	s23 =	simm.s32 $0x1B8B  }
0xa2: {  	_ =	swait.ge [sflag:s23], $0x1  }
0xa3: {  	[sflag:s23] =	ssyncset.done $0x0  }
0xa4: {  	s25 =	simm.s32 $0x1B8E;
	s24 =	sld [smem:$0x3FFE];
	[sflag:s23] =	ssyncadd.s32 $0xFFFFFFFF  }
0xa5: {  	s26 =	simm.s32 $execute0_lowered;
	[smem:$0x3FD2] =	sst s25  }
0xa6: {  	s4 =	sshll.u32 s26, $0x1;
	_ =	strace $0x80000046;
	[dreg:$0x1] =	wrdreg $0xFFFFFFFF  }
0xa7: {  	s28 =	simm.s32 $_size_execute0_lowered;
	s2 =	sadd.s32 s2, s4;
	[dreg:$0x0] =	wrdreg $0x0  }
0xa8: {  	s4 =	sshll.u32 s28, $0x1;
	[dreg:$0x2] =	wrdreg s2  }
0xa9: {  	[dreg:$0x3] =	wrdreg s4  }
0xaa: {  	[dreg:$0x4] =	wrdreg $0xC0  }
0xab: {  	_ =	task [dreg:s6], $0x5FFFF  }
0xac: {  	[dreg:$0x1] =	wrdreg $0xFFFFFFFF  }
0xad: {  	[dreg:$0x0] =	wrdreg $0x60  }
0xae: {  	[dreg:$0x2] =	wrdreg s24  }
0xaf: {  	[dreg:$0x3] =	wrdreg $0x9  }
0xb0: {  	_ =	task.clear_ibuf [dreg:s6], $0x4FFFF;
	_ =	strace $0x90000046  }
0xb1: {  	s29 =	simm.s32 $0x9;
	_ =	strace $0x80000048  }
0xb2: {  	_ =	swait.ge [sflag:s29], $0x1  }
0xb3: {  	[sflag:s29] =	ssyncadd.s32 $0xFFFFFFFF  }
0xb4: {  	_ =	strace $0x90000048  }
0xb5: {  	_ =	sfence  }
0xb6: {  	s30 =	sld [smem:$0x0];
	_ =	sdelay $0x2  }
0xb7: {  	s31 =	sshll.u32 s1, $0xD;
	s1 =	sshrl.u32 s1, $0x2  }
0xb8: {  	s3 =	sand.u32 $0x4000, s31;
	s1 =	sadd.s32 s1, s30  }
0xb9: {  	s0 =	sor.u32 s3, s0;
	s1 =	sshll.u32 s1, $0x11  }
0xba: {  	s0 =	sor.u32 s1, s0  }
0xbb: {  	s0 =	sadd.s32 $0x8F2B, s0  }
0xbc: {  	[sflag:s0] =	ssyncadd.remote.s32 $0x1  }
0xbd: {  	_ =	sfence.sel $0xFFFF  }
0xbe: {  	[dreg:$0x0] =	wrdreg $0xFFFFFFFF;
	(pc) =	sbr.abs _section_cstart, $3  }
0xbf: {  	[dreg:$0x1] =	wrdreg $0xFFFFFFFF  }
0xc0: {  	_ =	task.clear_ibuf [dreg:s6], $0x2FFFF;
	_ =	strace $0x9FFFFFFF  }
0xc1: {  	(tm) =	ssettm $0x7FFFFFFF  }
tec
execute0_lowered:
.L_overlay_start_1:
0x0: {  	(tag) =	ssettag $0x1  }
0x1: {  	s0 =	rddreg [dreg:$0x0];
	s20 =	stileid.u32  }
0x2: {  	s2 =	simm.s32 $0x0;
	s1 =	srdreg.scid;
	s3 =	smul.u32 $0x1900, s20  }
0x3: {  	s29 =	simm.s32 $0x19000;
	s31 =	simm.s32 $0x1A900;
	s9 =	smul.u32 $0x50, s20  }
0x4: {  	s30 =	simm.s32 $0x19C80;
	[smem:$0x7FF] =	sst s2;
	s14 =	smul.u32 $0x27100, s20  }
0x5: {  	s1 =	sand.u32 $0x1, s1;
	s4 =	sadd.s32 $0x13F400, s0;
	s18 =	smul.u32 $0x25800, s20  }
0x6: {  	s5 =	sadd.s32 $0xA3000, s0;
	s6 =	sadd.s32 $0x6C00, s0;
	s11 =	smul.u32 $0x19000, s1  }
0x7: {  	s17 =	sadd.s32 $0x23F800, s0;
	s8 =	smul.u32 $0x500, s1;
	s16 =	ssub.s32 $0x2, s1  }
0x8: {  	s21 =	smul.u32 $0x19000, s20;
	_ =	strace $0x80000047;
	s19 =	sshrl.u32 s16, $0x1  }
0x9: {  	s7 =	sadd.s32 s3, s11;
	s9 =	sadd.s32 s9, s8;
	s8 =	smul.u32 $0x271000, s1  }
0xa: {  	s19 =	ssub.s32 s16, s19;
	s11 =	sshrl.u32 s11, $0x3;
	s12 =	sshrl.u32 s7, $0x3  }
0xb: {  	s7 =	smul.u32 $0x32, s20;
	s10 =	sshrl.u32 s9, $0x3;
	s9 =	sadd.s32 $0x1DB800, s0  }
0xc: {  	s25 =	sadd.s32 s17, s11;
	s13 =	sadd.s32 s12, s0;
	s15 =	sadd.s32 s10, s0  }
0xd: {  	s10 =	smul.u32 $0x258000, s1;
	s0 =	sadd.s32 $0x245C00, s0;
	s14 =	sadd.s32 s14, s8  }
0xe: {  	s1 =	smul.u32 $0x190000, s1;
	s24 =	sadd.s32 s17, s12;
	[dreg:$0x8] =	wrdreg s25  }
0xf: {  	s25 =	smax.u32 s19, $0x1;
	s19 =	simm.s32 $0x4;
	[dreg:$0x7] =	wrdreg s24  }
0x10: {  	s14 =	sshrl.u32 s14, $0x3;
	s22 =	sadd.s32 $0x800, s13;
	[dreg:$0x10] =	wrdreg s25  }
0x11: {  	s26 =	sadd.s32 s0, s12;
	s0 =	sadd.s32 s0, s11;
	[dreg:$0x2] =	wrdreg s22  }
0x12: {  	s24 =	sadd.s32 $0x24C000, s15;
	s20 =	sadd.s32 s4, s14;
	[dreg:$0x9] =	wrdreg s26  }
0x13: {  	s18 =	sadd.s32 s18, s10;
	s16 =	sadd.s32 s21, s1;
	[dreg:$0xa] =	wrdreg s0  }
0x14: {  	s1 =	sadd.s32 s3, s1;
	s17 =	sadd.s32 s5, s14;
	[dreg:$0xf] =	wrdreg s24  }
0x15: {  	s22 =	sadd.s32 $0x9CC00, s13;
	s18 =	sshrl.u32 s18, $0x3;
	[dreg:$0xc] =	wrdreg s17  }
0x16: {  	s16 =	sshrl.u32 s16, $0x3;
	s23 =	sshrl.u32 s1, $0x3;
	[dreg:$0xd] =	wrdreg s22  }
0x17: {  	[dreg:$0x3] =	wrdreg s20;
	s21 =	sadd.s32 s6, s18;
	s16 =	sadd.s32 s9, s16  }
0x18: {  	s18 =	sadd.s32 s9, s23;
	s23 =	sadd.s32 $0x9CD90, s13;
	[dreg:$0x5] =	wrdreg s16  }
0x19: {  	s28 =	sadd.s32 $0x2, s7;
	s14 =	simm.s32 $0x1;
	[dreg:$0xe] =	wrdreg s23  }
0x1a: {  	s17 =	simm.s32 $0x3;
	s16 =	sadd.s32 $0x19000, s1;
	[dreg:$0x6] =	wrdreg s18  }
0x1b: {  	s26 =	sadd.s32 $0x32C8, s18;
	[dreg:$0x4] =	wrdreg s21;
	s12 =	sshrl.u32 s16, $0x3  }
0x1c: {  	s18 =	simm.s32 $0x2;
	[dreg:$0x11] =	wrdreg s26;
	s0 =	sadd.s32 s9, s12  }
0x1d: {  	v0 =	vimm.f32 $0.0e+00;
	v1 =	vmov s3;
	s1 =	simm.s32 $0x0;
	s26 =	simm.s32 $0x5;
	[dreg:$0xb] =	wrdreg s0  }
.LBB2_1:
0x1e: {  	[dreg:$0x12] =	wrdreg s1  }
0x1f: {  	s0 =	rddreg [dreg:$0x2];
	s25 =	simm.s32 $0x1C100  }
0x20: {  	[tilespmem:s25], [sflag:$0x5] =	stream.linear.gather [hbm4b:s0+s2], $0x1900, $0x38;
	[tilespmem:$0x1F350] =	vst v63  }
0x21: {  	_ =	swait.ge [sflag:s26], $0x1900  }
0x22: {  	[sflag:s26] =	ssyncset.done $0x0  }
0x23: {  	s1 =	simm.s32 $0x200;
	s0 =	simm.s32 $0x0;
	[sflag:s26] =	ssyncadd.s32 $0xFFFFE700  }
.LBB2_2:
0x24: {  	p0 =	sne.s32 s1, $0x63E00;
	[tilespmem:s0+$0x70] =	vst v0  }
0x25: {  	[tilespmem:s0+$0x0] =	vst v0  }
0x26: {  	[tilespmem:s0+$0x10] =	vst v0  }
.Ltmp0:
0x27: {  	[tilespmem:s0+$0x20] =	vst v0;
	(pc) =	sbr.rel @p0 .LBB2_2-.Ltmp0, $4  }
0x28: {  	[tilespmem:s0+$0x30] =	vst v0  }
0x29: {  	[tilespmem:s0+$0x40] =	vst v0  }
0x2a: {  	[tilespmem:s0+$0x50] =	vst v0  }
0x2b: {  	[tilespmem:s0+$0x60] =	vst v0;
	s0 =	sshra.s32 s1, $0x2;
	s1 =	sadd.s32 $0x200, s1  }
0x2c: {  	[tilespmem:s0+$0x70] =	vst v0  }
0x2d: {  	[tilespmem:s0+$0x0] =	vst v0  }
0x2e: {  	[tilespmem:s0+$0x10] =	vst v0  }
0x2f: {  	[tilespmem:s0+$0x20] =	vst v0  }
0x30: {  	[tilespmem:s0+$0x30] =	vst v0  }
0x31: {  	[tilespmem:s0+$0x40] =	vst v0  }
0x32: {  	[tilespmem:s0+$0x50] =	vst v0  }
0x33: {  	[tilespmem:s0+$0x60] =	vst v0;
	s22 =	simm.s32 $0x0  }
0x34: {  	[tilespmem:s29], [sflag:$0x1] =	stream.linear.gather [hbm4b:s20+s22], $0xC80, $0x38;
	[tilespmem:$0x1F350] =	vst v63  }
0x35: {  	s23 =	simm.s32 $0x0  }
0x36: {  	[tilespmem:s31], [sflag:$0x3] =	stream.linear.gather [hbm4b:s21+s22], $0xC00, $0x38;
	[tilespmem:$0x1F350] =	vst v63  }
.LBB2_4:
0x37: {  	s0 =	sshllo.u32 s23, $0x1  }
0x38: {  	s1 =	sadd.s32 s7, s0  }
0x39: {  	s12 =	smul.u32 $0xC80, s1  }
0x3a: {  	s1 =	smul.u32 $0xC00, s1  }
0x3b: {  	s12 =	sadd.s32 s8, s12  }
0x3c: {  	s1 =	sadd.s32 s10, s1;
	s12 =	sshrl.u32 s12, $0x3  }
0x3d: {  	s1 =	sshrl.u32 s1, $0x3;
	s12 =	sadd.s32 s4, s12  }
0x3e: {  	[tilespmem:s30], [sflag:$0x2] =	stream.linear.gather [hbm4b:s12+s22], $0xC80, $0x38;
	[tilespmem:$0x1F350] =	vst v63  }
0x3f: {  	s11 =	simm.s32 $0x1B500;
	s1 =	sadd.s32 s6, s1  }
0x40: {  	[tilespmem:s11], [sflag:$0x4] =	stream.linear.gather [hbm4b:s1+s22], $0xC00, $0x38;
	[tilespmem:$0x1F350] =	vst v63  }
0x41: {  	_ =	swait.ge [sflag:s14], $0xC80  }
0x42: {  	[sflag:s14] =	ssyncset.done $0x0  }
0x43: {  	[sflag:s14] =	ssyncadd.s32 $0xFFFFF380  }
0x44: {  	_ =	swait.ge [sflag:s17], $0xC00  }
0x45: {  	[sflag:s17] =	ssyncset.done $0x0  }
0x46: {  	s1 =	sshll.u32 s23, $0x8;
	[sflag:s17] =	ssyncadd.s32 $0xFFFFF400  }
0x47: {  	v2 =	vld [tilespmem:s1+$0x1C100]  }
0x48: {  	v3 =	vld [tilespmem:$0x19000];
	_ =	sdelay $0x4  }
0x49: {  	v2 =	vmul.f32 v3, v2  }
0x4a: {  	s13 =	sadd.s32 s1, s3  }
0x4b: {  	[tilespmem:s13+$0x0] =	vst.add.f32.msk $0xffff, v2  }
0x4c: {  	v2 =	vld [tilespmem:s1+$0x1C110]  }
0x4d: {  	v3 =	vld [tilespmem:$0x19010];
	_ =	sdelay $0x4  }
0x4e: {  	v2 =	vmul.f32 v3, v2;
	_ =	sdelay $0x1  }
0x4f: {  	[tilespmem:s13+$0x10] =	vst.add.f32.msk $0xffff, v2  }
0x50: {  	v2 =	vld [tilespmem:s1+$0x1C120]  }
0x51: {  	v3 =	vld [tilespmem:$0x19020];
	_ =	sdelay $0x4  }
0x52: {  	v2 =	vmul.f32 v3, v2;
	_ =	sdelay $0x1  }
0x53: {  	[tilespmem:s13+$0x20] =	vst.add.f32.msk $0xffff, v2  }
0x54: {  	v2 =	vld [tilespmem:s1+$0x1C130]  }
0x55: {  	v3 =	vld [tilespmem:$0x19030];
	_ =	sdelay $0x4  }
0x56: {  	v2 =	vmul.f32 v3, v2;
	_ =	sdelay $0x1  }
0x57: {  	[tilespmem:s13+$0x30] =	vst.add.f32.msk $0xffff, v2  }
0x58: {  	v2 =	vld [tilespmem:s1+$0x1C140]  }
0x59: {  	v3 =	vld [tilespmem:$0x19040];
	_ =	sdelay $0x4  }
0x5a: {  	v2 =	vmul.f32 v3, v2;
	_ =	sdelay $0x1  }
0x5b: {  	[tilespmem:s13+$0x40] =	vst.add.f32.msk $0xffff, v2  }
0x5c: {  	v2 =	vld [tilespmem:s1+$0x1C150]  }
0x5d: {  	v3 =	vld [tilespmem:$0x19050];
	_ =	sdelay $0x4  }
0x5e: {  	v2 =	vmul.f32 v3, v2;
	_ =	sdelay $0x1  }
0x5f: {  	[tilespmem:s13+$0x50] =	vst.add.f32.msk $0xffff, v2  }
0x60: {  	v2 =	vld [tilespmem:s1+$0x1C160]  }
0x61: {  	v3 =	vld [tilespmem:$0x19060];
	_ =	sdelay $0x4  }
0x62: {  	v2 =	vmul.f32 v3, v2;
	_ =	sdelay $0x1  }
0x63: {  	[tilespmem:s13+$0x60] =	vst.add.f32.msk $0xffff, v2  }
0x64: {  	v2 =	vld [tilespmem:s1+$0x1C170]  }
0x65: {  	v3 =	vld [tilespmem:$0x19070];
	_ =	sdelay $0x4  }
0x66: {  	v2 =	vmul.f32 v3, v2;
	_ =	sdelay $0x1  }
0x67: {  	s12 =	sshll.u32 s23, $0x1;
	[tilespmem:s13+$0x70] =	vst.add.f32.msk $0xffff, v2;
	s13 =	simm.s32 $0x0  }
.LBB2_5:
0x68: {  	s15 =	sshra.s32 s13, $0x2;
	v3 =	vld [tilespmem:s1+$0x1C100]  }
0x69: {  	v2 =	vld [tilespmem:s15+$0x1A900]  }
0x6a: {  	v4 =	vld [tilespmem:s15+$0x19080];
	_ =	sdelay $0x4  }
0x6b: {  	v3 =	vmul.f32 v4, v3;
	_ =	sdelay $0x1  }
0x6c: {  	[tilespmem:v2+s2+$0x0] =	vst.idx.add.f32.msk $0xffff, v3  }
0x6d: {  	v2 =	vld [tilespmem:s15+$0x1A910]  }
0x6e: {  	v3 =	vld [tilespmem:s1+$0x1C110]  }
0x6f: {  	v57 =	vld [tilespmem:s15+$0x19090];
	_ =	sdelay $0x4  }
0x70: {  	v3 =	vmul.f32 v57, v3;
	_ =	sdelay $0x1  }
0x71: {  	[tilespmem:v2+s2+$0x0] =	vst.idx.add.f32.msk $0xffff, v3  }
0x72: {  	v2 =	vld [tilespmem:s15+$0x1A920]  }
0x73: {  	v3 =	vld [tilespmem:s1+$0x1C120]  }
0x74: {  	v58 =	vld [tilespmem:s15+$0x190A0];
	_ =	sdelay $0x4  }
0x75: {  	v3 =	vmul.f32 v58, v3;
	_ =	sdelay $0x1  }
0x76: {  	[tilespmem:v2+s2+$0x0] =	vst.idx.add.f32.msk $0xffff, v3  }
0x77: {  	v2 =	vld [tilespmem:s15+$0x1A930]  }
0x78: {  	v3 =	vld [tilespmem:s1+$0x1C130]  }
0x79: {  	v59 =	vld [tilespmem:s15+$0x190B0];
	_ =	sdelay $0x4  }
0x7a: {  	v3 =	vmul.f32 v59, v3;
	_ =	sdelay $0x1  }
0x7b: {  	[tilespmem:v2+s2+$0x0] =	vst.idx.add.f32.msk $0xffff, v3  }
0x7c: {  	v2 =	vld [tilespmem:s15+$0x1A940]  }
0x7d: {  	v3 =	vld [tilespmem:s1+$0x1C140]  }
0x7e: {  	v60 =	vld [tilespmem:s15+$0x190C0];
	_ =	sdelay $0x4  }
0x7f: {  	v3 =	vmul.f32 v60, v3;
	_ =	sdelay $0x1  }
0x80: {  	[tilespmem:v2+s2+$0x0] =	vst.idx.add.f32.msk $0xffff, v3  }
0x81: {  	v2 =	vld [tilespmem:s15+$0x1A950]  }
0x82: {  	v3 =	vld [tilespmem:s1+$0x1C150]  }
0x83: {  	v61 =	vld [tilespmem:s15+$0x190D0];
	_ =	sdelay $0x4  }
0x84: {  	v3 =	vmul.f32 v61, v3;
	_ =	sdelay $0x1  }
0x85: {  	[tilespmem:v2+s2+$0x0] =	vst.idx.add.f32.msk $0xffff, v3  }
0x86: {  	v2 =	vld [tilespmem:s15+$0x1A960]  }
0x87: {  	v3 =	vld [tilespmem:s1+$0x1C160]  }
0x88: {  	v62 =	vld [tilespmem:s15+$0x190E0];
	_ =	sdelay $0x4  }
0x89: {  	v3 =	vmul.f32 v62, v3;
	_ =	sdelay $0x1  }
0x8a: {  	[tilespmem:v2+s2+$0x0] =	vst.idx.add.f32.msk $0xffff, v3  }
0x8b: {  	v2 =	vld [tilespmem:s15+$0x1A970]  }
0x8c: {  	v3 =	vld [tilespmem:s1+$0x1C170]  }
0x8d: {  	v63 =	vld [tilespmem:s15+$0x190F0];
	_ =	sdelay $0x1  }
0x8e: {  	p0 =	sne.s32 s13, $0x2E00  }
.Ltmp1:
0x8f: {  	_ = 	snop;
	(pc) =	sbr.rel @p0 .LBB2_5-.Ltmp1, $3  }
0x90: {  	_ = 	snop  }
0x91: {  	v3 =	vmul.f32 v63, v3;
	_ =	sdelay $0x1  }
0x92: {  	s13 =	sadd.s32 $0x200, s13;
	[tilespmem:v2+s2+$0x0] =	vst.idx.add.f32.msk $0xffff, v3  }
0x93: {  	p0 =	seq.s32 s23, $0x18  }
0x94: {  	s1 =	sadd.s32 @!p0 s12, s28  }
0x95: {  	s12 =	smul.u32 @!p0 $0xC80, s1  }
0x96: {  	s1 =	smul.u32 @!p0 $0xC00, s1  }
0x97: {  	s12 =	sadd.s32 @!p0 s8, s12  }
0x98: {  	s13 =	simm.s32 @!p0 $0x0;
	s1 =	sadd.s32 @!p0 s10, s1;
	s12 =	sshrl.u32 @!p0 s12, $0x3  }
0x99: {  	s15 =	simm.s32 @!p0 $0x19000;
	s1 =	sshrl.u32 @!p0 s1, $0x3;
	s12 =	sadd.s32 @!p0 s4, s12  }
0x9a: {  	[tilespmem:s15], [sflag:$0x1] =	stream.linear.gather @!p0 [hbm4b:s12+s13], $0xC80, $0x38;
	[tilespmem:$0x1F350] =	vst v63  }
0x9b: {  	s1 =	sadd.s32 @!p0 s6, s1;
	s12 =	simm.s32 @!p0 $0x1A900  }
0x9c: {  	[tilespmem:s12], [sflag:$0x3] =	stream.linear.gather @!p0 [hbm4b:s1+s13], $0xC00, $0x38;
	[tilespmem:$0x1F350] =	vst v63  }
0x9d: {  	_ =	swait.ge [sflag:s18], $0xC80  }
0x9e: {  	[sflag:s18] =	ssyncset.done $0x0  }
0x9f: {  	[sflag:s18] =	ssyncadd.s32 $0xFFFFF380  }
0xa0: {  	_ =	swait.ge [sflag:s19], $0xC00  }
0xa1: {  	[sflag:s19] =	ssyncset.done $0x0  }
0xa2: {  	s0 =	sshll.u32 s0, $0x7;
	[sflag:s19] =	ssyncadd.s32 $0xFFFFF400  }
0xa3: {  	v2 =	vld [tilespmem:s0+$0x1C100]  }
0xa4: {  	v3 =	vld [tilespmem:$0x19C80];
	_ =	sdelay $0x4  }
0xa5: {  	v2 =	vmul.f32 v3, v2  }
0xa6: {  	s25 =	sadd.s32 s0, s3  }
0xa7: {  	[tilespmem:s25+$0x0] =	vst.add.f32.msk $0xffff, v2  }
0xa8: {  	v2 =	vld [tilespmem:s0+$0x1C110]  }
0xa9: {  	v3 =	vld [tilespmem:$0x19C90];
	_ =	sdelay $0x4  }
0xaa: {  	v2 =	vmul.f32 v3, v2;
	_ =	sdelay $0x1  }
0xab: {  	[tilespmem:s25+$0x10] =	vst.add.f32.msk $0xffff, v2  }
0xac: {  	v2 =	vld [tilespmem:s0+$0x1C120]  }
0xad: {  	v3 =	vld [tilespmem:$0x19CA0];
	_ =	sdelay $0x4  }
0xae: {  	v2 =	vmul.f32 v3, v2;
	_ =	sdelay $0x1  }
0xaf: {  	[tilespmem:s25+$0x20] =	vst.add.f32.msk $0xffff, v2  }
0xb0: {  	v2 =	vld [tilespmem:s0+$0x1C130]  }
0xb1: {  	v3 =	vld [tilespmem:$0x19CB0];
	_ =	sdelay $0x4  }
0xb2: {  	v2 =	vmul.f32 v3, v2;
	_ =	sdelay $0x1  }
0xb3: {  	[tilespmem:s25+$0x30] =	vst.add.f32.msk $0xffff, v2  }
0xb4: {  	v2 =	vld [tilespmem:s0+$0x1C140]  }
0xb5: {  	v3 =	vld [tilespmem:$0x19CC0];
	_ =	sdelay $0x4  }
0xb6: {  	v2 =	vmul.f32 v3, v2;
	_ =	sdelay $0x1  }
0xb7: {  	[tilespmem:s25+$0x40] =	vst.add.f32.msk $0xffff, v2  }
0xb8: {  	v2 =	vld [tilespmem:s0+$0x1C150]  }
0xb9: {  	v3 =	vld [tilespmem:$0x19CD0];
	_ =	sdelay $0x4  }
0xba: {  	v2 =	vmul.f32 v3, v2;
	_ =	sdelay $0x1  }
0xbb: {  	[tilespmem:s25+$0x50] =	vst.add.f32.msk $0xffff, v2  }
0xbc: {  	v2 =	vld [tilespmem:s0+$0x1C160]  }
0xbd: {  	v3 =	vld [tilespmem:$0x19CE0];
	_ =	sdelay $0x4  }
0xbe: {  	v2 =	vmul.f32 v3, v2;
	_ =	sdelay $0x1  }
0xbf: {  	[tilespmem:s25+$0x60] =	vst.add.f32.msk $0xffff, v2  }
0xc0: {  	v2 =	vld [tilespmem:s0+$0x1C170]  }
0xc1: {  	v3 =	vld [tilespmem:$0x19CF0];
	_ =	sdelay $0x4  }
0xc2: {  	v2 =	vmul.f32 v3, v2;
	_ =	sdelay $0x1  }
0xc3: {  	s1 =	simm.s32 $0x0;
	[tilespmem:s25+$0x70] =	vst.add.f32.msk $0xffff, v2  }
.LBB2_7:
0xc4: {  	s12 =	sshra.s32 s1, $0x2;
	v3 =	vld [tilespmem:s0+$0x1C100]  }
0xc5: {  	v2 =	vld [tilespmem:s12+$0x1B500]  }
0xc6: {  	v4 =	vld [tilespmem:s12+$0x19D00];
	_ =	sdelay $0x4  }
0xc7: {  	v3 =	vmul.f32 v4, v3;
	_ =	sdelay $0x1  }
0xc8: {  	[tilespmem:v2+s2+$0x0] =	vst.idx.add.f32.msk $0xffff, v3  }
0xc9: {  	v2 =	vld [tilespmem:s12+$0x1B510]  }
0xca: {  	v3 =	vld [tilespmem:s0+$0x1C110]  }
0xcb: {  	v57 =	vld [tilespmem:s12+$0x19D10];
	_ =	sdelay $0x4  }
0xcc: {  	v3 =	vmul.f32 v57, v3;
	_ =	sdelay $0x1  }
0xcd: {  	[tilespmem:v2+s2+$0x0] =	vst.idx.add.f32.msk $0xffff, v3  }
0xce: {  	v2 =	vld [tilespmem:s12+$0x1B520]  }
0xcf: {  	v3 =	vld [tilespmem:s0+$0x1C120]  }
0xd0: {  	v58 =	vld [tilespmem:s12+$0x19D20];
	_ =	sdelay $0x4  }
0xd1: {  	v3 =	vmul.f32 v58, v3;
	_ =	sdelay $0x1  }
0xd2: {  	[tilespmem:v2+s2+$0x0] =	vst.idx.add.f32.msk $0xffff, v3  }
0xd3: {  	v2 =	vld [tilespmem:s12+$0x1B530]  }
0xd4: {  	v3 =	vld [tilespmem:s0+$0x1C130]  }
0xd5: {  	v59 =	vld [tilespmem:s12+$0x19D30];
	_ =	sdelay $0x4  }
0xd6: {  	v3 =	vmul.f32 v59, v3;
	_ =	sdelay $0x1  }
0xd7: {  	[tilespmem:v2+s2+$0x0] =	vst.idx.add.f32.msk $0xffff, v3  }
0xd8: {  	v2 =	vld [tilespmem:s12+$0x1B540]  }
0xd9: {  	v3 =	vld [tilespmem:s0+$0x1C140]  }
0xda: {  	v60 =	vld [tilespmem:s12+$0x19D40];
	_ =	sdelay $0x4  }
0xdb: {  	v3 =	vmul.f32 v60, v3;
	_ =	sdelay $0x1  }
0xdc: {  	[tilespmem:v2+s2+$0x0] =	vst.idx.add.f32.msk $0xffff, v3  }
0xdd: {  	v2 =	vld [tilespmem:s12+$0x1B550]  }
0xde: {  	v3 =	vld [tilespmem:s0+$0x1C150]  }
0xdf: {  	v61 =	vld [tilespmem:s12+$0x19D50];
	_ =	sdelay $0x4  }
0xe0: {  	v3 =	vmul.f32 v61, v3;
	_ =	sdelay $0x1  }
0xe1: {  	[tilespmem:v2+s2+$0x0] =	vst.idx.add.f32.msk $0xffff, v3  }
0xe2: {  	v2 =	vld [tilespmem:s12+$0x1B560]  }
0xe3: {  	v3 =	vld [tilespmem:s0+$0x1C160]  }
0xe4: {  	v62 =	vld [tilespmem:s12+$0x19D60];
	_ =	sdelay $0x4  }
0xe5: {  	v3 =	vmul.f32 v62, v3;
	_ =	sdelay $0x1  }
0xe6: {  	[tilespmem:v2+s2+$0x0] =	vst.idx.add.f32.msk $0xffff, v3  }
0xe7: {  	v2 =	vld [tilespmem:s12+$0x1B570]  }
0xe8: {  	v3 =	vld [tilespmem:s0+$0x1C170]  }
0xe9: {  	v63 =	vld [tilespmem:s12+$0x19D70];
	_ =	sdelay $0x1  }
0xea: {  	p0 =	sne.s32 s1, $0x2E00  }
.Ltmp2:
0xeb: {  	_ = 	snop;
	(pc) =	sbr.rel @p0 .LBB2_7-.Ltmp2, $3  }
0xec: {  	_ = 	snop  }
0xed: {  	v3 =	vmul.f32 v63, v3;
	_ =	sdelay $0x1  }
0xee: {  	s1 =	sadd.s32 $0x200, s1;
	[tilespmem:v2+s2+$0x0] =	vst.idx.add.f32.msk $0xffff, v3  }
0xef: {  	s23 =	sadd.s32 $0x1, s23  }
0xf0: {  	p0 =	sne.s32 s23, $0x19  }
.Ltmp3:
0xf1: {  	_ = 	snop;
	(pc) =	sbr.rel @p0 .LBB2_4-.Ltmp3, $1  }
0xf2: {  	_ =	sdelay $0x3  }
0xf3: {  	s22 =	simm.s32 $0x0;
	s0 =	rddreg [dreg:$0x5]  }
0xf4: {  	[hbm4b:s0+s22] =	stream.linear.scatter [tilespmem:s22], [sflag:$0x5], $0x19000, $0x38;
	[tilespmem:$0x1F350] =	vst v63  }
0xf5: {  	_ =	swait.ge [sflag:s26], $0x19000  }
0xf6: {  	[sflag:s26] =	ssyncset.done $0x0  }
0xf7: {  	[sflag:s26] =	ssyncadd.s32 $0xFFFE7000  }
0xf8: {  	[bflag:$0x0] =	sbarrier.arrive $0xFFFF  }
0xf9: {  	s1 =	simm.s32 $0x1DA00;
	s23 =	rddreg [dreg:$0x6]  }
0xfa: {  	[tilespmem:s1], [sflag:$0x5] =	stream.linear.gather [hbm4b:s23+s22], $0x1900, $0x38;
	[tilespmem:$0x1F350] =	vst v63  }
0xfb: {  	_ =	swait.ge [sflag:s26], $0x1900  }
0xfc: {  	[sflag:s26] =	ssyncset.done $0x0  }
0xfd: {  	s24 =	rddreg [dreg:$0xb];
	[sflag:s26] =	ssyncadd.s32 $0xFFFFE700  }
0xfe: {  	[tilespmem:s29], [sflag:$0x1] =	stream.linear.gather [hbm4b:s24+s22], $0x640, $0x38;
	[tilespmem:$0x1F350] =	vst v63  }
0xff: {  	p0 =	por $0x0, $0x0;
	s25 =	rddreg [dreg:$0x11]  }
0x100: {  	[tilespmem:s30], [sflag:$0x2] =	stream.linear.gather [hbm4b:s25+s22], $0x640, $0x38;
	[tilespmem:$0x1F350] =	vst v63  }
.LBB2_10:
0x101: {  	s0 =	simm.s32 $0x1  }
0x102: {  	s0 =	simm.s32 @!p0 $0x0  }
0x103: {  	s0 =	smul.u32 $0x3200, s0;
	_ =	sdelay $0x1  }
0x104: {  	s0 =	sshrl.u32 s0, $0x2  }
0x105: {  	s1 =	sadd.s32 $0x1DA20, s0  }
0x106: {  	v2 =	vmov s1  }
0x107: {  	_ =	swait.ge [sflag:s14], $0x640  }
0x108: {  	[sflag:s14] =	ssyncset.done $0x0  }
0x109: {  	s12 =	simm.s32 $0x0;
	[sflag:s14] =	ssyncadd.s32 $0xFFFFF9C0  }
0x10a: {  	v4 =	vld [tilespmem:s12+$0x19000]  }
0x10b: {  	v3 =	vld.idx.msk [tilespmem:v2+s12+$0xFFFFFFE0 ss:$0x1], $0xffff;
	_ =	sdelay $0x4  }
0x10c: {  	v3 =	vadd.f32 v4, v3;
	_ =	sdelay $0x1  }
0x10d: {  	[tilespmem:v2+s12+$0xFFFFFFE0 ss:$0x1] =	vst.idx.msk $0xffff, v3  }
0x10e: {  	v3 =	vld.idx.msk [tilespmem:v2+s12+$0xFFFFFFF0 ss:$0x1], $0xffff  }
0x10f: {  	v4 =	vld [tilespmem:s12+$0x19010];
	_ =	sdelay $0x4  }
0x110: {  	v3 =	vadd.f32 v4, v3;
	_ =	sdelay $0x1  }
0x111: {  	[tilespmem:v2+s12+$0xFFFFFFF0 ss:$0x1] =	vst.idx.msk $0xffff, v3  }
0x112: {  	v3 =	vld.idx.msk [tilespmem:v2+s12+$0x0 ss:$0x1], $0xffff  }
0x113: {  	v4 =	vld [tilespmem:s12+$0x19020];
	_ =	sdelay $0x4  }
0x114: {  	v3 =	vadd.f32 v4, v3;
	_ =	sdelay $0x1  }
0x115: {  	[tilespmem:v2+s12+$0x0 ss:$0x1] =	vst.idx.msk $0xffff, v3  }
0x116: {  	v3 =	vld.idx.msk [tilespmem:v2+s12+$0x10 ss:$0x1], $0xffff  }
0x117: {  	v4 =	vld [tilespmem:s12+$0x19030];
	_ =	sdelay $0x3  }
0x118: {  	s13 =	simm.s32 $0x100  }
0x119: {  	s15 =	simm.s32 $0x200;
	s1 =	sor.u32 $0x1E070, s0;
	s0 =	sshll.u32 s22, $0x1;
	v3 =	vadd.f32 v4, v3  }
.LBB2_11:
0x11a: {  	p1 =	sne.s32 s15, $0x1800  }
0x11b: {  	[tilespmem:v2+s12+$0x10 ss:$0x1] =	vst.idx.msk $0xffff, v3;
	s12 =	sshra.s32 s13, $0x2;
	s13 =	smov.u32 s15;
	s15 =	sadd.s32 $0x100, s15  }
0x11c: {  	v3 =	vld.idx.msk [tilespmem:v2+s12+$0xFFFFFFE0 ss:$0x1], $0xffff  }
0x11d: {  	v4 =	vld [tilespmem:s12+$0x19000];
	_ =	sdelay $0x4  }
0x11e: {  	v3 =	vadd.f32 v4, v3;
	_ =	sdelay $0x1  }
0x11f: {  	[tilespmem:v2+s12+$0xFFFFFFE0 ss:$0x1] =	vst.idx.msk $0xffff, v3  }
0x120: {  	v3 =	vld.idx.msk [tilespmem:v2+s12+$0xFFFFFFF0 ss:$0x1], $0xffff  }
0x121: {  	v4 =	vld [tilespmem:s12+$0x19010];
	_ =	sdelay $0x4  }
0x122: {  	v3 =	vadd.f32 v4, v3;
	_ =	sdelay $0x1  }
0x123: {  	[tilespmem:v2+s12+$0xFFFFFFF0 ss:$0x1] =	vst.idx.msk $0xffff, v3  }
0x124: {  	v3 =	vld.idx.msk [tilespmem:v2+s12+$0x0 ss:$0x1], $0xffff  }
0x125: {  	v4 =	vld [tilespmem:s12+$0x19020];
	_ =	sdelay $0x4  }
0x126: {  	v3 =	vadd.f32 v4, v3;
	_ =	sdelay $0x1  }
0x127: {  	[tilespmem:v2+s12+$0x0 ss:$0x1] =	vst.idx.msk $0xffff, v3  }
0x128: {  	v3 =	vld.idx.msk [tilespmem:v2+s12+$0x10 ss:$0x1], $0xffff  }
0x129: {  	v4 =	vld [tilespmem:s12+$0x19030]  }
.Ltmp4:
0x12a: {  	(pc) =	sbr.rel @p1 .LBB2_11-.Ltmp4, $2  }
0x12b: {  	_ =	sdelay $0x2  }
0x12c: {  	v3 =	vadd.f32 v4, v3  }
0x12d: {  	_ =	sdelay $0x3  }
0x12e: {  	s13 =	sshra.s32 s13, $0x2;
	[tilespmem:v2+s12+$0x10 ss:$0x1] =	vst.idx.msk $0xffff, v3  }
0x12f: {  	v3 =	vld.idx.msk [tilespmem:v2+s13+$0xFFFFFFE0 ss:$0x1], $0xffff  }
0x130: {  	v4 =	vld [tilespmem:s13+$0x19000];
	_ =	sdelay $0x4  }
0x131: {  	v3 =	vadd.f32 v4, v3;
	_ =	sdelay $0x1  }
0x132: {  	[tilespmem:v2+s13+$0xFFFFFFE0 ss:$0x1] =	vst.idx.msk $0xffff, v3  }
0x133: {  	v3 =	vld.idx.msk [tilespmem:v2+s13+$0xFFFFFFF0 ss:$0x1], $0xffff  }
0x134: {  	v4 =	vld [tilespmem:s13+$0x19010];
	_ =	sdelay $0x4  }
0x135: {  	v3 =	vadd.f32 v4, v3;
	_ =	sdelay $0x1  }
0x136: {  	[tilespmem:v2+s13+$0xFFFFFFF0 ss:$0x1] =	vst.idx.msk $0xffff, v3  }
0x137: {  	v3 =	vld.idx.msk [tilespmem:v2+s13+$0x0 ss:$0x1], $0xffff  }
0x138: {  	v4 =	vld [tilespmem:s13+$0x19020];
	_ =	sdelay $0x4  }
0x139: {  	v3 =	vadd.f32 v4, v3;
	_ =	sdelay $0x1  }
0x13a: {  	[tilespmem:v2+s13+$0x0 ss:$0x1] =	vst.idx.msk $0xffff, v3  }
0x13b: {  	p1 =	seq.s32 s22, $0x1D;
	v3 =	vld.idx.msk [tilespmem:v2+s13+$0x10 ss:$0x1], $0xffff  }
0x13c: {  	s12 =	sadd.s32 @!p1 $0x2, s0;
	v4 =	vld [tilespmem:s13+$0x19030]  }
0x13d: {  	s15 =	sand.u32 @!p1 $0x2, s12  }
0x13e: {  	s12 =	sshrl.u32 @!p1 s12, $0x2;
	s15 =	smul.u32 @!p1 $0x640, s15  }
0x13f: {  	s12 =	smul.u32 @!p1 $0x19000, s12  }
0x140: {  	s15 =	sadd.s32 @!p1 s15, s16  }
0x141: {  	s12 =	sadd.s32 @!p1 s12, s15;
	v3 =	vadd.f32 v4, v3  }
0x142: {  	s12 =	sshrl.u32 @!p1 s12, $0x3  }
0x143: {  	s15 =	simm.s32 @!p1 $0x19000;
	s12 =	sadd.s32 @!p1 s9, s12;
	[tilespmem:v2+s13+$0x10 ss:$0x1] =	vst.idx.msk $0xffff, v3;
	s13 =	simm.s32 @!p1 $0x0;
	v2 =	vmov s1  }
0x144: {  	[tilespmem:s15], [sflag:$0x1] =	stream.linear.gather @!p1 [hbm4b:s12+s13], $0x640, $0x38;
	[tilespmem:$0x1F350] =	vst v63  }
0x145: {  	_ =	swait.ge [sflag:s18], $0x640  }
0x146: {  	[sflag:s18] =	ssyncset.done $0x0  }
0x147: {  	s1 =	simm.s32 $0x0;
	[sflag:s18] =	ssyncadd.s32 $0xFFFFF9C0  }
0x148: {  	v3 =	vld.idx.msk [tilespmem:v2+s1+$0xFFFFFFD0 ss:$0x1], $0xffff  }
0x149: {  	v4 =	vld [tilespmem:s1+$0x19C80];
	_ =	sdelay $0x4  }
0x14a: {  	v3 =	vadd.f32 v4, v3;
	_ =	sdelay $0x1  }
0x14b: {  	[tilespmem:v2+s1+$0xFFFFFFD0 ss:$0x1] =	vst.idx.msk $0xffff, v3  }
0x14c: {  	v3 =	vld.idx.msk [tilespmem:v2+s1+$0xFFFFFFE0 ss:$0x1], $0xffff  }
0x14d: {  	v4 =	vld [tilespmem:s1+$0x19C90];
	_ =	sdelay $0x4  }
0x14e: {  	v3 =	vadd.f32 v4, v3;
	_ =	sdelay $0x1  }
0x14f: {  	[tilespmem:v2+s1+$0xFFFFFFE0 ss:$0x1] =	vst.idx.msk $0xffff, v3  }
0x150: {  	v3 =	vld.idx.msk [tilespmem:v2+s1+$0xFFFFFFF0 ss:$0x1], $0xffff  }
0x151: {  	v4 =	vld [tilespmem:s1+$0x19CA0];
	_ =	sdelay $0x4  }
0x152: {  	v3 =	vadd.f32 v4, v3;
	_ =	sdelay $0x1  }
0x153: {  	[tilespmem:v2+s1+$0xFFFFFFF0 ss:$0x1] =	vst.idx.msk $0xffff, v3  }
0x154: {  	v3 =	vld.idx.msk [tilespmem:v2+s1+$0x0 ss:$0x1], $0xffff  }
0x155: {  	v4 =	vld [tilespmem:s1+$0x19CB0];
	_ =	sdelay $0x4  }
0x156: {  	s0 =	sadd.s32 $0x3, s0;
	s12 =	simm.s32 $0x100;
	s13 =	simm.s32 $0x200;
	v3 =	vadd.f32 v4, v3  }
.LBB2_13:
0x157: {  	p2 =	sne.s32 s13, $0x1800  }
0x158: {  	[tilespmem:v2+s1+$0x0 ss:$0x1] =	vst.idx.msk $0xffff, v3;
	s1 =	sshra.s32 s12, $0x2;
	s12 =	smov.u32 s13;
	s13 =	sadd.s32 $0x100, s13  }
0x159: {  	v3 =	vld.idx.msk [tilespmem:v2+s1+$0xFFFFFFD0 ss:$0x1], $0xffff  }
0x15a: {  	v4 =	vld [tilespmem:s1+$0x19C80];
	_ =	sdelay $0x4  }
0x15b: {  	v3 =	vadd.f32 v4, v3;
	_ =	sdelay $0x1  }
0x15c: {  	[tilespmem:v2+s1+$0xFFFFFFD0 ss:$0x1] =	vst.idx.msk $0xffff, v3  }
0x15d: {  	v3 =	vld.idx.msk [tilespmem:v2+s1+$0xFFFFFFE0 ss:$0x1], $0xffff  }
0x15e: {  	v4 =	vld [tilespmem:s1+$0x19C90];
	_ =	sdelay $0x4  }
0x15f: {  	v3 =	vadd.f32 v4, v3;
	_ =	sdelay $0x1  }
0x160: {  	[tilespmem:v2+s1+$0xFFFFFFE0 ss:$0x1] =	vst.idx.msk $0xffff, v3  }
0x161: {  	v3 =	vld.idx.msk [tilespmem:v2+s1+$0xFFFFFFF0 ss:$0x1], $0xffff  }
0x162: {  	v4 =	vld [tilespmem:s1+$0x19CA0];
	_ =	sdelay $0x4  }
0x163: {  	v3 =	vadd.f32 v4, v3;
	_ =	sdelay $0x1  }
0x164: {  	[tilespmem:v2+s1+$0xFFFFFFF0 ss:$0x1] =	vst.idx.msk $0xffff, v3  }
0x165: {  	v3 =	vld.idx.msk [tilespmem:v2+s1+$0x0 ss:$0x1], $0xffff  }
0x166: {  	v4 =	vld [tilespmem:s1+$0x19CB0]  }
.Ltmp5:
0x167: {  	(pc) =	sbr.rel @p2 .LBB2_13-.Ltmp5, $2  }
0x168: {  	_ =	sdelay $0x2  }
0x169: {  	v3 =	vadd.f32 v4, v3  }
0x16a: {  	_ =	sdelay $0x3  }
0x16b: {  	s12 =	sshra.s32 s12, $0x2;
	[tilespmem:v2+s1+$0x0 ss:$0x1] =	vst.idx.msk $0xffff, v3  }
0x16c: {  	v3 =	vld.idx.msk [tilespmem:v2+s12+$0xFFFFFFD0 ss:$0x1], $0xffff  }
0x16d: {  	v4 =	vld [tilespmem:s12+$0x19C80];
	_ =	sdelay $0x4  }
0x16e: {  	v3 =	vadd.f32 v4, v3;
	_ =	sdelay $0x1  }
0x16f: {  	[tilespmem:v2+s12+$0xFFFFFFD0 ss:$0x1] =	vst.idx.msk $0xffff, v3  }
0x170: {  	v3 =	vld.idx.msk [tilespmem:v2+s12+$0xFFFFFFE0 ss:$0x1], $0xffff  }
0x171: {  	v61 =	vld [tilespmem:s12+$0x19C90];
	_ =	sdelay $0x4  }
0x172: {  	v3 =	vadd.f32 v61, v3;
	_ =	sdelay $0x1  }
0x173: {  	[tilespmem:v2+s12+$0xFFFFFFE0 ss:$0x1] =	vst.idx.msk $0xffff, v3  }
0x174: {  	v3 =	vld.idx.msk [tilespmem:v2+s12+$0xFFFFFFF0 ss:$0x1], $0xffff  }
0x175: {  	v62 =	vld [tilespmem:s12+$0x19CA0];
	_ =	sdelay $0x4  }
0x176: {  	v3 =	vadd.f32 v62, v3;
	_ =	sdelay $0x1  }
0x177: {  	[tilespmem:v2+s12+$0xFFFFFFF0 ss:$0x1] =	vst.idx.msk $0xffff, v3  }
0x178: {  	v3 =	vld.idx.msk [tilespmem:v2+s12+$0x0 ss:$0x1], $0xffff  }
0x179: {  	v63 =	vld [tilespmem:s12+$0x19CB0];
	_ =	sdelay $0x2  }
.Ltmp6:
0x17a: {  	_ = 	snop;
	(pc) =	sbr.rel @p1 .LBB2_16-.Ltmp6, $3  }
0x17b: {  	_ = 	snop  }
0x17c: {  	v3 =	vadd.f32 v63, v3;
	_ =	sdelay $0x1  }
0x17d: {  	[tilespmem:v2+s12+$0x0 ss:$0x1] =	vst.idx.msk $0xffff, v3  }
0x17e: {  	s1 =	sand.u32 $0x3, s0  }
0x17f: {  	s25 =	sshrl.u32 s0, $0x2;
	s1 =	smul.u32 $0x640, s1  }
0x180: {  	s0 =	smul.u32 $0x19000, s25  }
.Ltmp7:
0x181: {  	s1 =	sadd.s32 s1, s16;
	(pc) =	sbr.rel .LBB2_10-.Ltmp7, $4  }
0x182: {  	s0 =	sadd.s32 s0, s1  }
0x183: {  	s0 =	sshrl.u32 s0, $0x3  }
0x184: {  	s22 =	sadd.s32 $0x1, s22;
	p0 =	por !p0, !p0;
	s0 =	sadd.s32 s9, s0  }
0x185: {  	[tilespmem:s30], [sflag:$0x2] =	stream.linear.gather [hbm4b:s0+s2], $0x640, $0x38;
	[tilespmem:$0x1F350] =	vst v63  }
.LBB2_16:
0x186: {  	s22 =	simm.s32 $0x0;
	s0 =	rddreg [dreg:$0x7];
	s1 =	simm.s32 $0x1DA00  }
0x187: {  	[hbm4b:s0+s22] =	stream.linear.scatter [tilespmem:s1], [sflag:$0x5], $0x1900, $0x38;
	[tilespmem:$0x1F350] =	vst v63  }
0x188: {  	_ =	swait.ge [sflag:s26], $0x1900  }
0x189: {  	[sflag:s26] =	ssyncset.done $0x0  }
0x18a: {  	[sflag:s26] =	ssyncadd.s32 $0xFFFFE700  }
0x18b: {  	[bflag:$0x0] =	sbarrier.arrive $0xFFFF  }
0x18c: {  	s25 =	rddreg [dreg:$0x8]  }
0x18d: {  	[tilespmem:s22], [sflag:$0x5] =	stream.linear.gather [hbm4b:s25+s22], $0x19000, $0x38;
	[tilespmem:$0x1F350] =	vst v63  }
0x18e: {  	_ =	swait.ge [sflag:s26], $0x19000  }
0x18f: {  	[sflag:s26] =	ssyncset.done $0x0  }
0x190: {  	[sflag:s26] =	ssyncadd.s32 $0xFFFE7000  }
0x191: {  	[tilespmem:s29], [sflag:$0x1] =	stream.linear.gather [hbm4b:s20+s22], $0xC80, $0x38;
	[tilespmem:$0x1F350] =	vst v63  }
0x192: {  	s23 =	simm.s32 $0x0  }
0x193: {  	[tilespmem:s31], [sflag:$0x3] =	stream.linear.gather [hbm4b:s21+s22], $0xC00, $0x38;
	[tilespmem:$0x1F350] =	vst v63  }
.LBB2_17:
0x194: {  	s24 =	sshllo.u32 s23, $0x1  }
0x195: {  	s0 =	sadd.s32 s7, s24  }
0x196: {  	s1 =	smul.u32 $0xC80, s0  }
0x197: {  	s0 =	smul.u32 $0xC00, s0  }
0x198: {  	s1 =	sadd.s32 s8, s1  }
0x199: {  	s0 =	sadd.s32 s10, s0;
	s1 =	sshrl.u32 s1, $0x3  }
0x19a: {  	s0 =	sshrl.u32 s0, $0x3;
	s1 =	sadd.s32 s4, s1  }
0x19b: {  	[tilespmem:s30], [sflag:$0x2] =	stream.linear.gather [hbm4b:s1+s22], $0xC80, $0x38;
	[tilespmem:$0x1F350] =	vst v63  }
0x19c: {  	s26 =	simm.s32 $0x1B500;
	s0 =	sadd.s32 s6, s0  }
0x19d: {  	[tilespmem:s26], [sflag:$0x4] =	stream.linear.gather [hbm4b:s0+s22], $0xC00, $0x38;
	[tilespmem:$0x1F350] =	vst v63  }
0x19e: {  	_ =	swait.ge [sflag:s14], $0xC80  }
0x19f: {  	[sflag:s14] =	ssyncset.done $0x0  }
0x1a0: {  	[sflag:s14] =	ssyncadd.s32 $0xFFFFF380  }
0x1a1: {  	_ =	swait.ge [sflag:s17], $0xC00  }
0x1a2: {  	[sflag:s17] =	ssyncset.done $0x0  }
0x1a3: {  	s25 =	sshll.u32 s23, $0x8;
	[sflag:s17] =	ssyncadd.s32 $0xFFFFF400  }
0x1a4: {  	v2 =	vld.idx.msk [tilespmem:v1+s25+$0x0 ss:$0x1], $0xffff  }
0x1a5: {  	v3 =	vld [tilespmem:$0x19000]  }
0x1a6: {  	v4 =	vld [tilespmem:s25+$0x1C100]  }
0x1a7: {  	v5 =	vld.idx.msk [tilespmem:v1+s25+$0x10 ss:$0x1], $0xffff  }
0x1a8: {  	v6 =	vld [tilespmem:$0x19010]  }
0x1a9: {  	v7 =	vld [tilespmem:s25+$0x1C110]  }
0x1aa: {  	v8 =	vld.idx.msk [tilespmem:v1+s25+$0x20 ss:$0x1], $0xffff  }
0x1ab: {  	v9 =	vld [tilespmem:$0x19020]  }
0x1ac: {  	v10 =	vld [tilespmem:s25+$0x1C120]  }
0x1ad: {  	v11 =	vld.idx.msk [tilespmem:v1+s25+$0x30 ss:$0x1], $0xffff  }
0x1ae: {  	v12 =	vld [tilespmem:$0x19030]  }
0x1af: {  	v15 =	vld [tilespmem:s25+$0x1C130]  }
0x1b0: {  	v16 =	vld.idx.msk [tilespmem:v1+s25+$0x40 ss:$0x1], $0xffff  }
0x1b1: {  	v17 =	vld [tilespmem:$0x19040]  }
0x1b2: {  	v18 =	vld [tilespmem:s25+$0x1C140]  }
0x1b3: {  	v19 =	vld.idx.msk [tilespmem:v1+s25+$0x50 ss:$0x1], $0xffff  }
0x1b4: {  	v20 =	vld [tilespmem:$0x19050]  }
0x1b5: {  	v21 =	vld [tilespmem:s25+$0x1C150]  }
0x1b6: {  	v22 =	vld.idx.msk [tilespmem:v1+s25+$0x60 ss:$0x1], $0xffff  }
0x1b7: {  	v23 =	vld [tilespmem:$0x19060]  }
0x1b8: {  	v24 =	vld [tilespmem:s25+$0x1C160]  }
0x1b9: {  	v25 =	vld.idx.msk [tilespmem:v1+s25+$0x70 ss:$0x1], $0xffff  }
0x1ba: {  	v26 =	vld [tilespmem:$0x19070]  }
0x1bb: {  	s11 =	simm.s32 $0x0;
	v27 =	vld [tilespmem:s25+$0x1C170]  }
0x1bc: {  	v13 =	vld [tilespmem:s11+$0x1A970]  }
0x1bd: {  	v14 =	vld [tilespmem:s11+$0x1A900]  }
0x1be: {  	v28 =	vld [tilespmem:s11+$0x1A910]  }
0x1bf: {  	v29 =	vld [tilespmem:s11+$0x1A920]  }
0x1c0: {  	v30 =	vld [tilespmem:s11+$0x1A930]  }
0x1c1: {  	v31 =	vld [tilespmem:s11+$0x1A940]  }
0x1c2: {  	v32 =	vld [tilespmem:s11+$0x1A950]  }
0x1c3: {  	v33 =	vld [tilespmem:s11+$0x1A960];
	v2 =	vmul.f32 v3, v2;
	v5 =	vmul.f32 v6, v5  }
0x1c4: {  	v35 =	vld [tilespmem:s11+$0x190F0];
	v3 =	vmul.f32 $9.999999740e-05, v4;
	v4 =	vmul.f32 $9.999999740e-05, v7  }
0x1c5: {  	v63 =	vld [tilespmem:s11+$0x19080];
	v6 =	vmul.f32 v9, v8;
	v9 =	vmul.f32 v12, v11  }
0x1c6: {  	v5 =	vadd.f32 v4, v5;
	v4 =	vmul.f32 v20, v19;
	v19 =	vmul.f32 $9.999999740e-05, v21;
	v21 =	vld [tilespmem:s11+$0x19090]  }
0x1c7: {  	v15 =	vmul.f32 $9.999999740e-05, v15;
	v3 =	vadd.f32 v3, v2;
	v2 =	vmul.f32 v17, v16;
	v17 =	vld [tilespmem:s11+$0x190A0]  }
0x1c8: {  	v16 =	vmul.f32 $9.999999740e-05, v18;
	v18 =	vld [tilespmem:s11+$0x190B0]  }
0x1c9: {  	v9 =	vadd.f32 v15, v9;
	v15 =	vld [tilespmem:s11+$0x190C0]  }
0x1ca: {  	v34 =	vld.idx.msk [tilespmem:v13+s2+$0x0], $0xffff  }
0x1cb: {  	v36 =	vld.idx.msk [tilespmem:v14+s2+$0x0], $0xffff  }
0x1cc: {  	v28 =	vld.idx.msk [tilespmem:v28+s2+$0x0], $0xffff  }
0x1cd: {  	v7 =	vmul.f32 $9.999999740e-05, v10;
	v14 =	vld.idx.msk [tilespmem:v29+s2+$0x0], $0xffff  }
0x1ce: {  	v13 =	vld.idx.msk [tilespmem:v30+s2+$0x0], $0xffff  }
0x1cf: {  	v8 =	vadd.f32 v7, v6;
	v6 =	vmul.f32 v26, v25;
	v20 =	vmul.f32 $9.999999740e-05, v27;
	v12 =	vld.idx.msk [tilespmem:v31+s2+$0x0], $0xffff  }
0x1d0: {  	s29 =	sshll.u32 s23, $0x1;
	v22 =	vmul.f32 v23, v22;
	v23 =	vmul.f32 $9.999999740e-05, v24;
	v11 =	vld.idx.msk [tilespmem:v32+s2+$0x0], $0xffff  }
0x1d1: {  	s21 =	simm.s32 $0x80;
	s31 =	simm.s32 $0x400;
	s13 =	sor.u32 $0x10, s25;
	v10 =	vld.idx.msk [tilespmem:v33+s2+$0x0], $0xffff;
	v7 =	vadd.f32 v16, v2;
	v2 =	vadd.f32 v20, v6;
	v16 =	vmul.f32 v34, v35  }
0x1d2: {  	s15 =	sor.u32 $0x30, s25;
	s20 =	sor.u32 $0x40, s25;
	s12 =	sor.u32 $0x70, s25;
	v6 =	vadd.f32 v19, v4;
	v19 =	vld [tilespmem:s11+$0x190D0];
	v20 =	vmul.f32 v36, v63  }
0x1d3: {  	s1 =	sor.u32 $0x50, s25;
	s0 =	sor.u32 $0x20, s25;
	s26 =	sor.u32 $0x60, s25;
	v4 =	vadd.f32 v23, v22;
	v21 =	vmul.f32 v28, v21;
	v2 =	vadd.f32 v16, v2;
	v16 =	vld [tilespmem:s11+$0x190E0]  }
.LBB2_18:
0x1d4: {  	p0 =	sne.s32 s31, $0x2E00;
	v22 =	vld [tilespmem:s21+$0x1A970];
	v3 =	vadd.f32 v20, v3;
	v14 =	vmul.f32 v14, v17  }
0x1d5: {  	v17 =	vld [tilespmem:s21+$0x1A900];
	v5 =	vadd.f32 v21, v5;
	v13 =	vmul.f32 v13, v18  }
0x1d6: {  	v18 =	vld [tilespmem:s21+$0x1A910];
	v8 =	vadd.f32 v14, v8;
	v12 =	vmul.f32 v12, v15  }
0x1d7: {  	v14 =	vld [tilespmem:s21+$0x1A920];
	v9 =	vadd.f32 v13, v9;
	v11 =	vmul.f32 v11, v19  }
0x1d8: {  	v13 =	vld [tilespmem:s21+$0x1A930];
	v7 =	vadd.f32 v12, v7;
	v10 =	vmul.f32 v10, v16  }
0x1d9: {  	v12 =	vld [tilespmem:s21+$0x1A940];
	v6 =	vadd.f32 v11, v6  }
0x1da: {  	v11 =	vld [tilespmem:s21+$0x1A950];
	v4 =	vadd.f32 v10, v4  }
0x1db: {  	v10 =	vld [tilespmem:s21+$0x1A960]  }
0x1dc: {  	v15 =	vld.idx.msk [tilespmem:v22+s2+$0x0], $0xffff  }
0x1dd: {  	v16 =	vld [tilespmem:s21+$0x190F0]  }
0x1de: {  	v19 =	vld.idx.msk [tilespmem:v17+s2+$0x0], $0xffff  }
0x1df: {  	v21 =	vld.idx.msk [tilespmem:v18+s2+$0x0], $0xffff  }
0x1e0: {  	v14 =	vld.idx.msk [tilespmem:v14+s2+$0x0], $0xffff  }
0x1e1: {  	v13 =	vld.idx.msk [tilespmem:v13+s2+$0x0], $0xffff  }
0x1e2: {  	v12 =	vld.idx.msk [tilespmem:v12+s2+$0x0], $0xffff;
	v15 =	vmul.f32 v15, v16  }
0x1e3: {  	v11 =	vld.idx.msk [tilespmem:v11+s2+$0x0], $0xffff  }
0x1e4: {  	v10 =	vld.idx.msk [tilespmem:v10+s2+$0x0], $0xffff;
	v2 =	vadd.f32 v15, v2  }
0x1e5: {  	v16 =	vld [tilespmem:s21+$0x19080]  }
0x1e6: {  	v22 =	vld [tilespmem:s21+$0x19090]  }
.Ltmp8:
0x1e7: {  	v17 =	vld [tilespmem:s21+$0x190A0];
	(pc) =	sbr.rel @p0 .LBB2_18-.Ltmp8, $4  }
0x1e8: {  	v18 =	vld [tilespmem:s21+$0x190B0]  }
0x1e9: {  	v15 =	vld [tilespmem:s21+$0x190C0]  }
0x1ea: {  	v20 =	vmul.f32 v19, v16;
	v19 =	vld [tilespmem:s21+$0x190D0]  }
0x1eb: {  	v21 =	vmul.f32 v21, v22;
	v16 =	vld [tilespmem:s21+$0x190E0];
	s21 =	sshra.s32 s31, $0x2;
	s31 =	sadd.s32 $0x200, s31  }
0x1ec: {  	v22 =	vld [tilespmem:s21+$0x1A970]  }
0x1ed: {  	v23 =	vld [tilespmem:s21+$0x1A900]  }
0x1ee: {  	v24 =	vld [tilespmem:s21+$0x1A910]  }
0x1ef: {  	v25 =	vld [tilespmem:s21+$0x1A920]  }
0x1f0: {  	v26 =	vld [tilespmem:s21+$0x1A930]  }
0x1f1: {  	v27 =	vld [tilespmem:s21+$0x1A940]  }
0x1f2: {  	v28 =	vld [tilespmem:s21+$0x1A950]  }
0x1f3: {  	v29 =	vld [tilespmem:s21+$0x1A960]  }
0x1f4: {  	v30 =	vld [tilespmem:s21+$0x19080]  }
0x1f5: {  	v31 =	vld [tilespmem:s21+$0x19090]  }
0x1f6: {  	v32 =	vld [tilespmem:s21+$0x190A0]  }
0x1f7: {  	v14 =	vmul.f32 v14, v17;
	v17 =	vld [tilespmem:s21+$0x190B0]  }
0x1f8: {  	v3 =	vadd.f32 v20, v3;
	v20 =	vld [tilespmem:s21+$0x190D0]  }
0x1f9: {  	v13 =	vmul.f32 v13, v18;
	v18 =	vld [tilespmem:s21+$0x190C0]  }
0x1fa: {  	v12 =	vmul.f32 v12, v15;
	v15 =	vld [tilespmem:s21+$0x190E0]  }
0x1fb: {  	v11 =	vmul.f32 v11, v19;
	v19 =	vld [tilespmem:s21+$0x190F0]  }
0x1fc: {  	v23 =	vld.idx.msk [tilespmem:v23+s2+$0x0], $0xffff  }
0x1fd: {  	v24 =	vld.idx.msk [tilespmem:v24+s2+$0x0], $0xffff  }
0x1fe: {  	v25 =	vld.idx.msk [tilespmem:v25+s2+$0x0], $0xffff  }
0x1ff: {  	v26 =	vld.idx.msk [tilespmem:v26+s2+$0x0], $0xffff  }
0x200: {  	v27 =	vld.idx.msk [tilespmem:v27+s2+$0x0], $0xffff  }
0x201: {  	v8 =	vadd.f32 v14, v8;
	v28 =	vld.idx.msk [tilespmem:v28+s2+$0x0], $0xffff;
	v14 =	vmul.f32 v23, v30  }
0x202: {  	v5 =	vadd.f32 v21, v5;
	v9 =	vadd.f32 v13, v9;
	v29 =	vld.idx.msk [tilespmem:v29+s2+$0x0], $0xffff;
	v13 =	vmul.f32 v24, v31  }
0x203: {  	v22 =	vld.idx.msk [tilespmem:v22+s2+$0x0], $0xffff;
	v3 =	vadd.f32 v14, v3;
	v14 =	vmul.f32 v25, v32  }
0x204: {  	v7 =	vadd.f32 v12, v7;
	v12 =	vmul.f32 v26, v17;
	v5 =	vadd.f32 v13, v5  }
0x205: {  	v10 =	vmul.f32 v10, v16;
	v13 =	vmul.f32 v27, v18;
	v8 =	vadd.f32 v14, v8;
	[tilespmem:s25+$0x1DA00] =	vst v3  }
0x206: {  	p0 =	seq.s32 s23, $0x18;
	v3 =	vadd.f32 v11, v6;
	v6 =	vadd.f32 v12, v9;
	v9 =	vmul.f32 v28, v20;
	[tilespmem:s13+$0x1DA00] =	vst v5  }
0x207: {  	s11 =	sadd.s32 @!p0 s29, s28;
	v4 =	vadd.f32 v10, v4;
	v5 =	vadd.f32 v13, v7;
	v7 =	vmul.f32 v29, v15;
	[tilespmem:s0+$0x1DA00] =	vst v8  }
0x208: {  	s0 =	smul.u32 @!p0 $0xC80, s11;
	v8 =	vmul.f32 v22, v19;
	v3 =	vadd.f32 v9, v3;
	[tilespmem:s15+$0x1DA00] =	vst v6  }
0x209: {  	v4 =	vadd.f32 v7, v4;
	[tilespmem:s20+$0x1DA00] =	vst v5  }
0x20a: {  	s0 =	sadd.s32 @!p0 s8, s0;
	v2 =	vadd.f32 v8, v2;
	[tilespmem:s1+$0x1DA00] =	vst v3  }
0x20b: {  	s11 =	smul.u32 @!p0 $0xC00, s11;
	s0 =	sshrl.u32 @!p0 s0, $0x3;
	[tilespmem:s26+$0x1DA00] =	vst v4  }
0x20c: {  	s1 =	simm.s32 @!p0 $0x0;
	s0 =	sadd.s32 @!p0 s4, s0;
	[tilespmem:s12+$0x1DA00] =	vst v2;
	s12 =	simm.s32 @!p0 $0x19000  }
0x20d: {  	[tilespmem:s12], [sflag:$0x1] =	stream.linear.gather @!p0 [hbm4b:s0+s1], $0xC80, $0x38;
	[tilespmem:$0x1F350] =	vst v63  }
0x20e: {  	s0 =	sadd.s32 @!p0 s10, s11  }
0x20f: {  	s0 =	sshrl.u32 @!p0 s0, $0x3  }
0x210: {  	s11 =	simm.s32 @!p0 $0x1A900;
	s0 =	sadd.s32 @!p0 s6, s0  }
0x211: {  	[tilespmem:s11], [sflag:$0x3] =	stream.linear.gather @!p0 [hbm4b:s0+s1], $0xC00, $0x38;
	[tilespmem:$0x1F350] =	vst v63  }
0x212: {  	_ =	swait.ge [sflag:s18], $0xC80  }
0x213: {  	[sflag:s18] =	ssyncset.done $0x0  }
0x214: {  	[sflag:s18] =	ssyncadd.s32 $0xFFFFF380  }
0x215: {  	_ =	swait.ge [sflag:s19], $0xC00  }
0x216: {  	[sflag:s19] =	ssyncset.done $0x0  }
0x217: {  	s24 =	sshll.u32 s24, $0x7;
	[sflag:s19] =	ssyncadd.s32 $0xFFFFF400  }
0x218: {  	v2 =	vld.idx.msk [tilespmem:v1+s24+$0x0 ss:$0x1], $0xffff  }
0x219: {  	v3 =	vld [tilespmem:$0x19C80]  }
0x21a: {  	v4 =	vld [tilespmem:s24+$0x1C100]  }
0x21b: {  	v5 =	vld.idx.msk [tilespmem:v1+s24+$0x10 ss:$0x1], $0xffff  }
0x21c: {  	v6 =	vld [tilespmem:$0x19C90]  }
0x21d: {  	v7 =	vld [tilespmem:s24+$0x1C110]  }
0x21e: {  	v8 =	vld.idx.msk [tilespmem:v1+s24+$0x20 ss:$0x1], $0xffff  }
0x21f: {  	v9 =	vld [tilespmem:$0x19CA0]  }
0x220: {  	v10 =	vld [tilespmem:s24+$0x1C120]  }
0x221: {  	v11 =	vld.idx.msk [tilespmem:v1+s24+$0x30 ss:$0x1], $0xffff  }
0x222: {  	v12 =	vld [tilespmem:$0x19CB0]  }
0x223: {  	v15 =	vld [tilespmem:s24+$0x1C130]  }
0x224: {  	v16 =	vld.idx.msk [tilespmem:v1+s24+$0x40 ss:$0x1], $0xffff  }
0x225: {  	v17 =	vld [tilespmem:$0x19CC0]  }
0x226: {  	v18 =	vld [tilespmem:s24+$0x1C140]  }
0x227: {  	v19 =	vld.idx.msk [tilespmem:v1+s24+$0x50 ss:$0x1], $0xffff  }
0x228: {  	v20 =	vld [tilespmem:$0x19CD0]  }
0x229: {  	v21 =	vld [tilespmem:s24+$0x1C150]  }
0x22a: {  	v22 =	vld.idx.msk [tilespmem:v1+s24+$0x60 ss:$0x1], $0xffff  }
0x22b: {  	v23 =	vld [tilespmem:$0x19CE0]  }
0x22c: {  	v53 =	vld [tilespmem:s24+$0x1C160]  }
0x22d: {  	v54 =	vld.idx.msk [tilespmem:v1+s24+$0x70 ss:$0x1], $0xffff  }
0x22e: {  	v55 =	vld [tilespmem:$0x19CF0]  }
0x22f: {  	s31 =	simm.s32 $0x0;
	v56 =	vld [tilespmem:s24+$0x1C170]  }
0x230: {  	v13 =	vld [tilespmem:s31+$0x1B570]  }
0x231: {  	v14 =	vld [tilespmem:s31+$0x1B500]  }
0x232: {  	v57 =	vld [tilespmem:s31+$0x1B510]  }
0x233: {  	v58 =	vld [tilespmem:s31+$0x1B520]  }
0x234: {  	v59 =	vld [tilespmem:s31+$0x1B530]  }
0x235: {  	v60 =	vld [tilespmem:s31+$0x1B540]  }
0x236: {  	v61 =	vld [tilespmem:s31+$0x1B550]  }
0x237: {  	v33 =	vld [tilespmem:s31+$0x1B560];
	v2 =	vmul.f32 v3, v2  }
0x238: {  	v35 =	vld [tilespmem:s31+$0x19D70];
	v5 =	vmul.f32 v6, v5;
	v3 =	vmul.f32 $9.999999740e-05, v4  }
0x239: {  	v62 =	vld [tilespmem:s31+$0x19D00];
	v6 =	vmul.f32 v9, v8;
	v9 =	vmul.f32 v12, v11  }
0x23a: {  	v63 =	vld [tilespmem:s31+$0x19D10];
	v15 =	vmul.f32 $9.999999740e-05, v15;
	v3 =	vadd.f32 v3, v2;
	v2 =	vmul.f32 v17, v16  }
0x23b: {  	v16 =	vmul.f32 $9.999999740e-05, v18;
	v18 =	vmul.f32 v20, v19;
	v19 =	vld [tilespmem:s31+$0x19D20]  }
0x23c: {  	v17 =	vld [tilespmem:s31+$0x19D30]  }
0x23d: {  	v9 =	vadd.f32 v15, v9;
	v15 =	vld [tilespmem:s31+$0x19D40]  }
0x23e: {  	v34 =	vld.idx.msk [tilespmem:v13+s2+$0x0], $0xffff  }
0x23f: {  	v36 =	vld.idx.msk [tilespmem:v14+s2+$0x0], $0xffff  }
0x240: {  	v28 =	vld.idx.msk [tilespmem:v57+s2+$0x0], $0xffff  }
0x241: {  	v4 =	vmul.f32 $9.999999740e-05, v7;
	v7 =	vmul.f32 $9.999999740e-05, v10;
	v14 =	vld.idx.msk [tilespmem:v58+s2+$0x0], $0xffff  }
0x242: {  	v20 =	vmul.f32 $9.999999740e-05, v21;
	v13 =	vld.idx.msk [tilespmem:v59+s2+$0x0], $0xffff  }
0x243: {  	v8 =	vadd.f32 v7, v6;
	v6 =	vmul.f32 v55, v54;
	v7 =	vmul.f32 $9.999999740e-05, v56;
	v12 =	vld.idx.msk [tilespmem:v60+s2+$0x0], $0xffff  }
0x244: {  	v4 =	vadd.f32 v4, v5;
	v21 =	vmul.f32 v23, v22;
	v22 =	vmul.f32 $9.999999740e-05, v53;
	v11 =	vld.idx.msk [tilespmem:v61+s2+$0x0], $0xffff  }
0x245: {  	s21 =	simm.s32 $0x400;
	s25 =	sor.u32 $0x70, s24;
	s13 =	sor.u32 $0x10, s24;
	v10 =	vld.idx.msk [tilespmem:v33+s2+$0x0], $0xffff;
	v5 =	vadd.f32 v16, v2;
	v2 =	vadd.f32 v7, v6;
	v16 =	vmul.f32 v34, v35  }
0x246: {  	s15 =	sor.u32 $0x20, s24;
	s20 =	sor.u32 $0x40, s24;
	s26 =	simm.s32 $0x80;
	v6 =	vadd.f32 v20, v18;
	v7 =	vadd.f32 v22, v21;
	v18 =	vld [tilespmem:s31+$0x19D50];
	v21 =	vmul.f32 v36, v62  }
0x247: {  	s12 =	sor.u32 $0x50, s24;
	s0 =	sor.u32 $0x30, s24;
	s1 =	sor.u32 $0x60, s24;
	v20 =	vmul.f32 v28, v63;
	v2 =	vadd.f32 v16, v2;
	v16 =	vld [tilespmem:s31+$0x19D60]  }
.LBB2_20:
0x248: {  	p0 =	sne.s32 s21, $0x2E00;
	v22 =	vld [tilespmem:s26+$0x1B570];
	v3 =	vadd.f32 v21, v3;
	v14 =	vmul.f32 v14, v19  }
0x249: {  	v19 =	vld [tilespmem:s26+$0x1B500];
	v4 =	vadd.f32 v20, v4;
	v13 =	vmul.f32 v13, v17  }
0x24a: {  	v17 =	vld [tilespmem:s26+$0x1B510];
	v8 =	vadd.f32 v14, v8;
	v12 =	vmul.f32 v12, v15  }
0x24b: {  	v14 =	vld [tilespmem:s26+$0x1B520];
	v9 =	vadd.f32 v13, v9;
	v11 =	vmul.f32 v11, v18  }
0x24c: {  	v13 =	vld [tilespmem:s26+$0x1B530];
	v5 =	vadd.f32 v12, v5;
	v10 =	vmul.f32 v10, v16  }
0x24d: {  	v12 =	vld [tilespmem:s26+$0x1B540];
	v6 =	vadd.f32 v11, v6  }
0x24e: {  	v11 =	vld [tilespmem:s26+$0x1B550];
	v7 =	vadd.f32 v10, v7  }
0x24f: {  	v10 =	vld [tilespmem:s26+$0x1B560]  }
0x250: {  	v15 =	vld.idx.msk [tilespmem:v22+s2+$0x0], $0xffff  }
0x251: {  	v16 =	vld [tilespmem:s26+$0x19D70]  }
0x252: {  	v18 =	vld.idx.msk [tilespmem:v19+s2+$0x0], $0xffff  }
0x253: {  	v20 =	vld.idx.msk [tilespmem:v17+s2+$0x0], $0xffff  }
0x254: {  	v14 =	vld.idx.msk [tilespmem:v14+s2+$0x0], $0xffff  }
0x255: {  	v13 =	vld.idx.msk [tilespmem:v13+s2+$0x0], $0xffff  }
0x256: {  	v12 =	vld.idx.msk [tilespmem:v12+s2+$0x0], $0xffff;
	v15 =	vmul.f32 v15, v16  }
0x257: {  	v11 =	vld.idx.msk [tilespmem:v11+s2+$0x0], $0xffff  }
0x258: {  	v10 =	vld.idx.msk [tilespmem:v10+s2+$0x0], $0xffff;
	v2 =	vadd.f32 v15, v2  }
0x259: {  	v16 =	vld [tilespmem:s26+$0x19D00]  }
0x25a: {  	v22 =	vld [tilespmem:s26+$0x19D10]  }
.Ltmp9:
0x25b: {  	v19 =	vld [tilespmem:s26+$0x19D20];
	(pc) =	sbr.rel @p0 .LBB2_20-.Ltmp9, $4  }
0x25c: {  	v17 =	vld [tilespmem:s26+$0x19D30]  }
0x25d: {  	v15 =	vld [tilespmem:s26+$0x19D40]  }
0x25e: {  	v21 =	vmul.f32 v18, v16;
	v18 =	vld [tilespmem:s26+$0x19D50]  }
0x25f: {  	v20 =	vmul.f32 v20, v22;
	v16 =	vld [tilespmem:s26+$0x19D60];
	s26 =	sshra.s32 s21, $0x2;
	s21 =	sadd.s32 $0x200, s21  }
0x260: {  	v22 =	vld [tilespmem:s26+$0x1B570]  }
0x261: {  	v23 =	vld [tilespmem:s26+$0x1B500]  }
0x262: {  	v24 =	vld [tilespmem:s26+$0x1B510]  }
0x263: {  	v25 =	vld [tilespmem:s26+$0x1B520]  }
0x264: {  	v26 =	vld [tilespmem:s26+$0x1B530]  }
0x265: {  	v27 =	vld [tilespmem:s26+$0x1B540]  }
0x266: {  	v28 =	vld [tilespmem:s26+$0x1B550]  }
0x267: {  	v29 =	vld [tilespmem:s26+$0x1B560]  }
0x268: {  	v30 =	vld [tilespmem:s26+$0x19D00]  }
0x269: {  	v31 =	vld [tilespmem:s26+$0x19D10]  }
0x26a: {  	v32 =	vld [tilespmem:s26+$0x19D20]  }
0x26b: {  	v49 =	vld [tilespmem:s26+$0x19D30]  }
0x26c: {  	v50 =	vld [tilespmem:s26+$0x19D40]  }
0x26d: {  	v52 =	vld [tilespmem:s26+$0x19D50]  }
0x26e: {  	v54 =	vld [tilespmem:s26+$0x19D60]  }
0x26f: {  	v56 =	vld [tilespmem:s26+$0x19D70]  }
0x270: {  	v23 =	vld.idx.msk [tilespmem:v23+s2+$0x0], $0xffff  }
0x271: {  	v24 =	vld.idx.msk [tilespmem:v24+s2+$0x0], $0xffff  }
0x272: {  	v25 =	vld.idx.msk [tilespmem:v25+s2+$0x0], $0xffff  }
0x273: {  	v14 =	vmul.f32 v14, v19;
	v26 =	vld.idx.msk [tilespmem:v26+s2+$0x0], $0xffff  }
0x274: {  	v3 =	vadd.f32 v21, v3;
	v13 =	vmul.f32 v13, v17;
	v27 =	vld.idx.msk [tilespmem:v27+s2+$0x0], $0xffff  }
0x275: {  	v4 =	vadd.f32 v20, v4;
	v8 =	vadd.f32 v14, v8;
	v28 =	vld.idx.msk [tilespmem:v28+s2+$0x0], $0xffff;
	v51 =	vmul.f32 v23, v30  }
0x276: {  	v12 =	vmul.f32 v12, v15;
	v9 =	vadd.f32 v13, v9;
	v29 =	vld.idx.msk [tilespmem:v29+s2+$0x0], $0xffff;
	v53 =	vmul.f32 v24, v31  }
0x277: {  	v11 =	vmul.f32 v11, v18;
	v22 =	vld.idx.msk [tilespmem:v22+s2+$0x0], $0xffff;
	v55 =	vmul.f32 v25, v32;
	v3 =	vadd.f32 v51, v3  }
0x278: {  	v5 =	vadd.f32 v12, v5;
	v57 =	vmul.f32 v26, v49;
	v4 =	vadd.f32 v53, v4  }
0x279: {  	v10 =	vmul.f32 v10, v16;
	v58 =	vmul.f32 v27, v50;
	v8 =	vadd.f32 v55, v8;
	[tilespmem:s24+$0x1DA00] =	vst v3  }
0x27a: {  	s23 =	sadd.s32 $0x1, s23;
	v60 =	vmul.f32 v28, v52;
	v59 =	vadd.f32 v57, v9;
	v3 =	vadd.f32 v11, v6;
	[tilespmem:s13+$0x1DA00] =	vst v4  }
0x27b: {  	p0 =	sne.s32 s23, $0x19;
	v61 =	vadd.f32 v10, v7;
	v62 =	vmul.f32 v29, v54;
	v5 =	vadd.f32 v58, v5;
	[tilespmem:s15+$0x1DA00] =	vst v8  }
.Ltmp10:
0x27c: {  	v63 =	vmul.f32 v22, v56;
	v3 =	vadd.f32 v60, v3;
	[tilespmem:s0+$0x1DA00] =	vst v59;
	(pc) =	sbr.rel @p0 .LBB2_17-.Ltmp10, $4  }
0x27d: {  	v4 =	vadd.f32 v62, v61;
	[tilespmem:s20+$0x1DA00] =	vst v5  }
0x27e: {  	v2 =	vadd.f32 v63, v2;
	[tilespmem:s12+$0x1DA00] =	vst v3  }
0x27f: {  	[tilespmem:s1+$0x1DA00] =	vst v4  }
0x280: {  	[tilespmem:s25+$0x1DA00] =	vst v2  }
0x281: {  	s22 =	simm.s32 $0x0  }
0x282: {  	s0 =	rddreg [dreg:$0x9];
	s1 =	simm.s32 $0x1DA00;
	s26 =	simm.s32 $0x5  }
0x283: {  	[hbm4b:s0+s22] =	stream.linear.scatter [tilespmem:s1], [sflag:$0x5], $0x1900, $0x38;
	[tilespmem:$0x1F350] =	vst v63  }
0x284: {  	_ =	swait.ge [sflag:s26], $0x1900  }
0x285: {  	[sflag:s26] =	ssyncset.done $0x0  }
0x286: {  	[sflag:s26] =	ssyncadd.s32 $0xFFFFE700  }
0x287: {  	[bflag:$0x0] =	sbarrier.arrive $0xFFFF  }
0x288: {  	s24 =	rddreg [dreg:$0xa]  }
0x289: {  	[tilespmem:s22], [sflag:$0x5] =	stream.linear.gather [hbm4b:s24+s22], $0x19000, $0x38;
	[tilespmem:$0x1F350] =	vst v63  }
0x28a: {  	_ =	swait.ge [sflag:s26], $0x19000  }
0x28b: {  	[sflag:s26] =	ssyncset.done $0x0  }
0x28c: {  	s29 =	simm.s32 $0x19000;
	s25 =	rddreg [dreg:$0xc];
	[sflag:s26] =	ssyncadd.s32 $0xFFFE7000  }
0x28d: {  	[tilespmem:s29], [sflag:$0x1] =	stream.linear.gather [hbm4b:s25+s22], $0xC80, $0x38;
	[tilespmem:$0x1F350] =	vst v63  }
0x28e: {  	s31 =	simm.s32 $0x1A900;
	s23 =	simm.s32 $0x0;
	s21 =	rddreg [dreg:$0x4]  }
0x28f: {  	v2 =	vimm.f32 $0.0e+00;
	[tilespmem:s31], [sflag:$0x3] =	stream.linear.gather [hbm4b:s21+s22], $0xC00, $0x38;
	[tilespmem:$0x1F350] =	vst v63  }
.LBB2_23:
0x290: {  	s24 =	sshllo.u32 s23, $0x1  }
0x291: {  	s0 =	sadd.s32 s7, s24  }
0x292: {  	s1 =	smul.u32 $0xC80, s0  }
0x293: {  	s0 =	smul.u32 $0xC00, s0  }
0x294: {  	s1 =	sadd.s32 s8, s1  }
0x295: {  	s0 =	sadd.s32 s10, s0;
	s1 =	sshrl.u32 s1, $0x3  }
0x296: {  	s0 =	sshrl.u32 s0, $0x3;
	s1 =	sadd.s32 s5, s1  }
0x297: {  	[tilespmem:s30], [sflag:$0x2] =	stream.linear.gather [hbm4b:s1+s22], $0xC80, $0x38;
	[tilespmem:$0x1F350] =	vst v63  }
0x298: {  	s15 =	simm.s32 $0x1B500;
	s0 =	sadd.s32 s6, s0  }
0x299: {  	[tilespmem:s15], [sflag:$0x4] =	stream.linear.gather [hbm4b:s0+s22], $0xC00, $0x38;
	[tilespmem:$0x1F350] =	vst v63  }
0x29a: {  	_ =	swait.ge [sflag:s14], $0xC80  }
0x29b: {  	[sflag:s14] =	ssyncset.done $0x0  }
0x29c: {  	[sflag:s14] =	ssyncadd.s32 $0xFFFFF380  }
0x29d: {  	_ =	swait.ge [sflag:s17], $0xC00  }
0x29e: {  	[sflag:s17] =	ssyncset.done $0x0  }
0x29f: {  	[sflag:s17] =	ssyncadd.s32 $0xFFFFF400  }
0x2a0: {  	s25 =	sshll.u32 s23, $0x8;
	v3 =	vld [tilespmem:$0x19000]  }
0x2a1: {  	v5 =	vld.idx.msk [tilespmem:v1+s25+$0x0 ss:$0x1], $0xffff  }
0x2a2: {  	v7 =	vld [tilespmem:$0x19010]  }
0x2a3: {  	v9 =	vld.idx.msk [tilespmem:v1+s25+$0x10 ss:$0x1], $0xffff  }
0x2a4: {  	v14 =	vld [tilespmem:$0x19020]  }
0x2a5: {  	v16 =	vld.idx.msk [tilespmem:v1+s25+$0x20 ss:$0x1], $0xffff  }
0x2a6: {  	v17 =	vld [tilespmem:$0x19030]  }
0x2a7: {  	v18 =	vld.idx.msk [tilespmem:v1+s25+$0x30 ss:$0x1], $0xffff  }
0x2a8: {  	v19 =	vld [tilespmem:$0x19040];
	v4 =	vand.u32 $0x7FFFFFFF, v3  }
0x2a9: {  	v23 =	vld.idx.msk [tilespmem:v1+s25+$0x40 ss:$0x1], $0xffff;
	v2 =	vadd.f32 v4, v2  }
0x2aa: {  	v24 =	vld [tilespmem:$0x19050];
	v4 =	vand.u32 $0x7FFFFFFF, v7  }
0x2ab: {  	v25 =	vld.idx.msk [tilespmem:v1+s25+$0x50 ss:$0x1], $0xffff;
	v2 =	vadd.f32 v4, v2  }
0x2ac: {  	v26 =	vld [tilespmem:$0x19060];
	v4 =	vand.u32 $0x7FFFFFFF, v14  }
0x2ad: {  	v27 =	vld.idx.msk [tilespmem:v1+s25+$0x60 ss:$0x1], $0xffff;
	v2 =	vadd.f32 v4, v2  }
0x2ae: {  	v28 =	vld [tilespmem:$0x19070];
	v4 =	vand.u32 $0x7FFFFFFF, v17  }
0x2af: {  	s20 =	simm.s32 $0x0;
	v29 =	vld.idx.msk [tilespmem:v1+s25+$0x70 ss:$0x1], $0xffff;
	v2 =	vadd.f32 v4, v2  }
0x2b0: {  	v30 =	vld [tilespmem:s20+$0x19080];
	v4 =	vand.u32 $0x7FFFFFFF, v19  }
0x2b1: {  	v12 =	vld [tilespmem:s20+$0x1A900];
	v2 =	vadd.f32 v4, v2  }
0x2b2: {  	v31 =	vld [tilespmem:s20+$0x19090];
	v4 =	vand.u32 $0x7FFFFFFF, v24  }
0x2b3: {  	v13 =	vld [tilespmem:s20+$0x1A910];
	v2 =	vadd.f32 v4, v2  }
0x2b4: {  	v20 =	vld [tilespmem:s20+$0x1A920];
	v6 =	vand.u32 $0x7FFFFFFF, v26  }
0x2b5: {  	v21 =	vld [tilespmem:s20+$0x1A930];
	v2 =	vadd.f32 v6, v2  }
0x2b6: {  	v10 =	vld [tilespmem:s20+$0x190C0];
	v8 =	vand.u32 $0x7FFFFFFF, v28  }
0x2b7: {  	v4 =	vld [tilespmem:s20+$0x190A0];
	v2 =	vadd.f32 v8, v2  }
0x2b8: {  	v32 =	vld [tilespmem:s20+$0x1A940];
	v8 =	vand.u32 $0x7FFFFFFF, v30  }
0x2b9: {  	v6 =	vld [tilespmem:s20+$0x190B0];
	v2 =	vadd.f32 v8, v2  }
0x2ba: {  	v34 =	vld [tilespmem:s20+$0x1A960];
	v8 =	vand.u32 $0x7FFFFFFF, v31  }
0x2bb: {  	v15 =	vld [tilespmem:s20+$0x190D0];
	v2 =	vadd.f32 v8, v2  }
0x2bc: {  	v33 =	vld [tilespmem:s20+$0x1A950];
	v8 =	vand.u32 $0x7FFFFFFF, v4  }
0x2bd: {  	v11 =	vld [tilespmem:s20+$0x190E0];
	v2 =	vadd.f32 v8, v2  }
0x2be: {  	v35 =	vld [tilespmem:s20+$0x1A970];
	v22 =	vand.u32 $0x7FFFFFFF, v6  }
0x2bf: {  	v36 =	vld.idx.msk [tilespmem:v12+s2+$0x0], $0xffff;
	v2 =	vadd.f32 v22, v2  }
0x2c0: {  	v37 =	vld.idx.msk [tilespmem:v13+s2+$0x0], $0xffff;
	v22 =	vand.u32 $0x7FFFFFFF, v10  }
0x2c1: {  	v8 =	vld [tilespmem:s20+$0x190F0];
	v2 =	vadd.f32 v22, v2  }
0x2c2: {  	v38 =	vand.u32 $0x7FFFFFFF, v15;
	v13 =	vmul.f32 v9, v7;
	v9 =	vmul.f32 v18, v17;
	v18 =	vld.idx.msk [tilespmem:v34+s2+$0x0], $0xffff  }
0x2c3: {  	v22 =	vld.idx.msk [tilespmem:v20+s2+$0x0], $0xffff;
	v2 =	vadd.f32 v38, v2  }
0x2c4: {  	v12 =	vmul.f32 v5, v3;
	v14 =	vmul.f32 v16, v14;
	v3 =	vand.u32 $0x7FFFFFFF, v11;
	v20 =	vld.idx.msk [tilespmem:v21+s2+$0x0], $0xffff  }
0x2c5: {  	v7 =	vmul.f32 v23, v19;
	v5 =	vmul.f32 v25, v24;
	v21 =	vld.idx.msk [tilespmem:v32+s2+$0x0], $0xffff;
	v16 =	vadd.f32 v3, v2  }
0x2c6: {  	v19 =	vld.idx.msk [tilespmem:v33+s2+$0x0], $0xffff;
	v23 =	vmul.f32 v36, v30;
	v24 =	vmul.f32 v37, v31;
	v17 =	vand.u32 $0x7FFFFFFF, v8  }
0x2c7: {  	s12 =	simm.s32 $0x80;
	s1 =	sshll.u32 s23, $0x1;
	s0 =	simm.s32 $0x400;
	v3 =	vmul.f32 v27, v26;
	v2 =	vmul.f32 v29, v28;
	v16 =	vadd.f32 v17, v16;
	v17 =	vld.idx.msk [tilespmem:v35+s2+$0x0], $0xffff  }
.LBB2_24:
0x2c8: {  	p0 =	sne.s32 s0, $0x2E00;
	v25 =	vld [tilespmem:s12+$0x19080];
	v12 =	vadd.f32 v23, v12;
	v4 =	vmul.f32 v22, v4  }
0x2c9: {  	v6 =	vmul.f32 v20, v6;
	v22 =	vld [tilespmem:s12+$0x1A900];
	v13 =	vadd.f32 v24, v13  }
0x2ca: {  	v10 =	vmul.f32 v21, v10;
	v24 =	vld [tilespmem:s12+$0x19090];
	v14 =	vadd.f32 v4, v14  }
0x2cb: {  	v9 =	vadd.f32 v6, v9;
	v6 =	vmul.f32 v19, v15;
	v20 =	vld [tilespmem:s12+$0x1A910]  }
0x2cc: {  	v7 =	vadd.f32 v10, v7;
	v10 =	vmul.f32 v18, v11;
	v4 =	vld [tilespmem:s12+$0x190A0]  }
0x2cd: {  	v5 =	vadd.f32 v6, v5;
	v8 =	vmul.f32 v17, v8;
	v11 =	vand.u32 $0x7FFFFFFF, v25;
	v18 =	vld [tilespmem:s12+$0x1A920]  }
0x2ce: {  	v3 =	vadd.f32 v10, v3;
	v11 =	vadd.f32 v11, v16;
	v6 =	vld [tilespmem:s12+$0x190B0]  }
0x2cf: {  	v2 =	vadd.f32 v8, v2;
	v10 =	vand.u32 $0x7FFFFFFF, v24;
	v16 =	vld [tilespmem:s12+$0x1A930]  }
0x2d0: {  	v8 =	vadd.f32 v10, v11;
	v10 =	vld [tilespmem:s12+$0x190C0]  }
0x2d1: {  	v11 =	vand.u32 $0x7FFFFFFF, v4;
	v17 =	vld [tilespmem:s12+$0x1A940]  }
0x2d2: {  	v8 =	vadd.f32 v11, v8;
	v15 =	vld [tilespmem:s12+$0x190D0]  }
0x2d3: {  	v11 =	vand.u32 $0x7FFFFFFF, v6;
	v19 =	vld [tilespmem:s12+$0x1A950]  }
0x2d4: {  	v8 =	vadd.f32 v11, v8;
	v11 =	vld [tilespmem:s12+$0x190E0]  }
0x2d5: {  	v21 =	vand.u32 $0x7FFFFFFF, v10;
	v26 =	vld [tilespmem:s12+$0x1A960]  }
0x2d6: {  	v21 =	vadd.f32 v21, v8;
	v8 =	vld [tilespmem:s12+$0x190F0]  }
0x2d7: {  	v23 =	vand.u32 $0x7FFFFFFF, v15;
	v27 =	vld [tilespmem:s12+$0x1A970]  }
0x2d8: {  	v28 =	vld.idx.msk [tilespmem:v22+s2+$0x0], $0xffff;
	v21 =	vadd.f32 v23, v21  }
0x2d9: {  	v29 =	vld.idx.msk [tilespmem:v20+s2+$0x0], $0xffff;
	v20 =	vand.u32 $0x7FFFFFFF, v11  }
0x2da: {  	v22 =	vld.idx.msk [tilespmem:v18+s2+$0x0], $0xffff;
	v18 =	vadd.f32 v20, v21  }
.Ltmp11:
0x2db: {  	v20 =	vld.idx.msk [tilespmem:v16+s2+$0x0], $0xffff;
	v16 =	vand.u32 $0x7FFFFFFF, v8;
	(pc) =	sbr.rel @p0 .LBB2_24-.Ltmp11, $4  }
0x2dc: {  	v21 =	vld.idx.msk [tilespmem:v17+s2+$0x0], $0xffff;
	v16 =	vadd.f32 v16, v18  }
0x2dd: {  	v19 =	vld.idx.msk [tilespmem:v19+s2+$0x0], $0xffff  }
0x2de: {  	v23 =	vmul.f32 v28, v25;
	v18 =	vld.idx.msk [tilespmem:v26+s2+$0x0], $0xffff  }
0x2df: {  	s12 =	sshra.s32 s0, $0x2;
	s0 =	sadd.s32 $0x200, s0;
	v24 =	vmul.f32 v29, v24;
	v17 =	vld.idx.msk [tilespmem:v27+s2+$0x0], $0xffff  }
0x2e0: {  	v25 =	vld [tilespmem:s12+$0x19080]  }
0x2e1: {  	v26 =	vld [tilespmem:s12+$0x1A900]  }
0x2e2: {  	v27 =	vld [tilespmem:s12+$0x19090]  }
0x2e3: {  	v28 =	vld [tilespmem:s12+$0x1A910]  }
0x2e4: {  	v29 =	vld [tilespmem:s12+$0x190A0]  }
0x2e5: {  	v30 =	vld [tilespmem:s12+$0x1A920]  }
0x2e6: {  	v31 =	vld [tilespmem:s12+$0x190B0]  }
0x2e7: {  	v32 =	vld [tilespmem:s12+$0x1A930]  }
0x2e8: {  	v33 =	vld [tilespmem:s12+$0x190C0]  }
0x2e9: {  	v34 =	vld [tilespmem:s12+$0x1A940]  }
0x2ea: {  	v35 =	vld [tilespmem:s12+$0x190D0]  }
0x2eb: {  	v36 =	vld [tilespmem:s12+$0x1A950]  }
0x2ec: {  	v37 =	vld [tilespmem:s12+$0x190E0]  }
0x2ed: {  	v38 =	vld [tilespmem:s12+$0x1A960]  }
0x2ee: {  	v40 =	vld [tilespmem:s12+$0x1A970]  }
0x2ef: {  	v26 =	vld.idx.msk [tilespmem:v26+s2+$0x0], $0xffff  }
0x2f0: {  	v28 =	vld.idx.msk [tilespmem:v28+s2+$0x0], $0xffff  }
0x2f1: {  	v4 =	vmul.f32 v22, v4;
	v22 =	vld.idx.msk [tilespmem:v32+s2+$0x0], $0xffff  }
0x2f2: {  	v6 =	vmul.f32 v20, v6;
	v20 =	vld.idx.msk [tilespmem:v34+s2+$0x0], $0xffff  }
0x2f3: {  	v12 =	vadd.f32 v23, v12;
	v10 =	vmul.f32 v21, v10;
	v30 =	vld.idx.msk [tilespmem:v30+s2+$0x0], $0xffff  }
0x2f4: {  	v4 =	vadd.f32 v4, v14;
	v6 =	vadd.f32 v6, v9;
	v9 =	vmul.f32 v19, v15;
	v14 =	vld.idx.msk [tilespmem:v36+s2+$0x0], $0xffff  }
0x2f5: {  	v13 =	vadd.f32 v24, v13;
	v7 =	vadd.f32 v10, v7;
	v15 =	vld.idx.msk [tilespmem:v38+s2+$0x0], $0xffff;
	v21 =	vmul.f32 v26, v25  }
0x2f6: {  	v39 =	vld [tilespmem:s12+$0x190F0];
	v11 =	vmul.f32 v18, v11;
	v5 =	vadd.f32 v9, v5;
	v19 =	vmul.f32 v28, v27  }
0x2f7: {  	v10 =	vld.idx.msk [tilespmem:v40+s2+$0x0], $0xffff;
	v18 =	vmul.f32 v22, v31;
	v9 =	vmul.f32 v20, v33;
	v12 =	vadd.f32 v21, v12  }
0x2f8: {  	v3 =	vadd.f32 v11, v3;
	v21 =	vmul.f32 v30, v29;
	v13 =	vadd.f32 v19, v13  }
0x2f9: {  	v8 =	vmul.f32 v17, v8;
	v6 =	vadd.f32 v18, v6;
	v7 =	vadd.f32 v9, v7;
	[tilespmem:s25+$0x1DA00] =	vst v12  }
0x2fa: {  	p0 =	seq.s32 s23, $0x18;
	v9 =	vmul.f32 v15, v37;
	v4 =	vadd.f32 v21, v4;
	v12 =	vmul.f32 v14, v35;
	[tilespmem:s25+$0x1DA10] =	vst v13  }
0x2fb: {  	s0 =	sadd.s32 @!p0 s1, s28;
	v2 =	vadd.f32 v8, v2;
	[tilespmem:s25+$0x1DA30] =	vst v6  }
0x2fc: {  	s1 =	smul.u32 @!p0 $0xC80, s0;
	v3 =	vadd.f32 v9, v3;
	[tilespmem:s25+$0x1DA20] =	vst v4;
	v4 =	vadd.f32 v12, v5;
	v5 =	vmul.f32 v10, v39  }
0x2fd: {  	s0 =	smul.u32 @!p0 $0xC00, s0;
	[tilespmem:s25+$0x1DA40] =	vst v7  }
0x2fe: {  	s1 =	sadd.s32 @!p0 s8, s1;
	[tilespmem:s25+$0x1DA60] =	vst v3;
	v2 =	vadd.f32 v5, v2  }
0x2ff: {  	s11 =	simm.s32 @!p0 $0x0;
	s0 =	sadd.s32 @!p0 s10, s0;
	s1 =	sshrl.u32 @!p0 s1, $0x3;
	[tilespmem:s25+$0x1DA50] =	vst v4  }
0x300: {  	s12 =	simm.s32 @!p0 $0x19000;
	s0 =	sshrl.u32 @!p0 s0, $0x3;
	s1 =	sadd.s32 @!p0 s5, s1;
	[tilespmem:s25+$0x1DA70] =	vst v2  }
0x301: {  	[tilespmem:s12], [sflag:$0x1] =	stream.linear.gather @!p0 [hbm4b:s1+s11], $0xC80, $0x38;
	[tilespmem:$0x1F350] =	vst v63  }
0x302: {  	s0 =	sadd.s32 @!p0 s6, s0;
	v2 =	vand.u32 $0x7FFFFFFF, v25;
	s1 =	simm.s32 @!p0 $0x1A900  }
0x303: {  	v2 =	vadd.f32 v2, v16;
	[tilespmem:s1], [sflag:$0x3] =	stream.linear.gather @!p0 [hbm4b:s0+s11], $0xC00, $0x38;
	[tilespmem:$0x1F350] =	vst v63  }
0x304: {  	v3 =	vand.u32 $0x7FFFFFFF, v27;
	_ =	swait.ge [sflag:s18], $0xC80  }
0x305: {  	v2 =	vadd.f32 v3, v2;
	[sflag:s18] =	ssyncset.done $0x0  }
0x306: {  	v3 =	vand.u32 $0x7FFFFFFF, v29;
	[sflag:s18] =	ssyncadd.s32 $0xFFFFF380  }
0x307: {  	v2 =	vadd.f32 v3, v2;
	_ =	swait.ge [sflag:s19], $0xC00  }
0x308: {  	v3 =	vand.u32 $0x7FFFFFFF, v31;
	[sflag:s19] =	ssyncset.done $0x0  }
0x309: {  	v2 =	vadd.f32 v3, v2;
	[sflag:s19] =	ssyncadd.s32 $0xFFFFF400  }
0x30a: {  	s24 =	sshll.u32 s24, $0x7;
	v3 =	vand.u32 $0x7FFFFFFF, v33;
	v4 =	vld [tilespmem:$0x19C80]  }
0x30b: {  	v2 =	vadd.f32 v3, v2;
	v3 =	vld.idx.msk [tilespmem:v1+s24+$0x0 ss:$0x1], $0xffff  }
0x30c: {  	v5 =	vand.u32 $0x7FFFFFFF, v35;
	v6 =	vld [tilespmem:$0x19C90]  }
0x30d: {  	v7 =	vld.idx.msk [tilespmem:v1+s24+$0x10 ss:$0x1], $0xffff;
	v2 =	vadd.f32 v5, v2  }
0x30e: {  	v8 =	vld [tilespmem:$0x19CA0];
	v5 =	vand.u32 $0x7FFFFFFF, v37  }
0x30f: {  	v12 =	vld.idx.msk [tilespmem:v1+s24+$0x20 ss:$0x1], $0xffff;
	v2 =	vadd.f32 v5, v2  }
0x310: {  	v16 =	vld [tilespmem:$0x19CB0];
	v5 =	vand.u32 $0x7FFFFFFF, v39  }
0x311: {  	v17 =	vld.idx.msk [tilespmem:v1+s24+$0x30 ss:$0x1], $0xffff;
	v2 =	vadd.f32 v5, v2  }
0x312: {  	v18 =	vld [tilespmem:$0x19CC0];
	v5 =	vand.u32 $0x7FFFFFFF, v4  }
0x313: {  	v21 =	vld.idx.msk [tilespmem:v1+s24+$0x40 ss:$0x1], $0xffff;
	v2 =	vadd.f32 v5, v2  }
0x314: {  	v23 =	vld [tilespmem:$0x19CD0];
	v5 =	vand.u32 $0x7FFFFFFF, v6  }
0x315: {  	v24 =	vld.idx.msk [tilespmem:v1+s24+$0x50 ss:$0x1], $0xffff;
	v2 =	vadd.f32 v5, v2  }
0x316: {  	v25 =	vld [tilespmem:$0x19CE0];
	v5 =	vand.u32 $0x7FFFFFFF, v8  }
0x317: {  	v26 =	vld.idx.msk [tilespmem:v1+s24+$0x60 ss:$0x1], $0xffff;
	v2 =	vadd.f32 v5, v2  }
0x318: {  	v27 =	vld [tilespmem:$0x19CF0];
	v5 =	vand.u32 $0x7FFFFFFF, v16  }
0x319: {  	s25 =	simm.s32 $0x0;
	v52 =	vld.idx.msk [tilespmem:v1+s24+$0x70 ss:$0x1], $0xffff;
	v2 =	vadd.f32 v5, v2  }
0x31a: {  	v53 =	vld [tilespmem:s25+$0x19D00];
	v5 =	vand.u32 $0x7FFFFFFF, v18  }
0x31b: {  	v10 =	vld [tilespmem:s25+$0x1B500];
	v2 =	vadd.f32 v5, v2  }
0x31c: {  	v54 =	vld [tilespmem:s25+$0x19D10];
	v5 =	vand.u32 $0x7FFFFFFF, v23  }
0x31d: {  	v11 =	vld [tilespmem:s25+$0x1B510];
	v5 =	vadd.f32 v5, v2  }
0x31e: {  	v19 =	vld [tilespmem:s25+$0x1B520];
	v9 =	vand.u32 $0x7FFFFFFF, v25  }
0x31f: {  	v20 =	vld [tilespmem:s25+$0x1B530];
	v9 =	vadd.f32 v9, v5  }
0x320: {  	v55 =	vld [tilespmem:s25+$0x1B540];
	v13 =	vand.u32 $0x7FFFFFFF, v27  }
0x321: {  	v2 =	vld [tilespmem:s25+$0x19D20];
	v13 =	vadd.f32 v13, v9  }
0x322: {  	v56 =	vld [tilespmem:s25+$0x1B550];
	v14 =	vand.u32 $0x7FFFFFFF, v53  }
0x323: {  	v5 =	vld [tilespmem:s25+$0x19D30];
	v14 =	vadd.f32 v14, v13  }
0x324: {  	v57 =	vld [tilespmem:s25+$0x1B560];
	v15 =	vand.u32 $0x7FFFFFFF, v54  }
0x325: {  	v9 =	vld [tilespmem:s25+$0x19D40];
	v15 =	vadd.f32 v15, v14  }
0x326: {  	v59 =	vld [tilespmem:s25+$0x1B570];
	v22 =	vand.u32 $0x7FFFFFFF, v2  }
0x327: {  	v13 =	vld [tilespmem:s25+$0x19D50];
	v22 =	vadd.f32 v22, v15  }
0x328: {  	v61 =	vld.idx.msk [tilespmem:v10+s2+$0x0], $0xffff;
	v58 =	vand.u32 $0x7FFFFFFF, v5  }
0x329: {  	v14 =	vld [tilespmem:s25+$0x19D60];
	v22 =	vadd.f32 v58, v22  }
0x32a: {  	v62 =	vld.idx.msk [tilespmem:v11+s2+$0x0], $0xffff;
	v60 =	vand.u32 $0x7FFFFFFF, v9  }
0x32b: {  	v15 =	vld [tilespmem:s25+$0x19D70];
	v35 =	vadd.f32 v60, v22  }
0x32c: {  	v12 =	vmul.f32 v12, v8;
	v8 =	vmul.f32 v17, v16;
	v17 =	vld.idx.msk [tilespmem:v57+s2+$0x0], $0xffff;
	v63 =	vand.u32 $0x7FFFFFFF, v13  }
0x32d: {  	v10 =	vmul.f32 v3, v4;
	v22 =	vld.idx.msk [tilespmem:v19+s2+$0x0], $0xffff;
	v3 =	vadd.f32 v63, v35  }
0x32e: {  	v11 =	vmul.f32 v7, v6;
	v4 =	vand.u32 $0x7FFFFFFF, v14;
	v19 =	vld.idx.msk [tilespmem:v20+s2+$0x0], $0xffff  }
0x32f: {  	v7 =	vmul.f32 v21, v18;
	v6 =	vmul.f32 v24, v23;
	v20 =	vld.idx.msk [tilespmem:v55+s2+$0x0], $0xffff;
	v16 =	vadd.f32 v4, v3  }
0x330: {  	v18 =	vld.idx.msk [tilespmem:v56+s2+$0x0], $0xffff;
	v24 =	vmul.f32 v62, v54;
	v23 =	vmul.f32 v61, v53;
	v21 =	vand.u32 $0x7FFFFFFF, v15  }
0x331: {  	s1 =	simm.s32 $0x80;
	s0 =	simm.s32 $0x400;
	v4 =	vmul.f32 v26, v25;
	v3 =	vmul.f32 v52, v27;
	v16 =	vadd.f32 v21, v16;
	v21 =	vld.idx.msk [tilespmem:v59+s2+$0x0], $0xffff  }
.LBB2_26:
0x332: {  	p0 =	sne.s32 s0, $0x2E00;
	v25 =	vld [tilespmem:s1+$0x19D00];
	v10 =	vadd.f32 v23, v10;
	v2 =	vmul.f32 v22, v2  }
0x333: {  	v5 =	vmul.f32 v19, v5;
	v22 =	vld [tilespmem:s1+$0x1B500];
	v11 =	vadd.f32 v24, v11  }
0x334: {  	v9 =	vmul.f32 v20, v9;
	v24 =	vld [tilespmem:s1+$0x19D10];
	v12 =	vadd.f32 v2, v12  }
0x335: {  	v8 =	vadd.f32 v5, v8;
	v5 =	vmul.f32 v18, v13;
	v19 =	vld [tilespmem:s1+$0x1B510]  }
0x336: {  	v7 =	vadd.f32 v9, v7;
	v9 =	vmul.f32 v17, v14;
	v2 =	vld [tilespmem:s1+$0x19D20]  }
0x337: {  	v6 =	vadd.f32 v5, v6;
	v14 =	vmul.f32 v21, v15;
	v13 =	vand.u32 $0x7FFFFFFF, v25;
	v17 =	vld [tilespmem:s1+$0x1B520]  }
0x338: {  	v4 =	vadd.f32 v9, v4;
	v13 =	vadd.f32 v13, v16;
	v5 =	vld [tilespmem:s1+$0x19D30]  }
0x339: {  	v3 =	vadd.f32 v14, v3;
	v9 =	vand.u32 $0x7FFFFFFF, v24;
	v16 =	vld [tilespmem:s1+$0x1B530]  }
0x33a: {  	v13 =	vadd.f32 v9, v13;
	v9 =	vld [tilespmem:s1+$0x19D40]  }
0x33b: {  	v14 =	vand.u32 $0x7FFFFFFF, v2;
	v18 =	vld [tilespmem:s1+$0x1B540]  }
0x33c: {  	v14 =	vadd.f32 v14, v13;
	v13 =	vld [tilespmem:s1+$0x19D50]  }
0x33d: {  	v15 =	vand.u32 $0x7FFFFFFF, v5;
	v21 =	vld [tilespmem:s1+$0x1B550]  }
0x33e: {  	v15 =	vadd.f32 v15, v14;
	v14 =	vld [tilespmem:s1+$0x19D60]  }
0x33f: {  	v20 =	vand.u32 $0x7FFFFFFF, v9;
	v26 =	vld [tilespmem:s1+$0x1B560]  }
0x340: {  	v20 =	vadd.f32 v20, v15;
	v15 =	vld [tilespmem:s1+$0x19D70]  }
0x341: {  	v23 =	vand.u32 $0x7FFFFFFF, v13;
	v27 =	vld [tilespmem:s1+$0x1B570]  }
0x342: {  	v28 =	vld.idx.msk [tilespmem:v22+s2+$0x0], $0xffff;
	v20 =	vadd.f32 v23, v20  }
0x343: {  	v29 =	vld.idx.msk [tilespmem:v19+s2+$0x0], $0xffff;
	v19 =	vand.u32 $0x7FFFFFFF, v14  }
0x344: {  	v22 =	vld.idx.msk [tilespmem:v17+s2+$0x0], $0xffff;
	v17 =	vadd.f32 v19, v20  }
.Ltmp12:
0x345: {  	v19 =	vld.idx.msk [tilespmem:v16+s2+$0x0], $0xffff;
	v16 =	vand.u32 $0x7FFFFFFF, v15;
	(pc) =	sbr.rel @p0 .LBB2_26-.Ltmp12, $4  }
0x346: {  	v20 =	vld.idx.msk [tilespmem:v18+s2+$0x0], $0xffff;
	v16 =	vadd.f32 v16, v17  }
0x347: {  	v18 =	vld.idx.msk [tilespmem:v21+s2+$0x0], $0xffff  }
0x348: {  	v23 =	vmul.f32 v28, v25;
	v17 =	vld.idx.msk [tilespmem:v26+s2+$0x0], $0xffff  }
0x349: {  	s1 =	sshra.s32 s0, $0x2;
	s0 =	sadd.s32 $0x200, s0;
	v24 =	vmul.f32 v29, v24;
	v21 =	vld.idx.msk [tilespmem:v27+s2+$0x0], $0xffff  }
0x34a: {  	v25 =	vld [tilespmem:s1+$0x19D00]  }
0x34b: {  	v26 =	vld [tilespmem:s1+$0x1B500]  }
0x34c: {  	v27 =	vld [tilespmem:s1+$0x19D10]  }
0x34d: {  	v28 =	vld [tilespmem:s1+$0x1B510]  }
0x34e: {  	v29 =	vld [tilespmem:s1+$0x19D20]  }
0x34f: {  	v30 =	vld [tilespmem:s1+$0x1B520]  }
0x350: {  	v31 =	vld [tilespmem:s1+$0x19D30]  }
0x351: {  	v32 =	vld [tilespmem:s1+$0x1B530]  }
0x352: {  	v33 =	vld [tilespmem:s1+$0x19D40]  }
0x353: {  	v34 =	vld [tilespmem:s1+$0x1B540]  }
0x354: {  	v35 =	vld [tilespmem:s1+$0x19D50]  }
0x355: {  	v36 =	vld [tilespmem:s1+$0x1B550]  }
0x356: {  	v37 =	vld [tilespmem:s1+$0x19D60]  }
0x357: {  	v38 =	vld [tilespmem:s1+$0x1B560]  }
0x358: {  	v39 =	vld [tilespmem:s1+$0x19D70]  }
0x359: {  	v2 =	vmul.f32 v22, v2;
	v62 =	vld [tilespmem:s1+$0x1B570]  }
0x35a: {  	v10 =	vadd.f32 v23, v10;
	v5 =	vmul.f32 v19, v5;
	v11 =	vadd.f32 v24, v11;
	v63 =	vld.idx.msk [tilespmem:v26+s2+$0x0], $0xffff  }
0x35b: {  	v9 =	vmul.f32 v20, v9;
	v2 =	vadd.f32 v2, v12;
	v24 =	vand.u32 $0x7FFFFFFF, v25;
	v26 =	vld.idx.msk [tilespmem:v28+s2+$0x0], $0xffff  }
0x35c: {  	v5 =	vadd.f32 v5, v8;
	v41 =	vmul.f32 v17, v14;
	v12 =	vadd.f32 v24, v16;
	v40 =	vld.idx.msk [tilespmem:v30+s2+$0x0], $0xffff  }
0x35d: {  	v7 =	vadd.f32 v9, v7;
	v44 =	vmul.f32 v21, v15;
	v42 =	vand.u32 $0x7FFFFFFF, v27;
	v43 =	vld.idx.msk [tilespmem:v32+s2+$0x0], $0xffff  }
0x35e: {  	v4 =	vadd.f32 v41, v4;
	v47 =	vand.u32 $0x7FFFFFFF, v29;
	v12 =	vadd.f32 v42, v12;
	v45 =	vld.idx.msk [tilespmem:v34+s2+$0x0], $0xffff  }
0x35f: {  	v52 =	vand.u32 $0x7FFFFFFF, v31;
	v56 =	vand.u32 $0x7FFFFFFF, v33;
	v48 =	vld.idx.msk [tilespmem:v36+s2+$0x0], $0xffff;
	v46 =	vmul.f32 v63, v25  }
0x360: {  	v59 =	vand.u32 $0x7FFFFFFF, v35;
	v50 =	vld.idx.msk [tilespmem:v38+s2+$0x0], $0xffff;
	v49 =	vadd.f32 v47, v12;
	v51 =	vmul.f32 v26, v27  }
0x361: {  	v28 =	vmul.f32 v18, v13;
	v53 =	vld.idx.msk [tilespmem:v62+s2+$0x0], $0xffff;
	v54 =	vmul.f32 v40, v29;
	v9 =	vadd.f32 v46, v10  }
0x362: {  	v8 =	vadd.f32 v52, v49;
	v55 =	vmul.f32 v43, v31;
	v11 =	vadd.f32 v51, v11  }
0x363: {  	v6 =	vadd.f32 v28, v6;
	v57 =	vmul.f32 v45, v33;
	v2 =	vadd.f32 v54, v2;
	[tilespmem:s24+$0x1DA00] =	vst v9  }
0x364: {  	s23 =	sadd.s32 $0x1, s23;
	v58 =	vmul.f32 v48, v35;
	v8 =	vadd.f32 v56, v8;
	v5 =	vadd.f32 v55, v5;
	[tilespmem:s24+$0x1DA10] =	vst v11  }
0x365: {  	p0 =	sne.s32 s23, $0x19;
	v3 =	vadd.f32 v44, v3;
	v60 =	vmul.f32 v50, v37;
	v7 =	vadd.f32 v57, v7;
	[tilespmem:s24+$0x1DA20] =	vst v2  }
.Ltmp13:
0x366: {  	v61 =	vmul.f32 v53, v39;
	v6 =	vadd.f32 v58, v6;
	v2 =	vadd.f32 v59, v8;
	[tilespmem:s24+$0x1DA30] =	vst v5;
	(pc) =	sbr.rel @p0 .LBB2_23-.Ltmp13, $4  }
0x367: {  	v62 =	vand.u32 $0x7FFFFFFF, v37;
	v4 =	vadd.f32 v60, v4;
	[tilespmem:s24+$0x1DA40] =	vst v7  }
0x368: {  	v3 =	vadd.f32 v61, v3;
	[tilespmem:s24+$0x1DA50] =	vst v6;
	v2 =	vadd.f32 v62, v2  }
0x369: {  	v63 =	vand.u32 $0x7FFFFFFF, v39;
	[tilespmem:s24+$0x1DA60] =	vst v4  }
0x36a: {  	[tilespmem:s24+$0x1DA70] =	vst v3;
	v2 =	vadd.f32 v63, v2  }
0x36b: {  	s0 =	simm.s32 $0x0;
	s1 =	rddreg [dreg:$0xd]  }
0x36c: {  	[tilespmem:s29], [sflag:$0x5] =	stream.linear.gather [hbm4b:s1+s0], $0xC80, $0x38;
	[tilespmem:$0x1F350] =	vst v63  }
0x36d: {  	_ =	swait.ge [sflag:s26], $0xC80  }
0x36e: {  	[sflag:s26] =	ssyncset.done $0x0  }
0x36f: {  	s25 =	rddreg [dreg:$0xe];
	[sflag:s26] =	ssyncadd.s32 $0xFFFFF380  }
0x370: {  	[tilespmem:s30], [sflag:$0x5] =	stream.linear.gather [hbm4b:s25+s0], $0xC80, $0x38;
	[tilespmem:$0x1F350] =	vst v63  }
0x371: {  	_ =	swait.ge [sflag:s26], $0xC80  }
0x372: {  	[sflag:s26] =	ssyncset.done $0x0  }
0x373: {  	s22 =	simm.s32 $0x0;
	[sflag:s26] =	ssyncadd.s32 $0xFFFFF380  }
0x374: {  	v3 =	vld [tilespmem:s22+$0x1C140]  }
0x375: {  	v4 =	vld [tilespmem:s22+$0x1C150]  }
0x376: {  	v5 =	vld [tilespmem:s22+$0x1C100]  }
0x377: {  	v6 =	vld [tilespmem:s22+$0x1DA30]  }
0x378: {  	v7 =	vld [tilespmem:s22+$0x19020]  }
0x379: {  	v8 =	vld [tilespmem:s22+$0x1C130]  }
0x37a: {  	v9 =	vld [tilespmem:s22+$0x19040]  }
0x37b: {  	v10 =	vld [tilespmem:s22+$0x19050]  }
0x37c: {  	v11 =	vld [tilespmem:s22+$0x1DA10]  }
0x37d: {  	v12 =	vld [tilespmem:s22+$0x1C110]  }
0x37e: {  	v13 =	vld [tilespmem:s22+$0x1C120]  }
0x37f: {  	v14 =	vld [tilespmem:s22+$0x19010]  }
0x380: {  	v15 =	vld [tilespmem:s22+$0x1DA20]  }
0x381: {  	v16 =	vld [tilespmem:s22+$0x19030]  }
0x382: {  	v17 =	vld [tilespmem:s22+$0x19000]  }
0x383: {  	v18 =	vld [tilespmem:s22+$0x1C160]  }
0x384: {  	v19 =	vld [tilespmem:s22+$0x1DA00]  }
0x385: {  	v23 =	vld [tilespmem:s22+$0x1DA40]  }
0x386: {  	v30 =	vld [tilespmem:s22+$0x19060];
	v3 =	vmul.f32 v3, v9;
	v11 =	vmul.f32 v11, v14  }
0x387: {  	v15 =	vmul.f32 v15, v7;
	v21 =	vmul.f32 v4, v10  }
0x388: {  	v6 =	vmul.f32 v6, v16;
	v8 =	vmul.f32 v8, v16  }
0x389: {  	v20 =	vld [tilespmem:s22+$0x1DA70];
	v5 =	vmul.f32 v5, v17;
	v12 =	vmul.f32 v12, v14  }
0x38a: {  	v22 =	vld [tilespmem:s22+$0x19070];
	v19 =	vmul.f32 v19, v17;
	v13 =	vmul.f32 v13, v7  }
0x38b: {  	v25 =	vimm.f32 $0.0e+00;
	v27 =	vld [tilespmem:s22+$0x1DA60];
	v23 =	vmul.f32 v23, v9;
	v18 =	vmul.f32 v18, v30  }
0x38c: {  	v4 =	vld [tilespmem:s22+$0x1C170];
	v17 =	vadd.f32 v17, v25;
	v24 =	vmul.f32 v3, v3;
	v26 =	vmul.f32 v5, v5  }
0x38d: {  	s23 =	simm.s32 $0x80;
	v29 =	vld [tilespmem:s22+$0x1DA50];
	v28 =	vmul.f32 v12, v11;
	v5 =	vmul.f32 v5, v19  }
0x38e: {  	v33 =	vld [tilespmem:s23+$0x1C100];
	v12 =	vmul.f32 v12, v12;
	v14 =	vadd.f32 v14, v17;
	v31 =	vmul.f32 v21, v21  }
0x38f: {  	v35 =	vld [tilespmem:s23+$0x1DA30];
	v19 =	vmul.f32 v19, v19;
	v11 =	vmul.f32 v11, v11  }
0x390: {  	v37 =	vld [tilespmem:s23+$0x1C130];
	v36 =	vmul.f32 v8, v8;
	v38 =	vmul.f32 v15, v15;
	v7 =	vadd.f32 v7, v14  }
0x391: {  	v62 =	vld [tilespmem:s23+$0x19010];
	v8 =	vmul.f32 v8, v6;
	v32 =	vmul.f32 v4, v22;
	v4 =	vadd.f32 v26, v25  }
0x392: {  	v40 =	vld [tilespmem:s23+$0x1DA00];
	v6 =	vmul.f32 v6, v6;
	v14 =	vmul.f32 v13, v13;
	v7 =	vadd.f32 v16, v7  }
0x393: {  	v17 =	vld [tilespmem:s23+$0x1C140];
	v4 =	vadd.f32 v12, v4;
	v12 =	vmul.f32 v3, v23;
	v3 =	vadd.f32 v5, v25  }
0x394: {  	v19 =	vadd.f32 v19, v25;
	v16 =	vmul.f32 v27, v30;
	v25 =	vld [tilespmem:s23+$0x1C110];
	v7 =	vadd.f32 v9, v7  }
0x395: {  	v13 =	vmul.f32 v13, v15;
	v26 =	vld [tilespmem:s23+$0x1C150];
	v34 =	vmul.f32 v32, v32;
	v15 =	vadd.f32 v28, v3  }
0x396: {  	v27 =	vld [tilespmem:s23+$0x1DA10];
	v23 =	vmul.f32 v23, v23;
	v9 =	vmul.f32 v18, v16;
	v7 =	vadd.f32 v10, v7  }
0x397: {  	v63 =	vmul.f32 v16, v16;
	v14 =	vadd.f32 v14, v4;
	v4 =	vld [tilespmem:s23+$0x19040];
	v13 =	vadd.f32 v13, v15  }
0x398: {  	v5 =	vld [tilespmem:s23+$0x19020];
	v28 =	vmul.f32 v18, v18;
	v15 =	vmul.f32 v29, v10;
	v7 =	vadd.f32 v30, v7  }
0x399: {  	v10 =	vld [tilespmem:s23+$0x1DA20];
	v30 =	vmul.f32 v25, v62;
	v8 =	vadd.f32 v8, v13;
	v13 =	vadd.f32 v36, v14  }
0x39a: {  	v18 =	vmul.f32 v15, v15;
	v14 =	vadd.f32 v11, v19;
	v19 =	vmul.f32 v20, v22;
	v20 =	vld [tilespmem:s23+$0x19000]  }
0x39b: {  	v3 =	vld [tilespmem:s23+$0x19050];
	v15 =	vmul.f32 v21, v15;
	v7 =	vadd.f32 v22, v7;
	v12 =	vadd.f32 v12, v8  }
0x39c: {  	v39 =	vld [tilespmem:s23+$0x1C120];
	v11 =	vmul.f32 v17, v4;
	v13 =	vadd.f32 v24, v13;
	v14 =	vadd.f32 v38, v14  }
0x39d: {  	v17 =	vmul.f32 v27, v62;
	v8 =	vld [tilespmem:s23+$0x19030];
	v22 =	vmul.f32 v32, v19;
	v15 =	vadd.f32 v15, v12  }
0x39e: {  	v24 =	vld [tilespmem:s23+$0x1C170];
	v29 =	vadd.f32 v31, v13;
	v14 =	vadd.f32 v6, v14;
	v13 =	vmul.f32 v19, v19  }
0x39f: {  	v12 =	vld [tilespmem:s23+$0x1C160];
	v27 =	vmul.f32 v40, v20;
	v21 =	vadd.f32 v9, v15;
	v15 =	vmul.f32 v10, v5  }
0x3a0: {  	v6 =	vld [tilespmem:s23+$0x1DA70];
	v9 =	vmul.f32 v26, v3;
	v19 =	vadd.f32 v23, v14;
	v23 =	vadd.f32 v28, v29  }
0x3a1: {  	v29 =	vmul.f32 v33, v20;
	v28 =	vadd.f32 v20, v7;
	v7 =	vld [tilespmem:s23+$0x19070];
	v10 =	vmul.f32 v11, v11  }
0x3a2: {  	v26 =	vld [tilespmem:s23+$0x1DA40];
	v20 =	vmul.f32 v30, v17;
	v14 =	vmul.f32 v35, v8;
	v25 =	vadd.f32 v18, v19  }
0x3a3: {  	v16 =	vmul.f32 v37, v8;
	v31 =	vadd.f32 v34, v23;
	v32 =	vmul.f32 v29, v29;
	v18 =	vld [tilespmem:s23+$0x1DA60]  }
0x3a4: {  	s0 =	simm.s32 $0x400;
	v28 =	vadd.f32 v62, v28;
	v23 =	vmul.f32 v39, v5;
	v19 =	vld [tilespmem:s23+$0x1DA50];
	v25 =	vadd.f32 v63, v25  }
.LBB2_29:
0x3a5: {  	p0 =	sne.s32 s0, $0x3000;
	v29 =	vmul.f32 v29, v27;
	v30 =	vmul.f32 v30, v30;
	v33 =	vld [tilespmem:s23+$0x19060];
	s23 =	sshra.s32 s0, $0x2;
	s0 =	sadd.s32 $0x200, s0;
	v21 =	vadd.f32 v22, v21  }
0x3a6: {  	v31 =	vadd.f32 v32, v31;
	v32 =	vmul.f32 v9, v9;
	v22 =	vld [tilespmem:s23+$0x1C140];
	v24 =	vmul.f32 v24, v7  }
0x3a7: {  	v27 =	vmul.f32 v27, v27;
	v28 =	vadd.f32 v5, v28;
	v34 =	vld [tilespmem:s23+$0x1C150];
	v26 =	vmul.f32 v26, v4  }
0x3a8: {  	v21 =	vadd.f32 v29, v21;
	v29 =	vmul.f32 v23, v23;
	v35 =	vld [tilespmem:s23+$0x1C100];
	v36 =	vmul.f32 v24, v24  }
0x3a9: {  	v17 =	vmul.f32 v17, v17;
	v30 =	vadd.f32 v30, v31;
	v37 =	vld [tilespmem:s23+$0x1DA30];
	v31 =	vmul.f32 v11, v26  }
0x3aa: {  	v13 =	vadd.f32 v13, v25;
	v11 =	vmul.f32 v16, v16;
	v5 =	vld [tilespmem:s23+$0x19020];
	v12 =	vmul.f32 v12, v33  }
0x3ab: {  	v38 =	vmul.f32 v15, v15;
	v15 =	vmul.f32 v23, v15;
	v23 =	vadd.f32 v29, v30;
	v25 =	vld [tilespmem:s23+$0x1C130]  }
0x3ac: {  	v20 =	vadd.f32 v20, v21;
	v16 =	vmul.f32 v16, v14;
	v29 =	vld [tilespmem:s23+$0x19040];
	v30 =	vmul.f32 v12, v12  }
0x3ad: {  	v8 =	vadd.f32 v8, v28;
	v14 =	vmul.f32 v14, v14;
	v18 =	vmul.f32 v18, v33;
	v21 =	vld [tilespmem:s23+$0x19050]  }
0x3ae: {  	v13 =	vadd.f32 v27, v13;
	v19 =	vmul.f32 v19, v3;
	v15 =	vadd.f32 v15, v20;
	v28 =	vld [tilespmem:s23+$0x1DA10]  }
0x3af: {  	v26 =	vmul.f32 v26, v26;
	v41 =	vadd.f32 v4, v8;
	v27 =	vmul.f32 v12, v18;
	v20 =	vld [tilespmem:s23+$0x1C110]  }
0x3b0: {  	v12 =	vadd.f32 v11, v23;
	v23 =	vmul.f32 v19, v19;
	v8 =	vadd.f32 v16, v15;
	v39 =	vld [tilespmem:s23+$0x1C120]  }
0x3b1: {  	v13 =	vadd.f32 v17, v13;
	v9 =	vmul.f32 v9, v19;
	v15 =	vadd.f32 v3, v41;
	v40 =	vld [tilespmem:s23+$0x19010];
	v4 =	vmovc v29  }
0x3b2: {  	v10 =	vadd.f32 v10, v12;
	v17 =	vadd.f32 v31, v8;
	v16 =	vld [tilespmem:s23+$0x1DA20];
	v11 =	vmul.f32 v22, v4;
	v3 =	vmovc v21  }
0x3b3: {  	v6 =	vmul.f32 v6, v7;
	v13 =	vadd.f32 v38, v13;
	v15 =	vadd.f32 v33, v15;
	v8 =	vld [tilespmem:s23+$0x19030]  }
0x3b4: {  	v33 =	vmul.f32 v18, v18;
	v10 =	vadd.f32 v32, v10;
	v9 =	vadd.f32 v9, v17;
	v19 =	vld [tilespmem:s23+$0x19000]  }
0x3b5: {  	v14 =	vadd.f32 v14, v13;
	v13 =	vmul.f32 v6, v6;
	v7 =	vadd.f32 v7, v15;
	v12 =	vld [tilespmem:s23+$0x1C160]  }
0x3b6: {  	v22 =	vmul.f32 v24, v6;
	v21 =	vadd.f32 v27, v9;
	v18 =	vld [tilespmem:s23+$0x1DA00];
	v17 =	vmul.f32 v28, v40  }
0x3b7: {  	v9 =	vmul.f32 v34, v3;
	v27 =	vadd.f32 v26, v14;
	v15 =	vmul.f32 v16, v5;
	v6 =	vld [tilespmem:s23+$0x1DA70]  }
.Ltmp14:
0x3b8: {  	v14 =	vmul.f32 v37, v8;
	v16 =	vmul.f32 v25, v8;
	v24 =	vld [tilespmem:s23+$0x1C170];
	v25 =	vadd.f32 v30, v10;
	(pc) =	sbr.rel @p0 .LBB2_29-.Ltmp14, $4  }
0x3b9: {  	v30 =	vmul.f32 v20, v40;
	v29 =	vmul.f32 v35, v19;
	v28 =	vadd.f32 v19, v7;
	v7 =	vld [tilespmem:s23+$0x19070]  }
0x3ba: {  	v34 =	vadd.f32 v23, v27;
	v10 =	vmul.f32 v11, v11;
	v26 =	vld [tilespmem:s23+$0x1DA40];
	v31 =	vadd.f32 v36, v25  }
0x3bb: {  	v27 =	vmul.f32 v18, v19;
	v32 =	vmul.f32 v29, v29;
	v28 =	vadd.f32 v40, v28;
	v18 =	vld [tilespmem:s23+$0x1DA60]  }
0x3bc: {  	v23 =	vmul.f32 v39, v5;
	v20 =	vmul.f32 v30, v17;
	v25 =	vadd.f32 v33, v34;
	v19 =	vld [tilespmem:s23+$0x1DA50]  }
0x3bd: {  	v29 =	vmul.f32 v29, v27;
	v30 =	vmul.f32 v30, v30  }
0x3be: {  	v33 =	vld [tilespmem:s23+$0x19060];
	v21 =	vadd.f32 v22, v21;
	v22 =	vadd.f32 v32, v31;
	v31 =	vmul.f32 v9, v9  }
0x3bf: {  	v55 =	vld [tilespmem:s22+$0x1CDC0];
	v27 =	vmul.f32 v27, v27;
	v17 =	vmul.f32 v17, v17  }
0x3c0: {  	v5 =	vadd.f32 v5, v28;
	v28 =	vld [tilespmem:s22+$0x1CDD0];
	v36 =	vmul.f32 v16, v16;
	v37 =	vmul.f32 v15, v15  }
0x3c1: {  	v35 =	vld [tilespmem:s22+$0x1CD80];
	v16 =	vmul.f32 v16, v14;
	v14 =	vmul.f32 v14, v14  }
0x3c2: {  	v56 =	vld [tilespmem:s22+$0x1E6D0];
	v24 =	vmul.f32 v24, v7;
	v13 =	vadd.f32 v13, v25;
	v15 =	vmul.f32 v23, v15  }
0x3c3: {  	v25 =	vld [tilespmem:s22+$0x19CA0];
	v21 =	vadd.f32 v29, v21;
	v29 =	vmul.f32 v23, v23;
	v22 =	vadd.f32 v30, v22  }
0x3c4: {  	v26 =	vmul.f32 v26, v4;
	v30 =	vld [tilespmem:s22+$0x1E6B0];
	v5 =	vadd.f32 v8, v5;
	v13 =	vadd.f32 v27, v13  }
0x3c5: {  	v6 =	vmul.f32 v6, v7;
	v20 =	vadd.f32 v20, v21;
	v22 =	vadd.f32 v29, v22;
	v29 =	vld [tilespmem:s22+$0x19CC0]  }
0x3c6: {  	v34 =	vmul.f32 v24, v24;
	v11 =	vmul.f32 v11, v26;
	v13 =	vadd.f32 v17, v13;
	v17 =	vld [tilespmem:s22+$0x1CDA0]  }
0x3c7: {  	v19 =	vmul.f32 v19, v3;
	v4 =	vadd.f32 v4, v5;
	v8 =	vadd.f32 v15, v20;
	v15 =	vld [tilespmem:s22+$0x19CD0]  }
0x3c8: {  	v26 =	vmul.f32 v26, v26;
	v12 =	vmul.f32 v12, v33;
	v20 =	vld [tilespmem:s22+$0x1E690];
	v13 =	vadd.f32 v37, v13  }
0x3c9: {  	v18 =	vmul.f32 v18, v33;
	v3 =	vadd.f32 v3, v4;
	v5 =	vadd.f32 v16, v8;
	v8 =	vld [tilespmem:s22+$0x1CD90]  }
0x3ca: {  	v9 =	vmul.f32 v9, v19;
	v16 =	vadd.f32 v36, v22;
	v13 =	vadd.f32 v14, v13;
	v14 =	vld [tilespmem:s22+$0x19C80]  }
0x3cb: {  	v23 =	vmul.f32 v12, v12;
	v12 =	vmul.f32 v12, v18;
	v4 =	vadd.f32 v11, v5;
	v5 =	vld [tilespmem:s22+$0x19C90]  }
0x3cc: {  	v18 =	vmul.f32 v18, v18;
	v3 =	vadd.f32 v33, v3;
	v10 =	vadd.f32 v10, v16;
	v16 =	vld [tilespmem:s22+$0x1E6A0]  }
0x3cd: {  	v22 =	vld [tilespmem:s22+$0x1E680];
	v11 =	vmul.f32 v19, v19;
	v19 =	vmul.f32 v6, v6;
	v4 =	vadd.f32 v9, v4  }
0x3ce: {  	v3 =	vadd.f32 v7, v3;
	v6 =	vmul.f32 v24, v6;
	v17 =	vmul.f32 v17, v25;
	v9 =	vld [tilespmem:s22+$0x19CB0]  }
0x3cf: {  	s23 =	simm.s32 $0x80;
	v21 =	vld [tilespmem:s22+$0x1CDB0];
	v4 =	vadd.f32 v12, v4;
	v12 =	vadd.f32 v26, v13;
	v13 =	vmul.f32 v55, v29  }
0x3d0: {  	v57 =	vld [tilespmem:s23+$0x1CDC0];
	v10 =	vadd.f32 v31, v10;
	v27 =	vmul.f32 v35, v14;
	v20 =	vmul.f32 v20, v5  }
0x3d1: {  	v59 =	vld [tilespmem:s23+$0x1CDD0];
	v16 =	vmul.f32 v16, v25;
	v8 =	vmul.f32 v8, v5;
	v11 =	vadd.f32 v11, v12  }
0x3d2: {  	v61 =	vld [tilespmem:s23+$0x1E6B0];
	v12 =	vmul.f32 v28, v15;
	v4 =	vadd.f32 v6, v4;
	v6 =	vmul.f32 v22, v14  }
0x3d3: {  	v10 =	vadd.f32 v23, v10;
	v26 =	vld [tilespmem:s22+$0x1CDF0];
	v22 =	vmul.f32 v27, v27;
	v24 =	vmul.f32 v30, v9  }
0x3d4: {  	v3 =	vadd.f32 v14, v3;
	v28 =	vld [tilespmem:s22+$0x19CF0];
	v21 =	vmul.f32 v21, v9;
	v30 =	vmul.f32 v13, v13  }
0x3d5: {  	v14 =	vmul.f32 v8, v20;
	v8 =	vmul.f32 v8, v8;
	v11 =	vadd.f32 v18, v11;
	v18 =	vld [tilespmem:s22+$0x1E6C0]  }
0x3d6: {  	v38 =	vld [tilespmem:s23+$0x1CDB0];
	v10 =	vadd.f32 v34, v10;
	v20 =	vmul.f32 v20, v20;
	v39 =	vmul.f32 v16, v16  }
0x3d7: {  	v40 =	vld [tilespmem:s23+$0x1CDA0];
	v3 =	vadd.f32 v5, v3;
	v16 =	vmul.f32 v17, v16;
	v58 =	vmul.f32 v12, v12  }
0x3d8: {  	v7 =	vld [tilespmem:s22+$0x1CDE0];
	v11 =	vadd.f32 v19, v11;
	v19 =	vmul.f32 v27, v6;
	v6 =	vmul.f32 v6, v6  }
0x3d9: {  	v5 =	vadd.f32 v22, v10;
	v22 =	vmul.f32 v21, v21;
	v27 =	vld [tilespmem:s22+$0x19CE0];
	v26 =	vmul.f32 v26, v28  }
0x3da: {  	v31 =	vld [tilespmem:s22+$0x1E6E0];
	v19 =	vadd.f32 v19, v4;
	v6 =	vadd.f32 v6, v11;
	v10 =	vmul.f32 v18, v29  }
0x3db: {  	v42 =	vld [tilespmem:s23+$0x19C90];
	v18 =	vadd.f32 v25, v3;
	v3 =	vmul.f32 v17, v17;
	v60 =	vmul.f32 v26, v26  }
0x3dc: {  	v23 =	vld [tilespmem:s22+$0x1E6F0];
	v8 =	vadd.f32 v8, v5;
	v17 =	vmul.f32 v21, v24;
	v21 =	vmul.f32 v24, v24  }
0x3dd: {  	v4 =	vld [tilespmem:s23+$0x19CC0];
	v14 =	vadd.f32 v14, v19;
	v6 =	vadd.f32 v20, v6;
	v13 =	vmul.f32 v13, v10  }
0x3de: {  	v25 =	vld [tilespmem:s23+$0x1CD80];
	v7 =	vmul.f32 v7, v27;
	v8 =	vadd.f32 v3, v8;
	v9 =	vadd.f32 v9, v18  }
0x3df: {  	v24 =	vld [tilespmem:s23+$0x1E690];
	v18 =	vmul.f32 v31, v27;
	v62 =	vmul.f32 v10, v10;
	v11 =	vadd.f32 v16, v14  }
0x3e0: {  	v20 =	vld [tilespmem:s23+$0x19C80];
	v14 =	vmul.f32 v56, v15;
	v6 =	vadd.f32 v39, v6;
	v19 =	vmul.f32 v7, v7  }
0x3e1: {  	v31 =	vld [tilespmem:s23+$0x1CD90];
	v9 =	vadd.f32 v29, v9;
	v7 =	vmul.f32 v7, v18;
	v8 =	vadd.f32 v22, v8  }
0x3e2: {  	v5 =	vld [tilespmem:s23+$0x19CA0];
	v10 =	vmul.f32 v57, v4;
	v63 =	vmul.f32 v18, v18;
	v11 =	vadd.f32 v17, v11  }
0x3e3: {  	v3 =	vld [tilespmem:s23+$0x19CD0];
	v41 =	vmul.f32 v14, v14;
	v12 =	vmul.f32 v12, v14;
	v6 =	vadd.f32 v21, v6  }
0x3e4: {  	v14 =	vld [tilespmem:s23+$0x1E6A0];
	v17 =	vmul.f32 v24, v42;
	v9 =	vadd.f32 v15, v9;
	v15 =	vmul.f32 v23, v28  }
0x3e5: {  	v24 =	vld [tilespmem:s23+$0x1CDF0];
	v29 =	vmul.f32 v25, v20;
	v11 =	vadd.f32 v13, v11;
	v13 =	vadd.f32 v30, v8  }
0x3e6: {  	v8 =	vld [tilespmem:s23+$0x19CB0];
	v30 =	vmul.f32 v31, v42;
	v9 =	vadd.f32 v27, v9;
	v16 =	vmul.f32 v15, v15  }
0x3e7: {  	v27 =	vld [tilespmem:s23+$0x1E680];
	v22 =	vmul.f32 v26, v15;
	v26 =	vadd.f32 v62, v6;
	v11 =	vadd.f32 v12, v11  }
0x3e8: {  	v25 =	vld [tilespmem:s23+$0x1E6C0];
	v32 =	vmul.f32 v29, v29;
	v23 =	vadd.f32 v58, v13;
	v18 =	vadd.f32 v28, v9  }
0x3e9: {  	v6 =	vld [tilespmem:s23+$0x19CF0];
	v14 =	vmul.f32 v14, v5;
	v9 =	vmul.f32 v59, v3;
	v26 =	vadd.f32 v41, v26  }
0x3ea: {  	v12 =	vld [tilespmem:s23+$0x1CDE0];
	v21 =	vadd.f32 v7, v11;
	v19 =	vadd.f32 v19, v23;
	v11 =	vmul.f32 v10, v10  }
0x3eb: {  	v7 =	vld [tilespmem:s23+$0x1E6F0];
	v23 =	vmul.f32 v40, v5;
	v13 =	vmul.f32 v61, v8;
	v18 =	vadd.f32 v20, v18  }
0x3ec: {  	v15 =	vmul.f32 v38, v8;
	v31 =	vadd.f32 v60, v19;
	v27 =	vmul.f32 v27, v20;
	v19 =	vld [tilespmem:s23+$0x1E6D0]  }
0x3ed: {  	s0 =	simm.s32 $0x400;
	s20 =	rddreg [dreg:$0x3];
	v26 =	vadd.f32 v63, v26;
	v20 =	vmul.f32 v30, v17;
	v28 =	vadd.f32 v42, v18;
	v18 =	vld [tilespmem:s23+$0x1E6E0]  }
.LBB2_31:
0x3ee: {  	p0 =	sne.s32 s0, $0x3000;
	v29 =	vmul.f32 v29, v27;
	v30 =	vmul.f32 v30, v30;
	v33 =	vld [tilespmem:s23+$0x19CE0];
	s23 =	sshra.s32 s0, $0x2;
	s0 =	sadd.s32 $0x200, s0;
	v21 =	vadd.f32 v22, v21  }
0x3ef: {  	v31 =	vadd.f32 v32, v31;
	v32 =	vmul.f32 v9, v9;
	v22 =	vld [tilespmem:s23+$0x1CDC0];
	v24 =	vmul.f32 v24, v6  }
0x3f0: {  	v27 =	vmul.f32 v27, v27;
	v28 =	vadd.f32 v5, v28;
	v34 =	vld [tilespmem:s23+$0x1CDD0];
	v25 =	vmul.f32 v25, v4  }
0x3f1: {  	v21 =	vadd.f32 v29, v21;
	v29 =	vmul.f32 v23, v23;
	v35 =	vld [tilespmem:s23+$0x1CD80];
	v36 =	vmul.f32 v24, v24  }
0x3f2: {  	v17 =	vmul.f32 v17, v17;
	v30 =	vadd.f32 v30, v31;
	v37 =	vld [tilespmem:s23+$0x1E6B0];
	v31 =	vmul.f32 v10, v25  }
0x3f3: {  	v16 =	vadd.f32 v16, v26;
	v10 =	vmul.f32 v15, v15;
	v5 =	vld [tilespmem:s23+$0x19CA0];
	v12 =	vmul.f32 v12, v33  }
0x3f4: {  	v38 =	vmul.f32 v14, v14;
	v14 =	vmul.f32 v23, v14;
	v23 =	vadd.f32 v29, v30;
	v26 =	vld [tilespmem:s23+$0x1CDB0]  }
0x3f5: {  	v20 =	vadd.f32 v20, v21;
	v15 =	vmul.f32 v15, v13;
	v29 =	vld [tilespmem:s23+$0x19CC0];
	v30 =	vmul.f32 v12, v12  }
0x3f6: {  	v8 =	vadd.f32 v8, v28;
	v13 =	vmul.f32 v13, v13;
	v18 =	vmul.f32 v18, v33;
	v21 =	vld [tilespmem:s23+$0x19CD0]  }
0x3f7: {  	v16 =	vadd.f32 v27, v16;
	v19 =	vmul.f32 v19, v3;
	v14 =	vadd.f32 v14, v20;
	v28 =	vld [tilespmem:s23+$0x1E690]  }
0x3f8: {  	v25 =	vmul.f32 v25, v25;
	v41 =	vadd.f32 v4, v8;
	v27 =	vmul.f32 v12, v18;
	v20 =	vld [tilespmem:s23+$0x1CD90]  }
0x3f9: {  	v12 =	vadd.f32 v10, v23;
	v23 =	vmul.f32 v19, v19;
	v8 =	vadd.f32 v15, v14;
	v39 =	vld [tilespmem:s23+$0x1CDA0]  }
0x3fa: {  	v9 =	vmul.f32 v9, v19;
	v14 =	vadd.f32 v17, v16;
	v15 =	vadd.f32 v3, v41;
	v40 =	vld [tilespmem:s23+$0x19C90];
	v4 =	vmovc v29  }
0x3fb: {  	v11 =	vadd.f32 v11, v12;
	v16 =	vadd.f32 v31, v8;
	v19 =	vld [tilespmem:s23+$0x1E6A0];
	v10 =	vmul.f32 v22, v4;
	v3 =	vmovc v21  }
0x3fc: {  	v7 =	vmul.f32 v7, v6;
	v14 =	vadd.f32 v38, v14;
	v15 =	vadd.f32 v33, v15;
	v8 =	vld [tilespmem:s23+$0x19CB0]  }
0x3fd: {  	v38 =	vmul.f32 v18, v18;
	v11 =	vadd.f32 v32, v11;
	v9 =	vadd.f32 v9, v16;
	v33 =	vld [tilespmem:s23+$0x19C80]  }
0x3fe: {  	v13 =	vadd.f32 v13, v14;
	v16 =	vmul.f32 v7, v7;
	v6 =	vadd.f32 v6, v15;
	v12 =	vld [tilespmem:s23+$0x1CDE0]  }
0x3ff: {  	v22 =	vmul.f32 v24, v7;
	v21 =	vadd.f32 v27, v9;
	v18 =	vld [tilespmem:s23+$0x1E680];
	v17 =	vmul.f32 v28, v40  }
0x400: {  	v9 =	vmul.f32 v34, v3;
	v14 =	vmul.f32 v19, v5;
	v7 =	vld [tilespmem:s23+$0x1E6F0];
	v19 =	vadd.f32 v25, v13  }
.Ltmp15:
0x401: {  	v13 =	vmul.f32 v37, v8;
	v15 =	vmul.f32 v26, v8;
	v24 =	vld [tilespmem:s23+$0x1CDF0];
	v26 =	vadd.f32 v30, v11;
	(pc) =	sbr.rel @p0 .LBB2_31-.Ltmp15, $4  }
0x402: {  	v30 =	vmul.f32 v20, v40;
	v29 =	vmul.f32 v35, v33;
	v28 =	vadd.f32 v33, v6;
	v6 =	vld [tilespmem:s23+$0x19CF0]  }
0x403: {  	v11 =	vmul.f32 v10, v10;
	v34 =	vadd.f32 v23, v19;
	v25 =	vld [tilespmem:s23+$0x1E6C0];
	v31 =	vadd.f32 v36, v26  }
0x404: {  	v27 =	vmul.f32 v18, v33;
	v32 =	vmul.f32 v29, v29;
	v28 =	vadd.f32 v40, v28;
	v18 =	vld [tilespmem:s23+$0x1E6E0]  }
0x405: {  	v23 =	vmul.f32 v39, v5;
	v20 =	vmul.f32 v30, v17;
	v26 =	vadd.f32 v38, v34;
	v19 =	vld [tilespmem:s23+$0x1E6D0]  }
0x406: {  	v29 =	vmul.f32 v29, v27  }
0x407: {  	v30 =	vmul.f32 v30, v30;
	v63 =	vmul.f32 v9, v9  }
0x408: {  	v21 =	vadd.f32 v22, v21;
	v36 =	vmul.f32 v27, v27;
	v17 =	vmul.f32 v17, v17  }
0x409: {  	v62 =	vadd.f32 v32, v31;
	v38 =	vmul.f32 v15, v15;
	v39 =	vmul.f32 v14, v14  }
0x40a: {  	v5 =	vadd.f32 v5, v28;
	v43 =	vmul.f32 v13, v13;
	v44 =	vmul.f32 v15, v13  }
0x40b: {  	v16 =	vadd.f32 v16, v26;
	v24 =	vmul.f32 v24, v6;
	v37 =	vmul.f32 v23, v23  }
0x40c: {  	v40 =	vmul.f32 v23, v14;
	v7 =	vmul.f32 v7, v6;
	v21 =	vadd.f32 v29, v21  }
0x40d: {  	v31 =	vld [tilespmem:s23+$0x19CE0];
	v25 =	vmul.f32 v25, v4;
	v22 =	vadd.f32 v30, v62;
	v16 =	vadd.f32 v36, v16  }
0x40e: {  	v5 =	vadd.f32 v8, v5;
	v60 =	vmul.f32 v24, v24;
	v41 =	vadd.f32 v20, v21  }
0x40f: {  	v10 =	vmul.f32 v10, v25;
	v42 =	vadd.f32 v37, v22;
	v16 =	vadd.f32 v17, v16  }
0x410: {  	v46 =	vmul.f32 v19, v3;
	v54 =	vadd.f32 v4, v5;
	v45 =	vadd.f32 v40, v41  }
0x411: {  	v47 =	vmul.f32 v25, v25;
	v49 =	vadd.f32 v38, v42;
	v16 =	vadd.f32 v39, v16  }
0x412: {  	v12 =	vmul.f32 v12, v31;
	v18 =	vmul.f32 v18, v31;
	v8 =	vadd.f32 v44, v45  }
0x413: {  	v19 =	vmul.f32 v46, v46;
	v51 =	vadd.f32 v11, v49;
	v16 =	vadd.f32 v43, v16  }
0x414: {  	v50 =	vmul.f32 v9, v46;
	v3 =	vadd.f32 v3, v54;
	v8 =	vadd.f32 v10, v8  }
0x415: {  	v48 =	vmul.f32 v12, v12;
	v56 =	vadd.f32 v63, v51;
	v15 =	vadd.f32 v47, v16  }
0x416: {  	v55 =	vmul.f32 v12, v18;
	v3 =	vadd.f32 v31, v3;
	v8 =	vadd.f32 v50, v8  }
0x417: {  	v52 =	vmul.f32 v18, v18;
	v61 =	vadd.f32 v48, v56;
	v53 =	vadd.f32 v19, v15  }
0x418: {  	v59 =	vmul.f32 v24, v7;
	v3 =	vadd.f32 v6, v3;
	v58 =	vadd.f32 v55, v8  }
0x419: {  	[tilespmem:$0x1F340] =	vst v2;
	v57 =	vmul.f32 v7, v7;
	v63 =	vadd.f32 v60, v61;
	v11 =	vadd.f32 v52, v53  }
0x41a: {  	[tilespmem:$0x1F330] =	vst v3;
	v4 =	vadd.f32 v59, v58  }
0x41b: {  	[tilespmem:$0x1F320] =	vst v63;
	v62 =	vadd.f32 v57, v11  }
0x41c: {  	[tilespmem:$0x1F310] =	vst v4  }
0x41d: {  	s0 =	rddreg [dreg:$0xf];
	s1 =	simm.s32 $0x1F300;
	[tilespmem:$0x1F300] =	vst v62  }
0x41e: {  	[hbm4b:s0+s2] =	stream.linear.scatter [tilespmem:s1], [sflag:$0x5], $0x50, $0x38;
	[tilespmem:$0x1F350] =	vst v63  }
0x41f: {  	_ =	swait.ge [sflag:s26], $0x50  }
0x420: {  	s24 =	rddreg [dreg:$0x12]  }
0x421: {  	s25 =	rddreg [dreg:$0x10];
	s1 =	sadd.s32 $0x1, s24  }
0x422: {  	p0 =	sne.s32 s1, s25  }
.Ltmp16:
0x423: {  	_ = 	snop;
	(pc) =	sbr.rel @p0 .LBB2_1-.Ltmp16, $3  }
0x424: {  	_ =	sdelay $0x1  }
0x425: {  	[sflag:s26] =	ssyncset.done $0x0  }
0x426: {  	[sflag:s26] =	ssyncadd.s32 $0xFFFFFFB0  }
0x427: {  	_ =	sfence.sel $0x180000  }
0x428: {  	[bflag:$0x0] =	sbarrier.arrive $0xFFFF  }
0x429: {  	_ =	strace $0x90000047  }
0x42a: {  	s0 =	stileid.u32;
	[bflag:$0x2] =	sbarrier.arrive $0xFFFF  }
0x42b: {  	p0 =	sne.s32 s0, $0x0;
	s0 =	rddreg [dreg:$0x1]  }
0x42c: {  	s0 =	sadd.s32 @!p0 $0x100000, s0  }
0x42d: {  	[sflag:s0] =	ssyncadd.tile.s32 @!p0 $0x1;
	_ =	shalt  }
.Lfunc_end2:
_tile_overlayer_lowered:
.L_overlay_start_2:
0x42e: {  	(tag) =	ssettag $0x2  }
0x42f: {  	s0 =	rddreg [dreg:$0x0];
	s2 =	stileid.u32  }
0x430: {  	s1 =	rddreg [dreg:$0x1];
	p0 =	sne.s32 s2, $0x0  }
0x431: {  	s3 =	rddreg [dreg:$0x2];
	[bflag:$0x3] =	sbarrier.arrive $0xFFFF;
	s2 =	simm.s32 @!p0 $0x1C05  }
0x432: {  	[timem:s3], [sflag:s2] =	dma.local @!p0 [hbm:s0], s1  }
0x433: {  	s0 =	simm.s32 @!p0 $0x5  }
0x434: {  	_ =	swait.ge @!p0 [sflag:s0], s1  }
0x435: {  	s1 =	ssub.s32 @!p0 $0x0, s1;
	[sflag:s0] =	ssyncset.done @!p0 $0x0  }
0x436: {  	[sflag:s0] =	ssyncadd.s32 @!p0 s1  }
0x437: {  	[bflag:$0x3] =	sbarrier.arrive $0xFFFF  }
0x438: {  	_ =	shalt  }

</sc_bundles>
